<compile_context>
chip_gen: v7x
topology: tpu7x:2x2x1
jax: 0.10.2.dev20260603
libtpu: 0.0.44.dev20260713+nightly
codegen_flags: <defaults>
</compile_context>

<pallas_src>
import functools

import jax
import jax.numpy as jnp
from jax import lax
from jax.experimental import pallas as pl
from jax.experimental.pallas import tpu as pltpu
from jax.experimental.pallas import tpu_sc as plsc

N = 10000
NPAD = 10240
E = 320000
D = 128
NCORES = 2
NSUB = 16
NTILES = NCORES * NSUB
EPT = E // NTILES
K = 125
NCH = EPT // K
RPT = NPAD // NSUB
BM = 2000


def _sc_mesh():
    return plsc.VectorSubcoreMesh(core_axis_name="c", subcore_axis_name="s")


def _sc_agg(hp, edges3, zero_blk):
    W = hp.shape[1]
    dt = hp.dtype
    NCH_, K_ = edges3.shape[1], edges3.shape[3]

    @functools.partial(
        pl.kernel,
        mesh=_sc_mesh(),
        compiler_params=pltpu.CompilerParams(
            use_tc_tiling_on_sc=(W == D and dt == jnp.float32)),
        out_type=jax.ShapeDtypeStruct((NCORES, NPAD, W), dt),
        scratch_types=[
            pltpu.VMEM((2, K_), jnp.int32),
            pltpu.VMEM((2, K_), jnp.int32),
            pltpu.VMEM((2, K_), jnp.int32),
            pltpu.VMEM((2, K_), jnp.int32),
            pltpu.VMEM((K_, W), dt),
            pltpu.VMEM((K_, W), dt),
            pltpu.VMEM_SHARED((NPAD, W), dt),
            pltpu.SemaphoreType.DMA,
            pltpu.SemaphoreType.DMA,
            pltpu.SemaphoreType.DMA,
            pltpu.SemaphoreType.DMA,
            pltpu.SemaphoreType.DMA,
            pltpu.SemaphoreType.DMA,
        ],
    )
    def k(hp_hbm, edges_hbm, zero_hbm, out_hbm,
          i0, i1, i2, i3, bufa, bufb, acc,
          sema, semb, semi0, semi1, semi2, semi3):
        c = lax.axis_index("c")
        s = lax.axis_index("s")
        wid = c * NSUB + s
        row0 = s * RPT
        ibufs = (i0, i1, i2, i3)
        isems = (semi0, semi1, semi2, semi3)
        rbufs = (bufa, bufb)
        rsems = (sema, semb)

        def idx_load(ch, p):
            pltpu.async_copy(edges_hbm.at[wid, ch], ibufs[p], isems[p])

        def idx_wait(p):
            pltpu.make_async_copy(edges_hbm.at[wid, 0], ibufs[p],
                                  isems[p]).wait()

        def gather(p4, p2):
            pltpu.async_copy(hp_hbm.at[ibufs[p4].at[0]], rbufs[p2], rsems[p2])

        def gather_wait(p2):
            pltpu.make_async_copy(hp_hbm.at[ibufs[0].at[0]], rbufs[p2],
                                  rsems[p2]).wait()

        def scatter(p4, p2):
            pltpu.sync_copy(rbufs[p2], acc.at[ibufs[p4].at[1]], add=True)

        pltpu.sync_copy(zero_hbm, acc.at[pl.ds(row0, RPT)])
        plsc.subcore_barrier()

        pltpu.sync_copy(edges_hbm.at[wid, 0], i0)
        pltpu.sync_copy(edges_hbm.at[wid, 1], i1)
        gather(0, 0)
        gather(1, 1)
        idx_load(2, 2)
        idx_load(3, 3)

        def body(m, carry):
            q = 4 * m
            for p in range(4):
                p2 = p & 1
                gather_wait(p2)
                scatter(p, p2)
                idx_load(q + p + 4, p)
                idx_wait((p + 2) & 3)
                gather((p + 2) & 3, p2)
            return carry

        lax.fori_loop(0, NCH_ // 4 - 1, body, 0)
        gather_wait(0)
        scatter(0, 0)
        idx_wait(2)
        gather(2, 0)
        gather_wait(1)
        scatter(1, 1)
        idx_wait(3)
        gather(3, 1)
        gather_wait(0)
        scatter(2, 0)
        gather_wait(1)
        scatter(3, 1)

        plsc.subcore_barrier()
        pltpu.sync_copy(acc.at[pl.ds(row0, RPT)],
                        out_hbm.at[c, pl.ds(row0, RPT)])

    return k(hp, edges3, zero_blk)


def _dinv_block(p):
    deg = p[0, :, 0:1] + p[1, :, 0:1] + 1.0
    return lax.rsqrt(deg)


def _tc_first(x, W, P):
    def body(x_ref, w_ref, p_ref, o_ref):
        dinv = _dinv_block(p_ref[...])
        o_ref[...] = (dinv * jnp.dot(x_ref[...], w_ref[...],
                                     preferred_element_type=jnp.float32)
                      ).astype(jnp.bfloat16)

    return pl.pallas_call(
        body,
        grid=(N // BM,),
        in_specs=[
            pl.BlockSpec((BM, D), lambda i: (i, 0)),
            pl.BlockSpec((D, D), lambda i: (0, 0)),
            pl.BlockSpec((NCORES, BM, 16), lambda i: (0, i, 0)),
        ],
        out_specs=pl.BlockSpec((BM, D), lambda i: (i, 0)),
        out_shape=jax.ShapeDtypeStruct((N, D), jnp.bfloat16),
    )(x, W, P)


def _tc_mid(A, hp, P, b, W):
    def body(a_ref, hp_ref, p_ref, b_ref, w_ref, o_ref):
        dinv = _dinv_block(p_ref[...])
        a = a_ref[...].astype(jnp.float32)
        hpv = hp_ref[...].astype(jnp.float32)
        z = dinv * (a[0] + a[1] + hpv) + b_ref[...]
        h = jnp.maximum(z, 0.0)
        o_ref[...] = (dinv * jnp.dot(h, w_ref[...],
                                     preferred_element_type=jnp.float32)
                      ).astype(jnp.bfloat16)

    return pl.pallas_call(
        body,
        grid=(N // BM,),
        in_specs=[
            pl.BlockSpec((NCORES, BM, D), lambda i: (0, i, 0)),
            pl.BlockSpec((BM, D), lambda i: (i, 0)),
            pl.BlockSpec((NCORES, BM, 16), lambda i: (0, i, 0)),
            pl.BlockSpec((1, D), lambda i: (0, 0)),
            pl.BlockSpec((D, D), lambda i: (0, 0)),
        ],
        out_specs=pl.BlockSpec((BM, D), lambda i: (i, 0)),
        out_shape=jax.ShapeDtypeStruct((N, D), jnp.bfloat16),
    )(A, hp, P, b, W)


def _tc_last(A, hp, P, b):
    def body(a_ref, hp_ref, p_ref, b_ref, o_ref):
        dinv = _dinv_block(p_ref[...])
        a = a_ref[...].astype(jnp.float32)
        hpv = hp_ref[...].astype(jnp.float32)
        z = dinv * (a[0] + a[1] + hpv) + b_ref[...]
        m = jnp.max(z, axis=1, keepdims=True)
        ez = jnp.exp(z - m)
        o_ref[...] = (z - m) - jnp.log(jnp.sum(ez, axis=1, keepdims=True))

    return pl.pallas_call(
        body,
        grid=(N // BM,),
        in_specs=[
            pl.BlockSpec((NCORES, BM, D), lambda i: (0, i, 0)),
            pl.BlockSpec((BM, D), lambda i: (i, 0)),
            pl.BlockSpec((NCORES, BM, 16), lambda i: (0, i, 0)),
            pl.BlockSpec((1, D), lambda i: (0, 0)),
        ],
        out_specs=pl.BlockSpec((BM, D), lambda i: (i, 0)),
        out_shape=jax.ShapeDtypeStruct((N, D), jnp.float32),
    )(A, hp, P, b)


def kernel(x, edge_index, W1, b1, W2, b2, W3, b3):
    ei32 = edge_index.astype(jnp.int32)
    edges3 = ei32.reshape(2, NTILES, NCH, K).transpose(1, 2, 0, 3)
    edges_deg = ei32.reshape(2, NTILES, 16, EPT // 16).transpose(1, 2, 0, 3)
    zero_d = jnp.zeros((RPT, D), jnp.bfloat16)
    zero16 = jnp.zeros((RPT, 16), jnp.float32)
    ones16 = jnp.ones((N, 16), jnp.float32)
    b1r = b1.reshape(1, D)
    b2r = b2.reshape(1, D)
    b3r = b3.reshape(1, D)

    P = _sc_agg(ones16, edges_deg, zero16)
    hp1 = _tc_first(x, W1, P)
    A1 = _sc_agg(hp1, edges3, zero_d)
    hp2 = _tc_mid(A1, hp1, P, b1r, W2)
    A2 = _sc_agg(hp2, edges3, zero_d)
    hp3 = _tc_mid(A2, hp2, P, b2r, W3)
    A3 = _sc_agg(hp3, edges3, zero_d)
    return _tc_last(A3, hp3, P, b3r)

# --- scband reference (transcript-rebuilt; emitter-appended) ---
"""Pipeline reference for scband-gcn-50379966382598 (READ-ONLY COPY).

The authoritative reference and input builder live on the scoring server;
editing this copy changes nothing except your own understanding.
"""

import jax, jax.numpy as jnp
import numpy as np

N = 10000
E = 320000
D_IN = 128
D_HID = 128
D_OUT = 128


def setup_inputs(seed: int = 0):
    key = jax.random.key(seed)
    ks = jax.random.split(key, 9)
    x = jax.random.normal(ks[0], (N, D_IN), dtype=jnp.float32)
    edge_index = jax.random.randint(ks[1], (2, E), 0, N).astype(jnp.int64)
    s = 1.0 / np.sqrt(D_IN)
    W1 = jax.random.normal(ks[2], (D_IN, D_HID), dtype=jnp.float32) * s
    b1 = jnp.zeros((D_HID,), dtype=jnp.float32)
    W2 = jax.random.normal(ks[3], (D_HID, D_HID), dtype=jnp.float32) * s
    b2 = jnp.zeros((D_HID,), dtype=jnp.float32)
    W3 = jax.random.normal(ks[4], (D_HID, D_OUT), dtype=jnp.float32) * s
    b3 = jnp.zeros((D_OUT,), dtype=jnp.float32)
    return {"x": x, "edge_index": edge_index, "W1": W1, "b1": b1, "W2": W2, "b2": b2, "W3": W3, "b3": b3}


def _gcn_conv(x, src, dst, W, b, n):
    # PyG GCNConv with normalize=True: add self-loops, sym-normalize, aggregate
    h = x @ W
    loop = jnp.arange(n, dtype=src.dtype)
    src2 = jnp.concatenate([src, loop])
    dst2 = jnp.concatenate([dst, loop])
    deg = jax.ops.segment_sum(jnp.ones_like(dst2, dtype=h.dtype), dst2, num_segments=n)
    dinv = jnp.where(deg > 0, jax.lax.rsqrt(deg), 0.0)
    norm = dinv[src2] * dinv[dst2]
    msg = h[src2] * norm[:, None]
    out = jax.ops.segment_sum(msg, dst2, num_segments=n)
    return out + b


def reference(x, edge_index, W1, b1, W2, b2, W3, b3):
    src = edge_index[0]
    dst = edge_index[1]
    n = x.shape[0]
    h = _gcn_conv(x, src, dst, W1, b1, n)
    h = jax.nn.relu(h)  # use_bn=False; dropout is identity in eval mode
    h = _gcn_conv(h, src, dst, W2, b2, n)
    h = jax.nn.relu(h)
    h = _gcn_conv(h, src, dst, W3, b3, n)
    return jax.nn.log_softmax(h, axis=1)

if __name__ == "__main__":
    import jax
    _d = setup_inputs()
    print(jax.jit(kernel)(*tuple(_d.values())))

</pallas_src>

<mosaic_0001>
#map = affine_map<(d0, d1) -> (0, 0)>
#map1 = affine_map<(d0, d1) -> (0, 0, 0, 0)>
#map2 = affine_map<(d0, d1) -> (0, 0, 0)>
module attributes {stable_mosaic.version = 14 : i64} {
  func.func @k(%arg0: i32, %arg1: i32, %arg2: memref<10000x128xbf16, #tpu.memory_space<hbm>>, %arg3: memref<32x80x2x125xi32, #tpu.memory_space<hbm>>, %arg4: memref<640x128xbf16, #tpu.memory_space<hbm>>, %arg5: memref<2x10240x128xbf16, #tpu.memory_space<hbm>>, %arg6: memref<2x125xi32, #tpu.memory_space<vmem>>, %arg7: memref<2x125xi32, #tpu.memory_space<vmem>>, %arg8: memref<2x125xi32, #tpu.memory_space<vmem>>, %arg9: memref<2x125xi32, #tpu.memory_space<vmem>>, %arg10: memref<125x128xbf16, #tpu.memory_space<vmem>>, %arg11: memref<125x128xbf16, #tpu.memory_space<vmem>>, %arg12: memref<10240x128xbf16, #tpu.memory_space<vmem_shared>>, %arg13: memref<!tpu.dma_semaphore, #tpu.memory_space<semaphore_mem>>, %arg14: memref<!tpu.dma_semaphore, #tpu.memory_space<semaphore_mem>>, %arg15: memref<!tpu.dma_semaphore, #tpu.memory_space<semaphore_mem>>, %arg16: memref<!tpu.dma_semaphore, #tpu.memory_space<semaphore_mem>>, %arg17: memref<!tpu.dma_semaphore, #tpu.memory_space<semaphore_mem>>, %arg18: memref<!tpu.dma_semaphore, #tpu.memory_space<semaphore_mem>>) attributes {dimension_semantics = [#tpu.dimension_semantics<core_parallel>, #tpu.dimension_semantics<subcore_parallel>], iteration_bounds = array<i64: 2, 16>, scalar_prefetch = 0 : i64, scratch_operands = 13 : i64, tpu.core_type = #tpu.core_type<sc_vector_subcore>, window_params = [{transform_indices = #map}, {transform_indices = #map1}, {transform_indices = #map}, {transform_indices = #map2}]} {
    %mul3A = arith.constant 16 : i32
    %mul3A_0 = arith.muli %arg0, %mul3A : i32
    %add3A = arith.addi %mul3A_0, %arg1 : i32
    %mul3A_1 = arith.constant 640 : i32
    %mul3A_2 = arith.muli %arg1, %mul3A_1 : i32
    "tpu.region"() ({
      %run_scoped3A_104 = tpu.sem_alloc : memref<!tpu.dma_semaphore, #tpu.memory_space<semaphore_mem>>
      %dma_start3A_105 = arith.constant 0 : i32
      %dma_start3A_106 = tpu.memref_slice %arg12[%mul3A_2, %dma_start3A_105] : memref<10240x128xbf16, #tpu.memory_space<vmem_shared>> -> memref<640x128xbf16, #tpu.memory_space<vmem_shared>>
      tpu.enqueue_dma source(%arg4 : memref<640x128xbf16, #tpu.memory_space<hbm>>) target(%dma_start3A_106 : memref<640x128xbf16, #tpu.memory_space<vmem_shared>>) target_semaphore(%run_scoped3A_104 : memref<!tpu.dma_semaphore, #tpu.memory_space<semaphore_mem>>)
      %dma_wait3A_107 = arith.constant 0 : i32
      %dma_wait3A_108 = tpu.memref_slice %arg12[%mul3A_2, %dma_wait3A_107] : memref<10240x128xbf16, #tpu.memory_space<vmem_shared>> -> memref<640x128xbf16, #tpu.memory_space<vmem_shared>>
      tpu.wait_dma2 semaphore(%run_scoped3A_104 : memref<!tpu.dma_semaphore, #tpu.memory_space<semaphore_mem>>) src(%arg4 : memref<640x128xbf16, #tpu.memory_space<hbm>>) dst(%dma_wait3A_108 : memref<640x128xbf16, #tpu.memory_space<vmem_shared>>)
      tpu.yield
    }) : () -> ()
    %barrier3A = arith.constant 0 : index
    tpu.barrier barrier_id(%barrier3A)
    %run_scoped3A = arith.constant 0 : i32
    "tpu.region"() ({
      %run_scoped3A_104 = tpu.sem_alloc : memref<!tpu.dma_semaphore, #tpu.memory_space<semaphore_mem>>
      %dma_start3A_105 = arith.constant 0 : i32
      %dma_start3A_106 = arith.constant 0 : i32
      %dma_start3A_107 = tpu.memref_slice %arg3[%add3A, %run_scoped3A, %dma_start3A_105, %dma_start3A_106] : memref<32x80x2x125xi32, #tpu.memory_space<hbm>> -> memref<1x1x2x125xi32, #tpu.memory_space<hbm>>
      %dma_start3A_108 = tpu.memref_squeeze %dma_start3A_107 : memref<1x1x2x125xi32, #tpu.memory_space<hbm>> -> memref<2x125xi32, #tpu.memory_space<hbm>>
      %dma_start3A_109 = arith.constant 0 : i32
      %dma_start3A_110 = arith.constant 0 : i32
      %dma_start3A_111 = tpu.memref_slice %arg3[%add3A, %run_scoped3A, %dma_start3A_109, %dma_start3A_110] : memref<32x80x2x125xi32, #tpu.memory_space<hbm>> -> memref<1x1x2x125xi32, #tpu.memory_space<hbm>>
      %dma_start3A_112 = tpu.memref_squeeze %dma_start3A_111 : memref<1x1x2x125xi32, #tpu.memory_space<hbm>> -> memref<2x125xi32, #tpu.memory_space<hbm>>
      tpu.enqueue_dma source(%dma_start3A_112 : memref<2x125xi32, #tpu.memory_space<hbm>>) target(%arg6 : memref<2x125xi32, #tpu.memory_space<vmem>>) target_semaphore(%run_scoped3A_104 : memref<!tpu.dma_semaphore, #tpu.memory_space<semaphore_mem>>)
      %dma_wait3A_113 = arith.constant 0 : i32
      %dma_wait3A_114 = arith.constant 0 : i32
      %dma_wait3A_115 = tpu.memref_slice %arg3[%add3A, %run_scoped3A, %dma_wait3A_113, %dma_wait3A_114] : memref<32x80x2x125xi32, #tpu.memory_space<hbm>> -> memref<1x1x2x125xi32, #tpu.memory_space<hbm>>
      %dma_wait3A_116 = tpu.memref_squeeze %dma_wait3A_115 : memref<1x1x2x125xi32, #tpu.memory_space<hbm>> -> memref<2x125xi32, #tpu.memory_space<hbm>>
      %dma_wait3A_117 = arith.constant 0 : i32
      %dma_wait3A_118 = arith.constant 0 : i32
      %dma_wait3A_119 = tpu.memref_slice %arg3[%add3A, %run_scoped3A, %dma_wait3A_117, %dma_wait3A_118] : memref<32x80x2x125xi32, #tpu.memory_space<hbm>> -> memref<1x1x2x125xi32, #tpu.memory_space<hbm>>
      %dma_wait3A_120 = tpu.memref_squeeze %dma_wait3A_119 : memref<1x1x2x125xi32, #tpu.memory_space<hbm>> -> memref<2x125xi32, #tpu.memory_space<hbm>>
      tpu.wait_dma2 semaphore(%run_scoped3A_104 : memref<!tpu.dma_semaphore, #tpu.memory_space<semaphore_mem>>) src(%dma_wait3A_120 : memref<2x125xi32, #tpu.memory_space<hbm>>) dst(%arg6 : memref<2x125xi32, #tpu.memory_space<vmem>>)
      tpu.yield
    }) : () -> ()
    %run_scoped3A_3 = arith.constant 1 : i32
    "tpu.region"() ({
      %run_scoped3A_104 = tpu.sem_alloc : memref<!tpu.dma_semaphore, #tpu.memory_space<semaphore_mem>>
      %dma_start3A_105 = arith.constant 0 : i32
      %dma_start3A_106 = arith.constant 0 : i32
      %dma_start3A_107 = tpu.memref_slice %arg3[%add3A, %run_scoped3A_3, %dma_start3A_105, %dma_start3A_106] : memref<32x80x2x125xi32, #tpu.memory_space<hbm>> -> memref<1x1x2x125xi32, #tpu.memory_space<hbm>>
      %dma_start3A_108 = tpu.memref_squeeze %dma_start3A_107 : memref<1x1x2x125xi32, #tpu.memory_space<hbm>> -> memref<2x125xi32, #tpu.memory_space<hbm>>
      %dma_start3A_109 = arith.constant 0 : i32
      %dma_start3A_110 = arith.constant 0 : i32
      %dma_start3A_111 = tpu.memref_slice %arg3[%add3A, %run_scoped3A_3, %dma_start3A_109, %dma_start3A_110] : memref<32x80x2x125xi32, #tpu.memory_space<hbm>> -> memref<1x1x2x125xi32, #tpu.memory_space<hbm>>
      %dma_start3A_112 = tpu.memref_squeeze %dma_start3A_111 : memref<1x1x2x125xi32, #tpu.memory_space<hbm>> -> memref<2x125xi32, #tpu.memory_space<hbm>>
      tpu.enqueue_dma source(%dma_start3A_112 : memref<2x125xi32, #tpu.memory_space<hbm>>) target(%arg7 : memref<2x125xi32, #tpu.memory_space<vmem>>) target_semaphore(%run_scoped3A_104 : memref<!tpu.dma_semaphore, #tpu.memory_space<semaphore_mem>>)
      %dma_wait3A_113 = arith.constant 0 : i32
      %dma_wait3A_114 = arith.constant 0 : i32
      %dma_wait3A_115 = tpu.memref_slice %arg3[%add3A, %run_scoped3A_3, %dma_wait3A_113, %dma_wait3A_114] : memref<32x80x2x125xi32, #tpu.memory_space<hbm>> -> memref<1x1x2x125xi32, #tpu.memory_space<hbm>>
      %dma_wait3A_116 = tpu.memref_squeeze %dma_wait3A_115 : memref<1x1x2x125xi32, #tpu.memory_space<hbm>> -> memref<2x125xi32, #tpu.memory_space<hbm>>
      %dma_wait3A_117 = arith.constant 0 : i32
      %dma_wait3A_118 = arith.constant 0 : i32
      %dma_wait3A_119 = tpu.memref_slice %arg3[%add3A, %run_scoped3A_3, %dma_wait3A_117, %dma_wait3A_118] : memref<32x80x2x125xi32, #tpu.memory_space<hbm>> -> memref<1x1x2x125xi32, #tpu.memory_space<hbm>>
      %dma_wait3A_120 = tpu.memref_squeeze %dma_wait3A_119 : memref<1x1x2x125xi32, #tpu.memory_space<hbm>> -> memref<2x125xi32, #tpu.memory_space<hbm>>
      tpu.wait_dma2 semaphore(%run_scoped3A_104 : memref<!tpu.dma_semaphore, #tpu.memory_space<semaphore_mem>>) src(%dma_wait3A_120 : memref<2x125xi32, #tpu.memory_space<hbm>>) dst(%arg7 : memref<2x125xi32, #tpu.memory_space<vmem>>)
      tpu.yield
    }) : () -> ()
    %dma_start3A = arith.constant 0 : i32
    %dma_start3A_4 = arith.constant 0 : i32
    %dma_start3A_5 = tpu.memref_slice %arg6[%dma_start3A, %dma_start3A_4] : memref<2x125xi32, #tpu.memory_space<vmem>> -> memref<1x125xi32, #tpu.memory_space<vmem>>
    %dma_start3A_6 = tpu.memref_squeeze %dma_start3A_5 : memref<1x125xi32, #tpu.memory_space<vmem>> -> memref<125xi32, #tpu.memory_space<vmem>>
    %dma_start3A_7 = arith.constant 0 : i32
    %dma_start3A_8 = arith.constant 0 : i32
    %dma_start3A_9 = tpu.memref_slice %arg2[%dma_start3A_7, %dma_start3A_8] : memref<10000x128xbf16, #tpu.memory_space<hbm>> -> memref<10000x128xbf16, #tpu.memory_space<hbm>>
    tpu.enqueue_indirect_dma source(%dma_start3A_9 : memref<10000x128xbf16, #tpu.memory_space<hbm>>) target(%arg10 : memref<125x128xbf16, #tpu.memory_space<vmem>>) offsets(%dma_start3A_6 : memref<125xi32, #tpu.memory_space<vmem>>) semaphore(%arg13 : memref<!tpu.dma_semaphore, #tpu.memory_space<semaphore_mem>>)
    %dma_start3A_10 = arith.constant 0 : i32
    %dma_start3A_11 = arith.constant 0 : i32
    %dma_start3A_12 = tpu.memref_slice %arg7[%dma_start3A_10, %dma_start3A_11] : memref<2x125xi32, #tpu.memory_space<vmem>> -> memref<1x125xi32, #tpu.memory_space<vmem>>
    %dma_start3A_13 = tpu.memref_squeeze %dma_start3A_12 : memref<1x125xi32, #tpu.memory_space<vmem>> -> memref<125xi32, #tpu.memory_space<vmem>>
    %dma_start3A_14 = arith.constant 0 : i32
    %dma_start3A_15 = arith.constant 0 : i32
    %dma_start3A_16 = tpu.memref_slice %arg2[%dma_start3A_14, %dma_start3A_15] : memref<10000x128xbf16, #tpu.memory_space<hbm>> -> memref<10000x128xbf16, #tpu.memory_space<hbm>>
    tpu.enqueue_indirect_dma source(%dma_start3A_16 : memref<10000x128xbf16, #tpu.memory_space<hbm>>) target(%arg11 : memref<125x128xbf16, #tpu.memory_space<vmem>>) offsets(%dma_start3A_13 : memref<125xi32, #tpu.memory_space<vmem>>) semaphore(%arg14 : memref<!tpu.dma_semaphore, #tpu.memory_space<semaphore_mem>>)
    %dma_start3A_17 = arith.constant 2 : i32
    %dma_start3A_18 = arith.constant 0 : i32
    %dma_start3A_19 = arith.constant 0 : i32
    %dma_start3A_20 = tpu.memref_slice %arg3[%add3A, %dma_start3A_17, %dma_start3A_18, %dma_start3A_19] : memref<32x80x2x125xi32, #tpu.memory_space<hbm>> -> memref<1x1x2x125xi32, #tpu.memory_space<hbm>>
    %dma_start3A_21 = tpu.memref_squeeze %dma_start3A_20 : memref<1x1x2x125xi32, #tpu.memory_space<hbm>> -> memref<2x125xi32, #tpu.memory_space<hbm>>
    %dma_start3A_22 = arith.constant 0 : i32
    %dma_start3A_23 = arith.constant 0 : i32
    %dma_start3A_24 = tpu.memref_slice %arg3[%add3A, %dma_start3A_17, %dma_start3A_22, %dma_start3A_23] : memref<32x80x2x125xi32, #tpu.memory_space<hbm>> -> memref<1x1x2x125xi32, #tpu.memory_space<hbm>>
    %dma_start3A_25 = tpu.memref_squeeze %dma_start3A_24 : memref<1x1x2x125xi32, #tpu.memory_space<hbm>> -> memref<2x125xi32, #tpu.memory_space<hbm>>
    tpu.enqueue_dma source(%dma_start3A_25 : memref<2x125xi32, #tpu.memory_space<hbm>>) target(%arg8 : memref<2x125xi32, #tpu.memory_space<vmem>>) target_semaphore(%arg17 : memref<!tpu.dma_semaphore, #tpu.memory_space<semaphore_mem>>)
    %dma_start3A_26 = arith.constant 3 : i32
    %dma_start3A_27 = arith.constant 0 : i32
    %dma_start3A_28 = arith.constant 0 : i32
    %dma_start3A_29 = tpu.memref_slice %arg3[%add3A, %dma_start3A_26, %dma_start3A_27, %dma_start3A_28] : memref<32x80x2x125xi32, #tpu.memory_space<hbm>> -> memref<1x1x2x125xi32, #tpu.memory_space<hbm>>
    %dma_start3A_30 = tpu.memref_squeeze %dma_start3A_29 : memref<1x1x2x125xi32, #tpu.memory_space<hbm>> -> memref<2x125xi32, #tpu.memory_space<hbm>>
    %dma_start3A_31 = arith.constant 0 : i32
    %dma_start3A_32 = arith.constant 0 : i32
    %dma_start3A_33 = tpu.memref_slice %arg3[%add3A, %dma_start3A_26, %dma_start3A_31, %dma_start3A_32] : memref<32x80x2x125xi32, #tpu.memory_space<hbm>> -> memref<1x1x2x125xi32, #tpu.memory_space<hbm>>
    %dma_start3A_34 = tpu.memref_squeeze %dma_start3A_33 : memref<1x1x2x125xi32, #tpu.memory_space<hbm>> -> memref<2x125xi32, #tpu.memory_space<hbm>>
    tpu.enqueue_dma source(%dma_start3A_34 : memref<2x125xi32, #tpu.memory_space<hbm>>) target(%arg9 : memref<2x125xi32, #tpu.memory_space<vmem>>) target_semaphore(%arg18 : memref<!tpu.dma_semaphore, #tpu.memory_space<semaphore_mem>>)
    %scan3A = arith.constant 0 : i32
    %scan3A_35 = arith.constant 0 : i32
    %scan3A_36 = arith.constant 19 : i32
    %scan3A_37 = arith.addi %scan3A_35, %scan3A_36 : i32
    %scan3A_38 = arith.constant 1 : i32
    scf.for %scan3A_104 = %scan3A_35 to %scan3A_37 step %scan3A_38  : i32 {
      %mul3A_105 = arith.constant 4 : i32
      %mul3A_106 = arith.muli %mul3A_105, %scan3A_104 : i32
      %dma_wait3A_107 = arith.constant 0 : i32
      %dma_wait3A_108 = arith.constant 0 : i32
      %dma_wait3A_109 = tpu.memref_slice %arg6[%dma_wait3A_107, %dma_wait3A_108] : memref<2x125xi32, #tpu.memory_space<vmem>> -> memref<1x125xi32, #tpu.memory_space<vmem>>
      %dma_wait3A_110 = tpu.memref_squeeze %dma_wait3A_109 : memref<1x125xi32, #tpu.memory_space<vmem>> -> memref<125xi32, #tpu.memory_space<vmem>>
      %dma_wait3A_111 = arith.constant 0 : i32
      %dma_wait3A_112 = arith.constant 0 : i32
      %dma_wait3A_113 = tpu.memref_slice %arg2[%dma_wait3A_111, %dma_wait3A_112] : memref<10000x128xbf16, #tpu.memory_space<hbm>> -> memref<10000x128xbf16, #tpu.memory_space<hbm>>
      tpu.wait_indirect_dma semaphore(%arg13 : memref<!tpu.dma_semaphore, #tpu.memory_space<semaphore_mem>>) src(%dma_wait3A_113 : memref<10000x128xbf16, #tpu.memory_space<hbm>>) dst(%arg10 : memref<125x128xbf16, #tpu.memory_space<vmem>>)
      %run_scoped3A_114 = arith.constant 1 : i32
      "tpu.region"() ({
        %run_scoped3A_251 = tpu.sem_alloc : memref<!tpu.dma_semaphore, #tpu.memory_space<semaphore_mem>>
        %dma_start3A_252 = arith.constant 0 : i32
        %dma_start3A_253 = tpu.memref_slice %arg6[%run_scoped3A_114, %dma_start3A_252] : memref<2x125xi32, #tpu.memory_space<vmem>> -> memref<1x125xi32, #tpu.memory_space<vmem>>
        %dma_start3A_254 = tpu.memref_squeeze %dma_start3A_253 : memref<1x125xi32, #tpu.memory_space<vmem>> -> memref<125xi32, #tpu.memory_space<vmem>>
        %dma_start3A_255 = arith.constant 0 : i32
        %dma_start3A_256 = arith.constant 0 : i32
        %dma_start3A_257 = tpu.memref_slice %arg12[%dma_start3A_255, %dma_start3A_256] : memref<10240x128xbf16, #tpu.memory_space<vmem_shared>> -> memref<10240x128xbf16, #tpu.memory_space<vmem_shared>>
        tpu.enqueue_indirect_dma source(%arg10 : memref<125x128xbf16, #tpu.memory_space<vmem>>) target(%dma_start3A_257 : memref<10240x128xbf16, #tpu.memory_space<vmem_shared>>) offsets(%dma_start3A_254 : memref<125xi32, #tpu.memory_space<vmem>>) semaphore(%run_scoped3A_251 : memref<!tpu.dma_semaphore, #tpu.memory_space<semaphore_mem>>) {add = true}
        %dma_wait3A_258 = arith.constant 0 : i32
        %dma_wait3A_259 = tpu.memref_slice %arg6[%run_scoped3A_114, %dma_wait3A_258] : memref<2x125xi32, #tpu.memory_space<vmem>> -> memref<1x125xi32, #tpu.memory_space<vmem>>
        %dma_wait3A_260 = tpu.memref_squeeze %dma_wait3A_259 : memref<1x125xi32, #tpu.memory_space<vmem>> -> memref<125xi32, #tpu.memory_space<vmem>>
        %dma_wait3A_261 = arith.constant 0 : i32
        %dma_wait3A_262 = arith.constant 0 : i32
        %dma_wait3A_263 = tpu.memref_slice %arg12[%dma_wait3A_261, %dma_wait3A_262] : memref<10240x128xbf16, #tpu.memory_space<vmem_shared>> -> memref<10240x128xbf16, #tpu.memory_space<vmem_shared>>
        tpu.wait_indirect_dma semaphore(%run_scoped3A_251 : memref<!tpu.dma_semaphore, #tpu.memory_space<semaphore_mem>>) src(%arg10 : memref<125x128xbf16, #tpu.memory_space<vmem>>) dst(%dma_wait3A_263 : memref<10240x128xbf16, #tpu.memory_space<vmem_shared>>)
        tpu.yield
      }) : () -> ()
      %add3A_115 = arith.constant 0 : i32
      %add3A_116 = arith.addi %mul3A_106, %add3A_115 : i32
      %add3A_117 = arith.constant 4 : i32
      %add3A_118 = arith.addi %add3A_116, %add3A_117 : i32
      %dma_start3A_119 = arith.constant 0 : i32
      %dma_start3A_120 = arith.constant 0 : i32
      %dma_start3A_121 = tpu.memref_slice %arg3[%add3A, %add3A_118, %dma_start3A_119, %dma_start3A_120] : memref<32x80x2x125xi32, #tpu.memory_space<hbm>> -> memref<1x1x2x125xi32, #tpu.memory_space<hbm>>
      %dma_start3A_122 = tpu.memref_squeeze %dma_start3A_121 : memref<1x1x2x125xi32, #tpu.memory_space<hbm>> -> memref<2x125xi32, #tpu.memory_space<hbm>>
      %dma_start3A_123 = arith.constant 0 : i32
      %dma_start3A_124 = arith.constant 0 : i32
      %dma_start3A_125 = tpu.memref_slice %arg3[%add3A, %add3A_118, %dma_start3A_123, %dma_start3A_124] : memref<32x80x2x125xi32, #tpu.memory_space<hbm>> -> memref<1x1x2x125xi32, #tpu.memory_space<hbm>>
      %dma_start3A_126 = tpu.memref_squeeze %dma_start3A_125 : memref<1x1x2x125xi32, #tpu.memory_space<hbm>> -> memref<2x125xi32, #tpu.memory_space<hbm>>
      tpu.enqueue_dma source(%dma_start3A_126 : memref<2x125xi32, #tpu.memory_space<hbm>>) target(%arg6 : memref<2x125xi32, #tpu.memory_space<vmem>>) target_semaphore(%arg15 : memref<!tpu.dma_semaphore, #tpu.memory_space<semaphore_mem>>)
      %dma_wait3A_127 = arith.constant 0 : i32
      %dma_wait3A_128 = arith.constant 0 : i32
      %dma_wait3A_129 = arith.constant 0 : i32
      %dma_wait3A_130 = tpu.memref_slice %arg3[%add3A, %dma_wait3A_127, %dma_wait3A_128, %dma_wait3A_129] : memref<32x80x2x125xi32, #tpu.memory_space<hbm>> -> memref<1x1x2x125xi32, #tpu.memory_space<hbm>>
      %dma_wait3A_131 = tpu.memref_squeeze %dma_wait3A_130 : memref<1x1x2x125xi32, #tpu.memory_space<hbm>> -> memref<2x125xi32, #tpu.memory_space<hbm>>
      %dma_wait3A_132 = arith.constant 0 : i32
      %dma_wait3A_133 = arith.constant 0 : i32
      %dma_wait3A_134 = tpu.memref_slice %arg3[%add3A, %dma_wait3A_127, %dma_wait3A_132, %dma_wait3A_133] : memref<32x80x2x125xi32, #tpu.memory_space<hbm>> -> memref<1x1x2x125xi32, #tpu.memory_space<hbm>>
      %dma_wait3A_135 = tpu.memref_squeeze %dma_wait3A_134 : memref<1x1x2x125xi32, #tpu.memory_space<hbm>> -> memref<2x125xi32, #tpu.memory_space<hbm>>
      tpu.wait_dma2 semaphore(%arg17 : memref<!tpu.dma_semaphore, #tpu.memory_space<semaphore_mem>>) src(%dma_wait3A_135 : memref<2x125xi32, #tpu.memory_space<hbm>>) dst(%arg8 : memref<2x125xi32, #tpu.memory_space<vmem>>)
      %dma_start3A_136 = arith.constant 0 : i32
      %dma_start3A_137 = arith.constant 0 : i32
      %dma_start3A_138 = tpu.memref_slice %arg8[%dma_start3A_136, %dma_start3A_137] : memref<2x125xi32, #tpu.memory_space<vmem>> -> memref<1x125xi32, #tpu.memory_space<vmem>>
      %dma_start3A_139 = tpu.memref_squeeze %dma_start3A_138 : memref<1x125xi32, #tpu.memory_space<vmem>> -> memref<125xi32, #tpu.memory_space<vmem>>
      %dma_start3A_140 = arith.constant 0 : i32
      %dma_start3A_141 = arith.constant 0 : i32
      %dma_start3A_142 = tpu.memref_slice %arg2[%dma_start3A_140, %dma_start3A_141] : memref<10000x128xbf16, #tpu.memory_space<hbm>> -> memref<10000x128xbf16, #tpu.memory_space<hbm>>
      tpu.enqueue_indirect_dma source(%dma_start3A_142 : memref<10000x128xbf16, #tpu.memory_space<hbm>>) target(%arg10 : memref<125x128xbf16, #tpu.memory_space<vmem>>) offsets(%dma_start3A_139 : memref<125xi32, #tpu.memory_space<vmem>>) semaphore(%arg13 : memref<!tpu.dma_semaphore, #tpu.memory_space<semaphore_mem>>)
      %dma_wait3A_143 = arith.constant 0 : i32
      %dma_wait3A_144 = arith.constant 0 : i32
      %dma_wait3A_145 = tpu.memref_slice %arg6[%dma_wait3A_143, %dma_wait3A_144] : memref<2x125xi32, #tpu.memory_space<vmem>> -> memref<1x125xi32, #tpu.memory_space<vmem>>
      %dma_wait3A_146 = tpu.memref_squeeze %dma_wait3A_145 : memref<1x125xi32, #tpu.memory_space<vmem>> -> memref<125xi32, #tpu.memory_space<vmem>>
      %dma_wait3A_147 = arith.constant 0 : i32
      %dma_wait3A_148 = arith.constant 0 : i32
      %dma_wait3A_149 = tpu.memref_slice %arg2[%dma_wait3A_147, %dma_wait3A_148] : memref<10000x128xbf16, #tpu.memory_space<hbm>> -> memref<10000x128xbf16, #tpu.memory_space<hbm>>
      tpu.wait_indirect_dma semaphore(%arg14 : memref<!tpu.dma_semaphore, #tpu.memory_space<semaphore_mem>>) src(%dma_wait3A_149 : memref<10000x128xbf16, #tpu.memory_space<hbm>>) dst(%arg11 : memref<125x128xbf16, #tpu.memory_space<vmem>>)
      %run_scoped3A_150 = arith.constant 1 : i32
      "tpu.region"() ({
        %run_scoped3A_251 = tpu.sem_alloc : memref<!tpu.dma_semaphore, #tpu.memory_space<semaphore_mem>>
        %dma_start3A_252 = arith.constant 0 : i32
        %dma_start3A_253 = tpu.memref_slice %arg7[%run_scoped3A_150, %dma_start3A_252] : memref<2x125xi32, #tpu.memory_space<vmem>> -> memref<1x125xi32, #tpu.memory_space<vmem>>
        %dma_start3A_254 = tpu.memref_squeeze %dma_start3A_253 : memref<1x125xi32, #tpu.memory_space<vmem>> -> memref<125xi32, #tpu.memory_space<vmem>>
        %dma_start3A_255 = arith.constant 0 : i32
        %dma_start3A_256 = arith.constant 0 : i32
        %dma_start3A_257 = tpu.memref_slice %arg12[%dma_start3A_255, %dma_start3A_256] : memref<10240x128xbf16, #tpu.memory_space<vmem_shared>> -> memref<10240x128xbf16, #tpu.memory_space<vmem_shared>>
        tpu.enqueue_indirect_dma source(%arg11 : memref<125x128xbf16, #tpu.memory_space<vmem>>) target(%dma_start3A_257 : memref<10240x128xbf16, #tpu.memory_space<vmem_shared>>) offsets(%dma_start3A_254 : memref<125xi32, #tpu.memory_space<vmem>>) semaphore(%run_scoped3A_251 : memref<!tpu.dma_semaphore, #tpu.memory_space<semaphore_mem>>) {add = true}
        %dma_wait3A_258 = arith.constant 0 : i32
        %dma_wait3A_259 = tpu.memref_slice %arg7[%run_scoped3A_150, %dma_wait3A_258] : memref<2x125xi32, #tpu.memory_space<vmem>> -> memref<1x125xi32, #tpu.memory_space<vmem>>
        %dma_wait3A_260 = tpu.memref_squeeze %dma_wait3A_259 : memref<1x125xi32, #tpu.memory_space<vmem>> -> memref<125xi32, #tpu.memory_space<vmem>>
        %dma_wait3A_261 = arith.constant 0 : i32
        %dma_wait3A_262 = arith.constant 0 : i32
        %dma_wait3A_263 = tpu.memref_slice %arg12[%dma_wait3A_261, %dma_wait3A_262] : memref<10240x128xbf16, #tpu.memory_space<vmem_shared>> -> memref<10240x128xbf16, #tpu.memory_space<vmem_shared>>
        tpu.wait_indirect_dma semaphore(%run_scoped3A_251 : memref<!tpu.dma_semaphore, #tpu.memory_space<semaphore_mem>>) src(%arg11 : memref<125x128xbf16, #tpu.memory_space<vmem>>) dst(%dma_wait3A_263 : memref<10240x128xbf16, #tpu.memory_space<vmem_shared>>)
        tpu.yield
      }) : () -> ()
      %add3A_151 = arith.constant 1 : i32
      %add3A_152 = arith.addi %mul3A_106, %add3A_151 : i32
      %add3A_153 = arith.constant 4 : i32
      %add3A_154 = arith.addi %add3A_152, %add3A_153 : i32
      %dma_start3A_155 = arith.constant 0 : i32
      %dma_start3A_156 = arith.constant 0 : i32
      %dma_start3A_157 = tpu.memref_slice %arg3[%add3A, %add3A_154, %dma_start3A_155, %dma_start3A_156] : memref<32x80x2x125xi32, #tpu.memory_space<hbm>> -> memref<1x1x2x125xi32, #tpu.memory_space<hbm>>
      %dma_start3A_158 = tpu.memref_squeeze %dma_start3A_157 : memref<1x1x2x125xi32, #tpu.memory_space<hbm>> -> memref<2x125xi32, #tpu.memory_space<hbm>>
      %dma_start3A_159 = arith.constant 0 : i32
      %dma_start3A_160 = arith.constant 0 : i32
      %dma_start3A_161 = tpu.memref_slice %arg3[%add3A, %add3A_154, %dma_start3A_159, %dma_start3A_160] : memref<32x80x2x125xi32, #tpu.memory_space<hbm>> -> memref<1x1x2x125xi32, #tpu.memory_space<hbm>>
      %dma_start3A_162 = tpu.memref_squeeze %dma_start3A_161 : memref<1x1x2x125xi32, #tpu.memory_space<hbm>> -> memref<2x125xi32, #tpu.memory_space<hbm>>
      tpu.enqueue_dma source(%dma_start3A_162 : memref<2x125xi32, #tpu.memory_space<hbm>>) target(%arg7 : memref<2x125xi32, #tpu.memory_space<vmem>>) target_semaphore(%arg16 : memref<!tpu.dma_semaphore, #tpu.memory_space<semaphore_mem>>)
      %dma_wait3A_163 = arith.constant 0 : i32
      %dma_wait3A_164 = arith.constant 0 : i32
      %dma_wait3A_165 = arith.constant 0 : i32
      %dma_wait3A_166 = tpu.memref_slice %arg3[%add3A, %dma_wait3A_163, %dma_wait3A_164, %dma_wait3A_165] : memref<32x80x2x125xi32, #tpu.memory_space<hbm>> -> memref<1x1x2x125xi32, #tpu.memory_space<hbm>>
      %dma_wait3A_167 = tpu.memref_squeeze %dma_wait3A_166 : memref<1x1x2x125xi32, #tpu.memory_space<hbm>> -> memref<2x125xi32, #tpu.memory_space<hbm>>
      %dma_wait3A_168 = arith.constant 0 : i32
      %dma_wait3A_169 = arith.constant 0 : i32
      %dma_wait3A_170 = tpu.memref_slice %arg3[%add3A, %dma_wait3A_163, %dma_wait3A_168, %dma_wait3A_169] : memref<32x80x2x125xi32, #tpu.memory_space<hbm>> -> memref<1x1x2x125xi32, #tpu.memory_space<hbm>>
      %dma_wait3A_171 = tpu.memref_squeeze %dma_wait3A_170 : memref<1x1x2x125xi32, #tpu.memory_space<hbm>> -> memref<2x125xi32, #tpu.memory_space<hbm>>
      tpu.wait_dma2 semaphore(%arg18 : memref<!tpu.dma_semaphore, #tpu.memory_space<semaphore_mem>>) src(%dma_wait3A_171 : memref<2x125xi32, #tpu.memory_space<hbm>>) dst(%arg9 : memref<2x125xi32, #tpu.memory_space<vmem>>)
      %dma_start3A_172 = arith.constant 0 : i32
      %dma_start3A_173 = arith.constant 0 : i32
      %dma_start3A_174 = tpu.memref_slice %arg9[%dma_start3A_172, %dma_start3A_173] : memref<2x125xi32, #tpu.memory_space<vmem>> -> memref<1x125xi32, #tpu.memory_space<vmem>>
      %dma_start3A_175 = tpu.memref_squeeze %dma_start3A_174 : memref<1x125xi32, #tpu.memory_space<vmem>> -> memref<125xi32, #tpu.memory_space<vmem>>
      %dma_start3A_176 = arith.constant 0 : i32
      %dma_start3A_177 = arith.constant 0 : i32
      %dma_start3A_178 = tpu.memref_slice %arg2[%dma_start3A_176, %dma_start3A_177] : memref<10000x128xbf16, #tpu.memory_space<hbm>> -> memref<10000x128xbf16, #tpu.memory_space<hbm>>
      tpu.enqueue_indirect_dma source(%dma_start3A_178 : memref<10000x128xbf16, #tpu.memory_space<hbm>>) target(%arg11 : memref<125x128xbf16, #tpu.memory_space<vmem>>) offsets(%dma_start3A_175 : memref<125xi32, #tpu.memory_space<vmem>>) semaphore(%arg14 : memref<!tpu.dma_semaphore, #tpu.memory_space<semaphore_mem>>)
      %dma_wait3A_179 = arith.constant 0 : i32
      %dma_wait3A_180 = arith.constant 0 : i32
      %dma_wait3A_181 = tpu.memref_slice %arg6[%dma_wait3A_179, %dma_wait3A_180] : memref<2x125xi32, #tpu.memory_space<vmem>> -> memref<1x125xi32, #tpu.memory_space<vmem>>
      %dma_wait3A_182 = tpu.memref_squeeze %dma_wait3A_181 : memref<1x125xi32, #tpu.memory_space<vmem>> -> memref<125xi32, #tpu.memory_space<vmem>>
      %dma_wait3A_183 = arith.constant 0 : i32
      %dma_wait3A_184 = arith.constant 0 : i32
      %dma_wait3A_185 = tpu.memref_slice %arg2[%dma_wait3A_183, %dma_wait3A_184] : memref<10000x128xbf16, #tpu.memory_space<hbm>> -> memref<10000x128xbf16, #tpu.memory_space<hbm>>
      tpu.wait_indirect_dma semaphore(%arg13 : memref<!tpu.dma_semaphore, #tpu.memory_space<semaphore_mem>>) src(%dma_wait3A_185 : memref<10000x128xbf16, #tpu.memory_space<hbm>>) dst(%arg10 : memref<125x128xbf16, #tpu.memory_space<vmem>>)
      %run_scoped3A_186 = arith.constant 1 : i32
      "tpu.region"() ({
        %run_scoped3A_251 = tpu.sem_alloc : memref<!tpu.dma_semaphore, #tpu.memory_space<semaphore_mem>>
        %dma_start3A_252 = arith.constant 0 : i32
        %dma_start3A_253 = tpu.memref_slice %arg8[%run_scoped3A_186, %dma_start3A_252] : memref<2x125xi32, #tpu.memory_space<vmem>> -> memref<1x125xi32, #tpu.memory_space<vmem>>
        %dma_start3A_254 = tpu.memref_squeeze %dma_start3A_253 : memref<1x125xi32, #tpu.memory_space<vmem>> -> memref<125xi32, #tpu.memory_space<vmem>>
        %dma_start3A_255 = arith.constant 0 : i32
        %dma_start3A_256 = arith.constant 0 : i32
        %dma_start3A_257 = tpu.memref_slice %arg12[%dma_start3A_255, %dma_start3A_256] : memref<10240x128xbf16, #tpu.memory_space<vmem_shared>> -> memref<10240x128xbf16, #tpu.memory_space<vmem_shared>>
        tpu.enqueue_indirect_dma source(%arg10 : memref<125x128xbf16, #tpu.memory_space<vmem>>) target(%dma_start3A_257 : memref<10240x128xbf16, #tpu.memory_space<vmem_shared>>) offsets(%dma_start3A_254 : memref<125xi32, #tpu.memory_space<vmem>>) semaphore(%run_scoped3A_251 : memref<!tpu.dma_semaphore, #tpu.memory_space<semaphore_mem>>) {add = true}
        %dma_wait3A_258 = arith.constant 0 : i32
        %dma_wait3A_259 = tpu.memref_slice %arg8[%run_scoped3A_186, %dma_wait3A_258] : memref<2x125xi32, #tpu.memory_space<vmem>> -> memref<1x125xi32, #tpu.memory_space<vmem>>
        %dma_wait3A_260 = tpu.memref_squeeze %dma_wait3A_259 : memref<1x125xi32, #tpu.memory_space<vmem>> -> memref<125xi32, #tpu.memory_space<vmem>>
        %dma_wait3A_261 = arith.constant 0 : i32
        %dma_wait3A_262 = arith.constant 0 : i32
        %dma_wait3A_263 = tpu.memref_slice %arg12[%dma_wait3A_261, %dma_wait3A_262] : memref<10240x128xbf16, #tpu.memory_space<vmem_shared>> -> memref<10240x128xbf16, #tpu.memory_space<vmem_shared>>
        tpu.wait_indirect_dma semaphore(%run_scoped3A_251 : memref<!tpu.dma_semaphore, #tpu.memory_space<semaphore_mem>>) src(%arg10 : memref<125x128xbf16, #tpu.memory_space<vmem>>) dst(%dma_wait3A_263 : memref<10240x128xbf16, #tpu.memory_space<vmem_shared>>)
        tpu.yield
      }) : () -> ()
      %add3A_187 = arith.constant 2 : i32
      %add3A_188 = arith.addi %mul3A_106, %add3A_187 : i32
      %add3A_189 = arith.constant 4 : i32
      %add3A_190 = arith.addi %add3A_188, %add3A_189 : i32
      %dma_start3A_191 = arith.constant 0 : i32
      %dma_start3A_192 = arith.constant 0 : i32
      %dma_start3A_193 = tpu.memref_slice %arg3[%add3A, %add3A_190, %dma_start3A_191, %dma_start3A_192] : memref<32x80x2x125xi32, #tpu.memory_space<hbm>> -> memref<1x1x2x125xi32, #tpu.memory_space<hbm>>
      %dma_start3A_194 = tpu.memref_squeeze %dma_start3A_193 : memref<1x1x2x125xi32, #tpu.memory_space<hbm>> -> memref<2x125xi32, #tpu.memory_space<hbm>>
      %dma_start3A_195 = arith.constant 0 : i32
      %dma_start3A_196 = arith.constant 0 : i32
      %dma_start3A_197 = tpu.memref_slice %arg3[%add3A, %add3A_190, %dma_start3A_195, %dma_start3A_196] : memref<32x80x2x125xi32, #tpu.memory_space<hbm>> -> memref<1x1x2x125xi32, #tpu.memory_space<hbm>>
      %dma_start3A_198 = tpu.memref_squeeze %dma_start3A_197 : memref<1x1x2x125xi32, #tpu.memory_space<hbm>> -> memref<2x125xi32, #tpu.memory_space<hbm>>
      tpu.enqueue_dma source(%dma_start3A_198 : memref<2x125xi32, #tpu.memory_space<hbm>>) target(%arg8 : memref<2x125xi32, #tpu.memory_space<vmem>>) target_semaphore(%arg17 : memref<!tpu.dma_semaphore, #tpu.memory_space<semaphore_mem>>)
      %dma_wait3A_199 = arith.constant 0 : i32
      %dma_wait3A_200 = arith.constant 0 : i32
      %dma_wait3A_201 = arith.constant 0 : i32
      %dma_wait3A_202 = tpu.memref_slice %arg3[%add3A, %dma_wait3A_199, %dma_wait3A_200, %dma_wait3A_201] : memref<32x80x2x125xi32, #tpu.memory_space<hbm>> -> memref<1x1x2x125xi32, #tpu.memory_space<hbm>>
      %dma_wait3A_203 = tpu.memref_squeeze %dma_wait3A_202 : memref<1x1x2x125xi32, #tpu.memory_space<hbm>> -> memref<2x125xi32, #tpu.memory_space<hbm>>
      %dma_wait3A_204 = arith.constant 0 : i32
      %dma_wait3A_205 = arith.constant 0 : i32
      %dma_wait3A_206 = tpu.memref_slice %arg3[%add3A, %dma_wait3A_199, %dma_wait3A_204, %dma_wait3A_205] : memref<32x80x2x125xi32, #tpu.memory_space<hbm>> -> memref<1x1x2x125xi32, #tpu.memory_space<hbm>>
      %dma_wait3A_207 = tpu.memref_squeeze %dma_wait3A_206 : memref<1x1x2x125xi32, #tpu.memory_space<hbm>> -> memref<2x125xi32, #tpu.memory_space<hbm>>
      tpu.wait_dma2 semaphore(%arg15 : memref<!tpu.dma_semaphore, #tpu.memory_space<semaphore_mem>>) src(%dma_wait3A_207 : memref<2x125xi32, #tpu.memory_space<hbm>>) dst(%arg6 : memref<2x125xi32, #tpu.memory_space<vmem>>)
      %dma_start3A_208 = arith.constant 0 : i32
      %dma_start3A_209 = arith.constant 0 : i32
      %dma_start3A_210 = tpu.memref_slice %arg6[%dma_start3A_208, %dma_start3A_209] : memref<2x125xi32, #tpu.memory_space<vmem>> -> memref<1x125xi32, #tpu.memory_space<vmem>>
      %dma_start3A_211 = tpu.memref_squeeze %dma_start3A_210 : memref<1x125xi32, #tpu.memory_space<vmem>> -> memref<125xi32, #tpu.memory_space<vmem>>
      %dma_start3A_212 = arith.constant 0 : i32
      %dma_start3A_213 = arith.constant 0 : i32
      %dma_start3A_214 = tpu.memref_slice %arg2[%dma_start3A_212, %dma_start3A_213] : memref<10000x128xbf16, #tpu.memory_space<hbm>> -> memref<10000x128xbf16, #tpu.memory_space<hbm>>
      tpu.enqueue_indirect_dma source(%dma_start3A_214 : memref<10000x128xbf16, #tpu.memory_space<hbm>>) target(%arg10 : memref<125x128xbf16, #tpu.memory_space<vmem>>) offsets(%dma_start3A_211 : memref<125xi32, #tpu.memory_space<vmem>>) semaphore(%arg13 : memref<!tpu.dma_semaphore, #tpu.memory_space<semaphore_mem>>)
      %dma_wait3A_215 = arith.constant 0 : i32
      %dma_wait3A_216 = arith.constant 0 : i32
      %dma_wait3A_217 = tpu.memref_slice %arg6[%dma_wait3A_215, %dma_wait3A_216] : memref<2x125xi32, #tpu.memory_space<vmem>> -> memref<1x125xi32, #tpu.memory_space<vmem>>
      %dma_wait3A_218 = tpu.memref_squeeze %dma_wait3A_217 : memref<1x125xi32, #tpu.memory_space<vmem>> -> memref<125xi32, #tpu.memory_space<vmem>>
      %dma_wait3A_219 = arith.constant 0 : i32
      %dma_wait3A_220 = arith.constant 0 : i32
      %dma_wait3A_221 = tpu.memref_slice %arg2[%dma_wait3A_219, %dma_wait3A_220] : memref<10000x128xbf16, #tpu.memory_space<hbm>> -> memref<10000x128xbf16, #tpu.memory_space<hbm>>
      tpu.wait_indirect_dma semaphore(%arg14 : memref<!tpu.dma_semaphore, #tpu.memory_space<semaphore_mem>>) src(%dma_wait3A_221 : memref<10000x128xbf16, #tpu.memory_space<hbm>>) dst(%arg11 : memref<125x128xbf16, #tpu.memory_space<vmem>>)
      %run_scoped3A_222 = arith.constant 1 : i32
      "tpu.region"() ({
        %run_scoped3A_251 = tpu.sem_alloc : memref<!tpu.dma_semaphore, #tpu.memory_space<semaphore_mem>>
        %dma_start3A_252 = arith.constant 0 : i32
        %dma_start3A_253 = tpu.memref_slice %arg9[%run_scoped3A_222, %dma_start3A_252] : memref<2x125xi32, #tpu.memory_space<vmem>> -> memref<1x125xi32, #tpu.memory_space<vmem>>
        %dma_start3A_254 = tpu.memref_squeeze %dma_start3A_253 : memref<1x125xi32, #tpu.memory_space<vmem>> -> memref<125xi32, #tpu.memory_space<vmem>>
        %dma_start3A_255 = arith.constant 0 : i32
        %dma_start3A_256 = arith.constant 0 : i32
        %dma_start3A_257 = tpu.memref_slice %arg12[%dma_start3A_255, %dma_start3A_256] : memref<10240x128xbf16, #tpu.memory_space<vmem_shared>> -> memref<10240x128xbf16, #tpu.memory_space<vmem_shared>>
        tpu.enqueue_indirect_dma source(%arg11 : memref<125x128xbf16, #tpu.memory_space<vmem>>) target(%dma_start3A_257 : memref<10240x128xbf16, #tpu.memory_space<vmem_shared>>) offsets(%dma_start3A_254 : memref<125xi32, #tpu.memory_space<vmem>>) semaphore(%run_scoped3A_251 : memref<!tpu.dma_semaphore, #tpu.memory_space<semaphore_mem>>) {add = true}
        %dma_wait3A_258 = arith.constant 0 : i32
        %dma_wait3A_259 = tpu.memref_slice %arg9[%run_scoped3A_222, %dma_wait3A_258] : memref<2x125xi32, #tpu.memory_space<vmem>> -> memref<1x125xi32, #tpu.memory_space<vmem>>
        %dma_wait3A_260 = tpu.memref_squeeze %dma_wait3A_259 : memref<1x125xi32, #tpu.memory_space<vmem>> -> memref<125xi32, #tpu.memory_space<vmem>>
        %dma_wait3A_261 = arith.constant 0 : i32
        %dma_wait3A_262 = arith.constant 0 : i32
        %dma_wait3A_263 = tpu.memref_slice %arg12[%dma_wait3A_261, %dma_wait3A_262] : memref<10240x128xbf16, #tpu.memory_space<vmem_shared>> -> memref<10240x128xbf16, #tpu.memory_space<vmem_shared>>
        tpu.wait_indirect_dma semaphore(%run_scoped3A_251 : memref<!tpu.dma_semaphore, #tpu.memory_space<semaphore_mem>>) src(%arg11 : memref<125x128xbf16, #tpu.memory_space<vmem>>) dst(%dma_wait3A_263 : memref<10240x128xbf16, #tpu.memory_space<vmem_shared>>)
        tpu.yield
      }) : () -> ()
      %add3A_223 = arith.constant 3 : i32
      %add3A_224 = arith.addi %mul3A_106, %add3A_223 : i32
      %add3A_225 = arith.constant 4 : i32
      %add3A_226 = arith.addi %add3A_224, %add3A_225 : i32
      %dma_start3A_227 = arith.constant 0 : i32
      %dma_start3A_228 = arith.constant 0 : i32
      %dma_start3A_229 = tpu.memref_slice %arg3[%add3A, %add3A_226, %dma_start3A_227, %dma_start3A_228] : memref<32x80x2x125xi32, #tpu.memory_space<hbm>> -> memref<1x1x2x125xi32, #tpu.memory_space<hbm>>
      %dma_start3A_230 = tpu.memref_squeeze %dma_start3A_229 : memref<1x1x2x125xi32, #tpu.memory_space<hbm>> -> memref<2x125xi32, #tpu.memory_space<hbm>>
      %dma_start3A_231 = arith.constant 0 : i32
      %dma_start3A_232 = arith.constant 0 : i32
      %dma_start3A_233 = tpu.memref_slice %arg3[%add3A, %add3A_226, %dma_start3A_231, %dma_start3A_232] : memref<32x80x2x125xi32, #tpu.memory_space<hbm>> -> memref<1x1x2x125xi32, #tpu.memory_space<hbm>>
      %dma_start3A_234 = tpu.memref_squeeze %dma_start3A_233 : memref<1x1x2x125xi32, #tpu.memory_space<hbm>> -> memref<2x125xi32, #tpu.memory_space<hbm>>
      tpu.enqueue_dma source(%dma_start3A_234 : memref<2x125xi32, #tpu.memory_space<hbm>>) target(%arg9 : memref<2x125xi32, #tpu.memory_space<vmem>>) target_semaphore(%arg18 : memref<!tpu.dma_semaphore, #tpu.memory_space<semaphore_mem>>)
      %dma_wait3A_235 = arith.constant 0 : i32
      %dma_wait3A_236 = arith.constant 0 : i32
      %dma_wait3A_237 = arith.constant 0 : i32
      %dma_wait3A_238 = tpu.memref_slice %arg3[%add3A, %dma_wait3A_235, %dma_wait3A_236, %dma_wait3A_237] : memref<32x80x2x125xi32, #tpu.memory_space<hbm>> -> memref<1x1x2x125xi32, #tpu.memory_space<hbm>>
      %dma_wait3A_239 = tpu.memref_squeeze %dma_wait3A_238 : memref<1x1x2x125xi32, #tpu.memory_space<hbm>> -> memref<2x125xi32, #tpu.memory_space<hbm>>
      %dma_wait3A_240 = arith.constant 0 : i32
      %dma_wait3A_241 = arith.constant 0 : i32
      %dma_wait3A_242 = tpu.memref_slice %arg3[%add3A, %dma_wait3A_235, %dma_wait3A_240, %dma_wait3A_241] : memref<32x80x2x125xi32, #tpu.memory_space<hbm>> -> memref<1x1x2x125xi32, #tpu.memory_space<hbm>>
      %dma_wait3A_243 = tpu.memref_squeeze %dma_wait3A_242 : memref<1x1x2x125xi32, #tpu.memory_space<hbm>> -> memref<2x125xi32, #tpu.memory_space<hbm>>
      tpu.wait_dma2 semaphore(%arg16 : memref<!tpu.dma_semaphore, #tpu.memory_space<semaphore_mem>>) src(%dma_wait3A_243 : memref<2x125xi32, #tpu.memory_space<hbm>>) dst(%arg7 : memref<2x125xi32, #tpu.memory_space<vmem>>)
      %dma_start3A_244 = arith.constant 0 : i32
      %dma_start3A_245 = arith.constant 0 : i32
      %dma_start3A_246 = tpu.memref_slice %arg7[%dma_start3A_244, %dma_start3A_245] : memref<2x125xi32, #tpu.memory_space<vmem>> -> memref<1x125xi32, #tpu.memory_space<vmem>>
      %dma_start3A_247 = tpu.memref_squeeze %dma_start3A_246 : memref<1x125xi32, #tpu.memory_space<vmem>> -> memref<125xi32, #tpu.memory_space<vmem>>
      %dma_start3A_248 = arith.constant 0 : i32
      %dma_start3A_249 = arith.constant 0 : i32
      %dma_start3A_250 = tpu.memref_slice %arg2[%dma_start3A_248, %dma_start3A_249] : memref<10000x128xbf16, #tpu.memory_space<hbm>> -> memref<10000x128xbf16, #tpu.memory_space<hbm>>
      tpu.enqueue_indirect_dma source(%dma_start3A_250 : memref<10000x128xbf16, #tpu.memory_space<hbm>>) target(%arg11 : memref<125x128xbf16, #tpu.memory_space<vmem>>) offsets(%dma_start3A_247 : memref<125xi32, #tpu.memory_space<vmem>>) semaphore(%arg14 : memref<!tpu.dma_semaphore, #tpu.memory_space<semaphore_mem>>)
    }
    %scan3A_39 = arith.constant 19 : i32
    %dma_wait3A = arith.constant 0 : i32
    %dma_wait3A_40 = arith.constant 0 : i32
    %dma_wait3A_41 = tpu.memref_slice %arg6[%dma_wait3A, %dma_wait3A_40] : memref<2x125xi32, #tpu.memory_space<vmem>> -> memref<1x125xi32, #tpu.memory_space<vmem>>
    %dma_wait3A_42 = tpu.memref_squeeze %dma_wait3A_41 : memref<1x125xi32, #tpu.memory_space<vmem>> -> memref<125xi32, #tpu.memory_space<vmem>>
    %dma_wait3A_43 = arith.constant 0 : i32
    %dma_wait3A_44 = arith.constant 0 : i32
    %dma_wait3A_45 = tpu.memref_slice %arg2[%dma_wait3A_43, %dma_wait3A_44] : memref<10000x128xbf16, #tpu.memory_space<hbm>> -> memref<10000x128xbf16, #tpu.memory_space<hbm>>
    tpu.wait_indirect_dma semaphore(%arg13 : memref<!tpu.dma_semaphore, #tpu.memory_space<semaphore_mem>>) src(%dma_wait3A_45 : memref<10000x128xbf16, #tpu.memory_space<hbm>>) dst(%arg10 : memref<125x128xbf16, #tpu.memory_space<vmem>>)
    %run_scoped3A_46 = arith.constant 1 : i32
    "tpu.region"() ({
      %run_scoped3A_104 = tpu.sem_alloc : memref<!tpu.dma_semaphore, #tpu.memory_space<semaphore_mem>>
      %dma_start3A_105 = arith.constant 0 : i32
      %dma_start3A_106 = tpu.memref_slice %arg6[%run_scoped3A_46, %dma_start3A_105] : memref<2x125xi32, #tpu.memory_space<vmem>> -> memref<1x125xi32, #tpu.memory_space<vmem>>
      %dma_start3A_107 = tpu.memref_squeeze %dma_start3A_106 : memref<1x125xi32, #tpu.memory_space<vmem>> -> memref<125xi32, #tpu.memory_space<vmem>>
      %dma_start3A_108 = arith.constant 0 : i32
      %dma_start3A_109 = arith.constant 0 : i32
      %dma_start3A_110 = tpu.memref_slice %arg12[%dma_start3A_108, %dma_start3A_109] : memref<10240x128xbf16, #tpu.memory_space<vmem_shared>> -> memref<10240x128xbf16, #tpu.memory_space<vmem_shared>>
      tpu.enqueue_indirect_dma source(%arg10 : memref<125x128xbf16, #tpu.memory_space<vmem>>) target(%dma_start3A_110 : memref<10240x128xbf16, #tpu.memory_space<vmem_shared>>) offsets(%dma_start3A_107 : memref<125xi32, #tpu.memory_space<vmem>>) semaphore(%run_scoped3A_104 : memref<!tpu.dma_semaphore, #tpu.memory_space<semaphore_mem>>) {add = true}
      %dma_wait3A_111 = arith.constant 0 : i32
      %dma_wait3A_112 = tpu.memref_slice %arg6[%run_scoped3A_46, %dma_wait3A_111] : memref<2x125xi32, #tpu.memory_space<vmem>> -> memref<1x125xi32, #tpu.memory_space<vmem>>
      %dma_wait3A_113 = tpu.memref_squeeze %dma_wait3A_112 : memref<1x125xi32, #tpu.memory_space<vmem>> -> memref<125xi32, #tpu.memory_space<vmem>>
      %dma_wait3A_114 = arith.constant 0 : i32
      %dma_wait3A_115 = arith.constant 0 : i32
      %dma_wait3A_116 = tpu.memref_slice %arg12[%dma_wait3A_114, %dma_wait3A_115] : memref<10240x128xbf16, #tpu.memory_space<vmem_shared>> -> memref<10240x128xbf16, #tpu.memory_space<vmem_shared>>
      tpu.wait_indirect_dma semaphore(%run_scoped3A_104 : memref<!tpu.dma_semaphore, #tpu.memory_space<semaphore_mem>>) src(%arg10 : memref<125x128xbf16, #tpu.memory_space<vmem>>) dst(%dma_wait3A_116 : memref<10240x128xbf16, #tpu.memory_space<vmem_shared>>)
      tpu.yield
    }) : () -> ()
    %dma_wait3A_47 = arith.constant 0 : i32
    %dma_wait3A_48 = arith.constant 0 : i32
    %dma_wait3A_49 = arith.constant 0 : i32
    %dma_wait3A_50 = tpu.memref_slice %arg3[%add3A, %dma_wait3A_47, %dma_wait3A_48, %dma_wait3A_49] : memref<32x80x2x125xi32, #tpu.memory_space<hbm>> -> memref<1x1x2x125xi32, #tpu.memory_space<hbm>>
    %dma_wait3A_51 = tpu.memref_squeeze %dma_wait3A_50 : memref<1x1x2x125xi32, #tpu.memory_space<hbm>> -> memref<2x125xi32, #tpu.memory_space<hbm>>
    %dma_wait3A_52 = arith.constant 0 : i32
    %dma_wait3A_53 = arith.constant 0 : i32
    %dma_wait3A_54 = tpu.memref_slice %arg3[%add3A, %dma_wait3A_47, %dma_wait3A_52, %dma_wait3A_53] : memref<32x80x2x125xi32, #tpu.memory_space<hbm>> -> memref<1x1x2x125xi32, #tpu.memory_space<hbm>>
    %dma_wait3A_55 = tpu.memref_squeeze %dma_wait3A_54 : memref<1x1x2x125xi32, #tpu.memory_space<hbm>> -> memref<2x125xi32, #tpu.memory_space<hbm>>
    tpu.wait_dma2 semaphore(%arg17 : memref<!tpu.dma_semaphore, #tpu.memory_space<semaphore_mem>>) src(%dma_wait3A_55 : memref<2x125xi32, #tpu.memory_space<hbm>>) dst(%arg8 : memref<2x125xi32, #tpu.memory_space<vmem>>)
    %dma_start3A_56 = arith.constant 0 : i32
    %dma_start3A_57 = arith.constant 0 : i32
    %dma_start3A_58 = tpu.memref_slice %arg8[%dma_start3A_56, %dma_start3A_57] : memref<2x125xi32, #tpu.memory_space<vmem>> -> memref<1x125xi32, #tpu.memory_space<vmem>>
    %dma_start3A_59 = tpu.memref_squeeze %dma_start3A_58 : memref<1x125xi32, #tpu.memory_space<vmem>> -> memref<125xi32, #tpu.memory_space<vmem>>
    %dma_start3A_60 = arith.constant 0 : i32
    %dma_start3A_61 = arith.constant 0 : i32
    %dma_start3A_62 = tpu.memref_slice %arg2[%dma_start3A_60, %dma_start3A_61] : memref<10000x128xbf16, #tpu.memory_space<hbm>> -> memref<10000x128xbf16, #tpu.memory_space<hbm>>
    tpu.enqueue_indirect_dma source(%dma_start3A_62 : memref<10000x128xbf16, #tpu.memory_space<hbm>>) target(%arg10 : memref<125x128xbf16, #tpu.memory_space<vmem>>) offsets(%dma_start3A_59 : memref<125xi32, #tpu.memory_space<vmem>>) semaphore(%arg13 : memref<!tpu.dma_semaphore, #tpu.memory_space<semaphore_mem>>)
    %dma_wait3A_63 = arith.constant 0 : i32
    %dma_wait3A_64 = arith.constant 0 : i32
    %dma_wait3A_65 = tpu.memref_slice %arg6[%dma_wait3A_63, %dma_wait3A_64] : memref<2x125xi32, #tpu.memory_space<vmem>> -> memref<1x125xi32, #tpu.memory_space<vmem>>
    %dma_wait3A_66 = tpu.memref_squeeze %dma_wait3A_65 : memref<1x125xi32, #tpu.memory_space<vmem>> -> memref<125xi32, #tpu.memory_space<vmem>>
    %dma_wait3A_67 = arith.constant 0 : i32
    %dma_wait3A_68 = arith.constant 0 : i32
    %dma_wait3A_69 = tpu.memref_slice %arg2[%dma_wait3A_67, %dma_wait3A_68] : memref<10000x128xbf16, #tpu.memory_space<hbm>> -> memref<10000x128xbf16, #tpu.memory_space<hbm>>
    tpu.wait_indirect_dma semaphore(%arg14 : memref<!tpu.dma_semaphore, #tpu.memory_space<semaphore_mem>>) src(%dma_wait3A_69 : memref<10000x128xbf16, #tpu.memory_space<hbm>>) dst(%arg11 : memref<125x128xbf16, #tpu.memory_space<vmem>>)
    %run_scoped3A_70 = arith.constant 1 : i32
    "tpu.region"() ({
      %run_scoped3A_104 = tpu.sem_alloc : memref<!tpu.dma_semaphore, #tpu.memory_space<semaphore_mem>>
      %dma_start3A_105 = arith.constant 0 : i32
      %dma_start3A_106 = tpu.memref_slice %arg7[%run_scoped3A_70, %dma_start3A_105] : memref<2x125xi32, #tpu.memory_space<vmem>> -> memref<1x125xi32, #tpu.memory_space<vmem>>
      %dma_start3A_107 = tpu.memref_squeeze %dma_start3A_106 : memref<1x125xi32, #tpu.memory_space<vmem>> -> memref<125xi32, #tpu.memory_space<vmem>>
      %dma_start3A_108 = arith.constant 0 : i32
      %dma_start3A_109 = arith.constant 0 : i32
      %dma_start3A_110 = tpu.memref_slice %arg12[%dma_start3A_108, %dma_start3A_109] : memref<10240x128xbf16, #tpu.memory_space<vmem_shared>> -> memref<10240x128xbf16, #tpu.memory_space<vmem_shared>>
      tpu.enqueue_indirect_dma source(%arg11 : memref<125x128xbf16, #tpu.memory_space<vmem>>) target(%dma_start3A_110 : memref<10240x128xbf16, #tpu.memory_space<vmem_shared>>) offsets(%dma_start3A_107 : memref<125xi32, #tpu.memory_space<vmem>>) semaphore(%run_scoped3A_104 : memref<!tpu.dma_semaphore, #tpu.memory_space<semaphore_mem>>) {add = true}
      %dma_wait3A_111 = arith.constant 0 : i32
      %dma_wait3A_112 = tpu.memref_slice %arg7[%run_scoped3A_70, %dma_wait3A_111] : memref<2x125xi32, #tpu.memory_space<vmem>> -> memref<1x125xi32, #tpu.memory_space<vmem>>
      %dma_wait3A_113 = tpu.memref_squeeze %dma_wait3A_112 : memref<1x125xi32, #tpu.memory_space<vmem>> -> memref<125xi32, #tpu.memory_space<vmem>>
      %dma_wait3A_114 = arith.constant 0 : i32
      %dma_wait3A_115 = arith.constant 0 : i32
      %dma_wait3A_116 = tpu.memref_slice %arg12[%dma_wait3A_114, %dma_wait3A_115] : memref<10240x128xbf16, #tpu.memory_space<vmem_shared>> -> memref<10240x128xbf16, #tpu.memory_space<vmem_shared>>
      tpu.wait_indirect_dma semaphore(%run_scoped3A_104 : memref<!tpu.dma_semaphore, #tpu.memory_space<semaphore_mem>>) src(%arg11 : memref<125x128xbf16, #tpu.memory_space<vmem>>) dst(%dma_wait3A_116 : memref<10240x128xbf16, #tpu.memory_space<vmem_shared>>)
      tpu.yield
    }) : () -> ()
    %dma_wait3A_71 = arith.constant 0 : i32
    %dma_wait3A_72 = arith.constant 0 : i32
    %dma_wait3A_73 = arith.constant 0 : i32
    %dma_wait3A_74 = tpu.memref_slice %arg3[%add3A, %dma_wait3A_71, %dma_wait3A_72, %dma_wait3A_73] : memref<32x80x2x125xi32, #tpu.memory_space<hbm>> -> memref<1x1x2x125xi32, #tpu.memory_space<hbm>>
    %dma_wait3A_75 = tpu.memref_squeeze %dma_wait3A_74 : memref<1x1x2x125xi32, #tpu.memory_space<hbm>> -> memref<2x125xi32, #tpu.memory_space<hbm>>
    %dma_wait3A_76 = arith.constant 0 : i32
    %dma_wait3A_77 = arith.constant 0 : i32
    %dma_wait3A_78 = tpu.memref_slice %arg3[%add3A, %dma_wait3A_71, %dma_wait3A_76, %dma_wait3A_77] : memref<32x80x2x125xi32, #tpu.memory_space<hbm>> -> memref<1x1x2x125xi32, #tpu.memory_space<hbm>>
    %dma_wait3A_79 = tpu.memref_squeeze %dma_wait3A_78 : memref<1x1x2x125xi32, #tpu.memory_space<hbm>> -> memref<2x125xi32, #tpu.memory_space<hbm>>
    tpu.wait_dma2 semaphore(%arg18 : memref<!tpu.dma_semaphore, #tpu.memory_space<semaphore_mem>>) src(%dma_wait3A_79 : memref<2x125xi32, #tpu.memory_space<hbm>>) dst(%arg9 : memref<2x125xi32, #tpu.memory_space<vmem>>)
    %dma_start3A_80 = arith.constant 0 : i32
    %dma_start3A_81 = arith.constant 0 : i32
    %dma_start3A_82 = tpu.memref_slice %arg9[%dma_start3A_80, %dma_start3A_81] : memref<2x125xi32, #tpu.memory_space<vmem>> -> memref<1x125xi32, #tpu.memory_space<vmem>>
    %dma_start3A_83 = tpu.memref_squeeze %dma_start3A_82 : memref<1x125xi32, #tpu.memory_space<vmem>> -> memref<125xi32, #tpu.memory_space<vmem>>
    %dma_start3A_84 = arith.constant 0 : i32
    %dma_start3A_85 = arith.constant 0 : i32
    %dma_start3A_86 = tpu.memref_slice %arg2[%dma_start3A_84, %dma_start3A_85] : memref<10000x128xbf16, #tpu.memory_space<hbm>> -> memref<10000x128xbf16, #tpu.memory_space<hbm>>
    tpu.enqueue_indirect_dma source(%dma_start3A_86 : memref<10000x128xbf16, #tpu.memory_space<hbm>>) target(%arg11 : memref<125x128xbf16, #tpu.memory_space<vmem>>) offsets(%dma_start3A_83 : memref<125xi32, #tpu.memory_space<vmem>>) semaphore(%arg14 : memref<!tpu.dma_semaphore, #tpu.memory_space<semaphore_mem>>)
    %dma_wait3A_87 = arith.constant 0 : i32
    %dma_wait3A_88 = arith.constant 0 : i32
    %dma_wait3A_89 = tpu.memref_slice %arg6[%dma_wait3A_87, %dma_wait3A_88] : memref<2x125xi32, #tpu.memory_space<vmem>> -> memref<1x125xi32, #tpu.memory_space<vmem>>
    %dma_wait3A_90 = tpu.memref_squeeze %dma_wait3A_89 : memref<1x125xi32, #tpu.memory_space<vmem>> -> memref<125xi32, #tpu.memory_space<vmem>>
    %dma_wait3A_91 = arith.constant 0 : i32
    %dma_wait3A_92 = arith.constant 0 : i32
    %dma_wait3A_93 = tpu.memref_slice %arg2[%dma_wait3A_91, %dma_wait3A_92] : memref<10000x128xbf16, #tpu.memory_space<hbm>> -> memref<10000x128xbf16, #tpu.memory_space<hbm>>
    tpu.wait_indirect_dma semaphore(%arg13 : memref<!tpu.dma_semaphore, #tpu.memory_space<semaphore_mem>>) src(%dma_wait3A_93 : memref<10000x128xbf16, #tpu.memory_space<hbm>>) dst(%arg10 : memref<125x128xbf16, #tpu.memory_space<vmem>>)
    %run_scoped3A_94 = arith.constant 1 : i32
    "tpu.region"() ({
      %run_scoped3A_104 = tpu.sem_alloc : memref<!tpu.dma_semaphore, #tpu.memory_space<semaphore_mem>>
      %dma_start3A_105 = arith.constant 0 : i32
      %dma_start3A_106 = tpu.memref_slice %arg8[%run_scoped3A_94, %dma_start3A_105] : memref<2x125xi32, #tpu.memory_space<vmem>> -> memref<1x125xi32, #tpu.memory_space<vmem>>
      %dma_start3A_107 = tpu.memref_squeeze %dma_start3A_106 : memref<1x125xi32, #tpu.memory_space<vmem>> -> memref<125xi32, #tpu.memory_space<vmem>>
      %dma_start3A_108 = arith.constant 0 : i32
      %dma_start3A_109 = arith.constant 0 : i32
      %dma_start3A_110 = tpu.memref_slice %arg12[%dma_start3A_108, %dma_start3A_109] : memref<10240x128xbf16, #tpu.memory_space<vmem_shared>> -> memref<10240x128xbf16, #tpu.memory_space<vmem_shared>>
      tpu.enqueue_indirect_dma source(%arg10 : memref<125x128xbf16, #tpu.memory_space<vmem>>) target(%dma_start3A_110 : memref<10240x128xbf16, #tpu.memory_space<vmem_shared>>) offsets(%dma_start3A_107 : memref<125xi32, #tpu.memory_space<vmem>>) semaphore(%run_scoped3A_104 : memref<!tpu.dma_semaphore, #tpu.memory_space<semaphore_mem>>) {add = true}
      %dma_wait3A_111 = arith.constant 0 : i32
      %dma_wait3A_112 = tpu.memref_slice %arg8[%run_scoped3A_94, %dma_wait3A_111] : memref<2x125xi32, #tpu.memory_space<vmem>> -> memref<1x125xi32, #tpu.memory_space<vmem>>
      %dma_wait3A_113 = tpu.memref_squeeze %dma_wait3A_112 : memref<1x125xi32, #tpu.memory_space<vmem>> -> memref<125xi32, #tpu.memory_space<vmem>>
      %dma_wait3A_114 = arith.constant 0 : i32
      %dma_wait3A_115 = arith.constant 0 : i32
      %dma_wait3A_116 = tpu.memref_slice %arg12[%dma_wait3A_114, %dma_wait3A_115] : memref<10240x128xbf16, #tpu.memory_space<vmem_shared>> -> memref<10240x128xbf16, #tpu.memory_space<vmem_shared>>
      tpu.wait_indirect_dma semaphore(%run_scoped3A_104 : memref<!tpu.dma_semaphore, #tpu.memory_space<semaphore_mem>>) src(%arg10 : memref<125x128xbf16, #tpu.memory_space<vmem>>) dst(%dma_wait3A_116 : memref<10240x128xbf16, #tpu.memory_space<vmem_shared>>)
      tpu.yield
    }) : () -> ()
    %dma_wait3A_95 = arith.constant 0 : i32
    %dma_wait3A_96 = arith.constant 0 : i32
    %dma_wait3A_97 = tpu.memref_slice %arg6[%dma_wait3A_95, %dma_wait3A_96] : memref<2x125xi32, #tpu.memory_space<vmem>> -> memref<1x125xi32, #tpu.memory_space<vmem>>
    %dma_wait3A_98 = tpu.memref_squeeze %dma_wait3A_97 : memref<1x125xi32, #tpu.memory_space<vmem>> -> memref<125xi32, #tpu.memory_space<vmem>>
    %dma_wait3A_99 = arith.constant 0 : i32
    %dma_wait3A_100 = arith.constant 0 : i32
    %dma_wait3A_101 = tpu.memref_slice %arg2[%dma_wait3A_99, %dma_wait3A_100] : memref<10000x128xbf16, #tpu.memory_space<hbm>> -> memref<10000x128xbf16, #tpu.memory_space<hbm>>
    tpu.wait_indirect_dma semaphore(%arg14 : memref<!tpu.dma_semaphore, #tpu.memory_space<semaphore_mem>>) src(%dma_wait3A_101 : memref<10000x128xbf16, #tpu.memory_space<hbm>>) dst(%arg11 : memref<125x128xbf16, #tpu.memory_space<vmem>>)
    %run_scoped3A_102 = arith.constant 1 : i32
    "tpu.region"() ({
      %run_scoped3A_104 = tpu.sem_alloc : memref<!tpu.dma_semaphore, #tpu.memory_space<semaphore_mem>>
      %dma_start3A_105 = arith.constant 0 : i32
      %dma_start3A_106 = tpu.memref_slice %arg9[%run_scoped3A_102, %dma_start3A_105] : memref<2x125xi32, #tpu.memory_space<vmem>> -> memref<1x125xi32, #tpu.memory_space<vmem>>
      %dma_start3A_107 = tpu.memref_squeeze %dma_start3A_106 : memref<1x125xi32, #tpu.memory_space<vmem>> -> memref<125xi32, #tpu.memory_space<vmem>>
      %dma_start3A_108 = arith.constant 0 : i32
      %dma_start3A_109 = arith.constant 0 : i32
      %dma_start3A_110 = tpu.memref_slice %arg12[%dma_start3A_108, %dma_start3A_109] : memref<10240x128xbf16, #tpu.memory_space<vmem_shared>> -> memref<10240x128xbf16, #tpu.memory_space<vmem_shared>>
      tpu.enqueue_indirect_dma source(%arg11 : memref<125x128xbf16, #tpu.memory_space<vmem>>) target(%dma_start3A_110 : memref<10240x128xbf16, #tpu.memory_space<vmem_shared>>) offsets(%dma_start3A_107 : memref<125xi32, #tpu.memory_space<vmem>>) semaphore(%run_scoped3A_104 : memref<!tpu.dma_semaphore, #tpu.memory_space<semaphore_mem>>) {add = true}
      %dma_wait3A_111 = arith.constant 0 : i32
      %dma_wait3A_112 = tpu.memref_slice %arg9[%run_scoped3A_102, %dma_wait3A_111] : memref<2x125xi32, #tpu.memory_space<vmem>> -> memref<1x125xi32, #tpu.memory_space<vmem>>
      %dma_wait3A_113 = tpu.memref_squeeze %dma_wait3A_112 : memref<1x125xi32, #tpu.memory_space<vmem>> -> memref<125xi32, #tpu.memory_space<vmem>>
      %dma_wait3A_114 = arith.constant 0 : i32
      %dma_wait3A_115 = arith.constant 0 : i32
      %dma_wait3A_116 = tpu.memref_slice %arg12[%dma_wait3A_114, %dma_wait3A_115] : memref<10240x128xbf16, #tpu.memory_space<vmem_shared>> -> memref<10240x128xbf16, #tpu.memory_space<vmem_shared>>
      tpu.wait_indirect_dma semaphore(%run_scoped3A_104 : memref<!tpu.dma_semaphore, #tpu.memory_space<semaphore_mem>>) src(%arg11 : memref<125x128xbf16, #tpu.memory_space<vmem>>) dst(%dma_wait3A_116 : memref<10240x128xbf16, #tpu.memory_space<vmem_shared>>)
      tpu.yield
    }) : () -> ()
    %barrier3A_103 = arith.constant 0 : index
    tpu.barrier barrier_id(%barrier3A_103)
    "tpu.region"() ({
      %run_scoped3A_104 = tpu.sem_alloc : memref<!tpu.dma_semaphore, #tpu.memory_space<semaphore_mem>>
      %dma_start3A_105 = arith.constant 0 : i32
      %dma_start3A_106 = tpu.memref_slice %arg5[%arg0, %mul3A_2, %dma_start3A_105] : memref<2x10240x128xbf16, #tpu.memory_space<hbm>> -> memref<1x640x128xbf16, #tpu.memory_space<hbm>>
      %dma_start3A_107 = tpu.memref_squeeze %dma_start3A_106 : memref<1x640x128xbf16, #tpu.memory_space<hbm>> -> memref<640x128xbf16, #tpu.memory_space<hbm>>
      %dma_start3A_108 = arith.constant 0 : i32
      %dma_start3A_109 = tpu.memref_slice %arg12[%mul3A_2, %dma_start3A_108] : memref<10240x128xbf16, #tpu.memory_space<vmem_shared>> -> memref<640x128xbf16, #tpu.memory_space<vmem_shared>>
      tpu.enqueue_dma source(%dma_start3A_109 : memref<640x128xbf16, #tpu.memory_space<vmem_shared>>) target(%dma_start3A_107 : memref<640x128xbf16, #tpu.memory_space<hbm>>) target_semaphore(%run_scoped3A_104 : memref<!tpu.dma_semaphore, #tpu.memory_space<semaphore_mem>>)
      %dma_wait3A_110 = arith.constant 0 : i32
      %dma_wait3A_111 = tpu.memref_slice %arg5[%arg0, %mul3A_2, %dma_wait3A_110] : memref<2x10240x128xbf16, #tpu.memory_space<hbm>> -> memref<1x640x128xbf16, #tpu.memory_space<hbm>>
      %dma_wait3A_112 = tpu.memref_squeeze %dma_wait3A_111 : memref<1x640x128xbf16, #tpu.memory_space<hbm>> -> memref<640x128xbf16, #tpu.memory_space<hbm>>
      %dma_wait3A_113 = arith.constant 0 : i32
      %dma_wait3A_114 = tpu.memref_slice %arg12[%mul3A_2, %dma_wait3A_113] : memref<10240x128xbf16, #tpu.memory_space<vmem_shared>> -> memref<640x128xbf16, #tpu.memory_space<vmem_shared>>
      tpu.wait_dma2 semaphore(%run_scoped3A_104 : memref<!tpu.dma_semaphore, #tpu.memory_space<semaphore_mem>>) src(%dma_wait3A_114 : memref<640x128xbf16, #tpu.memory_space<vmem_shared>>) dst(%dma_wait3A_112 : memref<640x128xbf16, #tpu.memory_space<hbm>>)
      tpu.yield
    }) : () -> ()
    return
  }
}

#map = affine_map<(d0, d1) -> (0, 0)>
#map1 = affine_map<(d0, d1) -> (0, 0, 0, 0)>
#map2 = affine_map<(d0, d1) -> (0, 0, 0)>
module attributes {stable_mosaic.version = 14 : i64} {
  func.func @k(%arg0: i32, %arg1: i32, %arg2: memref<10000x16xf32, #tpu.memory_space<hbm>>, %arg3: memref<32x16x2x625xi32, #tpu.memory_space<hbm>>, %arg4: memref<640x16xf32, #tpu.memory_space<hbm>>, %arg5: memref<2x10240x16xf32, #tpu.memory_space<hbm>>, %arg6: memref<2x625xi32, #tpu.memory_space<vmem>>, %arg7: memref<2x625xi32, #tpu.memory_space<vmem>>, %arg8: memref<2x625xi32, #tpu.memory_space<vmem>>, %arg9: memref<2x625xi32, #tpu.memory_space<vmem>>, %arg10: memref<625x16xf32, #tpu.memory_space<vmem>>, %arg11: memref<625x16xf32, #tpu.memory_space<vmem>>, %arg12: memref<10240x16xf32, #tpu.memory_space<vmem_shared>>, %arg13: memref<!tpu.dma_semaphore, #tpu.memory_space<semaphore_mem>>, %arg14: memref<!tpu.dma_semaphore, #tpu.memory_space<semaphore_mem>>, %arg15: memref<!tpu.dma_semaphore, #tpu.memory_space<semaphore_mem>>, %arg16: memref<!tpu.dma_semaphore, #tpu.memory_space<semaphore_mem>>, %arg17: memref<!tpu.dma_semaphore, #tpu.memory_space<semaphore_mem>>, %arg18: memref<!tpu.dma_semaphore, #tpu.memory_space<semaphore_mem>>) attributes {dimension_semantics = [#tpu.dimension_semantics<core_parallel>, #tpu.dimension_semantics<subcore_parallel>], iteration_bounds = array<i64: 2, 16>, scalar_prefetch = 0 : i64, scratch_operands = 13 : i64, tpu.core_type = #tpu.core_type<sc_vector_subcore>, window_params = [{transform_indices = #map}, {transform_indices = #map1}, {transform_indices = #map}, {transform_indices = #map2}]} {
    %mul3A = arith.constant 16 : i32
    %mul3A_0 = arith.muli %arg0, %mul3A : i32
    %add3A = arith.addi %mul3A_0, %arg1 : i32
    %mul3A_1 = arith.constant 640 : i32
    %mul3A_2 = arith.muli %arg1, %mul3A_1 : i32
    "tpu.region"() ({
      %run_scoped3A_104 = tpu.sem_alloc : memref<!tpu.dma_semaphore, #tpu.memory_space<semaphore_mem>>
      %dma_start3A_105 = arith.constant 0 : i32
      %dma_start3A_106 = tpu.memref_slice %arg12[%mul3A_2, %dma_start3A_105] : memref<10240x16xf32, #tpu.memory_space<vmem_shared>> -> memref<640x16xf32, #tpu.memory_space<vmem_shared>>
      tpu.enqueue_dma source(%arg4 : memref<640x16xf32, #tpu.memory_space<hbm>>) target(%dma_start3A_106 : memref<640x16xf32, #tpu.memory_space<vmem_shared>>) target_semaphore(%run_scoped3A_104 : memref<!tpu.dma_semaphore, #tpu.memory_space<semaphore_mem>>)
      %dma_wait3A_107 = arith.constant 0 : i32
      %dma_wait3A_108 = tpu.memref_slice %arg12[%mul3A_2, %dma_wait3A_107] : memref<10240x16xf32, #tpu.memory_space<vmem_shared>> -> memref<640x16xf32, #tpu.memory_space<vmem_shared>>
      tpu.wait_dma2 semaphore(%run_scoped3A_104 : memref<!tpu.dma_semaphore, #tpu.memory_space<semaphore_mem>>) src(%arg4 : memref<640x16xf32, #tpu.memory_space<hbm>>) dst(%dma_wait3A_108 : memref<640x16xf32, #tpu.memory_space<vmem_shared>>)
      tpu.yield
    }) : () -> ()
    %barrier3A = arith.constant 0 : index
    tpu.barrier barrier_id(%barrier3A)
    %run_scoped3A = arith.constant 0 : i32
    "tpu.region"() ({
      %run_scoped3A_104 = tpu.sem_alloc : memref<!tpu.dma_semaphore, #tpu.memory_space<semaphore_mem>>
      %dma_start3A_105 = arith.constant 0 : i32
      %dma_start3A_106 = arith.constant 0 : i32
      %dma_start3A_107 = tpu.memref_slice %arg3[%add3A, %run_scoped3A, %dma_start3A_105, %dma_start3A_106] : memref<32x16x2x625xi32, #tpu.memory_space<hbm>> -> memref<1x1x2x625xi32, #tpu.memory_space<hbm>>
      %dma_start3A_108 = tpu.memref_squeeze %dma_start3A_107 : memref<1x1x2x625xi32, #tpu.memory_space<hbm>> -> memref<2x625xi32, #tpu.memory_space<hbm>>
      %dma_start3A_109 = arith.constant 0 : i32
      %dma_start3A_110 = arith.constant 0 : i32
      %dma_start3A_111 = tpu.memref_slice %arg3[%add3A, %run_scoped3A, %dma_start3A_109, %dma_start3A_110] : memref<32x16x2x625xi32, #tpu.memory_space<hbm>> -> memref<1x1x2x625xi32, #tpu.memory_space<hbm>>
      %dma_start3A_112 = tpu.memref_squeeze %dma_start3A_111 : memref<1x1x2x625xi32, #tpu.memory_space<hbm>> -> memref<2x625xi32, #tpu.memory_space<hbm>>
      tpu.enqueue_dma source(%dma_start3A_112 : memref<2x625xi32, #tpu.memory_space<hbm>>) target(%arg6 : memref<2x625xi32, #tpu.memory_space<vmem>>) target_semaphore(%run_scoped3A_104 : memref<!tpu.dma_semaphore, #tpu.memory_space<semaphore_mem>>)
      %dma_wait3A_113 = arith.constant 0 : i32
      %dma_wait3A_114 = arith.constant 0 : i32
      %dma_wait3A_115 = tpu.memref_slice %arg3[%add3A, %run_scoped3A, %dma_wait3A_113, %dma_wait3A_114] : memref<32x16x2x625xi32, #tpu.memory_space<hbm>> -> memref<1x1x2x625xi32, #tpu.memory_space<hbm>>
      %dma_wait3A_116 = tpu.memref_squeeze %dma_wait3A_115 : memref<1x1x2x625xi32, #tpu.memory_space<hbm>> -> memref<2x625xi32, #tpu.memory_space<hbm>>
      %dma_wait3A_117 = arith.constant 0 : i32
      %dma_wait3A_118 = arith.constant 0 : i32
      %dma_wait3A_119 = tpu.memref_slice %arg3[%add3A, %run_scoped3A, %dma_wait3A_117, %dma_wait3A_118] : memref<32x16x2x625xi32, #tpu.memory_space<hbm>> -> memref<1x1x2x625xi32, #tpu.memory_space<hbm>>
      %dma_wait3A_120 = tpu.memref_squeeze %dma_wait3A_119 : memref<1x1x2x625xi32, #tpu.memory_space<hbm>> -> memref<2x625xi32, #tpu.memory_space<hbm>>
      tpu.wait_dma2 semaphore(%run_scoped3A_104 : memref<!tpu.dma_semaphore, #tpu.memory_space<semaphore_mem>>) src(%dma_wait3A_120 : memref<2x625xi32, #tpu.memory_space<hbm>>) dst(%arg6 : memref<2x625xi32, #tpu.memory_space<vmem>>)
      tpu.yield
    }) : () -> ()
    %run_scoped3A_3 = arith.constant 1 : i32
    "tpu.region"() ({
      %run_scoped3A_104 = tpu.sem_alloc : memref<!tpu.dma_semaphore, #tpu.memory_space<semaphore_mem>>
      %dma_start3A_105 = arith.constant 0 : i32
      %dma_start3A_106 = arith.constant 0 : i32
      %dma_start3A_107 = tpu.memref_slice %arg3[%add3A, %run_scoped3A_3, %dma_start3A_105, %dma_start3A_106] : memref<32x16x2x625xi32, #tpu.memory_space<hbm>> -> memref<1x1x2x625xi32, #tpu.memory_space<hbm>>
      %dma_start3A_108 = tpu.memref_squeeze %dma_start3A_107 : memref<1x1x2x625xi32, #tpu.memory_space<hbm>> -> memref<2x625xi32, #tpu.memory_space<hbm>>
      %dma_start3A_109 = arith.constant 0 : i32
      %dma_start3A_110 = arith.constant 0 : i32
      %dma_start3A_111 = tpu.memref_slice %arg3[%add3A, %run_scoped3A_3, %dma_start3A_109, %dma_start3A_110] : memref<32x16x2x625xi32, #tpu.memory_space<hbm>> -> memref<1x1x2x625xi32, #tpu.memory_space<hbm>>
      %dma_start3A_112 = tpu.memref_squeeze %dma_start3A_111 : memref<1x1x2x625xi32, #tpu.memory_space<hbm>> -> memref<2x625xi32, #tpu.memory_space<hbm>>
      tpu.enqueue_dma source(%dma_start3A_112 : memref<2x625xi32, #tpu.memory_space<hbm>>) target(%arg7 : memref<2x625xi32, #tpu.memory_space<vmem>>) target_semaphore(%run_scoped3A_104 : memref<!tpu.dma_semaphore, #tpu.memory_space<semaphore_mem>>)
      %dma_wait3A_113 = arith.constant 0 : i32
      %dma_wait3A_114 = arith.constant 0 : i32
      %dma_wait3A_115 = tpu.memref_slice %arg3[%add3A, %run_scoped3A_3, %dma_wait3A_113, %dma_wait3A_114] : memref<32x16x2x625xi32, #tpu.memory_space<hbm>> -> memref<1x1x2x625xi32, #tpu.memory_space<hbm>>
      %dma_wait3A_116 = tpu.memref_squeeze %dma_wait3A_115 : memref<1x1x2x625xi32, #tpu.memory_space<hbm>> -> memref<2x625xi32, #tpu.memory_space<hbm>>
      %dma_wait3A_117 = arith.constant 0 : i32
      %dma_wait3A_118 = arith.constant 0 : i32
      %dma_wait3A_119 = tpu.memref_slice %arg3[%add3A, %run_scoped3A_3, %dma_wait3A_117, %dma_wait3A_118] : memref<32x16x2x625xi32, #tpu.memory_space<hbm>> -> memref<1x1x2x625xi32, #tpu.memory_space<hbm>>
      %dma_wait3A_120 = tpu.memref_squeeze %dma_wait3A_119 : memref<1x1x2x625xi32, #tpu.memory_space<hbm>> -> memref<2x625xi32, #tpu.memory_space<hbm>>
      tpu.wait_dma2 semaphore(%run_scoped3A_104 : memref<!tpu.dma_semaphore, #tpu.memory_space<semaphore_mem>>) src(%dma_wait3A_120 : memref<2x625xi32, #tpu.memory_space<hbm>>) dst(%arg7 : memref<2x625xi32, #tpu.memory_space<vmem>>)
      tpu.yield
    }) : () -> ()
    %dma_start3A = arith.constant 0 : i32
    %dma_start3A_4 = arith.constant 0 : i32
    %dma_start3A_5 = tpu.memref_slice %arg6[%dma_start3A, %dma_start3A_4] : memref<2x625xi32, #tpu.memory_space<vmem>> -> memref<1x625xi32, #tpu.memory_space<vmem>>
    %dma_start3A_6 = tpu.memref_squeeze %dma_start3A_5 : memref<1x625xi32, #tpu.memory_space<vmem>> -> memref<625xi32, #tpu.memory_space<vmem>>
    %dma_start3A_7 = arith.constant 0 : i32
    %dma_start3A_8 = arith.constant 0 : i32
    %dma_start3A_9 = tpu.memref_slice %arg2[%dma_start3A_7, %dma_start3A_8] : memref<10000x16xf32, #tpu.memory_space<hbm>> -> memref<10000x16xf32, #tpu.memory_space<hbm>>
    tpu.enqueue_indirect_dma source(%dma_start3A_9 : memref<10000x16xf32, #tpu.memory_space<hbm>>) target(%arg10 : memref<625x16xf32, #tpu.memory_space<vmem>>) offsets(%dma_start3A_6 : memref<625xi32, #tpu.memory_space<vmem>>) semaphore(%arg13 : memref<!tpu.dma_semaphore, #tpu.memory_space<semaphore_mem>>)
    %dma_start3A_10 = arith.constant 0 : i32
    %dma_start3A_11 = arith.constant 0 : i32
    %dma_start3A_12 = tpu.memref_slice %arg7[%dma_start3A_10, %dma_start3A_11] : memref<2x625xi32, #tpu.memory_space<vmem>> -> memref<1x625xi32, #tpu.memory_space<vmem>>
    %dma_start3A_13 = tpu.memref_squeeze %dma_start3A_12 : memref<1x625xi32, #tpu.memory_space<vmem>> -> memref<625xi32, #tpu.memory_space<vmem>>
    %dma_start3A_14 = arith.constant 0 : i32
    %dma_start3A_15 = arith.constant 0 : i32
    %dma_start3A_16 = tpu.memref_slice %arg2[%dma_start3A_14, %dma_start3A_15] : memref<10000x16xf32, #tpu.memory_space<hbm>> -> memref<10000x16xf32, #tpu.memory_space<hbm>>
    tpu.enqueue_indirect_dma source(%dma_start3A_16 : memref<10000x16xf32, #tpu.memory_space<hbm>>) target(%arg11 : memref<625x16xf32, #tpu.memory_space<vmem>>) offsets(%dma_start3A_13 : memref<625xi32, #tpu.memory_space<vmem>>) semaphore(%arg14 : memref<!tpu.dma_semaphore, #tpu.memory_space<semaphore_mem>>)
    %dma_start3A_17 = arith.constant 2 : i32
    %dma_start3A_18 = arith.constant 0 : i32
    %dma_start3A_19 = arith.constant 0 : i32
    %dma_start3A_20 = tpu.memref_slice %arg3[%add3A, %dma_start3A_17, %dma_start3A_18, %dma_start3A_19] : memref<32x16x2x625xi32, #tpu.memory_space<hbm>> -> memref<1x1x2x625xi32, #tpu.memory_space<hbm>>
    %dma_start3A_21 = tpu.memref_squeeze %dma_start3A_20 : memref<1x1x2x625xi32, #tpu.memory_space<hbm>> -> memref<2x625xi32, #tpu.memory_space<hbm>>
    %dma_start3A_22 = arith.constant 0 : i32
    %dma_start3A_23 = arith.constant 0 : i32
    %dma_start3A_24 = tpu.memref_slice %arg3[%add3A, %dma_start3A_17, %dma_start3A_22, %dma_start3A_23] : memref<32x16x2x625xi32, #tpu.memory_space<hbm>> -> memref<1x1x2x625xi32, #tpu.memory_space<hbm>>
    %dma_start3A_25 = tpu.memref_squeeze %dma_start3A_24 : memref<1x1x2x625xi32, #tpu.memory_space<hbm>> -> memref<2x625xi32, #tpu.memory_space<hbm>>
    tpu.enqueue_dma source(%dma_start3A_25 : memref<2x625xi32, #tpu.memory_space<hbm>>) target(%arg8 : memref<2x625xi32, #tpu.memory_space<vmem>>) target_semaphore(%arg17 : memref<!tpu.dma_semaphore, #tpu.memory_space<semaphore_mem>>)
    %dma_start3A_26 = arith.constant 3 : i32
    %dma_start3A_27 = arith.constant 0 : i32
    %dma_start3A_28 = arith.constant 0 : i32
    %dma_start3A_29 = tpu.memref_slice %arg3[%add3A, %dma_start3A_26, %dma_start3A_27, %dma_start3A_28] : memref<32x16x2x625xi32, #tpu.memory_space<hbm>> -> memref<1x1x2x625xi32, #tpu.memory_space<hbm>>
    %dma_start3A_30 = tpu.memref_squeeze %dma_start3A_29 : memref<1x1x2x625xi32, #tpu.memory_space<hbm>> -> memref<2x625xi32, #tpu.memory_space<hbm>>
    %dma_start3A_31 = arith.constant 0 : i32
    %dma_start3A_32 = arith.constant 0 : i32
    %dma_start3A_33 = tpu.memref_slice %arg3[%add3A, %dma_start3A_26, %dma_start3A_31, %dma_start3A_32] : memref<32x16x2x625xi32, #tpu.memory_space<hbm>> -> memref<1x1x2x625xi32, #tpu.memory_space<hbm>>
    %dma_start3A_34 = tpu.memref_squeeze %dma_start3A_33 : memref<1x1x2x625xi32, #tpu.memory_space<hbm>> -> memref<2x625xi32, #tpu.memory_space<hbm>>
    tpu.enqueue_dma source(%dma_start3A_34 : memref<2x625xi32, #tpu.memory_space<hbm>>) target(%arg9 : memref<2x625xi32, #tpu.memory_space<vmem>>) target_semaphore(%arg18 : memref<!tpu.dma_semaphore, #tpu.memory_space<semaphore_mem>>)
    %scan3A = arith.constant 0 : i32
    %scan3A_35 = arith.constant 0 : i32
    %scan3A_36 = arith.constant 3 : i32
    %scan3A_37 = arith.addi %scan3A_35, %scan3A_36 : i32
    %scan3A_38 = arith.constant 1 : i32
    scf.for %scan3A_104 = %scan3A_35 to %scan3A_37 step %scan3A_38  : i32 {
      %mul3A_105 = arith.constant 4 : i32
      %mul3A_106 = arith.muli %mul3A_105, %scan3A_104 : i32
      %dma_wait3A_107 = arith.constant 0 : i32
      %dma_wait3A_108 = arith.constant 0 : i32
      %dma_wait3A_109 = tpu.memref_slice %arg6[%dma_wait3A_107, %dma_wait3A_108] : memref<2x625xi32, #tpu.memory_space<vmem>> -> memref<1x625xi32, #tpu.memory_space<vmem>>
      %dma_wait3A_110 = tpu.memref_squeeze %dma_wait3A_109 : memref<1x625xi32, #tpu.memory_space<vmem>> -> memref<625xi32, #tpu.memory_space<vmem>>
      %dma_wait3A_111 = arith.constant 0 : i32
      %dma_wait3A_112 = arith.constant 0 : i32
      %dma_wait3A_113 = tpu.memref_slice %arg2[%dma_wait3A_111, %dma_wait3A_112] : memref<10000x16xf32, #tpu.memory_space<hbm>> -> memref<10000x16xf32, #tpu.memory_space<hbm>>
      tpu.wait_indirect_dma semaphore(%arg13 : memref<!tpu.dma_semaphore, #tpu.memory_space<semaphore_mem>>) src(%dma_wait3A_113 : memref<10000x16xf32, #tpu.memory_space<hbm>>) dst(%arg10 : memref<625x16xf32, #tpu.memory_space<vmem>>)
      %run_scoped3A_114 = arith.constant 1 : i32
      "tpu.region"() ({
        %run_scoped3A_251 = tpu.sem_alloc : memref<!tpu.dma_semaphore, #tpu.memory_space<semaphore_mem>>
        %dma_start3A_252 = arith.constant 0 : i32
        %dma_start3A_253 = tpu.memref_slice %arg6[%run_scoped3A_114, %dma_start3A_252] : memref<2x625xi32, #tpu.memory_space<vmem>> -> memref<1x625xi32, #tpu.memory_space<vmem>>
        %dma_start3A_254 = tpu.memref_squeeze %dma_start3A_253 : memref<1x625xi32, #tpu.memory_space<vmem>> -> memref<625xi32, #tpu.memory_space<vmem>>
        %dma_start3A_255 = arith.constant 0 : i32
        %dma_start3A_256 = arith.constant 0 : i32
        %dma_start3A_257 = tpu.memref_slice %arg12[%dma_start3A_255, %dma_start3A_256] : memref<10240x16xf32, #tpu.memory_space<vmem_shared>> -> memref<10240x16xf32, #tpu.memory_space<vmem_shared>>
        tpu.enqueue_indirect_dma source(%arg10 : memref<625x16xf32, #tpu.memory_space<vmem>>) target(%dma_start3A_257 : memref<10240x16xf32, #tpu.memory_space<vmem_shared>>) offsets(%dma_start3A_254 : memref<625xi32, #tpu.memory_space<vmem>>) semaphore(%run_scoped3A_251 : memref<!tpu.dma_semaphore, #tpu.memory_space<semaphore_mem>>) {add = true}
        %dma_wait3A_258 = arith.constant 0 : i32
        %dma_wait3A_259 = tpu.memref_slice %arg6[%run_scoped3A_114, %dma_wait3A_258] : memref<2x625xi32, #tpu.memory_space<vmem>> -> memref<1x625xi32, #tpu.memory_space<vmem>>
        %dma_wait3A_260 = tpu.memref_squeeze %dma_wait3A_259 : memref<1x625xi32, #tpu.memory_space<vmem>> -> memref<625xi32, #tpu.memory_space<vmem>>
        %dma_wait3A_261 = arith.constant 0 : i32
        %dma_wait3A_262 = arith.constant 0 : i32
        %dma_wait3A_263 = tpu.memref_slice %arg12[%dma_wait3A_261, %dma_wait3A_262] : memref<10240x16xf32, #tpu.memory_space<vmem_shared>> -> memref<10240x16xf32, #tpu.memory_space<vmem_shared>>
        tpu.wait_indirect_dma semaphore(%run_scoped3A_251 : memref<!tpu.dma_semaphore, #tpu.memory_space<semaphore_mem>>) src(%arg10 : memref<625x16xf32, #tpu.memory_space<vmem>>) dst(%dma_wait3A_263 : memref<10240x16xf32, #tpu.memory_space<vmem_shared>>)
        tpu.yield
      }) : () -> ()
      %add3A_115 = arith.constant 0 : i32
      %add3A_116 = arith.addi %mul3A_106, %add3A_115 : i32
      %add3A_117 = arith.constant 4 : i32
      %add3A_118 = arith.addi %add3A_116, %add3A_117 : i32
      %dma_start3A_119 = arith.constant 0 : i32
      %dma_start3A_120 = arith.constant 0 : i32
      %dma_start3A_121 = tpu.memref_slice %arg3[%add3A, %add3A_118, %dma_start3A_119, %dma_start3A_120] : memref<32x16x2x625xi32, #tpu.memory_space<hbm>> -> memref<1x1x2x625xi32, #tpu.memory_space<hbm>>
      %dma_start3A_122 = tpu.memref_squeeze %dma_start3A_121 : memref<1x1x2x625xi32, #tpu.memory_space<hbm>> -> memref<2x625xi32, #tpu.memory_space<hbm>>
      %dma_start3A_123 = arith.constant 0 : i32
      %dma_start3A_124 = arith.constant 0 : i32
      %dma_start3A_125 = tpu.memref_slice %arg3[%add3A, %add3A_118, %dma_start3A_123, %dma_start3A_124] : memref<32x16x2x625xi32, #tpu.memory_space<hbm>> -> memref<1x1x2x625xi32, #tpu.memory_space<hbm>>
      %dma_start3A_126 = tpu.memref_squeeze %dma_start3A_125 : memref<1x1x2x625xi32, #tpu.memory_space<hbm>> -> memref<2x625xi32, #tpu.memory_space<hbm>>
      tpu.enqueue_dma source(%dma_start3A_126 : memref<2x625xi32, #tpu.memory_space<hbm>>) target(%arg6 : memref<2x625xi32, #tpu.memory_space<vmem>>) target_semaphore(%arg15 : memref<!tpu.dma_semaphore, #tpu.memory_space<semaphore_mem>>)
      %dma_wait3A_127 = arith.constant 0 : i32
      %dma_wait3A_128 = arith.constant 0 : i32
      %dma_wait3A_129 = arith.constant 0 : i32
      %dma_wait3A_130 = tpu.memref_slice %arg3[%add3A, %dma_wait3A_127, %dma_wait3A_128, %dma_wait3A_129] : memref<32x16x2x625xi32, #tpu.memory_space<hbm>> -> memref<1x1x2x625xi32, #tpu.memory_space<hbm>>
      %dma_wait3A_131 = tpu.memref_squeeze %dma_wait3A_130 : memref<1x1x2x625xi32, #tpu.memory_space<hbm>> -> memref<2x625xi32, #tpu.memory_space<hbm>>
      %dma_wait3A_132 = arith.constant 0 : i32
      %dma_wait3A_133 = arith.constant 0 : i32
      %dma_wait3A_134 = tpu.memref_slice %arg3[%add3A, %dma_wait3A_127, %dma_wait3A_132, %dma_wait3A_133] : memref<32x16x2x625xi32, #tpu.memory_space<hbm>> -> memref<1x1x2x625xi32, #tpu.memory_space<hbm>>
      %dma_wait3A_135 = tpu.memref_squeeze %dma_wait3A_134 : memref<1x1x2x625xi32, #tpu.memory_space<hbm>> -> memref<2x625xi32, #tpu.memory_space<hbm>>
      tpu.wait_dma2 semaphore(%arg17 : memref<!tpu.dma_semaphore, #tpu.memory_space<semaphore_mem>>) src(%dma_wait3A_135 : memref<2x625xi32, #tpu.memory_space<hbm>>) dst(%arg8 : memref<2x625xi32, #tpu.memory_space<vmem>>)
      %dma_start3A_136 = arith.constant 0 : i32
      %dma_start3A_137 = arith.constant 0 : i32
      %dma_start3A_138 = tpu.memref_slice %arg8[%dma_start3A_136, %dma_start3A_137] : memref<2x625xi32, #tpu.memory_space<vmem>> -> memref<1x625xi32, #tpu.memory_space<vmem>>
      %dma_start3A_139 = tpu.memref_squeeze %dma_start3A_138 : memref<1x625xi32, #tpu.memory_space<vmem>> -> memref<625xi32, #tpu.memory_space<vmem>>
      %dma_start3A_140 = arith.constant 0 : i32
      %dma_start3A_141 = arith.constant 0 : i32
      %dma_start3A_142 = tpu.memref_slice %arg2[%dma_start3A_140, %dma_start3A_141] : memref<10000x16xf32, #tpu.memory_space<hbm>> -> memref<10000x16xf32, #tpu.memory_space<hbm>>
      tpu.enqueue_indirect_dma source(%dma_start3A_142 : memref<10000x16xf32, #tpu.memory_space<hbm>>) target(%arg10 : memref<625x16xf32, #tpu.memory_space<vmem>>) offsets(%dma_start3A_139 : memref<625xi32, #tpu.memory_space<vmem>>) semaphore(%arg13 : memref<!tpu.dma_semaphore, #tpu.memory_space<semaphore_mem>>)
      %dma_wait3A_143 = arith.constant 0 : i32
      %dma_wait3A_144 = arith.constant 0 : i32
      %dma_wait3A_145 = tpu.memref_slice %arg6[%dma_wait3A_143, %dma_wait3A_144] : memref<2x625xi32, #tpu.memory_space<vmem>> -> memref<1x625xi32, #tpu.memory_space<vmem>>
      %dma_wait3A_146 = tpu.memref_squeeze %dma_wait3A_145 : memref<1x625xi32, #tpu.memory_space<vmem>> -> memref<625xi32, #tpu.memory_space<vmem>>
      %dma_wait3A_147 = arith.constant 0 : i32
      %dma_wait3A_148 = arith.constant 0 : i32
      %dma_wait3A_149 = tpu.memref_slice %arg2[%dma_wait3A_147, %dma_wait3A_148] : memref<10000x16xf32, #tpu.memory_space<hbm>> -> memref<10000x16xf32, #tpu.memory_space<hbm>>
      tpu.wait_indirect_dma semaphore(%arg14 : memref<!tpu.dma_semaphore, #tpu.memory_space<semaphore_mem>>) src(%dma_wait3A_149 : memref<10000x16xf32, #tpu.memory_space<hbm>>) dst(%arg11 : memref<625x16xf32, #tpu.memory_space<vmem>>)
      %run_scoped3A_150 = arith.constant 1 : i32
      "tpu.region"() ({
        %run_scoped3A_251 = tpu.sem_alloc : memref<!tpu.dma_semaphore, #tpu.memory_space<semaphore_mem>>
        %dma_start3A_252 = arith.constant 0 : i32
        %dma_start3A_253 = tpu.memref_slice %arg7[%run_scoped3A_150, %dma_start3A_252] : memref<2x625xi32, #tpu.memory_space<vmem>> -> memref<1x625xi32, #tpu.memory_space<vmem>>
        %dma_start3A_254 = tpu.memref_squeeze %dma_start3A_253 : memref<1x625xi32, #tpu.memory_space<vmem>> -> memref<625xi32, #tpu.memory_space<vmem>>
        %dma_start3A_255 = arith.constant 0 : i32
        %dma_start3A_256 = arith.constant 0 : i32
        %dma_start3A_257 = tpu.memref_slice %arg12[%dma_start3A_255, %dma_start3A_256] : memref<10240x16xf32, #tpu.memory_space<vmem_shared>> -> memref<10240x16xf32, #tpu.memory_space<vmem_shared>>
        tpu.enqueue_indirect_dma source(%arg11 : memref<625x16xf32, #tpu.memory_space<vmem>>) target(%dma_start3A_257 : memref<10240x16xf32, #tpu.memory_space<vmem_shared>>) offsets(%dma_start3A_254 : memref<625xi32, #tpu.memory_space<vmem>>) semaphore(%run_scoped3A_251 : memref<!tpu.dma_semaphore, #tpu.memory_space<semaphore_mem>>) {add = true}
        %dma_wait3A_258 = arith.constant 0 : i32
        %dma_wait3A_259 = tpu.memref_slice %arg7[%run_scoped3A_150, %dma_wait3A_258] : memref<2x625xi32, #tpu.memory_space<vmem>> -> memref<1x625xi32, #tpu.memory_space<vmem>>
        %dma_wait3A_260 = tpu.memref_squeeze %dma_wait3A_259 : memref<1x625xi32, #tpu.memory_space<vmem>> -> memref<625xi32, #tpu.memory_space<vmem>>
        %dma_wait3A_261 = arith.constant 0 : i32
        %dma_wait3A_262 = arith.constant 0 : i32
        %dma_wait3A_263 = tpu.memref_slice %arg12[%dma_wait3A_261, %dma_wait3A_262] : memref<10240x16xf32, #tpu.memory_space<vmem_shared>> -> memref<10240x16xf32, #tpu.memory_space<vmem_shared>>
        tpu.wait_indirect_dma semaphore(%run_scoped3A_251 : memref<!tpu.dma_semaphore, #tpu.memory_space<semaphore_mem>>) src(%arg11 : memref<625x16xf32, #tpu.memory_space<vmem>>) dst(%dma_wait3A_263 : memref<10240x16xf32, #tpu.memory_space<vmem_shared>>)
        tpu.yield
      }) : () -> ()
      %add3A_151 = arith.constant 1 : i32
      %add3A_152 = arith.addi %mul3A_106, %add3A_151 : i32
      %add3A_153 = arith.constant 4 : i32
      %add3A_154 = arith.addi %add3A_152, %add3A_153 : i32
      %dma_start3A_155 = arith.constant 0 : i32
      %dma_start3A_156 = arith.constant 0 : i32
      %dma_start3A_157 = tpu.memref_slice %arg3[%add3A, %add3A_154, %dma_start3A_155, %dma_start3A_156] : memref<32x16x2x625xi32, #tpu.memory_space<hbm>> -> memref<1x1x2x625xi32, #tpu.memory_space<hbm>>
      %dma_start3A_158 = tpu.memref_squeeze %dma_start3A_157 : memref<1x1x2x625xi32, #tpu.memory_space<hbm>> -> memref<2x625xi32, #tpu.memory_space<hbm>>
      %dma_start3A_159 = arith.constant 0 : i32
      %dma_start3A_160 = arith.constant 0 : i32
      %dma_start3A_161 = tpu.memref_slice %arg3[%add3A, %add3A_154, %dma_start3A_159, %dma_start3A_160] : memref<32x16x2x625xi32, #tpu.memory_space<hbm>> -> memref<1x1x2x625xi32, #tpu.memory_space<hbm>>
      %dma_start3A_162 = tpu.memref_squeeze %dma_start3A_161 : memref<1x1x2x625xi32, #tpu.memory_space<hbm>> -> memref<2x625xi32, #tpu.memory_space<hbm>>
      tpu.enqueue_dma source(%dma_start3A_162 : memref<2x625xi32, #tpu.memory_space<hbm>>) target(%arg7 : memref<2x625xi32, #tpu.memory_space<vmem>>) target_semaphore(%arg16 : memref<!tpu.dma_semaphore, #tpu.memory_space<semaphore_mem>>)
      %dma_wait3A_163 = arith.constant 0 : i32
      %dma_wait3A_164 = arith.constant 0 : i32
      %dma_wait3A_165 = arith.constant 0 : i32
      %dma_wait3A_166 = tpu.memref_slice %arg3[%add3A, %dma_wait3A_163, %dma_wait3A_164, %dma_wait3A_165] : memref<32x16x2x625xi32, #tpu.memory_space<hbm>> -> memref<1x1x2x625xi32, #tpu.memory_space<hbm>>
      %dma_wait3A_167 = tpu.memref_squeeze %dma_wait3A_166 : memref<1x1x2x625xi32, #tpu.memory_space<hbm>> -> memref<2x625xi32, #tpu.memory_space<hbm>>
      %dma_wait3A_168 = arith.constant 0 : i32
      %dma_wait3A_169 = arith.constant 0 : i32
      %dma_wait3A_170 = tpu.memref_slice %arg3[%add3A, %dma_wait3A_163, %dma_wait3A_168, %dma_wait3A_169] : memref<32x16x2x625xi32, #tpu.memory_space<hbm>> -> memref<1x1x2x625xi32, #tpu.memory_space<hbm>>
      %dma_wait3A_171 = tpu.memref_squeeze %dma_wait3A_170 : memref<1x1x2x625xi32, #tpu.memory_space<hbm>> -> memref<2x625xi32, #tpu.memory_space<hbm>>
      tpu.wait_dma2 semaphore(%arg18 : memref<!tpu.dma_semaphore, #tpu.memory_space<semaphore_mem>>) src(%dma_wait3A_171 : memref<2x625xi32, #tpu.memory_space<hbm>>) dst(%arg9 : memref<2x625xi32, #tpu.memory_space<vmem>>)
      %dma_start3A_172 = arith.constant 0 : i32
      %dma_start3A_173 = arith.constant 0 : i32
      %dma_start3A_174 = tpu.memref_slice %arg9[%dma_start3A_172, %dma_start3A_173] : memref<2x625xi32, #tpu.memory_space<vmem>> -> memref<1x625xi32, #tpu.memory_space<vmem>>
      %dma_start3A_175 = tpu.memref_squeeze %dma_start3A_174 : memref<1x625xi32, #tpu.memory_space<vmem>> -> memref<625xi32, #tpu.memory_space<vmem>>
      %dma_start3A_176 = arith.constant 0 : i32
      %dma_start3A_177 = arith.constant 0 : i32
      %dma_start3A_178 = tpu.memref_slice %arg2[%dma_start3A_176, %dma_start3A_177] : memref<10000x16xf32, #tpu.memory_space<hbm>> -> memref<10000x16xf32, #tpu.memory_space<hbm>>
      tpu.enqueue_indirect_dma source(%dma_start3A_178 : memref<10000x16xf32, #tpu.memory_space<hbm>>) target(%arg11 : memref<625x16xf32, #tpu.memory_space<vmem>>) offsets(%dma_start3A_175 : memref<625xi32, #tpu.memory_space<vmem>>) semaphore(%arg14 : memref<!tpu.dma_semaphore, #tpu.memory_space<semaphore_mem>>)
      %dma_wait3A_179 = arith.constant 0 : i32
      %dma_wait3A_180 = arith.constant 0 : i32
      %dma_wait3A_181 = tpu.memref_slice %arg6[%dma_wait3A_179, %dma_wait3A_180] : memref<2x625xi32, #tpu.memory_space<vmem>> -> memref<1x625xi32, #tpu.memory_space<vmem>>
      %dma_wait3A_182 = tpu.memref_squeeze %dma_wait3A_181 : memref<1x625xi32, #tpu.memory_space<vmem>> -> memref<625xi32, #tpu.memory_space<vmem>>
      %dma_wait3A_183 = arith.constant 0 : i32
      %dma_wait3A_184 = arith.constant 0 : i32
      %dma_wait3A_185 = tpu.memref_slice %arg2[%dma_wait3A_183, %dma_wait3A_184] : memref<10000x16xf32, #tpu.memory_space<hbm>> -> memref<10000x16xf32, #tpu.memory_space<hbm>>
      tpu.wait_indirect_dma semaphore(%arg13 : memref<!tpu.dma_semaphore, #tpu.memory_space<semaphore_mem>>) src(%dma_wait3A_185 : memref<10000x16xf32, #tpu.memory_space<hbm>>) dst(%arg10 : memref<625x16xf32, #tpu.memory_space<vmem>>)
      %run_scoped3A_186 = arith.constant 1 : i32
      "tpu.region"() ({
        %run_scoped3A_251 = tpu.sem_alloc : memref<!tpu.dma_semaphore, #tpu.memory_space<semaphore_mem>>
        %dma_start3A_252 = arith.constant 0 : i32
        %dma_start3A_253 = tpu.memref_slice %arg8[%run_scoped3A_186, %dma_start3A_252] : memref<2x625xi32, #tpu.memory_space<vmem>> -> memref<1x625xi32, #tpu.memory_space<vmem>>
        %dma_start3A_254 = tpu.memref_squeeze %dma_start3A_253 : memref<1x625xi32, #tpu.memory_space<vmem>> -> memref<625xi32, #tpu.memory_space<vmem>>
        %dma_start3A_255 = arith.constant 0 : i32
        %dma_start3A_256 = arith.constant 0 : i32
        %dma_start3A_257 = tpu.memref_slice %arg12[%dma_start3A_255, %dma_start3A_256] : memref<10240x16xf32, #tpu.memory_space<vmem_shared>> -> memref<10240x16xf32, #tpu.memory_space<vmem_shared>>
        tpu.enqueue_indirect_dma source(%arg10 : memref<625x16xf32, #tpu.memory_space<vmem>>) target(%dma_start3A_257 : memref<10240x16xf32, #tpu.memory_space<vmem_shared>>) offsets(%dma_start3A_254 : memref<625xi32, #tpu.memory_space<vmem>>) semaphore(%run_scoped3A_251 : memref<!tpu.dma_semaphore, #tpu.memory_space<semaphore_mem>>) {add = true}
        %dma_wait3A_258 = arith.constant 0 : i32
        %dma_wait3A_259 = tpu.memref_slice %arg8[%run_scoped3A_186, %dma_wait3A_258] : memref<2x625xi32, #tpu.memory_space<vmem>> -> memref<1x625xi32, #tpu.memory_space<vmem>>
        %dma_wait3A_260 = tpu.memref_squeeze %dma_wait3A_259 : memref<1x625xi32, #tpu.memory_space<vmem>> -> memref<625xi32, #tpu.memory_space<vmem>>
        %dma_wait3A_261 = arith.constant 0 : i32
        %dma_wait3A_262 = arith.constant 0 : i32
        %dma_wait3A_263 = tpu.memref_slice %arg12[%dma_wait3A_261, %dma_wait3A_262] : memref<10240x16xf32, #tpu.memory_space<vmem_shared>> -> memref<10240x16xf32, #tpu.memory_space<vmem_shared>>
        tpu.wait_indirect_dma semaphore(%run_scoped3A_251 : memref<!tpu.dma_semaphore, #tpu.memory_space<semaphore_mem>>) src(%arg10 : memref<625x16xf32, #tpu.memory_space<vmem>>) dst(%dma_wait3A_263 : memref<10240x16xf32, #tpu.memory_space<vmem_shared>>)
        tpu.yield
      }) : () -> ()
      %add3A_187 = arith.constant 2 : i32
      %add3A_188 = arith.addi %mul3A_106, %add3A_187 : i32
      %add3A_189 = arith.constant 4 : i32
      %add3A_190 = arith.addi %add3A_188, %add3A_189 : i32
      %dma_start3A_191 = arith.constant 0 : i32
      %dma_start3A_192 = arith.constant 0 : i32
      %dma_start3A_193 = tpu.memref_slice %arg3[%add3A, %add3A_190, %dma_start3A_191, %dma_start3A_192] : memref<32x16x2x625xi32, #tpu.memory_space<hbm>> -> memref<1x1x2x625xi32, #tpu.memory_space<hbm>>
      %dma_start3A_194 = tpu.memref_squeeze %dma_start3A_193 : memref<1x1x2x625xi32, #tpu.memory_space<hbm>> -> memref<2x625xi32, #tpu.memory_space<hbm>>
      %dma_start3A_195 = arith.constant 0 : i32
      %dma_start3A_196 = arith.constant 0 : i32
      %dma_start3A_197 = tpu.memref_slice %arg3[%add3A, %add3A_190, %dma_start3A_195, %dma_start3A_196] : memref<32x16x2x625xi32, #tpu.memory_space<hbm>> -> memref<1x1x2x625xi32, #tpu.memory_space<hbm>>
      %dma_start3A_198 = tpu.memref_squeeze %dma_start3A_197 : memref<1x1x2x625xi32, #tpu.memory_space<hbm>> -> memref<2x625xi32, #tpu.memory_space<hbm>>
      tpu.enqueue_dma source(%dma_start3A_198 : memref<2x625xi32, #tpu.memory_space<hbm>>) target(%arg8 : memref<2x625xi32, #tpu.memory_space<vmem>>) target_semaphore(%arg17 : memref<!tpu.dma_semaphore, #tpu.memory_space<semaphore_mem>>)
      %dma_wait3A_199 = arith.constant 0 : i32
      %dma_wait3A_200 = arith.constant 0 : i32
      %dma_wait3A_201 = arith.constant 0 : i32
      %dma_wait3A_202 = tpu.memref_slice %arg3[%add3A, %dma_wait3A_199, %dma_wait3A_200, %dma_wait3A_201] : memref<32x16x2x625xi32, #tpu.memory_space<hbm>> -> memref<1x1x2x625xi32, #tpu.memory_space<hbm>>
      %dma_wait3A_203 = tpu.memref_squeeze %dma_wait3A_202 : memref<1x1x2x625xi32, #tpu.memory_space<hbm>> -> memref<2x625xi32, #tpu.memory_space<hbm>>
      %dma_wait3A_204 = arith.constant 0 : i32
      %dma_wait3A_205 = arith.constant 0 : i32
      %dma_wait3A_206 = tpu.memref_slice %arg3[%add3A, %dma_wait3A_199, %dma_wait3A_204, %dma_wait3A_205] : memref<32x16x2x625xi32, #tpu.memory_space<hbm>> -> memref<1x1x2x625xi32, #tpu.memory_space<hbm>>
      %dma_wait3A_207 = tpu.memref_squeeze %dma_wait3A_206 : memref<1x1x2x625xi32, #tpu.memory_space<hbm>> -> memref<2x625xi32, #tpu.memory_space<hbm>>
      tpu.wait_dma2 semaphore(%arg15 : memref<!tpu.dma_semaphore, #tpu.memory_space<semaphore_mem>>) src(%dma_wait3A_207 : memref<2x625xi32, #tpu.memory_space<hbm>>) dst(%arg6 : memref<2x625xi32, #tpu.memory_space<vmem>>)
      %dma_start3A_208 = arith.constant 0 : i32
      %dma_start3A_209 = arith.constant 0 : i32
      %dma_start3A_210 = tpu.memref_slice %arg6[%dma_start3A_208, %dma_start3A_209] : memref<2x625xi32, #tpu.memory_space<vmem>> -> memref<1x625xi32, #tpu.memory_space<vmem>>
      %dma_start3A_211 = tpu.memref_squeeze %dma_start3A_210 : memref<1x625xi32, #tpu.memory_space<vmem>> -> memref<625xi32, #tpu.memory_space<vmem>>
      %dma_start3A_212 = arith.constant 0 : i32
      %dma_start3A_213 = arith.constant 0 : i32
      %dma_start3A_214 = tpu.memref_slice %arg2[%dma_start3A_212, %dma_start3A_213] : memref<10000x16xf32, #tpu.memory_space<hbm>> -> memref<10000x16xf32, #tpu.memory_space<hbm>>
      tpu.enqueue_indirect_dma source(%dma_start3A_214 : memref<10000x16xf32, #tpu.memory_space<hbm>>) target(%arg10 : memref<625x16xf32, #tpu.memory_space<vmem>>) offsets(%dma_start3A_211 : memref<625xi32, #tpu.memory_space<vmem>>) semaphore(%arg13 : memref<!tpu.dma_semaphore, #tpu.memory_space<semaphore_mem>>)
      %dma_wait3A_215 = arith.constant 0 : i32
      %dma_wait3A_216 = arith.constant 0 : i32
      %dma_wait3A_217 = tpu.memref_slice %arg6[%dma_wait3A_215, %dma_wait3A_216] : memref<2x625xi32, #tpu.memory_space<vmem>> -> memref<1x625xi32, #tpu.memory_space<vmem>>
      %dma_wait3A_218 = tpu.memref_squeeze %dma_wait3A_217 : memref<1x625xi32, #tpu.memory_space<vmem>> -> memref<625xi32, #tpu.memory_space<vmem>>
      %dma_wait3A_219 = arith.constant 0 : i32
      %dma_wait3A_220 = arith.constant 0 : i32
      %dma_wait3A_221 = tpu.memref_slice %arg2[%dma_wait3A_219, %dma_wait3A_220] : memref<10000x16xf32, #tpu.memory_space<hbm>> -> memref<10000x16xf32, #tpu.memory_space<hbm>>
      tpu.wait_indirect_dma semaphore(%arg14 : memref<!tpu.dma_semaphore, #tpu.memory_space<semaphore_mem>>) src(%dma_wait3A_221 : memref<10000x16xf32, #tpu.memory_space<hbm>>) dst(%arg11 : memref<625x16xf32, #tpu.memory_space<vmem>>)
      %run_scoped3A_222 = arith.constant 1 : i32
      "tpu.region"() ({
        %run_scoped3A_251 = tpu.sem_alloc : memref<!tpu.dma_semaphore, #tpu.memory_space<semaphore_mem>>
        %dma_start3A_252 = arith.constant 0 : i32
        %dma_start3A_253 = tpu.memref_slice %arg9[%run_scoped3A_222, %dma_start3A_252] : memref<2x625xi32, #tpu.memory_space<vmem>> -> memref<1x625xi32, #tpu.memory_space<vmem>>
        %dma_start3A_254 = tpu.memref_squeeze %dma_start3A_253 : memref<1x625xi32, #tpu.memory_space<vmem>> -> memref<625xi32, #tpu.memory_space<vmem>>
        %dma_start3A_255 = arith.constant 0 : i32
        %dma_start3A_256 = arith.constant 0 : i32
        %dma_start3A_257 = tpu.memref_slice %arg12[%dma_start3A_255, %dma_start3A_256] : memref<10240x16xf32, #tpu.memory_space<vmem_shared>> -> memref<10240x16xf32, #tpu.memory_space<vmem_shared>>
        tpu.enqueue_indirect_dma source(%arg11 : memref<625x16xf32, #tpu.memory_space<vmem>>) target(%dma_start3A_257 : memref<10240x16xf32, #tpu.memory_space<vmem_shared>>) offsets(%dma_start3A_254 : memref<625xi32, #tpu.memory_space<vmem>>) semaphore(%run_scoped3A_251 : memref<!tpu.dma_semaphore, #tpu.memory_space<semaphore_mem>>) {add = true}
        %dma_wait3A_258 = arith.constant 0 : i32
        %dma_wait3A_259 = tpu.memref_slice %arg9[%run_scoped3A_222, %dma_wait3A_258] : memref<2x625xi32, #tpu.memory_space<vmem>> -> memref<1x625xi32, #tpu.memory_space<vmem>>
        %dma_wait3A_260 = tpu.memref_squeeze %dma_wait3A_259 : memref<1x625xi32, #tpu.memory_space<vmem>> -> memref<625xi32, #tpu.memory_space<vmem>>
        %dma_wait3A_261 = arith.constant 0 : i32
        %dma_wait3A_262 = arith.constant 0 : i32
        %dma_wait3A_263 = tpu.memref_slice %arg12[%dma_wait3A_261, %dma_wait3A_262] : memref<10240x16xf32, #tpu.memory_space<vmem_shared>> -> memref<10240x16xf32, #tpu.memory_space<vmem_shared>>
        tpu.wait_indirect_dma semaphore(%run_scoped3A_251 : memref<!tpu.dma_semaphore, #tpu.memory_space<semaphore_mem>>) src(%arg11 : memref<625x16xf32, #tpu.memory_space<vmem>>) dst(%dma_wait3A_263 : memref<10240x16xf32, #tpu.memory_space<vmem_shared>>)
        tpu.yield
      }) : () -> ()
      %add3A_223 = arith.constant 3 : i32
      %add3A_224 = arith.addi %mul3A_106, %add3A_223 : i32
      %add3A_225 = arith.constant 4 : i32
      %add3A_226 = arith.addi %add3A_224, %add3A_225 : i32
      %dma_start3A_227 = arith.constant 0 : i32
      %dma_start3A_228 = arith.constant 0 : i32
      %dma_start3A_229 = tpu.memref_slice %arg3[%add3A, %add3A_226, %dma_start3A_227, %dma_start3A_228] : memref<32x16x2x625xi32, #tpu.memory_space<hbm>> -> memref<1x1x2x625xi32, #tpu.memory_space<hbm>>
      %dma_start3A_230 = tpu.memref_squeeze %dma_start3A_229 : memref<1x1x2x625xi32, #tpu.memory_space<hbm>> -> memref<2x625xi32, #tpu.memory_space<hbm>>
      %dma_start3A_231 = arith.constant 0 : i32
      %dma_start3A_232 = arith.constant 0 : i32
      %dma_start3A_233 = tpu.memref_slice %arg3[%add3A, %add3A_226, %dma_start3A_231, %dma_start3A_232] : memref<32x16x2x625xi32, #tpu.memory_space<hbm>> -> memref<1x1x2x625xi32, #tpu.memory_space<hbm>>
      %dma_start3A_234 = tpu.memref_squeeze %dma_start3A_233 : memref<1x1x2x625xi32, #tpu.memory_space<hbm>> -> memref<2x625xi32, #tpu.memory_space<hbm>>
      tpu.enqueue_dma source(%dma_start3A_234 : memref<2x625xi32, #tpu.memory_space<hbm>>) target(%arg9 : memref<2x625xi32, #tpu.memory_space<vmem>>) target_semaphore(%arg18 : memref<!tpu.dma_semaphore, #tpu.memory_space<semaphore_mem>>)
      %dma_wait3A_235 = arith.constant 0 : i32
      %dma_wait3A_236 = arith.constant 0 : i32
      %dma_wait3A_237 = arith.constant 0 : i32
      %dma_wait3A_238 = tpu.memref_slice %arg3[%add3A, %dma_wait3A_235, %dma_wait3A_236, %dma_wait3A_237] : memref<32x16x2x625xi32, #tpu.memory_space<hbm>> -> memref<1x1x2x625xi32, #tpu.memory_space<hbm>>
      %dma_wait3A_239 = tpu.memref_squeeze %dma_wait3A_238 : memref<1x1x2x625xi32, #tpu.memory_space<hbm>> -> memref<2x625xi32, #tpu.memory_space<hbm>>
      %dma_wait3A_240 = arith.constant 0 : i32
      %dma_wait3A_241 = arith.constant 0 : i32
      %dma_wait3A_242 = tpu.memref_slice %arg3[%add3A, %dma_wait3A_235, %dma_wait3A_240, %dma_wait3A_241] : memref<32x16x2x625xi32, #tpu.memory_space<hbm>> -> memref<1x1x2x625xi32, #tpu.memory_space<hbm>>
      %dma_wait3A_243 = tpu.memref_squeeze %dma_wait3A_242 : memref<1x1x2x625xi32, #tpu.memory_space<hbm>> -> memref<2x625xi32, #tpu.memory_space<hbm>>
      tpu.wait_dma2 semaphore(%arg16 : memref<!tpu.dma_semaphore, #tpu.memory_space<semaphore_mem>>) src(%dma_wait3A_243 : memref<2x625xi32, #tpu.memory_space<hbm>>) dst(%arg7 : memref<2x625xi32, #tpu.memory_space<vmem>>)
      %dma_start3A_244 = arith.constant 0 : i32
      %dma_start3A_245 = arith.constant 0 : i32
      %dma_start3A_246 = tpu.memref_slice %arg7[%dma_start3A_244, %dma_start3A_245] : memref<2x625xi32, #tpu.memory_space<vmem>> -> memref<1x625xi32, #tpu.memory_space<vmem>>
      %dma_start3A_247 = tpu.memref_squeeze %dma_start3A_246 : memref<1x625xi32, #tpu.memory_space<vmem>> -> memref<625xi32, #tpu.memory_space<vmem>>
      %dma_start3A_248 = arith.constant 0 : i32
      %dma_start3A_249 = arith.constant 0 : i32
      %dma_start3A_250 = tpu.memref_slice %arg2[%dma_start3A_248, %dma_start3A_249] : memref<10000x16xf32, #tpu.memory_space<hbm>> -> memref<10000x16xf32, #tpu.memory_space<hbm>>
      tpu.enqueue_indirect_dma source(%dma_start3A_250 : memref<10000x16xf32, #tpu.memory_space<hbm>>) target(%arg11 : memref<625x16xf32, #tpu.memory_space<vmem>>) offsets(%dma_start3A_247 : memref<625xi32, #tpu.memory_space<vmem>>) semaphore(%arg14 : memref<!tpu.dma_semaphore, #tpu.memory_space<semaphore_mem>>)
    }
    %scan3A_39 = arith.constant 3 : i32
    %dma_wait3A = arith.constant 0 : i32
    %dma_wait3A_40 = arith.constant 0 : i32
    %dma_wait3A_41 = tpu.memref_slice %arg6[%dma_wait3A, %dma_wait3A_40] : memref<2x625xi32, #tpu.memory_space<vmem>> -> memref<1x625xi32, #tpu.memory_space<vmem>>
    %dma_wait3A_42 = tpu.memref_squeeze %dma_wait3A_41 : memref<1x625xi32, #tpu.memory_space<vmem>> -> memref<625xi32, #tpu.memory_space<vmem>>
    %dma_wait3A_43 = arith.constant 0 : i32
    %dma_wait3A_44 = arith.constant 0 : i32
    %dma_wait3A_45 = tpu.memref_slice %arg2[%dma_wait3A_43, %dma_wait3A_44] : memref<10000x16xf32, #tpu.memory_space<hbm>> -> memref<10000x16xf32, #tpu.memory_space<hbm>>
    tpu.wait_indirect_dma semaphore(%arg13 : memref<!tpu.dma_semaphore, #tpu.memory_space<semaphore_mem>>) src(%dma_wait3A_45 : memref<10000x16xf32, #tpu.memory_space<hbm>>) dst(%arg10 : memref<625x16xf32, #tpu.memory_space<vmem>>)
    %run_scoped3A_46 = arith.constant 1 : i32
    "tpu.region"() ({
      %run_scoped3A_104 = tpu.sem_alloc : memref<!tpu.dma_semaphore, #tpu.memory_space<semaphore_mem>>
      %dma_start3A_105 = arith.constant 0 : i32
      %dma_start3A_106 = tpu.memref_slice %arg6[%run_scoped3A_46, %dma_start3A_105] : memref<2x625xi32, #tpu.memory_space<vmem>> -> memref<1x625xi32, #tpu.memory_space<vmem>>
      %dma_start3A_107 = tpu.memref_squeeze %dma_start3A_106 : memref<1x625xi32, #tpu.memory_space<vmem>> -> memref<625xi32, #tpu.memory_space<vmem>>
      %dma_start3A_108 = arith.constant 0 : i32
      %dma_start3A_109 = arith.constant 0 : i32
      %dma_start3A_110 = tpu.memref_slice %arg12[%dma_start3A_108, %dma_start3A_109] : memref<10240x16xf32, #tpu.memory_space<vmem_shared>> -> memref<10240x16xf32, #tpu.memory_space<vmem_shared>>
      tpu.enqueue_indirect_dma source(%arg10 : memref<625x16xf32, #tpu.memory_space<vmem>>) target(%dma_start3A_110 : memref<10240x16xf32, #tpu.memory_space<vmem_shared>>) offsets(%dma_start3A_107 : memref<625xi32, #tpu.memory_space<vmem>>) semaphore(%run_scoped3A_104 : memref<!tpu.dma_semaphore, #tpu.memory_space<semaphore_mem>>) {add = true}
      %dma_wait3A_111 = arith.constant 0 : i32
      %dma_wait3A_112 = tpu.memref_slice %arg6[%run_scoped3A_46, %dma_wait3A_111] : memref<2x625xi32, #tpu.memory_space<vmem>> -> memref<1x625xi32, #tpu.memory_space<vmem>>
      %dma_wait3A_113 = tpu.memref_squeeze %dma_wait3A_112 : memref<1x625xi32, #tpu.memory_space<vmem>> -> memref<625xi32, #tpu.memory_space<vmem>>
      %dma_wait3A_114 = arith.constant 0 : i32
      %dma_wait3A_115 = arith.constant 0 : i32
      %dma_wait3A_116 = tpu.memref_slice %arg12[%dma_wait3A_114, %dma_wait3A_115] : memref<10240x16xf32, #tpu.memory_space<vmem_shared>> -> memref<10240x16xf32, #tpu.memory_space<vmem_shared>>
      tpu.wait_indirect_dma semaphore(%run_scoped3A_104 : memref<!tpu.dma_semaphore, #tpu.memory_space<semaphore_mem>>) src(%arg10 : memref<625x16xf32, #tpu.memory_space<vmem>>) dst(%dma_wait3A_116 : memref<10240x16xf32, #tpu.memory_space<vmem_shared>>)
      tpu.yield
    }) : () -> ()
    %dma_wait3A_47 = arith.constant 0 : i32
    %dma_wait3A_48 = arith.constant 0 : i32
    %dma_wait3A_49 = arith.constant 0 : i32
    %dma_wait3A_50 = tpu.memref_slice %arg3[%add3A, %dma_wait3A_47, %dma_wait3A_48, %dma_wait3A_49] : memref<32x16x2x625xi32, #tpu.memory_space<hbm>> -> memref<1x1x2x625xi32, #tpu.memory_space<hbm>>
    %dma_wait3A_51 = tpu.memref_squeeze %dma_wait3A_50 : memref<1x1x2x625xi32, #tpu.memory_space<hbm>> -> memref<2x625xi32, #tpu.memory_space<hbm>>
    %dma_wait3A_52 = arith.constant 0 : i32
    %dma_wait3A_53 = arith.constant 0 : i32
    %dma_wait3A_54 = tpu.memref_slice %arg3[%add3A, %dma_wait3A_47, %dma_wait3A_52, %dma_wait3A_53] : memref<32x16x2x625xi32, #tpu.memory_space<hbm>> -> memref<1x1x2x625xi32, #tpu.memory_space<hbm>>
    %dma_wait3A_55 = tpu.memref_squeeze %dma_wait3A_54 : memref<1x1x2x625xi32, #tpu.memory_space<hbm>> -> memref<2x625xi32, #tpu.memory_space<hbm>>
    tpu.wait_dma2 semaphore(%arg17 : memref<!tpu.dma_semaphore, #tpu.memory_space<semaphore_mem>>) src(%dma_wait3A_55 : memref<2x625xi32, #tpu.memory_space<hbm>>) dst(%arg8 : memref<2x625xi32, #tpu.memory_space<vmem>>)
    %dma_start3A_56 = arith.constant 0 : i32
    %dma_start3A_57 = arith.constant 0 : i32
    %dma_start3A_58 = tpu.memref_slice %arg8[%dma_start3A_56, %dma_start3A_57] : memref<2x625xi32, #tpu.memory_space<vmem>> -> memref<1x625xi32, #tpu.memory_space<vmem>>
    %dma_start3A_59 = tpu.memref_squeeze %dma_start3A_58 : memref<1x625xi32, #tpu.memory_space<vmem>> -> memref<625xi32, #tpu.memory_space<vmem>>
    %dma_start3A_60 = arith.constant 0 : i32
    %dma_start3A_61 = arith.constant 0 : i32
    %dma_start3A_62 = tpu.memref_slice %arg2[%dma_start3A_60, %dma_start3A_61] : memref<10000x16xf32, #tpu.memory_space<hbm>> -> memref<10000x16xf32, #tpu.memory_space<hbm>>
    tpu.enqueue_indirect_dma source(%dma_start3A_62 : memref<10000x16xf32, #tpu.memory_space<hbm>>) target(%arg10 : memref<625x16xf32, #tpu.memory_space<vmem>>) offsets(%dma_start3A_59 : memref<625xi32, #tpu.memory_space<vmem>>) semaphore(%arg13 : memref<!tpu.dma_semaphore, #tpu.memory_space<semaphore_mem>>)
    %dma_wait3A_63 = arith.constant 0 : i32
    %dma_wait3A_64 = arith.constant 0 : i32
    %dma_wait3A_65 = tpu.memref_slice %arg6[%dma_wait3A_63, %dma_wait3A_64] : memref<2x625xi32, #tpu.memory_space<vmem>> -> memref<1x625xi32, #tpu.memory_space<vmem>>
    %dma_wait3A_66 = tpu.memref_squeeze %dma_wait3A_65 : memref<1x625xi32, #tpu.memory_space<vmem>> -> memref<625xi32, #tpu.memory_space<vmem>>
    %dma_wait3A_67 = arith.constant 0 : i32
    %dma_wait3A_68 = arith.constant 0 : i32
    %dma_wait3A_69 = tpu.memref_slice %arg2[%dma_wait3A_67, %dma_wait3A_68] : memref<10000x16xf32, #tpu.memory_space<hbm>> -> memref<10000x16xf32, #tpu.memory_space<hbm>>
    tpu.wait_indirect_dma semaphore(%arg14 : memref<!tpu.dma_semaphore, #tpu.memory_space<semaphore_mem>>) src(%dma_wait3A_69 : memref<10000x16xf32, #tpu.memory_space<hbm>>) dst(%arg11 : memref<625x16xf32, #tpu.memory_space<vmem>>)
    %run_scoped3A_70 = arith.constant 1 : i32
    "tpu.region"() ({
      %run_scoped3A_104 = tpu.sem_alloc : memref<!tpu.dma_semaphore, #tpu.memory_space<semaphore_mem>>
      %dma_start3A_105 = arith.constant 0 : i32
      %dma_start3A_106 = tpu.memref_slice %arg7[%run_scoped3A_70, %dma_start3A_105] : memref<2x625xi32, #tpu.memory_space<vmem>> -> memref<1x625xi32, #tpu.memory_space<vmem>>
      %dma_start3A_107 = tpu.memref_squeeze %dma_start3A_106 : memref<1x625xi32, #tpu.memory_space<vmem>> -> memref<625xi32, #tpu.memory_space<vmem>>
      %dma_start3A_108 = arith.constant 0 : i32
      %dma_start3A_109 = arith.constant 0 : i32
      %dma_start3A_110 = tpu.memref_slice %arg12[%dma_start3A_108, %dma_start3A_109] : memref<10240x16xf32, #tpu.memory_space<vmem_shared>> -> memref<10240x16xf32, #tpu.memory_space<vmem_shared>>
      tpu.enqueue_indirect_dma source(%arg11 : memref<625x16xf32, #tpu.memory_space<vmem>>) target(%dma_start3A_110 : memref<10240x16xf32, #tpu.memory_space<vmem_shared>>) offsets(%dma_start3A_107 : memref<625xi32, #tpu.memory_space<vmem>>) semaphore(%run_scoped3A_104 : memref<!tpu.dma_semaphore, #tpu.memory_space<semaphore_mem>>) {add = true}
      %dma_wait3A_111 = arith.constant 0 : i32
      %dma_wait3A_112 = tpu.memref_slice %arg7[%run_scoped3A_70, %dma_wait3A_111] : memref<2x625xi32, #tpu.memory_space<vmem>> -> memref<1x625xi32, #tpu.memory_space<vmem>>
      %dma_wait3A_113 = tpu.memref_squeeze %dma_wait3A_112 : memref<1x625xi32, #tpu.memory_space<vmem>> -> memref<625xi32, #tpu.memory_space<vmem>>
      %dma_wait3A_114 = arith.constant 0 : i32
      %dma_wait3A_115 = arith.constant 0 : i32
      %dma_wait3A_116 = tpu.memref_slice %arg12[%dma_wait3A_114, %dma_wait3A_115] : memref<10240x16xf32, #tpu.memory_space<vmem_shared>> -> memref<10240x16xf32, #tpu.memory_space<vmem_shared>>
      tpu.wait_indirect_dma semaphore(%run_scoped3A_104 : memref<!tpu.dma_semaphore, #tpu.memory_space<semaphore_mem>>) src(%arg11 : memref<625x16xf32, #tpu.memory_space<vmem>>) dst(%dma_wait3A_116 : memref<10240x16xf32, #tpu.memory_space<vmem_shared>>)
      tpu.yield
    }) : () -> ()
    %dma_wait3A_71 = arith.constant 0 : i32
    %dma_wait3A_72 = arith.constant 0 : i32
    %dma_wait3A_73 = arith.constant 0 : i32
    %dma_wait3A_74 = tpu.memref_slice %arg3[%add3A, %dma_wait3A_71, %dma_wait3A_72, %dma_wait3A_73] : memref<32x16x2x625xi32, #tpu.memory_space<hbm>> -> memref<1x1x2x625xi32, #tpu.memory_space<hbm>>
    %dma_wait3A_75 = tpu.memref_squeeze %dma_wait3A_74 : memref<1x1x2x625xi32, #tpu.memory_space<hbm>> -> memref<2x625xi32, #tpu.memory_space<hbm>>
    %dma_wait3A_76 = arith.constant 0 : i32
    %dma_wait3A_77 = arith.constant 0 : i32
    %dma_wait3A_78 = tpu.memref_slice %arg3[%add3A, %dma_wait3A_71, %dma_wait3A_76, %dma_wait3A_77] : memref<32x16x2x625xi32, #tpu.memory_space<hbm>> -> memref<1x1x2x625xi32, #tpu.memory_space<hbm>>
    %dma_wait3A_79 = tpu.memref_squeeze %dma_wait3A_78 : memref<1x1x2x625xi32, #tpu.memory_space<hbm>> -> memref<2x625xi32, #tpu.memory_space<hbm>>
    tpu.wait_dma2 semaphore(%arg18 : memref<!tpu.dma_semaphore, #tpu.memory_space<semaphore_mem>>) src(%dma_wait3A_79 : memref<2x625xi32, #tpu.memory_space<hbm>>) dst(%arg9 : memref<2x625xi32, #tpu.memory_space<vmem>>)
    %dma_start3A_80 = arith.constant 0 : i32
    %dma_start3A_81 = arith.constant 0 : i32
    %dma_start3A_82 = tpu.memref_slice %arg9[%dma_start3A_80, %dma_start3A_81] : memref<2x625xi32, #tpu.memory_space<vmem>> -> memref<1x625xi32, #tpu.memory_space<vmem>>
    %dma_start3A_83 = tpu.memref_squeeze %dma_start3A_82 : memref<1x625xi32, #tpu.memory_space<vmem>> -> memref<625xi32, #tpu.memory_space<vmem>>
    %dma_start3A_84 = arith.constant 0 : i32
    %dma_start3A_85 = arith.constant 0 : i32
    %dma_start3A_86 = tpu.memref_slice %arg2[%dma_start3A_84, %dma_start3A_85] : memref<10000x16xf32, #tpu.memory_space<hbm>> -> memref<10000x16xf32, #tpu.memory_space<hbm>>
    tpu.enqueue_indirect_dma source(%dma_start3A_86 : memref<10000x16xf32, #tpu.memory_space<hbm>>) target(%arg11 : memref<625x16xf32, #tpu.memory_space<vmem>>) offsets(%dma_start3A_83 : memref<625xi32, #tpu.memory_space<vmem>>) semaphore(%arg14 : memref<!tpu.dma_semaphore, #tpu.memory_space<semaphore_mem>>)
    %dma_wait3A_87 = arith.constant 0 : i32
    %dma_wait3A_88 = arith.constant 0 : i32
    %dma_wait3A_89 = tpu.memref_slice %arg6[%dma_wait3A_87, %dma_wait3A_88] : memref<2x625xi32, #tpu.memory_space<vmem>> -> memref<1x625xi32, #tpu.memory_space<vmem>>
    %dma_wait3A_90 = tpu.memref_squeeze %dma_wait3A_89 : memref<1x625xi32, #tpu.memory_space<vmem>> -> memref<625xi32, #tpu.memory_space<vmem>>
    %dma_wait3A_91 = arith.constant 0 : i32
    %dma_wait3A_92 = arith.constant 0 : i32
    %dma_wait3A_93 = tpu.memref_slice %arg2[%dma_wait3A_91, %dma_wait3A_92] : memref<10000x16xf32, #tpu.memory_space<hbm>> -> memref<10000x16xf32, #tpu.memory_space<hbm>>
    tpu.wait_indirect_dma semaphore(%arg13 : memref<!tpu.dma_semaphore, #tpu.memory_space<semaphore_mem>>) src(%dma_wait3A_93 : memref<10000x16xf32, #tpu.memory_space<hbm>>) dst(%arg10 : memref<625x16xf32, #tpu.memory_space<vmem>>)
    %run_scoped3A_94 = arith.constant 1 : i32
    "tpu.region"() ({
      %run_scoped3A_104 = tpu.sem_alloc : memref<!tpu.dma_semaphore, #tpu.memory_space<semaphore_mem>>
      %dma_start3A_105 = arith.constant 0 : i32
      %dma_start3A_106 = tpu.memref_slice %arg8[%run_scoped3A_94, %dma_start3A_105] : memref<2x625xi32, #tpu.memory_space<vmem>> -> memref<1x625xi32, #tpu.memory_space<vmem>>
      %dma_start3A_107 = tpu.memref_squeeze %dma_start3A_106 : memref<1x625xi32, #tpu.memory_space<vmem>> -> memref<625xi32, #tpu.memory_space<vmem>>
      %dma_start3A_108 = arith.constant 0 : i32
      %dma_start3A_109 = arith.constant 0 : i32
      %dma_start3A_110 = tpu.memref_slice %arg12[%dma_start3A_108, %dma_start3A_109] : memref<10240x16xf32, #tpu.memory_space<vmem_shared>> -> memref<10240x16xf32, #tpu.memory_space<vmem_shared>>
      tpu.enqueue_indirect_dma source(%arg10 : memref<625x16xf32, #tpu.memory_space<vmem>>) target(%dma_start3A_110 : memref<10240x16xf32, #tpu.memory_space<vmem_shared>>) offsets(%dma_start3A_107 : memref<625xi32, #tpu.memory_space<vmem>>) semaphore(%run_scoped3A_104 : memref<!tpu.dma_semaphore, #tpu.memory_space<semaphore_mem>>) {add = true}
      %dma_wait3A_111 = arith.constant 0 : i32
      %dma_wait3A_112 = tpu.memref_slice %arg8[%run_scoped3A_94, %dma_wait3A_111] : memref<2x625xi32, #tpu.memory_space<vmem>> -> memref<1x625xi32, #tpu.memory_space<vmem>>
      %dma_wait3A_113 = tpu.memref_squeeze %dma_wait3A_112 : memref<1x625xi32, #tpu.memory_space<vmem>> -> memref<625xi32, #tpu.memory_space<vmem>>
      %dma_wait3A_114 = arith.constant 0 : i32
      %dma_wait3A_115 = arith.constant 0 : i32
      %dma_wait3A_116 = tpu.memref_slice %arg12[%dma_wait3A_114, %dma_wait3A_115] : memref<10240x16xf32, #tpu.memory_space<vmem_shared>> -> memref<10240x16xf32, #tpu.memory_space<vmem_shared>>
      tpu.wait_indirect_dma semaphore(%run_scoped3A_104 : memref<!tpu.dma_semaphore, #tpu.memory_space<semaphore_mem>>) src(%arg10 : memref<625x16xf32, #tpu.memory_space<vmem>>) dst(%dma_wait3A_116 : memref<10240x16xf32, #tpu.memory_space<vmem_shared>>)
      tpu.yield
    }) : () -> ()
    %dma_wait3A_95 = arith.constant 0 : i32
    %dma_wait3A_96 = arith.constant 0 : i32
    %dma_wait3A_97 = tpu.memref_slice %arg6[%dma_wait3A_95, %dma_wait3A_96] : memref<2x625xi32, #tpu.memory_space<vmem>> -> memref<1x625xi32, #tpu.memory_space<vmem>>
    %dma_wait3A_98 = tpu.memref_squeeze %dma_wait3A_97 : memref<1x625xi32, #tpu.memory_space<vmem>> -> memref<625xi32, #tpu.memory_space<vmem>>
    %dma_wait3A_99 = arith.constant 0 : i32
    %dma_wait3A_100 = arith.constant 0 : i32
    %dma_wait3A_101 = tpu.memref_slice %arg2[%dma_wait3A_99, %dma_wait3A_100] : memref<10000x16xf32, #tpu.memory_space<hbm>> -> memref<10000x16xf32, #tpu.memory_space<hbm>>
    tpu.wait_indirect_dma semaphore(%arg14 : memref<!tpu.dma_semaphore, #tpu.memory_space<semaphore_mem>>) src(%dma_wait3A_101 : memref<10000x16xf32, #tpu.memory_space<hbm>>) dst(%arg11 : memref<625x16xf32, #tpu.memory_space<vmem>>)
    %run_scoped3A_102 = arith.constant 1 : i32
    "tpu.region"() ({
      %run_scoped3A_104 = tpu.sem_alloc : memref<!tpu.dma_semaphore, #tpu.memory_space<semaphore_mem>>
      %dma_start3A_105 = arith.constant 0 : i32
      %dma_start3A_106 = tpu.memref_slice %arg9[%run_scoped3A_102, %dma_start3A_105] : memref<2x625xi32, #tpu.memory_space<vmem>> -> memref<1x625xi32, #tpu.memory_space<vmem>>
      %dma_start3A_107 = tpu.memref_squeeze %dma_start3A_106 : memref<1x625xi32, #tpu.memory_space<vmem>> -> memref<625xi32, #tpu.memory_space<vmem>>
      %dma_start3A_108 = arith.constant 0 : i32
      %dma_start3A_109 = arith.constant 0 : i32
      %dma_start3A_110 = tpu.memref_slice %arg12[%dma_start3A_108, %dma_start3A_109] : memref<10240x16xf32, #tpu.memory_space<vmem_shared>> -> memref<10240x16xf32, #tpu.memory_space<vmem_shared>>
      tpu.enqueue_indirect_dma source(%arg11 : memref<625x16xf32, #tpu.memory_space<vmem>>) target(%dma_start3A_110 : memref<10240x16xf32, #tpu.memory_space<vmem_shared>>) offsets(%dma_start3A_107 : memref<625xi32, #tpu.memory_space<vmem>>) semaphore(%run_scoped3A_104 : memref<!tpu.dma_semaphore, #tpu.memory_space<semaphore_mem>>) {add = true}
      %dma_wait3A_111 = arith.constant 0 : i32
      %dma_wait3A_112 = tpu.memref_slice %arg9[%run_scoped3A_102, %dma_wait3A_111] : memref<2x625xi32, #tpu.memory_space<vmem>> -> memref<1x625xi32, #tpu.memory_space<vmem>>
      %dma_wait3A_113 = tpu.memref_squeeze %dma_wait3A_112 : memref<1x625xi32, #tpu.memory_space<vmem>> -> memref<625xi32, #tpu.memory_space<vmem>>
      %dma_wait3A_114 = arith.constant 0 : i32
      %dma_wait3A_115 = arith.constant 0 : i32
      %dma_wait3A_116 = tpu.memref_slice %arg12[%dma_wait3A_114, %dma_wait3A_115] : memref<10240x16xf32, #tpu.memory_space<vmem_shared>> -> memref<10240x16xf32, #tpu.memory_space<vmem_shared>>
      tpu.wait_indirect_dma semaphore(%run_scoped3A_104 : memref<!tpu.dma_semaphore, #tpu.memory_space<semaphore_mem>>) src(%arg11 : memref<625x16xf32, #tpu.memory_space<vmem>>) dst(%dma_wait3A_116 : memref<10240x16xf32, #tpu.memory_space<vmem_shared>>)
      tpu.yield
    }) : () -> ()
    %barrier3A_103 = arith.constant 0 : index
    tpu.barrier barrier_id(%barrier3A_103)
    "tpu.region"() ({
      %run_scoped3A_104 = tpu.sem_alloc : memref<!tpu.dma_semaphore, #tpu.memory_space<semaphore_mem>>
      %dma_start3A_105 = arith.constant 0 : i32
      %dma_start3A_106 = tpu.memref_slice %arg5[%arg0, %mul3A_2, %dma_start3A_105] : memref<2x10240x16xf32, #tpu.memory_space<hbm>> -> memref<1x640x16xf32, #tpu.memory_space<hbm>>
      %dma_start3A_107 = tpu.memref_squeeze %dma_start3A_106 : memref<1x640x16xf32, #tpu.memory_space<hbm>> -> memref<640x16xf32, #tpu.memory_space<hbm>>
      %dma_start3A_108 = arith.constant 0 : i32
      %dma_start3A_109 = tpu.memref_slice %arg12[%mul3A_2, %dma_start3A_108] : memref<10240x16xf32, #tpu.memory_space<vmem_shared>> -> memref<640x16xf32, #tpu.memory_space<vmem_shared>>
      tpu.enqueue_dma source(%dma_start3A_109 : memref<640x16xf32, #tpu.memory_space<vmem_shared>>) target(%dma_start3A_107 : memref<640x16xf32, #tpu.memory_space<hbm>>) target_semaphore(%run_scoped3A_104 : memref<!tpu.dma_semaphore, #tpu.memory_space<semaphore_mem>>)
      %dma_wait3A_110 = arith.constant 0 : i32
      %dma_wait3A_111 = tpu.memref_slice %arg5[%arg0, %mul3A_2, %dma_wait3A_110] : memref<2x10240x16xf32, #tpu.memory_space<hbm>> -> memref<1x640x16xf32, #tpu.memory_space<hbm>>
      %dma_wait3A_112 = tpu.memref_squeeze %dma_wait3A_111 : memref<1x640x16xf32, #tpu.memory_space<hbm>> -> memref<640x16xf32, #tpu.memory_space<hbm>>
      %dma_wait3A_113 = arith.constant 0 : i32
      %dma_wait3A_114 = tpu.memref_slice %arg12[%mul3A_2, %dma_wait3A_113] : memref<10240x16xf32, #tpu.memory_space<vmem_shared>> -> memref<640x16xf32, #tpu.memory_space<vmem_shared>>
      tpu.wait_dma2 semaphore(%run_scoped3A_104 : memref<!tpu.dma_semaphore, #tpu.memory_space<semaphore_mem>>) src(%dma_wait3A_114 : memref<640x16xf32, #tpu.memory_space<vmem_shared>>) dst(%dma_wait3A_112 : memref<640x16xf32, #tpu.memory_space<hbm>>)
      tpu.yield
    }) : () -> ()
    return
  }
}

#map = affine_map<(d0, d1) -> (0, 0)>
#map1 = affine_map<(d0, d1) -> (0, 0, 0, 0)>
#map2 = affine_map<(d0, d1) -> (0, 0, 0)>
module attributes {stable_mosaic.version = 14 : i64} {
  func.func @k(%arg0: i32, %arg1: i32, %arg2: memref<10000x128xbf16, #tpu.memory_space<hbm>>, %arg3: memref<32x80x2x125xi32, #tpu.memory_space<hbm>>, %arg4: memref<640x128xbf16, #tpu.memory_space<hbm>>, %arg5: memref<2x10240x128xbf16, #tpu.memory_space<hbm>>, %arg6: memref<2x125xi32, #tpu.memory_space<vmem>>, %arg7: memref<2x125xi32, #tpu.memory_space<vmem>>, %arg8: memref<2x125xi32, #tpu.memory_space<vmem>>, %arg9: memref<2x125xi32, #tpu.memory_space<vmem>>, %arg10: memref<125x128xbf16, #tpu.memory_space<vmem>>, %arg11: memref<125x128xbf16, #tpu.memory_space<vmem>>, %arg12: memref<10240x128xbf16, #tpu.memory_space<vmem_shared>>, %arg13: memref<!tpu.dma_semaphore, #tpu.memory_space<semaphore_mem>>, %arg14: memref<!tpu.dma_semaphore, #tpu.memory_space<semaphore_mem>>, %arg15: memref<!tpu.dma_semaphore, #tpu.memory_space<semaphore_mem>>, %arg16: memref<!tpu.dma_semaphore, #tpu.memory_space<semaphore_mem>>, %arg17: memref<!tpu.dma_semaphore, #tpu.memory_space<semaphore_mem>>, %arg18: memref<!tpu.dma_semaphore, #tpu.memory_space<semaphore_mem>>) attributes {dimension_semantics = [#tpu.dimension_semantics<core_parallel>, #tpu.dimension_semantics<subcore_parallel>], iteration_bounds = array<i64: 2, 16>, scalar_prefetch = 0 : i64, scratch_operands = 13 : i64, tpu.core_type = #tpu.core_type<sc_vector_subcore>, window_params = [{transform_indices = #map}, {transform_indices = #map1}, {transform_indices = #map}, {transform_indices = #map2}]} {
    %mul3A = arith.constant 16 : i32
    %mul3A_0 = arith.muli %arg0, %mul3A : i32
    %add3A = arith.addi %mul3A_0, %arg1 : i32
    %mul3A_1 = arith.constant 640 : i32
    %mul3A_2 = arith.muli %arg1, %mul3A_1 : i32
    "tpu.region"() ({
      %run_scoped3A_104 = tpu.sem_alloc : memref<!tpu.dma_semaphore, #tpu.memory_space<semaphore_mem>>
      %dma_start3A_105 = arith.constant 0 : i32
      %dma_start3A_106 = tpu.memref_slice %arg12[%mul3A_2, %dma_start3A_105] : memref<10240x128xbf16, #tpu.memory_space<vmem_shared>> -> memref<640x128xbf16, #tpu.memory_space<vmem_shared>>
      tpu.enqueue_dma source(%arg4 : memref<640x128xbf16, #tpu.memory_space<hbm>>) target(%dma_start3A_106 : memref<640x128xbf16, #tpu.memory_space<vmem_shared>>) target_semaphore(%run_scoped3A_104 : memref<!tpu.dma_semaphore, #tpu.memory_space<semaphore_mem>>)
      %dma_wait3A_107 = arith.constant 0 : i32
      %dma_wait3A_108 = tpu.memref_slice %arg12[%mul3A_2, %dma_wait3A_107] : memref<10240x128xbf16, #tpu.memory_space<vmem_shared>> -> memref<640x128xbf16, #tpu.memory_space<vmem_shared>>
      tpu.wait_dma2 semaphore(%run_scoped3A_104 : memref<!tpu.dma_semaphore, #tpu.memory_space<semaphore_mem>>) src(%arg4 : memref<640x128xbf16, #tpu.memory_space<hbm>>) dst(%dma_wait3A_108 : memref<640x128xbf16, #tpu.memory_space<vmem_shared>>)
      tpu.yield
    }) : () -> ()
    %barrier3A = arith.constant 0 : index
    tpu.barrier barrier_id(%barrier3A)
    %run_scoped3A = arith.constant 0 : i32
    "tpu.region"() ({
      %run_scoped3A_104 = tpu.sem_alloc : memref<!tpu.dma_semaphore, #tpu.memory_space<semaphore_mem>>
      %dma_start3A_105 = arith.constant 0 : i32
      %dma_start3A_106 = arith.constant 0 : i32
      %dma_start3A_107 = tpu.memref_slice %arg3[%add3A, %run_scoped3A, %dma_start3A_105, %dma_start3A_106] : memref<32x80x2x125xi32, #tpu.memory_space<hbm>> -> memref<1x1x2x125xi32, #tpu.memory_space<hbm>>
      %dma_start3A_108 = tpu.memref_squeeze %dma_start3A_107 : memref<1x1x2x125xi32, #tpu.memory_space<hbm>> -> memref<2x125xi32, #tpu.memory_space<hbm>>
      %dma_start3A_109 = arith.constant 0 : i32
      %dma_start3A_110 = arith.constant 0 : i32
      %dma_start3A_111 = tpu.memref_slice %arg3[%add3A, %run_scoped3A, %dma_start3A_109, %dma_start3A_110] : memref<32x80x2x125xi32, #tpu.memory_space<hbm>> -> memref<1x1x2x125xi32, #tpu.memory_space<hbm>>
      %dma_start3A_112 = tpu.memref_squeeze %dma_start3A_111 : memref<1x1x2x125xi32, #tpu.memory_space<hbm>> -> memref<2x125xi32, #tpu.memory_space<hbm>>
      tpu.enqueue_dma source(%dma_start3A_112 : memref<2x125xi32, #tpu.memory_space<hbm>>) target(%arg6 : memref<2x125xi32, #tpu.memory_space<vmem>>) target_semaphore(%run_scoped3A_104 : memref<!tpu.dma_semaphore, #tpu.memory_space<semaphore_mem>>)
      %dma_wait3A_113 = arith.constant 0 : i32
      %dma_wait3A_114 = arith.constant 0 : i32
      %dma_wait3A_115 = tpu.memref_slice %arg3[%add3A, %run_scoped3A, %dma_wait3A_113, %dma_wait3A_114] : memref<32x80x2x125xi32, #tpu.memory_space<hbm>> -> memref<1x1x2x125xi32, #tpu.memory_space<hbm>>
      %dma_wait3A_116 = tpu.memref_squeeze %dma_wait3A_115 : memref<1x1x2x125xi32, #tpu.memory_space<hbm>> -> memref<2x125xi32, #tpu.memory_space<hbm>>
      %dma_wait3A_117 = arith.constant 0 : i32
      %dma_wait3A_118 = arith.constant 0 : i32
      %dma_wait3A_119 = tpu.memref_slice %arg3[%add3A, %run_scoped3A, %dma_wait3A_117, %dma_wait3A_118] : memref<32x80x2x125xi32, #tpu.memory_space<hbm>> -> memref<1x1x2x125xi32, #tpu.memory_space<hbm>>
      %dma_wait3A_120 = tpu.memref_squeeze %dma_wait3A_119 : memref<1x1x2x125xi32, #tpu.memory_space<hbm>> -> memref<2x125xi32, #tpu.memory_space<hbm>>
      tpu.wait_dma2 semaphore(%run_scoped3A_104 : memref<!tpu.dma_semaphore, #tpu.memory_space<semaphore_mem>>) src(%dma_wait3A_120 : memref<2x125xi32, #tpu.memory_space<hbm>>) dst(%arg6 : memref<2x125xi32, #tpu.memory_space<vmem>>)
      tpu.yield
    }) : () -> ()
    %run_scoped3A_3 = arith.constant 1 : i32
    "tpu.region"() ({
      %run_scoped3A_104 = tpu.sem_alloc : memref<!tpu.dma_semaphore, #tpu.memory_space<semaphore_mem>>
      %dma_start3A_105 = arith.constant 0 : i32
      %dma_start3A_106 = arith.constant 0 : i32
      %dma_start3A_107 = tpu.memref_slice %arg3[%add3A, %run_scoped3A_3, %dma_start3A_105, %dma_start3A_106] : memref<32x80x2x125xi32, #tpu.memory_space<hbm>> -> memref<1x1x2x125xi32, #tpu.memory_space<hbm>>
      %dma_start3A_108 = tpu.memref_squeeze %dma_start3A_107 : memref<1x1x2x125xi32, #tpu.memory_space<hbm>> -> memref<2x125xi32, #tpu.memory_space<hbm>>
      %dma_start3A_109 = arith.constant 0 : i32
      %dma_start3A_110 = arith.constant 0 : i32
      %dma_start3A_111 = tpu.memref_slice %arg3[%add3A, %run_scoped3A_3, %dma_start3A_109, %dma_start3A_110] : memref<32x80x2x125xi32, #tpu.memory_space<hbm>> -> memref<1x1x2x125xi32, #tpu.memory_space<hbm>>
      %dma_start3A_112 = tpu.memref_squeeze %dma_start3A_111 : memref<1x1x2x125xi32, #tpu.memory_space<hbm>> -> memref<2x125xi32, #tpu.memory_space<hbm>>
      tpu.enqueue_dma source(%dma_start3A_112 : memref<2x125xi32, #tpu.memory_space<hbm>>) target(%arg7 : memref<2x125xi32, #tpu.memory_space<vmem>>) target_semaphore(%run_scoped3A_104 : memref<!tpu.dma_semaphore, #tpu.memory_space<semaphore_mem>>)
      %dma_wait3A_113 = arith.constant 0 : i32
      %dma_wait3A_114 = arith.constant 0 : i32
      %dma_wait3A_115 = tpu.memref_slice %arg3[%add3A, %run_scoped3A_3, %dma_wait3A_113, %dma_wait3A_114] : memref<32x80x2x125xi32, #tpu.memory_space<hbm>> -> memref<1x1x2x125xi32, #tpu.memory_space<hbm>>
      %dma_wait3A_116 = tpu.memref_squeeze %dma_wait3A_115 : memref<1x1x2x125xi32, #tpu.memory_space<hbm>> -> memref<2x125xi32, #tpu.memory_space<hbm>>
      %dma_wait3A_117 = arith.constant 0 : i32
      %dma_wait3A_118 = arith.constant 0 : i32
      %dma_wait3A_119 = tpu.memref_slice %arg3[%add3A, %run_scoped3A_3, %dma_wait3A_117, %dma_wait3A_118] : memref<32x80x2x125xi32, #tpu.memory_space<hbm>> -> memref<1x1x2x125xi32, #tpu.memory_space<hbm>>
      %dma_wait3A_120 = tpu.memref_squeeze %dma_wait3A_119 : memref<1x1x2x125xi32, #tpu.memory_space<hbm>> -> memref<2x125xi32, #tpu.memory_space<hbm>>
      tpu.wait_dma2 semaphore(%run_scoped3A_104 : memref<!tpu.dma_semaphore, #tpu.memory_space<semaphore_mem>>) src(%dma_wait3A_120 : memref<2x125xi32, #tpu.memory_space<hbm>>) dst(%arg7 : memref<2x125xi32, #tpu.memory_space<vmem>>)
      tpu.yield
    }) : () -> ()
    %dma_start3A = arith.constant 0 : i32
    %dma_start3A_4 = arith.constant 0 : i32
    %dma_start3A_5 = tpu.memref_slice %arg6[%dma_start3A, %dma_start3A_4] : memref<2x125xi32, #tpu.memory_space<vmem>> -> memref<1x125xi32, #tpu.memory_space<vmem>>
    %dma_start3A_6 = tpu.memref_squeeze %dma_start3A_5 : memref<1x125xi32, #tpu.memory_space<vmem>> -> memref<125xi32, #tpu.memory_space<vmem>>
    %dma_start3A_7 = arith.constant 0 : i32
    %dma_start3A_8 = arith.constant 0 : i32
    %dma_start3A_9 = tpu.memref_slice %arg2[%dma_start3A_7, %dma_start3A_8] : memref<10000x128xbf16, #tpu.memory_space<hbm>> -> memref<10000x128xbf16, #tpu.memory_space<hbm>>
    tpu.enqueue_indirect_dma source(%dma_start3A_9 : memref<10000x128xbf16, #tpu.memory_space<hbm>>) target(%arg10 : memref<125x128xbf16, #tpu.memory_space<vmem>>) offsets(%dma_start3A_6 : memref<125xi32, #tpu.memory_space<vmem>>) semaphore(%arg13 : memref<!tpu.dma_semaphore, #tpu.memory_space<semaphore_mem>>)
    %dma_start3A_10 = arith.constant 0 : i32
    %dma_start3A_11 = arith.constant 0 : i32
    %dma_start3A_12 = tpu.memref_slice %arg7[%dma_start3A_10, %dma_start3A_11] : memref<2x125xi32, #tpu.memory_space<vmem>> -> memref<1x125xi32, #tpu.memory_space<vmem>>
    %dma_start3A_13 = tpu.memref_squeeze %dma_start3A_12 : memref<1x125xi32, #tpu.memory_space<vmem>> -> memref<125xi32, #tpu.memory_space<vmem>>
    %dma_start3A_14 = arith.constant 0 : i32
    %dma_start3A_15 = arith.constant 0 : i32
    %dma_start3A_16 = tpu.memref_slice %arg2[%dma_start3A_14, %dma_start3A_15] : memref<10000x128xbf16, #tpu.memory_space<hbm>> -> memref<10000x128xbf16, #tpu.memory_space<hbm>>
    tpu.enqueue_indirect_dma source(%dma_start3A_16 : memref<10000x128xbf16, #tpu.memory_space<hbm>>) target(%arg11 : memref<125x128xbf16, #tpu.memory_space<vmem>>) offsets(%dma_start3A_13 : memref<125xi32, #tpu.memory_space<vmem>>) semaphore(%arg14 : memref<!tpu.dma_semaphore, #tpu.memory_space<semaphore_mem>>)
    %dma_start3A_17 = arith.constant 2 : i32
    %dma_start3A_18 = arith.constant 0 : i32
    %dma_start3A_19 = arith.constant 0 : i32
    %dma_start3A_20 = tpu.memref_slice %arg3[%add3A, %dma_start3A_17, %dma_start3A_18, %dma_start3A_19] : memref<32x80x2x125xi32, #tpu.memory_space<hbm>> -> memref<1x1x2x125xi32, #tpu.memory_space<hbm>>
    %dma_start3A_21 = tpu.memref_squeeze %dma_start3A_20 : memref<1x1x2x125xi32, #tpu.memory_space<hbm>> -> memref<2x125xi32, #tpu.memory_space<hbm>>
    %dma_start3A_22 = arith.constant 0 : i32
    %dma_start3A_23 = arith.constant 0 : i32
    %dma_start3A_24 = tpu.memref_slice %arg3[%add3A, %dma_start3A_17, %dma_start3A_22, %dma_start3A_23] : memref<32x80x2x125xi32, #tpu.memory_space<hbm>> -> memref<1x1x2x125xi32, #tpu.memory_space<hbm>>
    %dma_start3A_25 = tpu.memref_squeeze %dma_start3A_24 : memref<1x1x2x125xi32, #tpu.memory_space<hbm>> -> memref<2x125xi32, #tpu.memory_space<hbm>>
    tpu.enqueue_dma source(%dma_start3A_25 : memref<2x125xi32, #tpu.memory_space<hbm>>) target(%arg8 : memref<2x125xi32, #tpu.memory_space<vmem>>) target_semaphore(%arg17 : memref<!tpu.dma_semaphore, #tpu.memory_space<semaphore_mem>>)
    %dma_start3A_26 = arith.constant 3 : i32
    %dma_start3A_27 = arith.constant 0 : i32
    %dma_start3A_28 = arith.constant 0 : i32
    %dma_start3A_29 = tpu.memref_slice %arg3[%add3A, %dma_start3A_26, %dma_start3A_27, %dma_start3A_28] : memref<32x80x2x125xi32, #tpu.memory_space<hbm>> -> memref<1x1x2x125xi32, #tpu.memory_space<hbm>>
    %dma_start3A_30 = tpu.memref_squeeze %dma_start3A_29 : memref<1x1x2x125xi32, #tpu.memory_space<hbm>> -> memref<2x125xi32, #tpu.memory_space<hbm>>
    %dma_start3A_31 = arith.constant 0 : i32
    %dma_start3A_32 = arith.constant 0 : i32
    %dma_start3A_33 = tpu.memref_slice %arg3[%add3A, %dma_start3A_26, %dma_start3A_31, %dma_start3A_32] : memref<32x80x2x125xi32, #tpu.memory_space<hbm>> -> memref<1x1x2x125xi32, #tpu.memory_space<hbm>>
    %dma_start3A_34 = tpu.memref_squeeze %dma_start3A_33 : memref<1x1x2x125xi32, #tpu.memory_space<hbm>> -> memref<2x125xi32, #tpu.memory_space<hbm>>
    tpu.enqueue_dma source(%dma_start3A_34 : memref<2x125xi32, #tpu.memory_space<hbm>>) target(%arg9 : memref<2x125xi32, #tpu.memory_space<vmem>>) target_semaphore(%arg18 : memref<!tpu.dma_semaphore, #tpu.memory_space<semaphore_mem>>)
    %scan3A = arith.constant 0 : i32
    %scan3A_35 = arith.constant 0 : i32
    %scan3A_36 = arith.constant 19 : i32
    %scan3A_37 = arith.addi %scan3A_35, %scan3A_36 : i32
    %scan3A_38 = arith.constant 1 : i32
    scf.for %scan3A_104 = %scan3A_35 to %scan3A_37 step %scan3A_38  : i32 {
      %mul3A_105 = arith.constant 4 : i32
      %mul3A_106 = arith.muli %mul3A_105, %scan3A_104 : i32
      %dma_wait3A_107 = arith.constant 0 : i32
      %dma_wait3A_108 = arith.constant 0 : i32
      %dma_wait3A_109 = tpu.memref_slice %arg6[%dma_wait3A_107, %dma_wait3A_108] : memref<2x125xi32, #tpu.memory_space<vmem>> -> memref<1x125xi32, #tpu.memory_space<vmem>>
      %dma_wait3A_110 = tpu.memref_squeeze %dma_wait3A_109 : memref<1x125xi32, #tpu.memory_space<vmem>> -> memref<125xi32, #tpu.memory_space<vmem>>
      %dma_wait3A_111 = arith.constant 0 : i32
      %dma_wait3A_112 = arith.constant 0 : i32
      %dma_wait3A_113 = tpu.memref_slice %arg2[%dma_wait3A_111, %dma_wait3A_112] : memref<10000x128xbf16, #tpu.memory_space<hbm>> -> memref<10000x128xbf16, #tpu.memory_space<hbm>>
      tpu.wait_indirect_dma semaphore(%arg13 : memref<!tpu.dma_semaphore, #tpu.memory_space<semaphore_mem>>) src(%dma_wait3A_113 : memref<10000x128xbf16, #tpu.memory_space<hbm>>) dst(%arg10 : memref<125x128xbf16, #tpu.memory_space<vmem>>)
      %run_scoped3A_114 = arith.constant 1 : i32
      "tpu.region"() ({
        %run_scoped3A_251 = tpu.sem_alloc : memref<!tpu.dma_semaphore, #tpu.memory_space<semaphore_mem>>
        %dma_start3A_252 = arith.constant 0 : i32
        %dma_start3A_253 = tpu.memref_slice %arg6[%run_scoped3A_114, %dma_start3A_252] : memref<2x125xi32, #tpu.memory_space<vmem>> -> memref<1x125xi32, #tpu.memory_space<vmem>>
        %dma_start3A_254 = tpu.memref_squeeze %dma_start3A_253 : memref<1x125xi32, #tpu.memory_space<vmem>> -> memref<125xi32, #tpu.memory_space<vmem>>
        %dma_start3A_255 = arith.constant 0 : i32
        %dma_start3A_256 = arith.constant 0 : i32
        %dma_start3A_257 = tpu.memref_slice %arg12[%dma_start3A_255, %dma_start3A_256] : memref<10240x128xbf16, #tpu.memory_space<vmem_shared>> -> memref<10240x128xbf16, #tpu.memory_space<vmem_shared>>
        tpu.enqueue_indirect_dma source(%arg10 : memref<125x128xbf16, #tpu.memory_space<vmem>>) target(%dma_start3A_257 : memref<10240x128xbf16, #tpu.memory_space<vmem_shared>>) offsets(%dma_start3A_254 : memref<125xi32, #tpu.memory_space<vmem>>) semaphore(%run_scoped3A_251 : memref<!tpu.dma_semaphore, #tpu.memory_space<semaphore_mem>>) {add = true}
        %dma_wait3A_258 = arith.constant 0 : i32
        %dma_wait3A_259 = tpu.memref_slice %arg6[%run_scoped3A_114, %dma_wait3A_258] : memref<2x125xi32, #tpu.memory_space<vmem>> -> memref<1x125xi32, #tpu.memory_space<vmem>>
        %dma_wait3A_260 = tpu.memref_squeeze %dma_wait3A_259 : memref<1x125xi32, #tpu.memory_space<vmem>> -> memref<125xi32, #tpu.memory_space<vmem>>
        %dma_wait3A_261 = arith.constant 0 : i32
        %dma_wait3A_262 = arith.constant 0 : i32
        %dma_wait3A_263 = tpu.memref_slice %arg12[%dma_wait3A_261, %dma_wait3A_262] : memref<10240x128xbf16, #tpu.memory_space<vmem_shared>> -> memref<10240x128xbf16, #tpu.memory_space<vmem_shared>>
        tpu.wait_indirect_dma semaphore(%run_scoped3A_251 : memref<!tpu.dma_semaphore, #tpu.memory_space<semaphore_mem>>) src(%arg10 : memref<125x128xbf16, #tpu.memory_space<vmem>>) dst(%dma_wait3A_263 : memref<10240x128xbf16, #tpu.memory_space<vmem_shared>>)
        tpu.yield
      }) : () -> ()
      %add3A_115 = arith.constant 0 : i32
      %add3A_116 = arith.addi %mul3A_106, %add3A_115 : i32
      %add3A_117 = arith.constant 4 : i32
      %add3A_118 = arith.addi %add3A_116, %add3A_117 : i32
      %dma_start3A_119 = arith.constant 0 : i32
      %dma_start3A_120 = arith.constant 0 : i32
      %dma_start3A_121 = tpu.memref_slice %arg3[%add3A, %add3A_118, %dma_start3A_119, %dma_start3A_120] : memref<32x80x2x125xi32, #tpu.memory_space<hbm>> -> memref<1x1x2x125xi32, #tpu.memory_space<hbm>>
      %dma_start3A_122 = tpu.memref_squeeze %dma_start3A_121 : memref<1x1x2x125xi32, #tpu.memory_space<hbm>> -> memref<2x125xi32, #tpu.memory_space<hbm>>
      %dma_start3A_123 = arith.constant 0 : i32
      %dma_start3A_124 = arith.constant 0 : i32
      %dma_start3A_125 = tpu.memref_slice %arg3[%add3A, %add3A_118, %dma_start3A_123, %dma_start3A_124] : memref<32x80x2x125xi32, #tpu.memory_space<hbm>> -> memref<1x1x2x125xi32, #tpu.memory_space<hbm>>
      %dma_start3A_126 = tpu.memref_squeeze %dma_start3A_125 : memref<1x1x2x125xi32, #tpu.memory_space<hbm>> -> memref<2x125xi32, #tpu.memory_space<hbm>>
      tpu.enqueue_dma source(%dma_start3A_126 : memref<2x125xi32, #tpu.memory_space<hbm>>) target(%arg6 : memref<2x125xi32, #tpu.memory_space<vmem>>) target_semaphore(%arg15 : memref<!tpu.dma_semaphore, #tpu.memory_space<semaphore_mem>>)
      %dma_wait3A_127 = arith.constant 0 : i32
      %dma_wait3A_128 = arith.constant 0 : i32
      %dma_wait3A_129 = arith.constant 0 : i32
      %dma_wait3A_130 = tpu.memref_slice %arg3[%add3A, %dma_wait3A_127, %dma_wait3A_128, %dma_wait3A_129] : memref<32x80x2x125xi32, #tpu.memory_space<hbm>> -> memref<1x1x2x125xi32, #tpu.memory_space<hbm>>
      %dma_wait3A_131 = tpu.memref_squeeze %dma_wait3A_130 : memref<1x1x2x125xi32, #tpu.memory_space<hbm>> -> memref<2x125xi32, #tpu.memory_space<hbm>>
      %dma_wait3A_132 = arith.constant 0 : i32
      %dma_wait3A_133 = arith.constant 0 : i32
      %dma_wait3A_134 = tpu.memref_slice %arg3[%add3A, %dma_wait3A_127, %dma_wait3A_132, %dma_wait3A_133] : memref<32x80x2x125xi32, #tpu.memory_space<hbm>> -> memref<1x1x2x125xi32, #tpu.memory_space<hbm>>
      %dma_wait3A_135 = tpu.memref_squeeze %dma_wait3A_134 : memref<1x1x2x125xi32, #tpu.memory_space<hbm>> -> memref<2x125xi32, #tpu.memory_space<hbm>>
      tpu.wait_dma2 semaphore(%arg17 : memref<!tpu.dma_semaphore, #tpu.memory_space<semaphore_mem>>) src(%dma_wait3A_135 : memref<2x125xi32, #tpu.memory_space<hbm>>) dst(%arg8 : memref<2x125xi32, #tpu.memory_space<vmem>>)
      %dma_start3A_136 = arith.constant 0 : i32
      %dma_start3A_137 = arith.constant 0 : i32
      %dma_start3A_138 = tpu.memref_slice %arg8[%dma_start3A_136, %dma_start3A_137] : memref<2x125xi32, #tpu.memory_space<vmem>> -> memref<1x125xi32, #tpu.memory_space<vmem>>
      %dma_start3A_139 = tpu.memref_squeeze %dma_start3A_138 : memref<1x125xi32, #tpu.memory_space<vmem>> -> memref<125xi32, #tpu.memory_space<vmem>>
      %dma_start3A_140 = arith.constant 0 : i32
      %dma_start3A_141 = arith.constant 0 : i32
      %dma_start3A_142 = tpu.memref_slice %arg2[%dma_start3A_140, %dma_start3A_141] : memref<10000x128xbf16, #tpu.memory_space<hbm>> -> memref<10000x128xbf16, #tpu.memory_space<hbm>>
      tpu.enqueue_indirect_dma source(%dma_start3A_142 : memref<10000x128xbf16, #tpu.memory_space<hbm>>) target(%arg10 : memref<125x128xbf16, #tpu.memory_space<vmem>>) offsets(%dma_start3A_139 : memref<125xi32, #tpu.memory_space<vmem>>) semaphore(%arg13 : memref<!tpu.dma_semaphore, #tpu.memory_space<semaphore_mem>>)
      %dma_wait3A_143 = arith.constant 0 : i32
      %dma_wait3A_144 = arith.constant 0 : i32
      %dma_wait3A_145 = tpu.memref_slice %arg6[%dma_wait3A_143, %dma_wait3A_144] : memref<2x125xi32, #tpu.memory_space<vmem>> -> memref<1x125xi32, #tpu.memory_space<vmem>>
      %dma_wait3A_146 = tpu.memref_squeeze %dma_wait3A_145 : memref<1x125xi32, #tpu.memory_space<vmem>> -> memref<125xi32, #tpu.memory_space<vmem>>
      %dma_wait3A_147 = arith.constant 0 : i32
      %dma_wait3A_148 = arith.constant 0 : i32
      %dma_wait3A_149 = tpu.memref_slice %arg2[%dma_wait3A_147, %dma_wait3A_148] : memref<10000x128xbf16, #tpu.memory_space<hbm>> -> memref<10000x128xbf16, #tpu.memory_space<hbm>>
      tpu.wait_indirect_dma semaphore(%arg14 : memref<!tpu.dma_semaphore, #tpu.memory_space<semaphore_mem>>) src(%dma_wait3A_149 : memref<10000x128xbf16, #tpu.memory_space<hbm>>) dst(%arg11 : memref<125x128xbf16, #tpu.memory_space<vmem>>)
      %run_scoped3A_150 = arith.constant 1 : i32
      "tpu.region"() ({
        %run_scoped3A_251 = tpu.sem_alloc : memref<!tpu.dma_semaphore, #tpu.memory_space<semaphore_mem>>
        %dma_start3A_252 = arith.constant 0 : i32
        %dma_start3A_253 = tpu.memref_slice %arg7[%run_scoped3A_150, %dma_start3A_252] : memref<2x125xi32, #tpu.memory_space<vmem>> -> memref<1x125xi32, #tpu.memory_space<vmem>>
        %dma_start3A_254 = tpu.memref_squeeze %dma_start3A_253 : memref<1x125xi32, #tpu.memory_space<vmem>> -> memref<125xi32, #tpu.memory_space<vmem>>
        %dma_start3A_255 = arith.constant 0 : i32
        %dma_start3A_256 = arith.constant 0 : i32
        %dma_start3A_257 = tpu.memref_slice %arg12[%dma_start3A_255, %dma_start3A_256] : memref<10240x128xbf16, #tpu.memory_space<vmem_shared>> -> memref<10240x128xbf16, #tpu.memory_space<vmem_shared>>
        tpu.enqueue_indirect_dma source(%arg11 : memref<125x128xbf16, #tpu.memory_space<vmem>>) target(%dma_start3A_257 : memref<10240x128xbf16, #tpu.memory_space<vmem_shared>>) offsets(%dma_start3A_254 : memref<125xi32, #tpu.memory_space<vmem>>) semaphore(%run_scoped3A_251 : memref<!tpu.dma_semaphore, #tpu.memory_space<semaphore_mem>>) {add = true}
        %dma_wait3A_258 = arith.constant 0 : i32
        %dma_wait3A_259 = tpu.memref_slice %arg7[%run_scoped3A_150, %dma_wait3A_258] : memref<2x125xi32, #tpu.memory_space<vmem>> -> memref<1x125xi32, #tpu.memory_space<vmem>>
        %dma_wait3A_260 = tpu.memref_squeeze %dma_wait3A_259 : memref<1x125xi32, #tpu.memory_space<vmem>> -> memref<125xi32, #tpu.memory_space<vmem>>
        %dma_wait3A_261 = arith.constant 0 : i32
        %dma_wait3A_262 = arith.constant 0 : i32
        %dma_wait3A_263 = tpu.memref_slice %arg12[%dma_wait3A_261, %dma_wait3A_262] : memref<10240x128xbf16, #tpu.memory_space<vmem_shared>> -> memref<10240x128xbf16, #tpu.memory_space<vmem_shared>>
        tpu.wait_indirect_dma semaphore(%run_scoped3A_251 : memref<!tpu.dma_semaphore, #tpu.memory_space<semaphore_mem>>) src(%arg11 : memref<125x128xbf16, #tpu.memory_space<vmem>>) dst(%dma_wait3A_263 : memref<10240x128xbf16, #tpu.memory_space<vmem_shared>>)
        tpu.yield
      }) : () -> ()
      %add3A_151 = arith.constant 1 : i32
      %add3A_152 = arith.addi %mul3A_106, %add3A_151 : i32
      %add3A_153 = arith.constant 4 : i32
      %add3A_154 = arith.addi %add3A_152, %add3A_153 : i32
      %dma_start3A_155 = arith.constant 0 : i32
      %dma_start3A_156 = arith.constant 0 : i32
      %dma_start3A_157 = tpu.memref_slice %arg3[%add3A, %add3A_154, %dma_start3A_155, %dma_start3A_156] : memref<32x80x2x125xi32, #tpu.memory_space<hbm>> -> memref<1x1x2x125xi32, #tpu.memory_space<hbm>>
      %dma_start3A_158 = tpu.memref_squeeze %dma_start3A_157 : memref<1x1x2x125xi32, #tpu.memory_space<hbm>> -> memref<2x125xi32, #tpu.memory_space<hbm>>
      %dma_start3A_159 = arith.constant 0 : i32
      %dma_start3A_160 = arith.constant 0 : i32
      %dma_start3A_161 = tpu.memref_slice %arg3[%add3A, %add3A_154, %dma_start3A_159, %dma_start3A_160] : memref<32x80x2x125xi32, #tpu.memory_space<hbm>> -> memref<1x1x2x125xi32, #tpu.memory_space<hbm>>
      %dma_start3A_162 = tpu.memref_squeeze %dma_start3A_161 : memref<1x1x2x125xi32, #tpu.memory_space<hbm>> -> memref<2x125xi32, #tpu.memory_space<hbm>>
      tpu.enqueue_dma source(%dma_start3A_162 : memref<2x125xi32, #tpu.memory_space<hbm>>) target(%arg7 : memref<2x125xi32, #tpu.memory_space<vmem>>) target_semaphore(%arg16 : memref<!tpu.dma_semaphore, #tpu.memory_space<semaphore_mem>>)
      %dma_wait3A_163 = arith.constant 0 : i32
      %dma_wait3A_164 = arith.constant 0 : i32
      %dma_wait3A_165 = arith.constant 0 : i32
      %dma_wait3A_166 = tpu.memref_slice %arg3[%add3A, %dma_wait3A_163, %dma_wait3A_164, %dma_wait3A_165] : memref<32x80x2x125xi32, #tpu.memory_space<hbm>> -> memref<1x1x2x125xi32, #tpu.memory_space<hbm>>
      %dma_wait3A_167 = tpu.memref_squeeze %dma_wait3A_166 : memref<1x1x2x125xi32, #tpu.memory_space<hbm>> -> memref<2x125xi32, #tpu.memory_space<hbm>>
      %dma_wait3A_168 = arith.constant 0 : i32
      %dma_wait3A_169 = arith.constant 0 : i32
      %dma_wait3A_170 = tpu.memref_slice %arg3[%add3A, %dma_wait3A_163, %dma_wait3A_168, %dma_wait3A_169] : memref<32x80x2x125xi32, #tpu.memory_space<hbm>> -> memref<1x1x2x125xi32, #tpu.memory_space<hbm>>
      %dma_wait3A_171 = tpu.memref_squeeze %dma_wait3A_170 : memref<1x1x2x125xi32, #tpu.memory_space<hbm>> -> memref<2x125xi32, #tpu.memory_space<hbm>>
      tpu.wait_dma2 semaphore(%arg18 : memref<!tpu.dma_semaphore, #tpu.memory_space<semaphore_mem>>) src(%dma_wait3A_171 : memref<2x125xi32, #tpu.memory_space<hbm>>) dst(%arg9 : memref<2x125xi32, #tpu.memory_space<vmem>>)
      %dma_start3A_172 = arith.constant 0 : i32
      %dma_start3A_173 = arith.constant 0 : i32
      %dma_start3A_174 = tpu.memref_slice %arg9[%dma_start3A_172, %dma_start3A_173] : memref<2x125xi32, #tpu.memory_space<vmem>> -> memref<1x125xi32, #tpu.memory_space<vmem>>
      %dma_start3A_175 = tpu.memref_squeeze %dma_start3A_174 : memref<1x125xi32, #tpu.memory_space<vmem>> -> memref<125xi32, #tpu.memory_space<vmem>>
      %dma_start3A_176 = arith.constant 0 : i32
      %dma_start3A_177 = arith.constant 0 : i32
      %dma_start3A_178 = tpu.memref_slice %arg2[%dma_start3A_176, %dma_start3A_177] : memref<10000x128xbf16, #tpu.memory_space<hbm>> -> memref<10000x128xbf16, #tpu.memory_space<hbm>>
      tpu.enqueue_indirect_dma source(%dma_start3A_178 : memref<10000x128xbf16, #tpu.memory_space<hbm>>) target(%arg11 : memref<125x128xbf16, #tpu.memory_space<vmem>>) offsets(%dma_start3A_175 : memref<125xi32, #tpu.memory_space<vmem>>) semaphore(%arg14 : memref<!tpu.dma_semaphore, #tpu.memory_space<semaphore_mem>>)
      %dma_wait3A_179 = arith.constant 0 : i32
      %dma_wait3A_180 = arith.constant 0 : i32
      %dma_wait3A_181 = tpu.memref_slice %arg6[%dma_wait3A_179, %dma_wait3A_180] : memref<2x125xi32, #tpu.memory_space<vmem>> -> memref<1x125xi32, #tpu.memory_space<vmem>>
      %dma_wait3A_182 = tpu.memref_squeeze %dma_wait3A_181 : memref<1x125xi32, #tpu.memory_space<vmem>> -> memref<125xi32, #tpu.memory_space<vmem>>
      %dma_wait3A_183 = arith.constant 0 : i32
      %dma_wait3A_184 = arith.constant 0 : i32
      %dma_wait3A_185 = tpu.memref_slice %arg2[%dma_wait3A_183, %dma_wait3A_184] : memref<10000x128xbf16, #tpu.memory_space<hbm>> -> memref<10000x128xbf16, #tpu.memory_space<hbm>>
      tpu.wait_indirect_dma semaphore(%arg13 : memref<!tpu.dma_semaphore, #tpu.memory_space<semaphore_mem>>) src(%dma_wait3A_185 : memref<10000x128xbf16, #tpu.memory_space<hbm>>) dst(%arg10 : memref<125x128xbf16, #tpu.memory_space<vmem>>)
      %run_scoped3A_186 = arith.constant 1 : i32
      "tpu.region"() ({
        %run_scoped3A_251 = tpu.sem_alloc : memref<!tpu.dma_semaphore, #tpu.memory_space<semaphore_mem>>
        %dma_start3A_252 = arith.constant 0 : i32
        %dma_start3A_253 = tpu.memref_slice %arg8[%run_scoped3A_186, %dma_start3A_252] : memref<2x125xi32, #tpu.memory_space<vmem>> -> memref<1x125xi32, #tpu.memory_space<vmem>>
        %dma_start3A_254 = tpu.memref_squeeze %dma_start3A_253 : memref<1x125xi32, #tpu.memory_space<vmem>> -> memref<125xi32, #tpu.memory_space<vmem>>
        %dma_start3A_255 = arith.constant 0 : i32
        %dma_start3A_256 = arith.constant 0 : i32
        %dma_start3A_257 = tpu.memref_slice %arg12[%dma_start3A_255, %dma_start3A_256] : memref<10240x128xbf16, #tpu.memory_space<vmem_shared>> -> memref<10240x128xbf16, #tpu.memory_space<vmem_shared>>
        tpu.enqueue_indirect_dma source(%arg10 : memref<125x128xbf16, #tpu.memory_space<vmem>>) target(%dma_start3A_257 : memref<10240x128xbf16, #tpu.memory_space<vmem_shared>>) offsets(%dma_start3A_254 : memref<125xi32, #tpu.memory_space<vmem>>) semaphore(%run_scoped3A_251 : memref<!tpu.dma_semaphore, #tpu.memory_space<semaphore_mem>>) {add = true}
        %dma_wait3A_258 = arith.constant 0 : i32
        %dma_wait3A_259 = tpu.memref_slice %arg8[%run_scoped3A_186, %dma_wait3A_258] : memref<2x125xi32, #tpu.memory_space<vmem>> -> memref<1x125xi32, #tpu.memory_space<vmem>>
        %dma_wait3A_260 = tpu.memref_squeeze %dma_wait3A_259 : memref<1x125xi32, #tpu.memory_space<vmem>> -> memref<125xi32, #tpu.memory_space<vmem>>
        %dma_wait3A_261 = arith.constant 0 : i32
        %dma_wait3A_262 = arith.constant 0 : i32
        %dma_wait3A_263 = tpu.memref_slice %arg12[%dma_wait3A_261, %dma_wait3A_262] : memref<10240x128xbf16, #tpu.memory_space<vmem_shared>> -> memref<10240x128xbf16, #tpu.memory_space<vmem_shared>>
        tpu.wait_indirect_dma semaphore(%run_scoped3A_251 : memref<!tpu.dma_semaphore, #tpu.memory_space<semaphore_mem>>) src(%arg10 : memref<125x128xbf16, #tpu.memory_space<vmem>>) dst(%dma_wait3A_263 : memref<10240x128xbf16, #tpu.memory_space<vmem_shared>>)
        tpu.yield
      }) : () -> ()
      %add3A_187 = arith.constant 2 : i32
      %add3A_188 = arith.addi %mul3A_106, %add3A_187 : i32
      %add3A_189 = arith.constant 4 : i32
      %add3A_190 = arith.addi %add3A_188, %add3A_189 : i32
      %dma_start3A_191 = arith.constant 0 : i32
      %dma_start3A_192 = arith.constant 0 : i32
      %dma_start3A_193 = tpu.memref_slice %arg3[%add3A, %add3A_190, %dma_start3A_191, %dma_start3A_192] : memref<32x80x2x125xi32, #tpu.memory_space<hbm>> -> memref<1x1x2x125xi32, #tpu.memory_space<hbm>>
      %dma_start3A_194 = tpu.memref_squeeze %dma_start3A_193 : memref<1x1x2x125xi32, #tpu.memory_space<hbm>> -> memref<2x125xi32, #tpu.memory_space<hbm>>
      %dma_start3A_195 = arith.constant 0 : i32
      %dma_start3A_196 = arith.constant 0 : i32
      %dma_start3A_197 = tpu.memref_slice %arg3[%add3A, %add3A_190, %dma_start3A_195, %dma_start3A_196] : memref<32x80x2x125xi32, #tpu.memory_space<hbm>> -> memref<1x1x2x125xi32, #tpu.memory_space<hbm>>
      %dma_start3A_198 = tpu.memref_squeeze %dma_start3A_197 : memref<1x1x2x125xi32, #tpu.memory_space<hbm>> -> memref<2x125xi32, #tpu.memory_space<hbm>>
      tpu.enqueue_dma source(%dma_start3A_198 : memref<2x125xi32, #tpu.memory_space<hbm>>) target(%arg8 : memref<2x125xi32, #tpu.memory_space<vmem>>) target_semaphore(%arg17 : memref<!tpu.dma_semaphore, #tpu.memory_space<semaphore_mem>>)
      %dma_wait3A_199 = arith.constant 0 : i32
      %dma_wait3A_200 = arith.constant 0 : i32
      %dma_wait3A_201 = arith.constant 0 : i32
      %dma_wait3A_202 = tpu.memref_slice %arg3[%add3A, %dma_wait3A_199, %dma_wait3A_200, %dma_wait3A_201] : memref<32x80x2x125xi32, #tpu.memory_space<hbm>> -> memref<1x1x2x125xi32, #tpu.memory_space<hbm>>
      %dma_wait3A_203 = tpu.memref_squeeze %dma_wait3A_202 : memref<1x1x2x125xi32, #tpu.memory_space<hbm>> -> memref<2x125xi32, #tpu.memory_space<hbm>>
      %dma_wait3A_204 = arith.constant 0 : i32
      %dma_wait3A_205 = arith.constant 0 : i32
      %dma_wait3A_206 = tpu.memref_slice %arg3[%add3A, %dma_wait3A_199, %dma_wait3A_204, %dma_wait3A_205] : memref<32x80x2x125xi32, #tpu.memory_space<hbm>> -> memref<1x1x2x125xi32, #tpu.memory_space<hbm>>
      %dma_wait3A_207 = tpu.memref_squeeze %dma_wait3A_206 : memref<1x1x2x125xi32, #tpu.memory_space<hbm>> -> memref<2x125xi32, #tpu.memory_space<hbm>>
      tpu.wait_dma2 semaphore(%arg15 : memref<!tpu.dma_semaphore, #tpu.memory_space<semaphore_mem>>) src(%dma_wait3A_207 : memref<2x125xi32, #tpu.memory_space<hbm>>) dst(%arg6 : memref<2x125xi32, #tpu.memory_space<vmem>>)
      %dma_start3A_208 = arith.constant 0 : i32
      %dma_start3A_209 = arith.constant 0 : i32
      %dma_start3A_210 = tpu.memref_slice %arg6[%dma_start3A_208, %dma_start3A_209] : memref<2x125xi32, #tpu.memory_space<vmem>> -> memref<1x125xi32, #tpu.memory_space<vmem>>
      %dma_start3A_211 = tpu.memref_squeeze %dma_start3A_210 : memref<1x125xi32, #tpu.memory_space<vmem>> -> memref<125xi32, #tpu.memory_space<vmem>>
      %dma_start3A_212 = arith.constant 0 : i32
      %dma_start3A_213 = arith.constant 0 : i32
      %dma_start3A_214 = tpu.memref_slice %arg2[%dma_start3A_212, %dma_start3A_213] : memref<10000x128xbf16, #tpu.memory_space<hbm>> -> memref<10000x128xbf16, #tpu.memory_space<hbm>>
      tpu.enqueue_indirect_dma source(%dma_start3A_214 : memref<10000x128xbf16, #tpu.memory_space<hbm>>) target(%arg10 : memref<125x128xbf16, #tpu.memory_space<vmem>>) offsets(%dma_start3A_211 : memref<125xi32, #tpu.memory_space<vmem>>) semaphore(%arg13 : memref<!tpu.dma_semaphore, #tpu.memory_space<semaphore_mem>>)
      %dma_wait3A_215 = arith.constant 0 : i32
      %dma_wait3A_216 = arith.constant 0 : i32
      %dma_wait3A_217 = tpu.memref_slice %arg6[%dma_wait3A_215, %dma_wait3A_216] : memref<2x125xi32, #tpu.memory_space<vmem>> -> memref<1x125xi32, #tpu.memory_space<vmem>>
      %dma_wait3A_218 = tpu.memref_squeeze %dma_wait3A_217 : memref<1x125xi32, #tpu.memory_space<vmem>> -> memref<125xi32, #tpu.memory_space<vmem>>
      %dma_wait3A_219 = arith.constant 0 : i32
      %dma_wait3A_220 = arith.constant 0 : i32
      %dma_wait3A_221 = tpu.memref_slice %arg2[%dma_wait3A_219, %dma_wait3A_220] : memref<10000x128xbf16, #tpu.memory_space<hbm>> -> memref<10000x128xbf16, #tpu.memory_space<hbm>>
      tpu.wait_indirect_dma semaphore(%arg14 : memref<!tpu.dma_semaphore, #tpu.memory_space<semaphore_mem>>) src(%dma_wait3A_221 : memref<10000x128xbf16, #tpu.memory_space<hbm>>) dst(%arg11 : memref<125x128xbf16, #tpu.memory_space<vmem>>)
      %run_scoped3A_222 = arith.constant 1 : i32
      "tpu.region"() ({
        %run_scoped3A_251 = tpu.sem_alloc : memref<!tpu.dma_semaphore, #tpu.memory_space<semaphore_mem>>
        %dma_start3A_252 = arith.constant 0 : i32
        %dma_start3A_253 = tpu.memref_slice %arg9[%run_scoped3A_222, %dma_start3A_252] : memref<2x125xi32, #tpu.memory_space<vmem>> -> memref<1x125xi32, #tpu.memory_space<vmem>>
        %dma_start3A_254 = tpu.memref_squeeze %dma_start3A_253 : memref<1x125xi32, #tpu.memory_space<vmem>> -> memref<125xi32, #tpu.memory_space<vmem>>
        %dma_start3A_255 = arith.constant 0 : i32
        %dma_start3A_256 = arith.constant 0 : i32
        %dma_start3A_257 = tpu.memref_slice %arg12[%dma_start3A_255, %dma_start3A_256] : memref<10240x128xbf16, #tpu.memory_space<vmem_shared>> -> memref<10240x128xbf16, #tpu.memory_space<vmem_shared>>
        tpu.enqueue_indirect_dma source(%arg11 : memref<125x128xbf16, #tpu.memory_space<vmem>>) target(%dma_start3A_257 : memref<10240x128xbf16, #tpu.memory_space<vmem_shared>>) offsets(%dma_start3A_254 : memref<125xi32, #tpu.memory_space<vmem>>) semaphore(%run_scoped3A_251 : memref<!tpu.dma_semaphore, #tpu.memory_space<semaphore_mem>>) {add = true}
        %dma_wait3A_258 = arith.constant 0 : i32
        %dma_wait3A_259 = tpu.memref_slice %arg9[%run_scoped3A_222, %dma_wait3A_258] : memref<2x125xi32, #tpu.memory_space<vmem>> -> memref<1x125xi32, #tpu.memory_space<vmem>>
        %dma_wait3A_260 = tpu.memref_squeeze %dma_wait3A_259 : memref<1x125xi32, #tpu.memory_space<vmem>> -> memref<125xi32, #tpu.memory_space<vmem>>
        %dma_wait3A_261 = arith.constant 0 : i32
        %dma_wait3A_262 = arith.constant 0 : i32
        %dma_wait3A_263 = tpu.memref_slice %arg12[%dma_wait3A_261, %dma_wait3A_262] : memref<10240x128xbf16, #tpu.memory_space<vmem_shared>> -> memref<10240x128xbf16, #tpu.memory_space<vmem_shared>>
        tpu.wait_indirect_dma semaphore(%run_scoped3A_251 : memref<!tpu.dma_semaphore, #tpu.memory_space<semaphore_mem>>) src(%arg11 : memref<125x128xbf16, #tpu.memory_space<vmem>>) dst(%dma_wait3A_263 : memref<10240x128xbf16, #tpu.memory_space<vmem_shared>>)
        tpu.yield
      }) : () -> ()
      %add3A_223 = arith.constant 3 : i32
      %add3A_224 = arith.addi %mul3A_106, %add3A_223 : i32
      %add3A_225 = arith.constant 4 : i32
      %add3A_226 = arith.addi %add3A_224, %add3A_225 : i32
      %dma_start3A_227 = arith.constant 0 : i32
      %dma_start3A_228 = arith.constant 0 : i32
      %dma_start3A_229 = tpu.memref_slice %arg3[%add3A, %add3A_226, %dma_start3A_227, %dma_start3A_228] : memref<32x80x2x125xi32, #tpu.memory_space<hbm>> -> memref<1x1x2x125xi32, #tpu.memory_space<hbm>>
      %dma_start3A_230 = tpu.memref_squeeze %dma_start3A_229 : memref<1x1x2x125xi32, #tpu.memory_space<hbm>> -> memref<2x125xi32, #tpu.memory_space<hbm>>
      %dma_start3A_231 = arith.constant 0 : i32
      %dma_start3A_232 = arith.constant 0 : i32
      %dma_start3A_233 = tpu.memref_slice %arg3[%add3A, %add3A_226, %dma_start3A_231, %dma_start3A_232] : memref<32x80x2x125xi32, #tpu.memory_space<hbm>> -> memref<1x1x2x125xi32, #tpu.memory_space<hbm>>
      %dma_start3A_234 = tpu.memref_squeeze %dma_start3A_233 : memref<1x1x2x125xi32, #tpu.memory_space<hbm>> -> memref<2x125xi32, #tpu.memory_space<hbm>>
      tpu.enqueue_dma source(%dma_start3A_234 : memref<2x125xi32, #tpu.memory_space<hbm>>) target(%arg9 : memref<2x125xi32, #tpu.memory_space<vmem>>) target_semaphore(%arg18 : memref<!tpu.dma_semaphore, #tpu.memory_space<semaphore_mem>>)
      %dma_wait3A_235 = arith.constant 0 : i32
      %dma_wait3A_236 = arith.constant 0 : i32
      %dma_wait3A_237 = arith.constant 0 : i32
      %dma_wait3A_238 = tpu.memref_slice %arg3[%add3A, %dma_wait3A_235, %dma_wait3A_236, %dma_wait3A_237] : memref<32x80x2x125xi32, #tpu.memory_space<hbm>> -> memref<1x1x2x125xi32, #tpu.memory_space<hbm>>
      %dma_wait3A_239 = tpu.memref_squeeze %dma_wait3A_238 : memref<1x1x2x125xi32, #tpu.memory_space<hbm>> -> memref<2x125xi32, #tpu.memory_space<hbm>>
      %dma_wait3A_240 = arith.constant 0 : i32
      %dma_wait3A_241 = arith.constant 0 : i32
      %dma_wait3A_242 = tpu.memref_slice %arg3[%add3A, %dma_wait3A_235, %dma_wait3A_240, %dma_wait3A_241] : memref<32x80x2x125xi32, #tpu.memory_space<hbm>> -> memref<1x1x2x125xi32, #tpu.memory_space<hbm>>
      %dma_wait3A_243 = tpu.memref_squeeze %dma_wait3A_242 : memref<1x1x2x125xi32, #tpu.memory_space<hbm>> -> memref<2x125xi32, #tpu.memory_space<hbm>>
      tpu.wait_dma2 semaphore(%arg16 : memref<!tpu.dma_semaphore, #tpu.memory_space<semaphore_mem>>) src(%dma_wait3A_243 : memref<2x125xi32, #tpu.memory_space<hbm>>) dst(%arg7 : memref<2x125xi32, #tpu.memory_space<vmem>>)
      %dma_start3A_244 = arith.constant 0 : i32
      %dma_start3A_245 = arith.constant 0 : i32
      %dma_start3A_246 = tpu.memref_slice %arg7[%dma_start3A_244, %dma_start3A_245] : memref<2x125xi32, #tpu.memory_space<vmem>> -> memref<1x125xi32, #tpu.memory_space<vmem>>
      %dma_start3A_247 = tpu.memref_squeeze %dma_start3A_246 : memref<1x125xi32, #tpu.memory_space<vmem>> -> memref<125xi32, #tpu.memory_space<vmem>>
      %dma_start3A_248 = arith.constant 0 : i32
      %dma_start3A_249 = arith.constant 0 : i32
      %dma_start3A_250 = tpu.memref_slice %arg2[%dma_start3A_248, %dma_start3A_249] : memref<10000x128xbf16, #tpu.memory_space<hbm>> -> memref<10000x128xbf16, #tpu.memory_space<hbm>>
      tpu.enqueue_indirect_dma source(%dma_start3A_250 : memref<10000x128xbf16, #tpu.memory_space<hbm>>) target(%arg11 : memref<125x128xbf16, #tpu.memory_space<vmem>>) offsets(%dma_start3A_247 : memref<125xi32, #tpu.memory_space<vmem>>) semaphore(%arg14 : memref<!tpu.dma_semaphore, #tpu.memory_space<semaphore_mem>>)
    }
    %scan3A_39 = arith.constant 19 : i32
    %dma_wait3A = arith.constant 0 : i32
    %dma_wait3A_40 = arith.constant 0 : i32
    %dma_wait3A_41 = tpu.memref_slice %arg6[%dma_wait3A, %dma_wait3A_40] : memref<2x125xi32, #tpu.memory_space<vmem>> -> memref<1x125xi32, #tpu.memory_space<vmem>>
    %dma_wait3A_42 = tpu.memref_squeeze %dma_wait3A_41 : memref<1x125xi32, #tpu.memory_space<vmem>> -> memref<125xi32, #tpu.memory_space<vmem>>
    %dma_wait3A_43 = arith.constant 0 : i32
    %dma_wait3A_44 = arith.constant 0 : i32
    %dma_wait3A_45 = tpu.memref_slice %arg2[%dma_wait3A_43, %dma_wait3A_44] : memref<10000x128xbf16, #tpu.memory_space<hbm>> -> memref<10000x128xbf16, #tpu.memory_space<hbm>>
    tpu.wait_indirect_dma semaphore(%arg13 : memref<!tpu.dma_semaphore, #tpu.memory_space<semaphore_mem>>) src(%dma_wait3A_45 : memref<10000x128xbf16, #tpu.memory_space<hbm>>) dst(%arg10 : memref<125x128xbf16, #tpu.memory_space<vmem>>)
    %run_scoped3A_46 = arith.constant 1 : i32
    "tpu.region"() ({
      %run_scoped3A_104 = tpu.sem_alloc : memref<!tpu.dma_semaphore, #tpu.memory_space<semaphore_mem>>
      %dma_start3A_105 = arith.constant 0 : i32
      %dma_start3A_106 = tpu.memref_slice %arg6[%run_scoped3A_46, %dma_start3A_105] : memref<2x125xi32, #tpu.memory_space<vmem>> -> memref<1x125xi32, #tpu.memory_space<vmem>>
      %dma_start3A_107 = tpu.memref_squeeze %dma_start3A_106 : memref<1x125xi32, #tpu.memory_space<vmem>> -> memref<125xi32, #tpu.memory_space<vmem>>
      %dma_start3A_108 = arith.constant 0 : i32
      %dma_start3A_109 = arith.constant 0 : i32
      %dma_start3A_110 = tpu.memref_slice %arg12[%dma_start3A_108, %dma_start3A_109] : memref<10240x128xbf16, #tpu.memory_space<vmem_shared>> -> memref<10240x128xbf16, #tpu.memory_space<vmem_shared>>
      tpu.enqueue_indirect_dma source(%arg10 : memref<125x128xbf16, #tpu.memory_space<vmem>>) target(%dma_start3A_110 : memref<10240x128xbf16, #tpu.memory_space<vmem_shared>>) offsets(%dma_start3A_107 : memref<125xi32, #tpu.memory_space<vmem>>) semaphore(%run_scoped3A_104 : memref<!tpu.dma_semaphore, #tpu.memory_space<semaphore_mem>>) {add = true}
      %dma_wait3A_111 = arith.constant 0 : i32
      %dma_wait3A_112 = tpu.memref_slice %arg6[%run_scoped3A_46, %dma_wait3A_111] : memref<2x125xi32, #tpu.memory_space<vmem>> -> memref<1x125xi32, #tpu.memory_space<vmem>>
      %dma_wait3A_113 = tpu.memref_squeeze %dma_wait3A_112 : memref<1x125xi32, #tpu.memory_space<vmem>> -> memref<125xi32, #tpu.memory_space<vmem>>
      %dma_wait3A_114 = arith.constant 0 : i32
      %dma_wait3A_115 = arith.constant 0 : i32
      %dma_wait3A_116 = tpu.memref_slice %arg12[%dma_wait3A_114, %dma_wait3A_115] : memref<10240x128xbf16, #tpu.memory_space<vmem_shared>> -> memref<10240x128xbf16, #tpu.memory_space<vmem_shared>>
      tpu.wait_indirect_dma semaphore(%run_scoped3A_104 : memref<!tpu.dma_semaphore, #tpu.memory_space<semaphore_mem>>) src(%arg10 : memref<125x128xbf16, #tpu.memory_space<vmem>>) dst(%dma_wait3A_116 : memref<10240x128xbf16, #tpu.memory_space<vmem_shared>>)
      tpu.yield
    }) : () -> ()
    %dma_wait3A_47 = arith.constant 0 : i32
    %dma_wait3A_48 = arith.constant 0 : i32
    %dma_wait3A_49 = arith.constant 0 : i32
    %dma_wait3A_50 = tpu.memref_slice %arg3[%add3A, %dma_wait3A_47, %dma_wait3A_48, %dma_wait3A_49] : memref<32x80x2x125xi32, #tpu.memory_space<hbm>> -> memref<1x1x2x125xi32, #tpu.memory_space<hbm>>
    %dma_wait3A_51 = tpu.memref_squeeze %dma_wait3A_50 : memref<1x1x2x125xi32, #tpu.memory_space<hbm>> -> memref<2x125xi32, #tpu.memory_space<hbm>>
    %dma_wait3A_52 = arith.constant 0 : i32
    %dma_wait3A_53 = arith.constant 0 : i32
    %dma_wait3A_54 = tpu.memref_slice %arg3[%add3A, %dma_wait3A_47, %dma_wait3A_52, %dma_wait3A_53] : memref<32x80x2x125xi32, #tpu.memory_space<hbm>> -> memref<1x1x2x125xi32, #tpu.memory_space<hbm>>
    %dma_wait3A_55 = tpu.memref_squeeze %dma_wait3A_54 : memref<1x1x2x125xi32, #tpu.memory_space<hbm>> -> memref<2x125xi32, #tpu.memory_space<hbm>>
    tpu.wait_dma2 semaphore(%arg17 : memref<!tpu.dma_semaphore, #tpu.memory_space<semaphore_mem>>) src(%dma_wait3A_55 : memref<2x125xi32, #tpu.memory_space<hbm>>) dst(%arg8 : memref<2x125xi32, #tpu.memory_space<vmem>>)
    %dma_start3A_56 = arith.constant 0 : i32
    %dma_start3A_57 = arith.constant 0 : i32
    %dma_start3A_58 = tpu.memref_slice %arg8[%dma_start3A_56, %dma_start3A_57] : memref<2x125xi32, #tpu.memory_space<vmem>> -> memref<1x125xi32, #tpu.memory_space<vmem>>
    %dma_start3A_59 = tpu.memref_squeeze %dma_start3A_58 : memref<1x125xi32, #tpu.memory_space<vmem>> -> memref<125xi32, #tpu.memory_space<vmem>>
    %dma_start3A_60 = arith.constant 0 : i32
    %dma_start3A_61 = arith.constant 0 : i32
    %dma_start3A_62 = tpu.memref_slice %arg2[%dma_start3A_60, %dma_start3A_61] : memref<10000x128xbf16, #tpu.memory_space<hbm>> -> memref<10000x128xbf16, #tpu.memory_space<hbm>>
    tpu.enqueue_indirect_dma source(%dma_start3A_62 : memref<10000x128xbf16, #tpu.memory_space<hbm>>) target(%arg10 : memref<125x128xbf16, #tpu.memory_space<vmem>>) offsets(%dma_start3A_59 : memref<125xi32, #tpu.memory_space<vmem>>) semaphore(%arg13 : memref<!tpu.dma_semaphore, #tpu.memory_space<semaphore_mem>>)
    %dma_wait3A_63 = arith.constant 0 : i32
    %dma_wait3A_64 = arith.constant 0 : i32
    %dma_wait3A_65 = tpu.memref_slice %arg6[%dma_wait3A_63, %dma_wait3A_64] : memref<2x125xi32, #tpu.memory_space<vmem>> -> memref<1x125xi32, #tpu.memory_space<vmem>>
    %dma_wait3A_66 = tpu.memref_squeeze %dma_wait3A_65 : memref<1x125xi32, #tpu.memory_space<vmem>> -> memref<125xi32, #tpu.memory_space<vmem>>
    %dma_wait3A_67 = arith.constant 0 : i32
    %dma_wait3A_68 = arith.constant 0 : i32
    %dma_wait3A_69 = tpu.memref_slice %arg2[%dma_wait3A_67, %dma_wait3A_68] : memref<10000x128xbf16, #tpu.memory_space<hbm>> -> memref<10000x128xbf16, #tpu.memory_space<hbm>>
    tpu.wait_indirect_dma semaphore(%arg14 : memref<!tpu.dma_semaphore, #tpu.memory_space<semaphore_mem>>) src(%dma_wait3A_69 : memref<10000x128xbf16, #tpu.memory_space<hbm>>) dst(%arg11 : memref<125x128xbf16, #tpu.memory_space<vmem>>)
    %run_scoped3A_70 = arith.constant 1 : i32
    "tpu.region"() ({
      %run_scoped3A_104 = tpu.sem_alloc : memref<!tpu.dma_semaphore, #tpu.memory_space<semaphore_mem>>
      %dma_start3A_105 = arith.constant 0 : i32
      %dma_start3A_106 = tpu.memref_slice %arg7[%run_scoped3A_70, %dma_start3A_105] : memref<2x125xi32, #tpu.memory_space<vmem>> -> memref<1x125xi32, #tpu.memory_space<vmem>>
      %dma_start3A_107 = tpu.memref_squeeze %dma_start3A_106 : memref<1x125xi32, #tpu.memory_space<vmem>> -> memref<125xi32, #tpu.memory_space<vmem>>
      %dma_start3A_108 = arith.constant 0 : i32
      %dma_start3A_109 = arith.constant 0 : i32
      %dma_start3A_110 = tpu.memref_slice %arg12[%dma_start3A_108, %dma_start3A_109] : memref<10240x128xbf16, #tpu.memory_space<vmem_shared>> -> memref<10240x128xbf16, #tpu.memory_space<vmem_shared>>
      tpu.enqueue_indirect_dma source(%arg11 : memref<125x128xbf16, #tpu.memory_space<vmem>>) target(%dma_start3A_110 : memref<10240x128xbf16, #tpu.memory_space<vmem_shared>>) offsets(%dma_start3A_107 : memref<125xi32, #tpu.memory_space<vmem>>) semaphore(%run_scoped3A_104 : memref<!tpu.dma_semaphore, #tpu.memory_space<semaphore_mem>>) {add = true}
      %dma_wait3A_111 = arith.constant 0 : i32
      %dma_wait3A_112 = tpu.memref_slice %arg7[%run_scoped3A_70, %dma_wait3A_111] : memref<2x125xi32, #tpu.memory_space<vmem>> -> memref<1x125xi32, #tpu.memory_space<vmem>>
      %dma_wait3A_113 = tpu.memref_squeeze %dma_wait3A_112 : memref<1x125xi32, #tpu.memory_space<vmem>> -> memref<125xi32, #tpu.memory_space<vmem>>
      %dma_wait3A_114 = arith.constant 0 : i32
      %dma_wait3A_115 = arith.constant 0 : i32
      %dma_wait3A_116 = tpu.memref_slice %arg12[%dma_wait3A_114, %dma_wait3A_115] : memref<10240x128xbf16, #tpu.memory_space<vmem_shared>> -> memref<10240x128xbf16, #tpu.memory_space<vmem_shared>>
      tpu.wait_indirect_dma semaphore(%run_scoped3A_104 : memref<!tpu.dma_semaphore, #tpu.memory_space<semaphore_mem>>) src(%arg11 : memref<125x128xbf16, #tpu.memory_space<vmem>>) dst(%dma_wait3A_116 : memref<10240x128xbf16, #tpu.memory_space<vmem_shared>>)
      tpu.yield
    }) : () -> ()
    %dma_wait3A_71 = arith.constant 0 : i32
    %dma_wait3A_72 = arith.constant 0 : i32
    %dma_wait3A_73 = arith.constant 0 : i32
    %dma_wait3A_74 = tpu.memref_slice %arg3[%add3A, %dma_wait3A_71, %dma_wait3A_72, %dma_wait3A_73] : memref<32x80x2x125xi32, #tpu.memory_space<hbm>> -> memref<1x1x2x125xi32, #tpu.memory_space<hbm>>
    %dma_wait3A_75 = tpu.memref_squeeze %dma_wait3A_74 : memref<1x1x2x125xi32, #tpu.memory_space<hbm>> -> memref<2x125xi32, #tpu.memory_space<hbm>>
    %dma_wait3A_76 = arith.constant 0 : i32
    %dma_wait3A_77 = arith.constant 0 : i32
    %dma_wait3A_78 = tpu.memref_slice %arg3[%add3A, %dma_wait3A_71, %dma_wait3A_76, %dma_wait3A_77] : memref<32x80x2x125xi32, #tpu.memory_space<hbm>> -> memref<1x1x2x125xi32, #tpu.memory_space<hbm>>
    %dma_wait3A_79 = tpu.memref_squeeze %dma_wait3A_78 : memref<1x1x2x125xi32, #tpu.memory_space<hbm>> -> memref<2x125xi32, #tpu.memory_space<hbm>>
    tpu.wait_dma2 semaphore(%arg18 : memref<!tpu.dma_semaphore, #tpu.memory_space<semaphore_mem>>) src(%dma_wait3A_79 : memref<2x125xi32, #tpu.memory_space<hbm>>) dst(%arg9 : memref<2x125xi32, #tpu.memory_space<vmem>>)
    %dma_start3A_80 = arith.constant 0 : i32
    %dma_start3A_81 = arith.constant 0 : i32
    %dma_start3A_82 = tpu.memref_slice %arg9[%dma_start3A_80, %dma_start3A_81] : memref<2x125xi32, #tpu.memory_space<vmem>> -> memref<1x125xi32, #tpu.memory_space<vmem>>
    %dma_start3A_83 = tpu.memref_squeeze %dma_start3A_82 : memref<1x125xi32, #tpu.memory_space<vmem>> -> memref<125xi32, #tpu.memory_space<vmem>>
    %dma_start3A_84 = arith.constant 0 : i32
    %dma_start3A_85 = arith.constant 0 : i32
    %dma_start3A_86 = tpu.memref_slice %arg2[%dma_start3A_84, %dma_start3A_85] : memref<10000x128xbf16, #tpu.memory_space<hbm>> -> memref<10000x128xbf16, #tpu.memory_space<hbm>>
    tpu.enqueue_indirect_dma source(%dma_start3A_86 : memref<10000x128xbf16, #tpu.memory_space<hbm>>) target(%arg11 : memref<125x128xbf16, #tpu.memory_space<vmem>>) offsets(%dma_start3A_83 : memref<125xi32, #tpu.memory_space<vmem>>) semaphore(%arg14 : memref<!tpu.dma_semaphore, #tpu.memory_space<semaphore_mem>>)
    %dma_wait3A_87 = arith.constant 0 : i32
    %dma_wait3A_88 = arith.constant 0 : i32
    %dma_wait3A_89 = tpu.memref_slice %arg6[%dma_wait3A_87, %dma_wait3A_88] : memref<2x125xi32, #tpu.memory_space<vmem>> -> memref<1x125xi32, #tpu.memory_space<vmem>>
    %dma_wait3A_90 = tpu.memref_squeeze %dma_wait3A_89 : memref<1x125xi32, #tpu.memory_space<vmem>> -> memref<125xi32, #tpu.memory_space<vmem>>
    %dma_wait3A_91 = arith.constant 0 : i32
    %dma_wait3A_92 = arith.constant 0 : i32
    %dma_wait3A_93 = tpu.memref_slice %arg2[%dma_wait3A_91, %dma_wait3A_92] : memref<10000x128xbf16, #tpu.memory_space<hbm>> -> memref<10000x128xbf16, #tpu.memory_space<hbm>>
    tpu.wait_indirect_dma semaphore(%arg13 : memref<!tpu.dma_semaphore, #tpu.memory_space<semaphore_mem>>) src(%dma_wait3A_93 : memref<10000x128xbf16, #tpu.memory_space<hbm>>) dst(%arg10 : memref<125x128xbf16, #tpu.memory_space<vmem>>)
    %run_scoped3A_94 = arith.constant 1 : i32
    "tpu.region"() ({
      %run_scoped3A_104 = tpu.sem_alloc : memref<!tpu.dma_semaphore, #tpu.memory_space<semaphore_mem>>
      %dma_start3A_105 = arith.constant 0 : i32
      %dma_start3A_106 = tpu.memref_slice %arg8[%run_scoped3A_94, %dma_start3A_105] : memref<2x125xi32, #tpu.memory_space<vmem>> -> memref<1x125xi32, #tpu.memory_space<vmem>>
      %dma_start3A_107 = tpu.memref_squeeze %dma_start3A_106 : memref<1x125xi32, #tpu.memory_space<vmem>> -> memref<125xi32, #tpu.memory_space<vmem>>
      %dma_start3A_108 = arith.constant 0 : i32
      %dma_start3A_109 = arith.constant 0 : i32
      %dma_start3A_110 = tpu.memref_slice %arg12[%dma_start3A_108, %dma_start3A_109] : memref<10240x128xbf16, #tpu.memory_space<vmem_shared>> -> memref<10240x128xbf16, #tpu.memory_space<vmem_shared>>
      tpu.enqueue_indirect_dma source(%arg10 : memref<125x128xbf16, #tpu.memory_space<vmem>>) target(%dma_start3A_110 : memref<10240x128xbf16, #tpu.memory_space<vmem_shared>>) offsets(%dma_start3A_107 : memref<125xi32, #tpu.memory_space<vmem>>) semaphore(%run_scoped3A_104 : memref<!tpu.dma_semaphore, #tpu.memory_space<semaphore_mem>>) {add = true}
      %dma_wait3A_111 = arith.constant 0 : i32
      %dma_wait3A_112 = tpu.memref_slice %arg8[%run_scoped3A_94, %dma_wait3A_111] : memref<2x125xi32, #tpu.memory_space<vmem>> -> memref<1x125xi32, #tpu.memory_space<vmem>>
      %dma_wait3A_113 = tpu.memref_squeeze %dma_wait3A_112 : memref<1x125xi32, #tpu.memory_space<vmem>> -> memref<125xi32, #tpu.memory_space<vmem>>
      %dma_wait3A_114 = arith.constant 0 : i32
      %dma_wait3A_115 = arith.constant 0 : i32
      %dma_wait3A_116 = tpu.memref_slice %arg12[%dma_wait3A_114, %dma_wait3A_115] : memref<10240x128xbf16, #tpu.memory_space<vmem_shared>> -> memref<10240x128xbf16, #tpu.memory_space<vmem_shared>>
      tpu.wait_indirect_dma semaphore(%run_scoped3A_104 : memref<!tpu.dma_semaphore, #tpu.memory_space<semaphore_mem>>) src(%arg10 : memref<125x128xbf16, #tpu.memory_space<vmem>>) dst(%dma_wait3A_116 : memref<10240x128xbf16, #tpu.memory_space<vmem_shared>>)
      tpu.yield
    }) : () -> ()
    %dma_wait3A_95 = arith.constant 0 : i32
    %dma_wait3A_96 = arith.constant 0 : i32
    %dma_wait3A_97 = tpu.memref_slice %arg6[%dma_wait3A_95, %dma_wait3A_96] : memref<2x125xi32, #tpu.memory_space<vmem>> -> memref<1x125xi32, #tpu.memory_space<vmem>>
    %dma_wait3A_98 = tpu.memref_squeeze %dma_wait3A_97 : memref<1x125xi32, #tpu.memory_space<vmem>> -> memref<125xi32, #tpu.memory_space<vmem>>
    %dma_wait3A_99 = arith.constant 0 : i32
    %dma_wait3A_100 = arith.constant 0 : i32
    %dma_wait3A_101 = tpu.memref_slice %arg2[%dma_wait3A_99, %dma_wait3A_100] : memref<10000x128xbf16, #tpu.memory_space<hbm>> -> memref<10000x128xbf16, #tpu.memory_space<hbm>>
    tpu.wait_indirect_dma semaphore(%arg14 : memref<!tpu.dma_semaphore, #tpu.memory_space<semaphore_mem>>) src(%dma_wait3A_101 : memref<10000x128xbf16, #tpu.memory_space<hbm>>) dst(%arg11 : memref<125x128xbf16, #tpu.memory_space<vmem>>)
    %run_scoped3A_102 = arith.constant 1 : i32
    "tpu.region"() ({
      %run_scoped3A_104 = tpu.sem_alloc : memref<!tpu.dma_semaphore, #tpu.memory_space<semaphore_mem>>
      %dma_start3A_105 = arith.constant 0 : i32
      %dma_start3A_106 = tpu.memref_slice %arg9[%run_scoped3A_102, %dma_start3A_105] : memref<2x125xi32, #tpu.memory_space<vmem>> -> memref<1x125xi32, #tpu.memory_space<vmem>>
      %dma_start3A_107 = tpu.memref_squeeze %dma_start3A_106 : memref<1x125xi32, #tpu.memory_space<vmem>> -> memref<125xi32, #tpu.memory_space<vmem>>
      %dma_start3A_108 = arith.constant 0 : i32
      %dma_start3A_109 = arith.constant 0 : i32
      %dma_start3A_110 = tpu.memref_slice %arg12[%dma_start3A_108, %dma_start3A_109] : memref<10240x128xbf16, #tpu.memory_space<vmem_shared>> -> memref<10240x128xbf16, #tpu.memory_space<vmem_shared>>
      tpu.enqueue_indirect_dma source(%arg11 : memref<125x128xbf16, #tpu.memory_space<vmem>>) target(%dma_start3A_110 : memref<10240x128xbf16, #tpu.memory_space<vmem_shared>>) offsets(%dma_start3A_107 : memref<125xi32, #tpu.memory_space<vmem>>) semaphore(%run_scoped3A_104 : memref<!tpu.dma_semaphore, #tpu.memory_space<semaphore_mem>>) {add = true}
      %dma_wait3A_111 = arith.constant 0 : i32
      %dma_wait3A_112 = tpu.memref_slice %arg9[%run_scoped3A_102, %dma_wait3A_111] : memref<2x125xi32, #tpu.memory_space<vmem>> -> memref<1x125xi32, #tpu.memory_space<vmem>>
      %dma_wait3A_113 = tpu.memref_squeeze %dma_wait3A_112 : memref<1x125xi32, #tpu.memory_space<vmem>> -> memref<125xi32, #tpu.memory_space<vmem>>
      %dma_wait3A_114 = arith.constant 0 : i32
      %dma_wait3A_115 = arith.constant 0 : i32
      %dma_wait3A_116 = tpu.memref_slice %arg12[%dma_wait3A_114, %dma_wait3A_115] : memref<10240x128xbf16, #tpu.memory_space<vmem_shared>> -> memref<10240x128xbf16, #tpu.memory_space<vmem_shared>>
      tpu.wait_indirect_dma semaphore(%run_scoped3A_104 : memref<!tpu.dma_semaphore, #tpu.memory_space<semaphore_mem>>) src(%arg11 : memref<125x128xbf16, #tpu.memory_space<vmem>>) dst(%dma_wait3A_116 : memref<10240x128xbf16, #tpu.memory_space<vmem_shared>>)
      tpu.yield
    }) : () -> ()
    %barrier3A_103 = arith.constant 0 : index
    tpu.barrier barrier_id(%barrier3A_103)
    "tpu.region"() ({
      %run_scoped3A_104 = tpu.sem_alloc : memref<!tpu.dma_semaphore, #tpu.memory_space<semaphore_mem>>
      %dma_start3A_105 = arith.constant 0 : i32
      %dma_start3A_106 = tpu.memref_slice %arg5[%arg0, %mul3A_2, %dma_start3A_105] : memref<2x10240x128xbf16, #tpu.memory_space<hbm>> -> memref<1x640x128xbf16, #tpu.memory_space<hbm>>
      %dma_start3A_107 = tpu.memref_squeeze %dma_start3A_106 : memref<1x640x128xbf16, #tpu.memory_space<hbm>> -> memref<640x128xbf16, #tpu.memory_space<hbm>>
      %dma_start3A_108 = arith.constant 0 : i32
      %dma_start3A_109 = tpu.memref_slice %arg12[%mul3A_2, %dma_start3A_108] : memref<10240x128xbf16, #tpu.memory_space<vmem_shared>> -> memref<640x128xbf16, #tpu.memory_space<vmem_shared>>
      tpu.enqueue_dma source(%dma_start3A_109 : memref<640x128xbf16, #tpu.memory_space<vmem_shared>>) target(%dma_start3A_107 : memref<640x128xbf16, #tpu.memory_space<hbm>>) target_semaphore(%run_scoped3A_104 : memref<!tpu.dma_semaphore, #tpu.memory_space<semaphore_mem>>)
      %dma_wait3A_110 = arith.constant 0 : i32
      %dma_wait3A_111 = tpu.memref_slice %arg5[%arg0, %mul3A_2, %dma_wait3A_110] : memref<2x10240x128xbf16, #tpu.memory_space<hbm>> -> memref<1x640x128xbf16, #tpu.memory_space<hbm>>
      %dma_wait3A_112 = tpu.memref_squeeze %dma_wait3A_111 : memref<1x640x128xbf16, #tpu.memory_space<hbm>> -> memref<640x128xbf16, #tpu.memory_space<hbm>>
      %dma_wait3A_113 = arith.constant 0 : i32
      %dma_wait3A_114 = tpu.memref_slice %arg12[%mul3A_2, %dma_wait3A_113] : memref<10240x128xbf16, #tpu.memory_space<vmem_shared>> -> memref<640x128xbf16, #tpu.memory_space<vmem_shared>>
      tpu.wait_dma2 semaphore(%run_scoped3A_104 : memref<!tpu.dma_semaphore, #tpu.memory_space<semaphore_mem>>) src(%dma_wait3A_114 : memref<640x128xbf16, #tpu.memory_space<vmem_shared>>) dst(%dma_wait3A_112 : memref<640x128xbf16, #tpu.memory_space<hbm>>)
      tpu.yield
    }) : () -> ()
    return
  }
}

#map = affine_map<(d0, d1) -> (0, 0)>
#map1 = affine_map<(d0, d1) -> (0, 0, 0, 0)>
#map2 = affine_map<(d0, d1) -> (0, 0, 0)>
module attributes {stable_mosaic.version = 14 : i64} {
  func.func @k(%arg0: i32, %arg1: i32, %arg2: memref<10000x128xbf16, #tpu.memory_space<hbm>>, %arg3: memref<32x80x2x125xi32, #tpu.memory_space<hbm>>, %arg4: memref<640x128xbf16, #tpu.memory_space<hbm>>, %arg5: memref<2x10240x128xbf16, #tpu.memory_space<hbm>>, %arg6: memref<2x125xi32, #tpu.memory_space<vmem>>, %arg7: memref<2x125xi32, #tpu.memory_space<vmem>>, %arg8: memref<2x125xi32, #tpu.memory_space<vmem>>, %arg9: memref<2x125xi32, #tpu.memory_space<vmem>>, %arg10: memref<125x128xbf16, #tpu.memory_space<vmem>>, %arg11: memref<125x128xbf16, #tpu.memory_space<vmem>>, %arg12: memref<10240x128xbf16, #tpu.memory_space<vmem_shared>>, %arg13: memref<!tpu.dma_semaphore, #tpu.memory_space<semaphore_mem>>, %arg14: memref<!tpu.dma_semaphore, #tpu.memory_space<semaphore_mem>>, %arg15: memref<!tpu.dma_semaphore, #tpu.memory_space<semaphore_mem>>, %arg16: memref<!tpu.dma_semaphore, #tpu.memory_space<semaphore_mem>>, %arg17: memref<!tpu.dma_semaphore, #tpu.memory_space<semaphore_mem>>, %arg18: memref<!tpu.dma_semaphore, #tpu.memory_space<semaphore_mem>>) attributes {dimension_semantics = [#tpu.dimension_semantics<core_parallel>, #tpu.dimension_semantics<subcore_parallel>], iteration_bounds = array<i64: 2, 16>, scalar_prefetch = 0 : i64, scratch_operands = 13 : i64, tpu.core_type = #tpu.core_type<sc_vector_subcore>, window_params = [{transform_indices = #map}, {transform_indices = #map1}, {transform_indices = #map}, {transform_indices = #map2}]} {
    %mul3A = arith.constant 16 : i32
    %mul3A_0 = arith.muli %arg0, %mul3A : i32
    %add3A = arith.addi %mul3A_0, %arg1 : i32
    %mul3A_1 = arith.constant 640 : i32
    %mul3A_2 = arith.muli %arg1, %mul3A_1 : i32
    "tpu.region"() ({
      %run_scoped3A_104 = tpu.sem_alloc : memref<!tpu.dma_semaphore, #tpu.memory_space<semaphore_mem>>
      %dma_start3A_105 = arith.constant 0 : i32
      %dma_start3A_106 = tpu.memref_slice %arg12[%mul3A_2, %dma_start3A_105] : memref<10240x128xbf16, #tpu.memory_space<vmem_shared>> -> memref<640x128xbf16, #tpu.memory_space<vmem_shared>>
      tpu.enqueue_dma source(%arg4 : memref<640x128xbf16, #tpu.memory_space<hbm>>) target(%dma_start3A_106 : memref<640x128xbf16, #tpu.memory_space<vmem_shared>>) target_semaphore(%run_scoped3A_104 : memref<!tpu.dma_semaphore, #tpu.memory_space<semaphore_mem>>)
      %dma_wait3A_107 = arith.constant 0 : i32
      %dma_wait3A_108 = tpu.memref_slice %arg12[%mul3A_2, %dma_wait3A_107] : memref<10240x128xbf16, #tpu.memory_space<vmem_shared>> -> memref<640x128xbf16, #tpu.memory_space<vmem_shared>>
      tpu.wait_dma2 semaphore(%run_scoped3A_104 : memref<!tpu.dma_semaphore, #tpu.memory_space<semaphore_mem>>) src(%arg4 : memref<640x128xbf16, #tpu.memory_space<hbm>>) dst(%dma_wait3A_108 : memref<640x128xbf16, #tpu.memory_space<vmem_shared>>)
      tpu.yield
    }) : () -> ()
    %barrier3A = arith.constant 0 : index
    tpu.barrier barrier_id(%barrier3A)
    %run_scoped3A = arith.constant 0 : i32
    "tpu.region"() ({
      %run_scoped3A_104 = tpu.sem_alloc : memref<!tpu.dma_semaphore, #tpu.memory_space<semaphore_mem>>
      %dma_start3A_105 = arith.constant 0 : i32
      %dma_start3A_106 = arith.constant 0 : i32
      %dma_start3A_107 = tpu.memref_slice %arg3[%add3A, %run_scoped3A, %dma_start3A_105, %dma_start3A_106] : memref<32x80x2x125xi32, #tpu.memory_space<hbm>> -> memref<1x1x2x125xi32, #tpu.memory_space<hbm>>
      %dma_start3A_108 = tpu.memref_squeeze %dma_start3A_107 : memref<1x1x2x125xi32, #tpu.memory_space<hbm>> -> memref<2x125xi32, #tpu.memory_space<hbm>>
      %dma_start3A_109 = arith.constant 0 : i32
      %dma_start3A_110 = arith.constant 0 : i32
      %dma_start3A_111 = tpu.memref_slice %arg3[%add3A, %run_scoped3A, %dma_start3A_109, %dma_start3A_110] : memref<32x80x2x125xi32, #tpu.memory_space<hbm>> -> memref<1x1x2x125xi32, #tpu.memory_space<hbm>>
      %dma_start3A_112 = tpu.memref_squeeze %dma_start3A_111 : memref<1x1x2x125xi32, #tpu.memory_space<hbm>> -> memref<2x125xi32, #tpu.memory_space<hbm>>
      tpu.enqueue_dma source(%dma_start3A_112 : memref<2x125xi32, #tpu.memory_space<hbm>>) target(%arg6 : memref<2x125xi32, #tpu.memory_space<vmem>>) target_semaphore(%run_scoped3A_104 : memref<!tpu.dma_semaphore, #tpu.memory_space<semaphore_mem>>)
      %dma_wait3A_113 = arith.constant 0 : i32
      %dma_wait3A_114 = arith.constant 0 : i32
      %dma_wait3A_115 = tpu.memref_slice %arg3[%add3A, %run_scoped3A, %dma_wait3A_113, %dma_wait3A_114] : memref<32x80x2x125xi32, #tpu.memory_space<hbm>> -> memref<1x1x2x125xi32, #tpu.memory_space<hbm>>
      %dma_wait3A_116 = tpu.memref_squeeze %dma_wait3A_115 : memref<1x1x2x125xi32, #tpu.memory_space<hbm>> -> memref<2x125xi32, #tpu.memory_space<hbm>>
      %dma_wait3A_117 = arith.constant 0 : i32
      %dma_wait3A_118 = arith.constant 0 : i32
      %dma_wait3A_119 = tpu.memref_slice %arg3[%add3A, %run_scoped3A, %dma_wait3A_117, %dma_wait3A_118] : memref<32x80x2x125xi32, #tpu.memory_space<hbm>> -> memref<1x1x2x125xi32, #tpu.memory_space<hbm>>
      %dma_wait3A_120 = tpu.memref_squeeze %dma_wait3A_119 : memref<1x1x2x125xi32, #tpu.memory_space<hbm>> -> memref<2x125xi32, #tpu.memory_space<hbm>>
      tpu.wait_dma2 semaphore(%run_scoped3A_104 : memref<!tpu.dma_semaphore, #tpu.memory_space<semaphore_mem>>) src(%dma_wait3A_120 : memref<2x125xi32, #tpu.memory_space<hbm>>) dst(%arg6 : memref<2x125xi32, #tpu.memory_space<vmem>>)
      tpu.yield
    }) : () -> ()
    %run_scoped3A_3 = arith.constant 1 : i32
    "tpu.region"() ({
      %run_scoped3A_104 = tpu.sem_alloc : memref<!tpu.dma_semaphore, #tpu.memory_space<semaphore_mem>>
      %dma_start3A_105 = arith.constant 0 : i32
      %dma_start3A_106 = arith.constant 0 : i32
      %dma_start3A_107 = tpu.memref_slice %arg3[%add3A, %run_scoped3A_3, %dma_start3A_105, %dma_start3A_106] : memref<32x80x2x125xi32, #tpu.memory_space<hbm>> -> memref<1x1x2x125xi32, #tpu.memory_space<hbm>>
      %dma_start3A_108 = tpu.memref_squeeze %dma_start3A_107 : memref<1x1x2x125xi32, #tpu.memory_space<hbm>> -> memref<2x125xi32, #tpu.memory_space<hbm>>
      %dma_start3A_109 = arith.constant 0 : i32
      %dma_start3A_110 = arith.constant 0 : i32
      %dma_start3A_111 = tpu.memref_slice %arg3[%add3A, %run_scoped3A_3, %dma_start3A_109, %dma_start3A_110] : memref<32x80x2x125xi32, #tpu.memory_space<hbm>> -> memref<1x1x2x125xi32, #tpu.memory_space<hbm>>
      %dma_start3A_112 = tpu.memref_squeeze %dma_start3A_111 : memref<1x1x2x125xi32, #tpu.memory_space<hbm>> -> memref<2x125xi32, #tpu.memory_space<hbm>>
      tpu.enqueue_dma source(%dma_start3A_112 : memref<2x125xi32, #tpu.memory_space<hbm>>) target(%arg7 : memref<2x125xi32, #tpu.memory_space<vmem>>) target_semaphore(%run_scoped3A_104 : memref<!tpu.dma_semaphore, #tpu.memory_space<semaphore_mem>>)
      %dma_wait3A_113 = arith.constant 0 : i32
      %dma_wait3A_114 = arith.constant 0 : i32
      %dma_wait3A_115 = tpu.memref_slice %arg3[%add3A, %run_scoped3A_3, %dma_wait3A_113, %dma_wait3A_114] : memref<32x80x2x125xi32, #tpu.memory_space<hbm>> -> memref<1x1x2x125xi32, #tpu.memory_space<hbm>>
      %dma_wait3A_116 = tpu.memref_squeeze %dma_wait3A_115 : memref<1x1x2x125xi32, #tpu.memory_space<hbm>> -> memref<2x125xi32, #tpu.memory_space<hbm>>
      %dma_wait3A_117 = arith.constant 0 : i32
      %dma_wait3A_118 = arith.constant 0 : i32
      %dma_wait3A_119 = tpu.memref_slice %arg3[%add3A, %run_scoped3A_3, %dma_wait3A_117, %dma_wait3A_118] : memref<32x80x2x125xi32, #tpu.memory_space<hbm>> -> memref<1x1x2x125xi32, #tpu.memory_space<hbm>>
      %dma_wait3A_120 = tpu.memref_squeeze %dma_wait3A_119 : memref<1x1x2x125xi32, #tpu.memory_space<hbm>> -> memref<2x125xi32, #tpu.memory_space<hbm>>
      tpu.wait_dma2 semaphore(%run_scoped3A_104 : memref<!tpu.dma_semaphore, #tpu.memory_space<semaphore_mem>>) src(%dma_wait3A_120 : memref<2x125xi32, #tpu.memory_space<hbm>>) dst(%arg7 : memref<2x125xi32, #tpu.memory_space<vmem>>)
      tpu.yield
    }) : () -> ()
    %dma_start3A = arith.constant 0 : i32
    %dma_start3A_4 = arith.constant 0 : i32
    %dma_start3A_5 = tpu.memref_slice %arg6[%dma_start3A, %dma_start3A_4] : memref<2x125xi32, #tpu.memory_space<vmem>> -> memref<1x125xi32, #tpu.memory_space<vmem>>
    %dma_start3A_6 = tpu.memref_squeeze %dma_start3A_5 : memref<1x125xi32, #tpu.memory_space<vmem>> -> memref<125xi32, #tpu.memory_space<vmem>>
    %dma_start3A_7 = arith.constant 0 : i32
    %dma_start3A_8 = arith.constant 0 : i32
    %dma_start3A_9 = tpu.memref_slice %arg2[%dma_start3A_7, %dma_start3A_8] : memref<10000x128xbf16, #tpu.memory_space<hbm>> -> memref<10000x128xbf16, #tpu.memory_space<hbm>>
    tpu.enqueue_indirect_dma source(%dma_start3A_9 : memref<10000x128xbf16, #tpu.memory_space<hbm>>) target(%arg10 : memref<125x128xbf16, #tpu.memory_space<vmem>>) offsets(%dma_start3A_6 : memref<125xi32, #tpu.memory_space<vmem>>) semaphore(%arg13 : memref<!tpu.dma_semaphore, #tpu.memory_space<semaphore_mem>>)
    %dma_start3A_10 = arith.constant 0 : i32
    %dma_start3A_11 = arith.constant 0 : i32
    %dma_start3A_12 = tpu.memref_slice %arg7[%dma_start3A_10, %dma_start3A_11] : memref<2x125xi32, #tpu.memory_space<vmem>> -> memref<1x125xi32, #tpu.memory_space<vmem>>
    %dma_start3A_13 = tpu.memref_squeeze %dma_start3A_12 : memref<1x125xi32, #tpu.memory_space<vmem>> -> memref<125xi32, #tpu.memory_space<vmem>>
    %dma_start3A_14 = arith.constant 0 : i32
    %dma_start3A_15 = arith.constant 0 : i32
    %dma_start3A_16 = tpu.memref_slice %arg2[%dma_start3A_14, %dma_start3A_15] : memref<10000x128xbf16, #tpu.memory_space<hbm>> -> memref<10000x128xbf16, #tpu.memory_space<hbm>>
    tpu.enqueue_indirect_dma source(%dma_start3A_16 : memref<10000x128xbf16, #tpu.memory_space<hbm>>) target(%arg11 : memref<125x128xbf16, #tpu.memory_space<vmem>>) offsets(%dma_start3A_13 : memref<125xi32, #tpu.memory_space<vmem>>) semaphore(%arg14 : memref<!tpu.dma_semaphore, #tpu.memory_space<semaphore_mem>>)
    %dma_start3A_17 = arith.constant 2 : i32
    %dma_start3A_18 = arith.constant 0 : i32
    %dma_start3A_19 = arith.constant 0 : i32
    %dma_start3A_20 = tpu.memref_slice %arg3[%add3A, %dma_start3A_17, %dma_start3A_18, %dma_start3A_19] : memref<32x80x2x125xi32, #tpu.memory_space<hbm>> -> memref<1x1x2x125xi32, #tpu.memory_space<hbm>>
    %dma_start3A_21 = tpu.memref_squeeze %dma_start3A_20 : memref<1x1x2x125xi32, #tpu.memory_space<hbm>> -> memref<2x125xi32, #tpu.memory_space<hbm>>
    %dma_start3A_22 = arith.constant 0 : i32
    %dma_start3A_23 = arith.constant 0 : i32
    %dma_start3A_24 = tpu.memref_slice %arg3[%add3A, %dma_start3A_17, %dma_start3A_22, %dma_start3A_23] : memref<32x80x2x125xi32, #tpu.memory_space<hbm>> -> memref<1x1x2x125xi32, #tpu.memory_space<hbm>>
    %dma_start3A_25 = tpu.memref_squeeze %dma_start3A_24 : memref<1x1x2x125xi32, #tpu.memory_space<hbm>> -> memref<2x125xi32, #tpu.memory_space<hbm>>
    tpu.enqueue_dma source(%dma_start3A_25 : memref<2x125xi32, #tpu.memory_space<hbm>>) target(%arg8 : memref<2x125xi32, #tpu.memory_space<vmem>>) target_semaphore(%arg17 : memref<!tpu.dma_semaphore, #tpu.memory_space<semaphore_mem>>)
    %dma_start3A_26 = arith.constant 3 : i32
    %dma_start3A_27 = arith.constant 0 : i32
    %dma_start3A_28 = arith.constant 0 : i32
    %dma_start3A_29 = tpu.memref_slice %arg3[%add3A, %dma_start3A_26, %dma_start3A_27, %dma_start3A_28] : memref<32x80x2x125xi32, #tpu.memory_space<hbm>> -> memref<1x1x2x125xi32, #tpu.memory_space<hbm>>
    %dma_start3A_30 = tpu.memref_squeeze %dma_start3A_29 : memref<1x1x2x125xi32, #tpu.memory_space<hbm>> -> memref<2x125xi32, #tpu.memory_space<hbm>>
    %dma_start3A_31 = arith.constant 0 : i32
    %dma_start3A_32 = arith.constant 0 : i32
    %dma_start3A_33 = tpu.memref_slice %arg3[%add3A, %dma_start3A_26, %dma_start3A_31, %dma_start3A_32] : memref<32x80x2x125xi32, #tpu.memory_space<hbm>> -> memref<1x1x2x125xi32, #tpu.memory_space<hbm>>
    %dma_start3A_34 = tpu.memref_squeeze %dma_start3A_33 : memref<1x1x2x125xi32, #tpu.memory_space<hbm>> -> memref<2x125xi32, #tpu.memory_space<hbm>>
    tpu.enqueue_dma source(%dma_start3A_34 : memref<2x125xi32, #tpu.memory_space<hbm>>) target(%arg9 : memref<2x125xi32, #tpu.memory_space<vmem>>) target_semaphore(%arg18 : memref<!tpu.dma_semaphore, #tpu.memory_space<semaphore_mem>>)
    %scan3A = arith.constant 0 : i32
    %scan3A_35 = arith.constant 0 : i32
    %scan3A_36 = arith.constant 19 : i32
    %scan3A_37 = arith.addi %scan3A_35, %scan3A_36 : i32
    %scan3A_38 = arith.constant 1 : i32
    scf.for %scan3A_104 = %scan3A_35 to %scan3A_37 step %scan3A_38  : i32 {
      %mul3A_105 = arith.constant 4 : i32
      %mul3A_106 = arith.muli %mul3A_105, %scan3A_104 : i32
      %dma_wait3A_107 = arith.constant 0 : i32
      %dma_wait3A_108 = arith.constant 0 : i32
      %dma_wait3A_109 = tpu.memref_slice %arg6[%dma_wait3A_107, %dma_wait3A_108] : memref<2x125xi32, #tpu.memory_space<vmem>> -> memref<1x125xi32, #tpu.memory_space<vmem>>
      %dma_wait3A_110 = tpu.memref_squeeze %dma_wait3A_109 : memref<1x125xi32, #tpu.memory_space<vmem>> -> memref<125xi32, #tpu.memory_space<vmem>>
      %dma_wait3A_111 = arith.constant 0 : i32
      %dma_wait3A_112 = arith.constant 0 : i32
      %dma_wait3A_113 = tpu.memref_slice %arg2[%dma_wait3A_111, %dma_wait3A_112] : memref<10000x128xbf16, #tpu.memory_space<hbm>> -> memref<10000x128xbf16, #tpu.memory_space<hbm>>
      tpu.wait_indirect_dma semaphore(%arg13 : memref<!tpu.dma_semaphore, #tpu.memory_space<semaphore_mem>>) src(%dma_wait3A_113 : memref<10000x128xbf16, #tpu.memory_space<hbm>>) dst(%arg10 : memref<125x128xbf16, #tpu.memory_space<vmem>>)
      %run_scoped3A_114 = arith.constant 1 : i32
      "tpu.region"() ({
        %run_scoped3A_251 = tpu.sem_alloc : memref<!tpu.dma_semaphore, #tpu.memory_space<semaphore_mem>>
        %dma_start3A_252 = arith.constant 0 : i32
        %dma_start3A_253 = tpu.memref_slice %arg6[%run_scoped3A_114, %dma_start3A_252] : memref<2x125xi32, #tpu.memory_space<vmem>> -> memref<1x125xi32, #tpu.memory_space<vmem>>
        %dma_start3A_254 = tpu.memref_squeeze %dma_start3A_253 : memref<1x125xi32, #tpu.memory_space<vmem>> -> memref<125xi32, #tpu.memory_space<vmem>>
        %dma_start3A_255 = arith.constant 0 : i32
        %dma_start3A_256 = arith.constant 0 : i32
        %dma_start3A_257 = tpu.memref_slice %arg12[%dma_start3A_255, %dma_start3A_256] : memref<10240x128xbf16, #tpu.memory_space<vmem_shared>> -> memref<10240x128xbf16, #tpu.memory_space<vmem_shared>>
        tpu.enqueue_indirect_dma source(%arg10 : memref<125x128xbf16, #tpu.memory_space<vmem>>) target(%dma_start3A_257 : memref<10240x128xbf16, #tpu.memory_space<vmem_shared>>) offsets(%dma_start3A_254 : memref<125xi32, #tpu.memory_space<vmem>>) semaphore(%run_scoped3A_251 : memref<!tpu.dma_semaphore, #tpu.memory_space<semaphore_mem>>) {add = true}
        %dma_wait3A_258 = arith.constant 0 : i32
        %dma_wait3A_259 = tpu.memref_slice %arg6[%run_scoped3A_114, %dma_wait3A_258] : memref<2x125xi32, #tpu.memory_space<vmem>> -> memref<1x125xi32, #tpu.memory_space<vmem>>
        %dma_wait3A_260 = tpu.memref_squeeze %dma_wait3A_259 : memref<1x125xi32, #tpu.memory_space<vmem>> -> memref<125xi32, #tpu.memory_space<vmem>>
        %dma_wait3A_261 = arith.constant 0 : i32
        %dma_wait3A_262 = arith.constant 0 : i32
        %dma_wait3A_263 = tpu.memref_slice %arg12[%dma_wait3A_261, %dma_wait3A_262] : memref<10240x128xbf16, #tpu.memory_space<vmem_shared>> -> memref<10240x128xbf16, #tpu.memory_space<vmem_shared>>
        tpu.wait_indirect_dma semaphore(%run_scoped3A_251 : memref<!tpu.dma_semaphore, #tpu.memory_space<semaphore_mem>>) src(%arg10 : memref<125x128xbf16, #tpu.memory_space<vmem>>) dst(%dma_wait3A_263 : memref<10240x128xbf16, #tpu.memory_space<vmem_shared>>)
        tpu.yield
      }) : () -> ()
      %add3A_115 = arith.constant 0 : i32
      %add3A_116 = arith.addi %mul3A_106, %add3A_115 : i32
      %add3A_117 = arith.constant 4 : i32
      %add3A_118 = arith.addi %add3A_116, %add3A_117 : i32
      %dma_start3A_119 = arith.constant 0 : i32
      %dma_start3A_120 = arith.constant 0 : i32
      %dma_start3A_121 = tpu.memref_slice %arg3[%add3A, %add3A_118, %dma_start3A_119, %dma_start3A_120] : memref<32x80x2x125xi32, #tpu.memory_space<hbm>> -> memref<1x1x2x125xi32, #tpu.memory_space<hbm>>
      %dma_start3A_122 = tpu.memref_squeeze %dma_start3A_121 : memref<1x1x2x125xi32, #tpu.memory_space<hbm>> -> memref<2x125xi32, #tpu.memory_space<hbm>>
      %dma_start3A_123 = arith.constant 0 : i32
      %dma_start3A_124 = arith.constant 0 : i32
      %dma_start3A_125 = tpu.memref_slice %arg3[%add3A, %add3A_118, %dma_start3A_123, %dma_start3A_124] : memref<32x80x2x125xi32, #tpu.memory_space<hbm>> -> memref<1x1x2x125xi32, #tpu.memory_space<hbm>>
      %dma_start3A_126 = tpu.memref_squeeze %dma_start3A_125 : memref<1x1x2x125xi32, #tpu.memory_space<hbm>> -> memref<2x125xi32, #tpu.memory_space<hbm>>
      tpu.enqueue_dma source(%dma_start3A_126 : memref<2x125xi32, #tpu.memory_space<hbm>>) target(%arg6 : memref<2x125xi32, #tpu.memory_space<vmem>>) target_semaphore(%arg15 : memref<!tpu.dma_semaphore, #tpu.memory_space<semaphore_mem>>)
      %dma_wait3A_127 = arith.constant 0 : i32
      %dma_wait3A_128 = arith.constant 0 : i32
      %dma_wait3A_129 = arith.constant 0 : i32
      %dma_wait3A_130 = tpu.memref_slice %arg3[%add3A, %dma_wait3A_127, %dma_wait3A_128, %dma_wait3A_129] : memref<32x80x2x125xi32, #tpu.memory_space<hbm>> -> memref<1x1x2x125xi32, #tpu.memory_space<hbm>>
      %dma_wait3A_131 = tpu.memref_squeeze %dma_wait3A_130 : memref<1x1x2x125xi32, #tpu.memory_space<hbm>> -> memref<2x125xi32, #tpu.memory_space<hbm>>
      %dma_wait3A_132 = arith.constant 0 : i32
      %dma_wait3A_133 = arith.constant 0 : i32
      %dma_wait3A_134 = tpu.memref_slice %arg3[%add3A, %dma_wait3A_127, %dma_wait3A_132, %dma_wait3A_133] : memref<32x80x2x125xi32, #tpu.memory_space<hbm>> -> memref<1x1x2x125xi32, #tpu.memory_space<hbm>>
      %dma_wait3A_135 = tpu.memref_squeeze %dma_wait3A_134 : memref<1x1x2x125xi32, #tpu.memory_space<hbm>> -> memref<2x125xi32, #tpu.memory_space<hbm>>
      tpu.wait_dma2 semaphore(%arg17 : memref<!tpu.dma_semaphore, #tpu.memory_space<semaphore_mem>>) src(%dma_wait3A_135 : memref<2x125xi32, #tpu.memory_space<hbm>>) dst(%arg8 : memref<2x125xi32, #tpu.memory_space<vmem>>)
      %dma_start3A_136 = arith.constant 0 : i32
      %dma_start3A_137 = arith.constant 0 : i32
      %dma_start3A_138 = tpu.memref_slice %arg8[%dma_start3A_136, %dma_start3A_137] : memref<2x125xi32, #tpu.memory_space<vmem>> -> memref<1x125xi32, #tpu.memory_space<vmem>>
      %dma_start3A_139 = tpu.memref_squeeze %dma_start3A_138 : memref<1x125xi32, #tpu.memory_space<vmem>> -> memref<125xi32, #tpu.memory_space<vmem>>
      %dma_start3A_140 = arith.constant 0 : i32
      %dma_start3A_141 = arith.constant 0 : i32
      %dma_start3A_142 = tpu.memref_slice %arg2[%dma_start3A_140, %dma_start3A_141] : memref<10000x128xbf16, #tpu.memory_space<hbm>> -> memref<10000x128xbf16, #tpu.memory_space<hbm>>
      tpu.enqueue_indirect_dma source(%dma_start3A_142 : memref<10000x128xbf16, #tpu.memory_space<hbm>>) target(%arg10 : memref<125x128xbf16, #tpu.memory_space<vmem>>) offsets(%dma_start3A_139 : memref<125xi32, #tpu.memory_space<vmem>>) semaphore(%arg13 : memref<!tpu.dma_semaphore, #tpu.memory_space<semaphore_mem>>)
      %dma_wait3A_143 = arith.constant 0 : i32
      %dma_wait3A_144 = arith.constant 0 : i32
      %dma_wait3A_145 = tpu.memref_slice %arg6[%dma_wait3A_143, %dma_wait3A_144] : memref<2x125xi32, #tpu.memory_space<vmem>> -> memref<1x125xi32, #tpu.memory_space<vmem>>
      %dma_wait3A_146 = tpu.memref_squeeze %dma_wait3A_145 : memref<1x125xi32, #tpu.memory_space<vmem>> -> memref<125xi32, #tpu.memory_space<vmem>>
      %dma_wait3A_147 = arith.constant 0 : i32
      %dma_wait3A_148 = arith.constant 0 : i32
      %dma_wait3A_149 = tpu.memref_slice %arg2[%dma_wait3A_147, %dma_wait3A_148] : memref<10000x128xbf16, #tpu.memory_space<hbm>> -> memref<10000x128xbf16, #tpu.memory_space<hbm>>
      tpu.wait_indirect_dma semaphore(%arg14 : memref<!tpu.dma_semaphore, #tpu.memory_space<semaphore_mem>>) src(%dma_wait3A_149 : memref<10000x128xbf16, #tpu.memory_space<hbm>>) dst(%arg11 : memref<125x128xbf16, #tpu.memory_space<vmem>>)
      %run_scoped3A_150 = arith.constant 1 : i32
      "tpu.region"() ({
        %run_scoped3A_251 = tpu.sem_alloc : memref<!tpu.dma_semaphore, #tpu.memory_space<semaphore_mem>>
        %dma_start3A_252 = arith.constant 0 : i32
        %dma_start3A_253 = tpu.memref_slice %arg7[%run_scoped3A_150, %dma_start3A_252] : memref<2x125xi32, #tpu.memory_space<vmem>> -> memref<1x125xi32, #tpu.memory_space<vmem>>
        %dma_start3A_254 = tpu.memref_squeeze %dma_start3A_253 : memref<1x125xi32, #tpu.memory_space<vmem>> -> memref<125xi32, #tpu.memory_space<vmem>>
        %dma_start3A_255 = arith.constant 0 : i32
        %dma_start3A_256 = arith.constant 0 : i32
        %dma_start3A_257 = tpu.memref_slice %arg12[%dma_start3A_255, %dma_start3A_256] : memref<10240x128xbf16, #tpu.memory_space<vmem_shared>> -> memref<10240x128xbf16, #tpu.memory_space<vmem_shared>>
        tpu.enqueue_indirect_dma source(%arg11 : memref<125x128xbf16, #tpu.memory_space<vmem>>) target(%dma_start3A_257 : memref<10240x128xbf16, #tpu.memory_space<vmem_shared>>) offsets(%dma_start3A_254 : memref<125xi32, #tpu.memory_space<vmem>>) semaphore(%run_scoped3A_251 : memref<!tpu.dma_semaphore, #tpu.memory_space<semaphore_mem>>) {add = true}
        %dma_wait3A_258 = arith.constant 0 : i32
        %dma_wait3A_259 = tpu.memref_slice %arg7[%run_scoped3A_150, %dma_wait3A_258] : memref<2x125xi32, #tpu.memory_space<vmem>> -> memref<1x125xi32, #tpu.memory_space<vmem>>
        %dma_wait3A_260 = tpu.memref_squeeze %dma_wait3A_259 : memref<1x125xi32, #tpu.memory_space<vmem>> -> memref<125xi32, #tpu.memory_space<vmem>>
        %dma_wait3A_261 = arith.constant 0 : i32
        %dma_wait3A_262 = arith.constant 0 : i32
        %dma_wait3A_263 = tpu.memref_slice %arg12[%dma_wait3A_261, %dma_wait3A_262] : memref<10240x128xbf16, #tpu.memory_space<vmem_shared>> -> memref<10240x128xbf16, #tpu.memory_space<vmem_shared>>
        tpu.wait_indirect_dma semaphore(%run_scoped3A_251 : memref<!tpu.dma_semaphore, #tpu.memory_space<semaphore_mem>>) src(%arg11 : memref<125x128xbf16, #tpu.memory_space<vmem>>) dst(%dma_wait3A_263 : memref<10240x128xbf16, #tpu.memory_space<vmem_shared>>)
        tpu.yield
      }) : () -> ()
      %add3A_151 = arith.constant 1 : i32
      %add3A_152 = arith.addi %mul3A_106, %add3A_151 : i32
      %add3A_153 = arith.constant 4 : i32
      %add3A_154 = arith.addi %add3A_152, %add3A_153 : i32
      %dma_start3A_155 = arith.constant 0 : i32
      %dma_start3A_156 = arith.constant 0 : i32
      %dma_start3A_157 = tpu.memref_slice %arg3[%add3A, %add3A_154, %dma_start3A_155, %dma_start3A_156] : memref<32x80x2x125xi32, #tpu.memory_space<hbm>> -> memref<1x1x2x125xi32, #tpu.memory_space<hbm>>
      %dma_start3A_158 = tpu.memref_squeeze %dma_start3A_157 : memref<1x1x2x125xi32, #tpu.memory_space<hbm>> -> memref<2x125xi32, #tpu.memory_space<hbm>>
      %dma_start3A_159 = arith.constant 0 : i32
      %dma_start3A_160 = arith.constant 0 : i32
      %dma_start3A_161 = tpu.memref_slice %arg3[%add3A, %add3A_154, %dma_start3A_159, %dma_start3A_160] : memref<32x80x2x125xi32, #tpu.memory_space<hbm>> -> memref<1x1x2x125xi32, #tpu.memory_space<hbm>>
      %dma_start3A_162 = tpu.memref_squeeze %dma_start3A_161 : memref<1x1x2x125xi32, #tpu.memory_space<hbm>> -> memref<2x125xi32, #tpu.memory_space<hbm>>
      tpu.enqueue_dma source(%dma_start3A_162 : memref<2x125xi32, #tpu.memory_space<hbm>>) target(%arg7 : memref<2x125xi32, #tpu.memory_space<vmem>>) target_semaphore(%arg16 : memref<!tpu.dma_semaphore, #tpu.memory_space<semaphore_mem>>)
      %dma_wait3A_163 = arith.constant 0 : i32
      %dma_wait3A_164 = arith.constant 0 : i32
      %dma_wait3A_165 = arith.constant 0 : i32
      %dma_wait3A_166 = tpu.memref_slice %arg3[%add3A, %dma_wait3A_163, %dma_wait3A_164, %dma_wait3A_165] : memref<32x80x2x125xi32, #tpu.memory_space<hbm>> -> memref<1x1x2x125xi32, #tpu.memory_space<hbm>>
      %dma_wait3A_167 = tpu.memref_squeeze %dma_wait3A_166 : memref<1x1x2x125xi32, #tpu.memory_space<hbm>> -> memref<2x125xi32, #tpu.memory_space<hbm>>
      %dma_wait3A_168 = arith.constant 0 : i32
      %dma_wait3A_169 = arith.constant 0 : i32
      %dma_wait3A_170 = tpu.memref_slice %arg3[%add3A, %dma_wait3A_163, %dma_wait3A_168, %dma_wait3A_169] : memref<32x80x2x125xi32, #tpu.memory_space<hbm>> -> memref<1x1x2x125xi32, #tpu.memory_space<hbm>>
      %dma_wait3A_171 = tpu.memref_squeeze %dma_wait3A_170 : memref<1x1x2x125xi32, #tpu.memory_space<hbm>> -> memref<2x125xi32, #tpu.memory_space<hbm>>
      tpu.wait_dma2 semaphore(%arg18 : memref<!tpu.dma_semaphore, #tpu.memory_space<semaphore_mem>>) src(%dma_wait3A_171 : memref<2x125xi32, #tpu.memory_space<hbm>>) dst(%arg9 : memref<2x125xi32, #tpu.memory_space<vmem>>)
      %dma_start3A_172 = arith.constant 0 : i32
      %dma_start3A_173 = arith.constant 0 : i32
      %dma_start3A_174 = tpu.memref_slice %arg9[%dma_start3A_172, %dma_start3A_173] : memref<2x125xi32, #tpu.memory_space<vmem>> -> memref<1x125xi32, #tpu.memory_space<vmem>>
      %dma_start3A_175 = tpu.memref_squeeze %dma_start3A_174 : memref<1x125xi32, #tpu.memory_space<vmem>> -> memref<125xi32, #tpu.memory_space<vmem>>
      %dma_start3A_176 = arith.constant 0 : i32
      %dma_start3A_177 = arith.constant 0 : i32
      %dma_start3A_178 = tpu.memref_slice %arg2[%dma_start3A_176, %dma_start3A_177] : memref<10000x128xbf16, #tpu.memory_space<hbm>> -> memref<10000x128xbf16, #tpu.memory_space<hbm>>
      tpu.enqueue_indirect_dma source(%dma_start3A_178 : memref<10000x128xbf16, #tpu.memory_space<hbm>>) target(%arg11 : memref<125x128xbf16, #tpu.memory_space<vmem>>) offsets(%dma_start3A_175 : memref<125xi32, #tpu.memory_space<vmem>>) semaphore(%arg14 : memref<!tpu.dma_semaphore, #tpu.memory_space<semaphore_mem>>)
      %dma_wait3A_179 = arith.constant 0 : i32
      %dma_wait3A_180 = arith.constant 0 : i32
      %dma_wait3A_181 = tpu.memref_slice %arg6[%dma_wait3A_179, %dma_wait3A_180] : memref<2x125xi32, #tpu.memory_space<vmem>> -> memref<1x125xi32, #tpu.memory_space<vmem>>
      %dma_wait3A_182 = tpu.memref_squeeze %dma_wait3A_181 : memref<1x125xi32, #tpu.memory_space<vmem>> -> memref<125xi32, #tpu.memory_space<vmem>>
      %dma_wait3A_183 = arith.constant 0 : i32
      %dma_wait3A_184 = arith.constant 0 : i32
      %dma_wait3A_185 = tpu.memref_slice %arg2[%dma_wait3A_183, %dma_wait3A_184] : memref<10000x128xbf16, #tpu.memory_space<hbm>> -> memref<10000x128xbf16, #tpu.memory_space<hbm>>
      tpu.wait_indirect_dma semaphore(%arg13 : memref<!tpu.dma_semaphore, #tpu.memory_space<semaphore_mem>>) src(%dma_wait3A_185 : memref<10000x128xbf16, #tpu.memory_space<hbm>>) dst(%arg10 : memref<125x128xbf16, #tpu.memory_space<vmem>>)
      %run_scoped3A_186 = arith.constant 1 : i32
      "tpu.region"() ({
        %run_scoped3A_251 = tpu.sem_alloc : memref<!tpu.dma_semaphore, #tpu.memory_space<semaphore_mem>>
        %dma_start3A_252 = arith.constant 0 : i32
        %dma_start3A_253 = tpu.memref_slice %arg8[%run_scoped3A_186, %dma_start3A_252] : memref<2x125xi32, #tpu.memory_space<vmem>> -> memref<1x125xi32, #tpu.memory_space<vmem>>
        %dma_start3A_254 = tpu.memref_squeeze %dma_start3A_253 : memref<1x125xi32, #tpu.memory_space<vmem>> -> memref<125xi32, #tpu.memory_space<vmem>>
        %dma_start3A_255 = arith.constant 0 : i32
        %dma_start3A_256 = arith.constant 0 : i32
        %dma_start3A_257 = tpu.memref_slice %arg12[%dma_start3A_255, %dma_start3A_256] : memref<10240x128xbf16, #tpu.memory_space<vmem_shared>> -> memref<10240x128xbf16, #tpu.memory_space<vmem_shared>>
        tpu.enqueue_indirect_dma source(%arg10 : memref<125x128xbf16, #tpu.memory_space<vmem>>) target(%dma_start3A_257 : memref<10240x128xbf16, #tpu.memory_space<vmem_shared>>) offsets(%dma_start3A_254 : memref<125xi32, #tpu.memory_space<vmem>>) semaphore(%run_scoped3A_251 : memref<!tpu.dma_semaphore, #tpu.memory_space<semaphore_mem>>) {add = true}
        %dma_wait3A_258 = arith.constant 0 : i32
        %dma_wait3A_259 = tpu.memref_slice %arg8[%run_scoped3A_186, %dma_wait3A_258] : memref<2x125xi32, #tpu.memory_space<vmem>> -> memref<1x125xi32, #tpu.memory_space<vmem>>
        %dma_wait3A_260 = tpu.memref_squeeze %dma_wait3A_259 : memref<1x125xi32, #tpu.memory_space<vmem>> -> memref<125xi32, #tpu.memory_space<vmem>>
        %dma_wait3A_261 = arith.constant 0 : i32
        %dma_wait3A_262 = arith.constant 0 : i32
        %dma_wait3A_263 = tpu.memref_slice %arg12[%dma_wait3A_261, %dma_wait3A_262] : memref<10240x128xbf16, #tpu.memory_space<vmem_shared>> -> memref<10240x128xbf16, #tpu.memory_space<vmem_shared>>
        tpu.wait_indirect_dma semaphore(%run_scoped3A_251 : memref<!tpu.dma_semaphore, #tpu.memory_space<semaphore_mem>>) src(%arg10 : memref<125x128xbf16, #tpu.memory_space<vmem>>) dst(%dma_wait3A_263 : memref<10240x128xbf16, #tpu.memory_space<vmem_shared>>)
        tpu.yield
      }) : () -> ()
      %add3A_187 = arith.constant 2 : i32
      %add3A_188 = arith.addi %mul3A_106, %add3A_187 : i32
      %add3A_189 = arith.constant 4 : i32
      %add3A_190 = arith.addi %add3A_188, %add3A_189 : i32
      %dma_start3A_191 = arith.constant 0 : i32
      %dma_start3A_192 = arith.constant 0 : i32
      %dma_start3A_193 = tpu.memref_slice %arg3[%add3A, %add3A_190, %dma_start3A_191, %dma_start3A_192] : memref<32x80x2x125xi32, #tpu.memory_space<hbm>> -> memref<1x1x2x125xi32, #tpu.memory_space<hbm>>
      %dma_start3A_194 = tpu.memref_squeeze %dma_start3A_193 : memref<1x1x2x125xi32, #tpu.memory_space<hbm>> -> memref<2x125xi32, #tpu.memory_space<hbm>>
      %dma_start3A_195 = arith.constant 0 : i32
      %dma_start3A_196 = arith.constant 0 : i32
      %dma_start3A_197 = tpu.memref_slice %arg3[%add3A, %add3A_190, %dma_start3A_195, %dma_start3A_196] : memref<32x80x2x125xi32, #tpu.memory_space<hbm>> -> memref<1x1x2x125xi32, #tpu.memory_space<hbm>>
      %dma_start3A_198 = tpu.memref_squeeze %dma_start3A_197 : memref<1x1x2x125xi32, #tpu.memory_space<hbm>> -> memref<2x125xi32, #tpu.memory_space<hbm>>
      tpu.enqueue_dma source(%dma_start3A_198 : memref<2x125xi32, #tpu.memory_space<hbm>>) target(%arg8 : memref<2x125xi32, #tpu.memory_space<vmem>>) target_semaphore(%arg17 : memref<!tpu.dma_semaphore, #tpu.memory_space<semaphore_mem>>)
      %dma_wait3A_199 = arith.constant 0 : i32
      %dma_wait3A_200 = arith.constant 0 : i32
      %dma_wait3A_201 = arith.constant 0 : i32
      %dma_wait3A_202 = tpu.memref_slice %arg3[%add3A, %dma_wait3A_199, %dma_wait3A_200, %dma_wait3A_201] : memref<32x80x2x125xi32, #tpu.memory_space<hbm>> -> memref<1x1x2x125xi32, #tpu.memory_space<hbm>>
      %dma_wait3A_203 = tpu.memref_squeeze %dma_wait3A_202 : memref<1x1x2x125xi32, #tpu.memory_space<hbm>> -> memref<2x125xi32, #tpu.memory_space<hbm>>
      %dma_wait3A_204 = arith.constant 0 : i32
      %dma_wait3A_205 = arith.constant 0 : i32
      %dma_wait3A_206 = tpu.memref_slice %arg3[%add3A, %dma_wait3A_199, %dma_wait3A_204, %dma_wait3A_205] : memref<32x80x2x125xi32, #tpu.memory_space<hbm>> -> memref<1x1x2x125xi32, #tpu.memory_space<hbm>>
      %dma_wait3A_207 = tpu.memref_squeeze %dma_wait3A_206 : memref<1x1x2x125xi32, #tpu.memory_space<hbm>> -> memref<2x125xi32, #tpu.memory_space<hbm>>
      tpu.wait_dma2 semaphore(%arg15 : memref<!tpu.dma_semaphore, #tpu.memory_space<semaphore_mem>>) src(%dma_wait3A_207 : memref<2x125xi32, #tpu.memory_space<hbm>>) dst(%arg6 : memref<2x125xi32, #tpu.memory_space<vmem>>)
      %dma_start3A_208 = arith.constant 0 : i32
      %dma_start3A_209 = arith.constant 0 : i32
      %dma_start3A_210 = tpu.memref_slice %arg6[%dma_start3A_208, %dma_start3A_209] : memref<2x125xi32, #tpu.memory_space<vmem>> -> memref<1x125xi32, #tpu.memory_space<vmem>>
      %dma_start3A_211 = tpu.memref_squeeze %dma_start3A_210 : memref<1x125xi32, #tpu.memory_space<vmem>> -> memref<125xi32, #tpu.memory_space<vmem>>
      %dma_start3A_212 = arith.constant 0 : i32
      %dma_start3A_213 = arith.constant 0 : i32
      %dma_start3A_214 = tpu.memref_slice %arg2[%dma_start3A_212, %dma_start3A_213] : memref<10000x128xbf16, #tpu.memory_space<hbm>> -> memref<10000x128xbf16, #tpu.memory_space<hbm>>
      tpu.enqueue_indirect_dma source(%dma_start3A_214 : memref<10000x128xbf16, #tpu.memory_space<hbm>>) target(%arg10 : memref<125x128xbf16, #tpu.memory_space<vmem>>) offsets(%dma_start3A_211 : memref<125xi32, #tpu.memory_space<vmem>>) semaphore(%arg13 : memref<!tpu.dma_semaphore, #tpu.memory_space<semaphore_mem>>)
      %dma_wait3A_215 = arith.constant 0 : i32
      %dma_wait3A_216 = arith.constant 0 : i32
      %dma_wait3A_217 = tpu.memref_slice %arg6[%dma_wait3A_215, %dma_wait3A_216] : memref<2x125xi32, #tpu.memory_space<vmem>> -> memref<1x125xi32, #tpu.memory_space<vmem>>
      %dma_wait3A_218 = tpu.memref_squeeze %dma_wait3A_217 : memref<1x125xi32, #tpu.memory_space<vmem>> -> memref<125xi32, #tpu.memory_space<vmem>>
      %dma_wait3A_219 = arith.constant 0 : i32
      %dma_wait3A_220 = arith.constant 0 : i32
      %dma_wait3A_221 = tpu.memref_slice %arg2[%dma_wait3A_219, %dma_wait3A_220] : memref<10000x128xbf16, #tpu.memory_space<hbm>> -> memref<10000x128xbf16, #tpu.memory_space<hbm>>
      tpu.wait_indirect_dma semaphore(%arg14 : memref<!tpu.dma_semaphore, #tpu.memory_space<semaphore_mem>>) src(%dma_wait3A_221 : memref<10000x128xbf16, #tpu.memory_space<hbm>>) dst(%arg11 : memref<125x128xbf16, #tpu.memory_space<vmem>>)
      %run_scoped3A_222 = arith.constant 1 : i32
      "tpu.region"() ({
        %run_scoped3A_251 = tpu.sem_alloc : memref<!tpu.dma_semaphore, #tpu.memory_space<semaphore_mem>>
        %dma_start3A_252 = arith.constant 0 : i32
        %dma_start3A_253 = tpu.memref_slice %arg9[%run_scoped3A_222, %dma_start3A_252] : memref<2x125xi32, #tpu.memory_space<vmem>> -> memref<1x125xi32, #tpu.memory_space<vmem>>
        %dma_start3A_254 = tpu.memref_squeeze %dma_start3A_253 : memref<1x125xi32, #tpu.memory_space<vmem>> -> memref<125xi32, #tpu.memory_space<vmem>>
        %dma_start3A_255 = arith.constant 0 : i32
        %dma_start3A_256 = arith.constant 0 : i32
        %dma_start3A_257 = tpu.memref_slice %arg12[%dma_start3A_255, %dma_start3A_256] : memref<10240x128xbf16, #tpu.memory_space<vmem_shared>> -> memref<10240x128xbf16, #tpu.memory_space<vmem_shared>>
        tpu.enqueue_indirect_dma source(%arg11 : memref<125x128xbf16, #tpu.memory_space<vmem>>) target(%dma_start3A_257 : memref<10240x128xbf16, #tpu.memory_space<vmem_shared>>) offsets(%dma_start3A_254 : memref<125xi32, #tpu.memory_space<vmem>>) semaphore(%run_scoped3A_251 : memref<!tpu.dma_semaphore, #tpu.memory_space<semaphore_mem>>) {add = true}
        %dma_wait3A_258 = arith.constant 0 : i32
        %dma_wait3A_259 = tpu.memref_slice %arg9[%run_scoped3A_222, %dma_wait3A_258] : memref<2x125xi32, #tpu.memory_space<vmem>> -> memref<1x125xi32, #tpu.memory_space<vmem>>
        %dma_wait3A_260 = tpu.memref_squeeze %dma_wait3A_259 : memref<1x125xi32, #tpu.memory_space<vmem>> -> memref<125xi32, #tpu.memory_space<vmem>>
        %dma_wait3A_261 = arith.constant 0 : i32
        %dma_wait3A_262 = arith.constant 0 : i32
        %dma_wait3A_263 = tpu.memref_slice %arg12[%dma_wait3A_261, %dma_wait3A_262] : memref<10240x128xbf16, #tpu.memory_space<vmem_shared>> -> memref<10240x128xbf16, #tpu.memory_space<vmem_shared>>
        tpu.wait_indirect_dma semaphore(%run_scoped3A_251 : memref<!tpu.dma_semaphore, #tpu.memory_space<semaphore_mem>>) src(%arg11 : memref<125x128xbf16, #tpu.memory_space<vmem>>) dst(%dma_wait3A_263 : memref<10240x128xbf16, #tpu.memory_space<vmem_shared>>)
        tpu.yield
      }) : () -> ()
      %add3A_223 = arith.constant 3 : i32
      %add3A_224 = arith.addi %mul3A_106, %add3A_223 : i32
      %add3A_225 = arith.constant 4 : i32
      %add3A_226 = arith.addi %add3A_224, %add3A_225 : i32
      %dma_start3A_227 = arith.constant 0 : i32
      %dma_start3A_228 = arith.constant 0 : i32
      %dma_start3A_229 = tpu.memref_slice %arg3[%add3A, %add3A_226, %dma_start3A_227, %dma_start3A_228] : memref<32x80x2x125xi32, #tpu.memory_space<hbm>> -> memref<1x1x2x125xi32, #tpu.memory_space<hbm>>
      %dma_start3A_230 = tpu.memref_squeeze %dma_start3A_229 : memref<1x1x2x125xi32, #tpu.memory_space<hbm>> -> memref<2x125xi32, #tpu.memory_space<hbm>>
      %dma_start3A_231 = arith.constant 0 : i32
      %dma_start3A_232 = arith.constant 0 : i32
      %dma_start3A_233 = tpu.memref_slice %arg3[%add3A, %add3A_226, %dma_start3A_231, %dma_start3A_232] : memref<32x80x2x125xi32, #tpu.memory_space<hbm>> -> memref<1x1x2x125xi32, #tpu.memory_space<hbm>>
      %dma_start3A_234 = tpu.memref_squeeze %dma_start3A_233 : memref<1x1x2x125xi32, #tpu.memory_space<hbm>> -> memref<2x125xi32, #tpu.memory_space<hbm>>
      tpu.enqueue_dma source(%dma_start3A_234 : memref<2x125xi32, #tpu.memory_space<hbm>>) target(%arg9 : memref<2x125xi32, #tpu.memory_space<vmem>>) target_semaphore(%arg18 : memref<!tpu.dma_semaphore, #tpu.memory_space<semaphore_mem>>)
      %dma_wait3A_235 = arith.constant 0 : i32
      %dma_wait3A_236 = arith.constant 0 : i32
      %dma_wait3A_237 = arith.constant 0 : i32
      %dma_wait3A_238 = tpu.memref_slice %arg3[%add3A, %dma_wait3A_235, %dma_wait3A_236, %dma_wait3A_237] : memref<32x80x2x125xi32, #tpu.memory_space<hbm>> -> memref<1x1x2x125xi32, #tpu.memory_space<hbm>>
      %dma_wait3A_239 = tpu.memref_squeeze %dma_wait3A_238 : memref<1x1x2x125xi32, #tpu.memory_space<hbm>> -> memref<2x125xi32, #tpu.memory_space<hbm>>
      %dma_wait3A_240 = arith.constant 0 : i32
      %dma_wait3A_241 = arith.constant 0 : i32
      %dma_wait3A_242 = tpu.memref_slice %arg3[%add3A, %dma_wait3A_235, %dma_wait3A_240, %dma_wait3A_241] : memref<32x80x2x125xi32, #tpu.memory_space<hbm>> -> memref<1x1x2x125xi32, #tpu.memory_space<hbm>>
      %dma_wait3A_243 = tpu.memref_squeeze %dma_wait3A_242 : memref<1x1x2x125xi32, #tpu.memory_space<hbm>> -> memref<2x125xi32, #tpu.memory_space<hbm>>
      tpu.wait_dma2 semaphore(%arg16 : memref<!tpu.dma_semaphore, #tpu.memory_space<semaphore_mem>>) src(%dma_wait3A_243 : memref<2x125xi32, #tpu.memory_space<hbm>>) dst(%arg7 : memref<2x125xi32, #tpu.memory_space<vmem>>)
      %dma_start3A_244 = arith.constant 0 : i32
      %dma_start3A_245 = arith.constant 0 : i32
      %dma_start3A_246 = tpu.memref_slice %arg7[%dma_start3A_244, %dma_start3A_245] : memref<2x125xi32, #tpu.memory_space<vmem>> -> memref<1x125xi32, #tpu.memory_space<vmem>>
      %dma_start3A_247 = tpu.memref_squeeze %dma_start3A_246 : memref<1x125xi32, #tpu.memory_space<vmem>> -> memref<125xi32, #tpu.memory_space<vmem>>
      %dma_start3A_248 = arith.constant 0 : i32
      %dma_start3A_249 = arith.constant 0 : i32
      %dma_start3A_250 = tpu.memref_slice %arg2[%dma_start3A_248, %dma_start3A_249] : memref<10000x128xbf16, #tpu.memory_space<hbm>> -> memref<10000x128xbf16, #tpu.memory_space<hbm>>
      tpu.enqueue_indirect_dma source(%dma_start3A_250 : memref<10000x128xbf16, #tpu.memory_space<hbm>>) target(%arg11 : memref<125x128xbf16, #tpu.memory_space<vmem>>) offsets(%dma_start3A_247 : memref<125xi32, #tpu.memory_space<vmem>>) semaphore(%arg14 : memref<!tpu.dma_semaphore, #tpu.memory_space<semaphore_mem>>)
    }
    %scan3A_39 = arith.constant 19 : i32
    %dma_wait3A = arith.constant 0 : i32
    %dma_wait3A_40 = arith.constant 0 : i32
    %dma_wait3A_41 = tpu.memref_slice %arg6[%dma_wait3A, %dma_wait3A_40] : memref<2x125xi32, #tpu.memory_space<vmem>> -> memref<1x125xi32, #tpu.memory_space<vmem>>
    %dma_wait3A_42 = tpu.memref_squeeze %dma_wait3A_41 : memref<1x125xi32, #tpu.memory_space<vmem>> -> memref<125xi32, #tpu.memory_space<vmem>>
    %dma_wait3A_43 = arith.constant 0 : i32
    %dma_wait3A_44 = arith.constant 0 : i32
    %dma_wait3A_45 = tpu.memref_slice %arg2[%dma_wait3A_43, %dma_wait3A_44] : memref<10000x128xbf16, #tpu.memory_space<hbm>> -> memref<10000x128xbf16, #tpu.memory_space<hbm>>
    tpu.wait_indirect_dma semaphore(%arg13 : memref<!tpu.dma_semaphore, #tpu.memory_space<semaphore_mem>>) src(%dma_wait3A_45 : memref<10000x128xbf16, #tpu.memory_space<hbm>>) dst(%arg10 : memref<125x128xbf16, #tpu.memory_space<vmem>>)
    %run_scoped3A_46 = arith.constant 1 : i32
    "tpu.region"() ({
      %run_scoped3A_104 = tpu.sem_alloc : memref<!tpu.dma_semaphore, #tpu.memory_space<semaphore_mem>>
      %dma_start3A_105 = arith.constant 0 : i32
      %dma_start3A_106 = tpu.memref_slice %arg6[%run_scoped3A_46, %dma_start3A_105] : memref<2x125xi32, #tpu.memory_space<vmem>> -> memref<1x125xi32, #tpu.memory_space<vmem>>
      %dma_start3A_107 = tpu.memref_squeeze %dma_start3A_106 : memref<1x125xi32, #tpu.memory_space<vmem>> -> memref<125xi32, #tpu.memory_space<vmem>>
      %dma_start3A_108 = arith.constant 0 : i32
      %dma_start3A_109 = arith.constant 0 : i32
      %dma_start3A_110 = tpu.memref_slice %arg12[%dma_start3A_108, %dma_start3A_109] : memref<10240x128xbf16, #tpu.memory_space<vmem_shared>> -> memref<10240x128xbf16, #tpu.memory_space<vmem_shared>>
      tpu.enqueue_indirect_dma source(%arg10 : memref<125x128xbf16, #tpu.memory_space<vmem>>) target(%dma_start3A_110 : memref<10240x128xbf16, #tpu.memory_space<vmem_shared>>) offsets(%dma_start3A_107 : memref<125xi32, #tpu.memory_space<vmem>>) semaphore(%run_scoped3A_104 : memref<!tpu.dma_semaphore, #tpu.memory_space<semaphore_mem>>) {add = true}
      %dma_wait3A_111 = arith.constant 0 : i32
      %dma_wait3A_112 = tpu.memref_slice %arg6[%run_scoped3A_46, %dma_wait3A_111] : memref<2x125xi32, #tpu.memory_space<vmem>> -> memref<1x125xi32, #tpu.memory_space<vmem>>
      %dma_wait3A_113 = tpu.memref_squeeze %dma_wait3A_112 : memref<1x125xi32, #tpu.memory_space<vmem>> -> memref<125xi32, #tpu.memory_space<vmem>>
      %dma_wait3A_114 = arith.constant 0 : i32
      %dma_wait3A_115 = arith.constant 0 : i32
      %dma_wait3A_116 = tpu.memref_slice %arg12[%dma_wait3A_114, %dma_wait3A_115] : memref<10240x128xbf16, #tpu.memory_space<vmem_shared>> -> memref<10240x128xbf16, #tpu.memory_space<vmem_shared>>
      tpu.wait_indirect_dma semaphore(%run_scoped3A_104 : memref<!tpu.dma_semaphore, #tpu.memory_space<semaphore_mem>>) src(%arg10 : memref<125x128xbf16, #tpu.memory_space<vmem>>) dst(%dma_wait3A_116 : memref<10240x128xbf16, #tpu.memory_space<vmem_shared>>)
      tpu.yield
    }) : () -> ()
    %dma_wait3A_47 = arith.constant 0 : i32
    %dma_wait3A_48 = arith.constant 0 : i32
    %dma_wait3A_49 = arith.constant 0 : i32
    %dma_wait3A_50 = tpu.memref_slice %arg3[%add3A, %dma_wait3A_47, %dma_wait3A_48, %dma_wait3A_49] : memref<32x80x2x125xi32, #tpu.memory_space<hbm>> -> memref<1x1x2x125xi32, #tpu.memory_space<hbm>>
    %dma_wait3A_51 = tpu.memref_squeeze %dma_wait3A_50 : memref<1x1x2x125xi32, #tpu.memory_space<hbm>> -> memref<2x125xi32, #tpu.memory_space<hbm>>
    %dma_wait3A_52 = arith.constant 0 : i32
    %dma_wait3A_53 = arith.constant 0 : i32
    %dma_wait3A_54 = tpu.memref_slice %arg3[%add3A, %dma_wait3A_47, %dma_wait3A_52, %dma_wait3A_53] : memref<32x80x2x125xi32, #tpu.memory_space<hbm>> -> memref<1x1x2x125xi32, #tpu.memory_space<hbm>>
    %dma_wait3A_55 = tpu.memref_squeeze %dma_wait3A_54 : memref<1x1x2x125xi32, #tpu.memory_space<hbm>> -> memref<2x125xi32, #tpu.memory_space<hbm>>
    tpu.wait_dma2 semaphore(%arg17 : memref<!tpu.dma_semaphore, #tpu.memory_space<semaphore_mem>>) src(%dma_wait3A_55 : memref<2x125xi32, #tpu.memory_space<hbm>>) dst(%arg8 : memref<2x125xi32, #tpu.memory_space<vmem>>)
    %dma_start3A_56 = arith.constant 0 : i32
    %dma_start3A_57 = arith.constant 0 : i32
    %dma_start3A_58 = tpu.memref_slice %arg8[%dma_start3A_56, %dma_start3A_57] : memref<2x125xi32, #tpu.memory_space<vmem>> -> memref<1x125xi32, #tpu.memory_space<vmem>>
    %dma_start3A_59 = tpu.memref_squeeze %dma_start3A_58 : memref<1x125xi32, #tpu.memory_space<vmem>> -> memref<125xi32, #tpu.memory_space<vmem>>
    %dma_start3A_60 = arith.constant 0 : i32
    %dma_start3A_61 = arith.constant 0 : i32
    %dma_start3A_62 = tpu.memref_slice %arg2[%dma_start3A_60, %dma_start3A_61] : memref<10000x128xbf16, #tpu.memory_space<hbm>> -> memref<10000x128xbf16, #tpu.memory_space<hbm>>
    tpu.enqueue_indirect_dma source(%dma_start3A_62 : memref<10000x128xbf16, #tpu.memory_space<hbm>>) target(%arg10 : memref<125x128xbf16, #tpu.memory_space<vmem>>) offsets(%dma_start3A_59 : memref<125xi32, #tpu.memory_space<vmem>>) semaphore(%arg13 : memref<!tpu.dma_semaphore, #tpu.memory_space<semaphore_mem>>)
    %dma_wait3A_63 = arith.constant 0 : i32
    %dma_wait3A_64 = arith.constant 0 : i32
    %dma_wait3A_65 = tpu.memref_slice %arg6[%dma_wait3A_63, %dma_wait3A_64] : memref<2x125xi32, #tpu.memory_space<vmem>> -> memref<1x125xi32, #tpu.memory_space<vmem>>
    %dma_wait3A_66 = tpu.memref_squeeze %dma_wait3A_65 : memref<1x125xi32, #tpu.memory_space<vmem>> -> memref<125xi32, #tpu.memory_space<vmem>>
    %dma_wait3A_67 = arith.constant 0 : i32
    %dma_wait3A_68 = arith.constant 0 : i32
    %dma_wait3A_69 = tpu.memref_slice %arg2[%dma_wait3A_67, %dma_wait3A_68] : memref<10000x128xbf16, #tpu.memory_space<hbm>> -> memref<10000x128xbf16, #tpu.memory_space<hbm>>
    tpu.wait_indirect_dma semaphore(%arg14 : memref<!tpu.dma_semaphore, #tpu.memory_space<semaphore_mem>>) src(%dma_wait3A_69 : memref<10000x128xbf16, #tpu.memory_space<hbm>>) dst(%arg11 : memref<125x128xbf16, #tpu.memory_space<vmem>>)
    %run_scoped3A_70 = arith.constant 1 : i32
    "tpu.region"() ({
      %run_scoped3A_104 = tpu.sem_alloc : memref<!tpu.dma_semaphore, #tpu.memory_space<semaphore_mem>>
      %dma_start3A_105 = arith.constant 0 : i32
      %dma_start3A_106 = tpu.memref_slice %arg7[%run_scoped3A_70, %dma_start3A_105] : memref<2x125xi32, #tpu.memory_space<vmem>> -> memref<1x125xi32, #tpu.memory_space<vmem>>
      %dma_start3A_107 = tpu.memref_squeeze %dma_start3A_106 : memref<1x125xi32, #tpu.memory_space<vmem>> -> memref<125xi32, #tpu.memory_space<vmem>>
      %dma_start3A_108 = arith.constant 0 : i32
      %dma_start3A_109 = arith.constant 0 : i32
      %dma_start3A_110 = tpu.memref_slice %arg12[%dma_start3A_108, %dma_start3A_109] : memref<10240x128xbf16, #tpu.memory_space<vmem_shared>> -> memref<10240x128xbf16, #tpu.memory_space<vmem_shared>>
      tpu.enqueue_indirect_dma source(%arg11 : memref<125x128xbf16, #tpu.memory_space<vmem>>) target(%dma_start3A_110 : memref<10240x128xbf16, #tpu.memory_space<vmem_shared>>) offsets(%dma_start3A_107 : memref<125xi32, #tpu.memory_space<vmem>>) semaphore(%run_scoped3A_104 : memref<!tpu.dma_semaphore, #tpu.memory_space<semaphore_mem>>) {add = true}
      %dma_wait3A_111 = arith.constant 0 : i32
      %dma_wait3A_112 = tpu.memref_slice %arg7[%run_scoped3A_70, %dma_wait3A_111] : memref<2x125xi32, #tpu.memory_space<vmem>> -> memref<1x125xi32, #tpu.memory_space<vmem>>
      %dma_wait3A_113 = tpu.memref_squeeze %dma_wait3A_112 : memref<1x125xi32, #tpu.memory_space<vmem>> -> memref<125xi32, #tpu.memory_space<vmem>>
      %dma_wait3A_114 = arith.constant 0 : i32
      %dma_wait3A_115 = arith.constant 0 : i32
      %dma_wait3A_116 = tpu.memref_slice %arg12[%dma_wait3A_114, %dma_wait3A_115] : memref<10240x128xbf16, #tpu.memory_space<vmem_shared>> -> memref<10240x128xbf16, #tpu.memory_space<vmem_shared>>
      tpu.wait_indirect_dma semaphore(%run_scoped3A_104 : memref<!tpu.dma_semaphore, #tpu.memory_space<semaphore_mem>>) src(%arg11 : memref<125x128xbf16, #tpu.memory_space<vmem>>) dst(%dma_wait3A_116 : memref<10240x128xbf16, #tpu.memory_space<vmem_shared>>)
      tpu.yield
    }) : () -> ()
    %dma_wait3A_71 = arith.constant 0 : i32
    %dma_wait3A_72 = arith.constant 0 : i32
    %dma_wait3A_73 = arith.constant 0 : i32
    %dma_wait3A_74 = tpu.memref_slice %arg3[%add3A, %dma_wait3A_71, %dma_wait3A_72, %dma_wait3A_73] : memref<32x80x2x125xi32, #tpu.memory_space<hbm>> -> memref<1x1x2x125xi32, #tpu.memory_space<hbm>>
    %dma_wait3A_75 = tpu.memref_squeeze %dma_wait3A_74 : memref<1x1x2x125xi32, #tpu.memory_space<hbm>> -> memref<2x125xi32, #tpu.memory_space<hbm>>
    %dma_wait3A_76 = arith.constant 0 : i32
    %dma_wait3A_77 = arith.constant 0 : i32
    %dma_wait3A_78 = tpu.memref_slice %arg3[%add3A, %dma_wait3A_71, %dma_wait3A_76, %dma_wait3A_77] : memref<32x80x2x125xi32, #tpu.memory_space<hbm>> -> memref<1x1x2x125xi32, #tpu.memory_space<hbm>>
    %dma_wait3A_79 = tpu.memref_squeeze %dma_wait3A_78 : memref<1x1x2x125xi32, #tpu.memory_space<hbm>> -> memref<2x125xi32, #tpu.memory_space<hbm>>
    tpu.wait_dma2 semaphore(%arg18 : memref<!tpu.dma_semaphore, #tpu.memory_space<semaphore_mem>>) src(%dma_wait3A_79 : memref<2x125xi32, #tpu.memory_space<hbm>>) dst(%arg9 : memref<2x125xi32, #tpu.memory_space<vmem>>)
    %dma_start3A_80 = arith.constant 0 : i32
    %dma_start3A_81 = arith.constant 0 : i32
    %dma_start3A_82 = tpu.memref_slice %arg9[%dma_start3A_80, %dma_start3A_81] : memref<2x125xi32, #tpu.memory_space<vmem>> -> memref<1x125xi32, #tpu.memory_space<vmem>>
    %dma_start3A_83 = tpu.memref_squeeze %dma_start3A_82 : memref<1x125xi32, #tpu.memory_space<vmem>> -> memref<125xi32, #tpu.memory_space<vmem>>
    %dma_start3A_84 = arith.constant 0 : i32
    %dma_start3A_85 = arith.constant 0 : i32
    %dma_start3A_86 = tpu.memref_slice %arg2[%dma_start3A_84, %dma_start3A_85] : memref<10000x128xbf16, #tpu.memory_space<hbm>> -> memref<10000x128xbf16, #tpu.memory_space<hbm>>
    tpu.enqueue_indirect_dma source(%dma_start3A_86 : memref<10000x128xbf16, #tpu.memory_space<hbm>>) target(%arg11 : memref<125x128xbf16, #tpu.memory_space<vmem>>) offsets(%dma_start3A_83 : memref<125xi32, #tpu.memory_space<vmem>>) semaphore(%arg14 : memref<!tpu.dma_semaphore, #tpu.memory_space<semaphore_mem>>)
    %dma_wait3A_87 = arith.constant 0 : i32
    %dma_wait3A_88 = arith.constant 0 : i32
    %dma_wait3A_89 = tpu.memref_slice %arg6[%dma_wait3A_87, %dma_wait3A_88] : memref<2x125xi32, #tpu.memory_space<vmem>> -> memref<1x125xi32, #tpu.memory_space<vmem>>
    %dma_wait3A_90 = tpu.memref_squeeze %dma_wait3A_89 : memref<1x125xi32, #tpu.memory_space<vmem>> -> memref<125xi32, #tpu.memory_space<vmem>>
    %dma_wait3A_91 = arith.constant 0 : i32
    %dma_wait3A_92 = arith.constant 0 : i32
    %dma_wait3A_93 = tpu.memref_slice %arg2[%dma_wait3A_91, %dma_wait3A_92] : memref<10000x128xbf16, #tpu.memory_space<hbm>> -> memref<10000x128xbf16, #tpu.memory_space<hbm>>
    tpu.wait_indirect_dma semaphore(%arg13 : memref<!tpu.dma_semaphore, #tpu.memory_space<semaphore_mem>>) src(%dma_wait3A_93 : memref<10000x128xbf16, #tpu.memory_space<hbm>>) dst(%arg10 : memref<125x128xbf16, #tpu.memory_space<vmem>>)
    %run_scoped3A_94 = arith.constant 1 : i32
    "tpu.region"() ({
      %run_scoped3A_104 = tpu.sem_alloc : memref<!tpu.dma_semaphore, #tpu.memory_space<semaphore_mem>>
      %dma_start3A_105 = arith.constant 0 : i32
      %dma_start3A_106 = tpu.memref_slice %arg8[%run_scoped3A_94, %dma_start3A_105] : memref<2x125xi32, #tpu.memory_space<vmem>> -> memref<1x125xi32, #tpu.memory_space<vmem>>
      %dma_start3A_107 = tpu.memref_squeeze %dma_start3A_106 : memref<1x125xi32, #tpu.memory_space<vmem>> -> memref<125xi32, #tpu.memory_space<vmem>>
      %dma_start3A_108 = arith.constant 0 : i32
      %dma_start3A_109 = arith.constant 0 : i32
      %dma_start3A_110 = tpu.memref_slice %arg12[%dma_start3A_108, %dma_start3A_109] : memref<10240x128xbf16, #tpu.memory_space<vmem_shared>> -> memref<10240x128xbf16, #tpu.memory_space<vmem_shared>>
      tpu.enqueue_indirect_dma source(%arg10 : memref<125x128xbf16, #tpu.memory_space<vmem>>) target(%dma_start3A_110 : memref<10240x128xbf16, #tpu.memory_space<vmem_shared>>) offsets(%dma_start3A_107 : memref<125xi32, #tpu.memory_space<vmem>>) semaphore(%run_scoped3A_104 : memref<!tpu.dma_semaphore, #tpu.memory_space<semaphore_mem>>) {add = true}
      %dma_wait3A_111 = arith.constant 0 : i32
      %dma_wait3A_112 = tpu.memref_slice %arg8[%run_scoped3A_94, %dma_wait3A_111] : memref<2x125xi32, #tpu.memory_space<vmem>> -> memref<1x125xi32, #tpu.memory_space<vmem>>
      %dma_wait3A_113 = tpu.memref_squeeze %dma_wait3A_112 : memref<1x125xi32, #tpu.memory_space<vmem>> -> memref<125xi32, #tpu.memory_space<vmem>>
      %dma_wait3A_114 = arith.constant 0 : i32
      %dma_wait3A_115 = arith.constant 0 : i32
      %dma_wait3A_116 = tpu.memref_slice %arg12[%dma_wait3A_114, %dma_wait3A_115] : memref<10240x128xbf16, #tpu.memory_space<vmem_shared>> -> memref<10240x128xbf16, #tpu.memory_space<vmem_shared>>
      tpu.wait_indirect_dma semaphore(%run_scoped3A_104 : memref<!tpu.dma_semaphore, #tpu.memory_space<semaphore_mem>>) src(%arg10 : memref<125x128xbf16, #tpu.memory_space<vmem>>) dst(%dma_wait3A_116 : memref<10240x128xbf16, #tpu.memory_space<vmem_shared>>)
      tpu.yield
    }) : () -> ()
    %dma_wait3A_95 = arith.constant 0 : i32
    %dma_wait3A_96 = arith.constant 0 : i32
    %dma_wait3A_97 = tpu.memref_slice %arg6[%dma_wait3A_95, %dma_wait3A_96] : memref<2x125xi32, #tpu.memory_space<vmem>> -> memref<1x125xi32, #tpu.memory_space<vmem>>
    %dma_wait3A_98 = tpu.memref_squeeze %dma_wait3A_97 : memref<1x125xi32, #tpu.memory_space<vmem>> -> memref<125xi32, #tpu.memory_space<vmem>>
    %dma_wait3A_99 = arith.constant 0 : i32
    %dma_wait3A_100 = arith.constant 0 : i32
    %dma_wait3A_101 = tpu.memref_slice %arg2[%dma_wait3A_99, %dma_wait3A_100] : memref<10000x128xbf16, #tpu.memory_space<hbm>> -> memref<10000x128xbf16, #tpu.memory_space<hbm>>
    tpu.wait_indirect_dma semaphore(%arg14 : memref<!tpu.dma_semaphore, #tpu.memory_space<semaphore_mem>>) src(%dma_wait3A_101 : memref<10000x128xbf16, #tpu.memory_space<hbm>>) dst(%arg11 : memref<125x128xbf16, #tpu.memory_space<vmem>>)
    %run_scoped3A_102 = arith.constant 1 : i32
    "tpu.region"() ({
      %run_scoped3A_104 = tpu.sem_alloc : memref<!tpu.dma_semaphore, #tpu.memory_space<semaphore_mem>>
      %dma_start3A_105 = arith.constant 0 : i32
      %dma_start3A_106 = tpu.memref_slice %arg9[%run_scoped3A_102, %dma_start3A_105] : memref<2x125xi32, #tpu.memory_space<vmem>> -> memref<1x125xi32, #tpu.memory_space<vmem>>
      %dma_start3A_107 = tpu.memref_squeeze %dma_start3A_106 : memref<1x125xi32, #tpu.memory_space<vmem>> -> memref<125xi32, #tpu.memory_space<vmem>>
      %dma_start3A_108 = arith.constant 0 : i32
      %dma_start3A_109 = arith.constant 0 : i32
      %dma_start3A_110 = tpu.memref_slice %arg12[%dma_start3A_108, %dma_start3A_109] : memref<10240x128xbf16, #tpu.memory_space<vmem_shared>> -> memref<10240x128xbf16, #tpu.memory_space<vmem_shared>>
      tpu.enqueue_indirect_dma source(%arg11 : memref<125x128xbf16, #tpu.memory_space<vmem>>) target(%dma_start3A_110 : memref<10240x128xbf16, #tpu.memory_space<vmem_shared>>) offsets(%dma_start3A_107 : memref<125xi32, #tpu.memory_space<vmem>>) semaphore(%run_scoped3A_104 : memref<!tpu.dma_semaphore, #tpu.memory_space<semaphore_mem>>) {add = true}
      %dma_wait3A_111 = arith.constant 0 : i32
      %dma_wait3A_112 = tpu.memref_slice %arg9[%run_scoped3A_102, %dma_wait3A_111] : memref<2x125xi32, #tpu.memory_space<vmem>> -> memref<1x125xi32, #tpu.memory_space<vmem>>
      %dma_wait3A_113 = tpu.memref_squeeze %dma_wait3A_112 : memref<1x125xi32, #tpu.memory_space<vmem>> -> memref<125xi32, #tpu.memory_space<vmem>>
      %dma_wait3A_114 = arith.constant 0 : i32
      %dma_wait3A_115 = arith.constant 0 : i32
      %dma_wait3A_116 = tpu.memref_slice %arg12[%dma_wait3A_114, %dma_wait3A_115] : memref<10240x128xbf16, #tpu.memory_space<vmem_shared>> -> memref<10240x128xbf16, #tpu.memory_space<vmem_shared>>
      tpu.wait_indirect_dma semaphore(%run_scoped3A_104 : memref<!tpu.dma_semaphore, #tpu.memory_space<semaphore_mem>>) src(%arg11 : memref<125x128xbf16, #tpu.memory_space<vmem>>) dst(%dma_wait3A_116 : memref<10240x128xbf16, #tpu.memory_space<vmem_shared>>)
      tpu.yield
    }) : () -> ()
    %barrier3A_103 = arith.constant 0 : index
    tpu.barrier barrier_id(%barrier3A_103)
    "tpu.region"() ({
      %run_scoped3A_104 = tpu.sem_alloc : memref<!tpu.dma_semaphore, #tpu.memory_space<semaphore_mem>>
      %dma_start3A_105 = arith.constant 0 : i32
      %dma_start3A_106 = tpu.memref_slice %arg5[%arg0, %mul3A_2, %dma_start3A_105] : memref<2x10240x128xbf16, #tpu.memory_space<hbm>> -> memref<1x640x128xbf16, #tpu.memory_space<hbm>>
      %dma_start3A_107 = tpu.memref_squeeze %dma_start3A_106 : memref<1x640x128xbf16, #tpu.memory_space<hbm>> -> memref<640x128xbf16, #tpu.memory_space<hbm>>
      %dma_start3A_108 = arith.constant 0 : i32
      %dma_start3A_109 = tpu.memref_slice %arg12[%mul3A_2, %dma_start3A_108] : memref<10240x128xbf16, #tpu.memory_space<vmem_shared>> -> memref<640x128xbf16, #tpu.memory_space<vmem_shared>>
      tpu.enqueue_dma source(%dma_start3A_109 : memref<640x128xbf16, #tpu.memory_space<vmem_shared>>) target(%dma_start3A_107 : memref<640x128xbf16, #tpu.memory_space<hbm>>) target_semaphore(%run_scoped3A_104 : memref<!tpu.dma_semaphore, #tpu.memory_space<semaphore_mem>>)
      %dma_wait3A_110 = arith.constant 0 : i32
      %dma_wait3A_111 = tpu.memref_slice %arg5[%arg0, %mul3A_2, %dma_wait3A_110] : memref<2x10240x128xbf16, #tpu.memory_space<hbm>> -> memref<1x640x128xbf16, #tpu.memory_space<hbm>>
      %dma_wait3A_112 = tpu.memref_squeeze %dma_wait3A_111 : memref<1x640x128xbf16, #tpu.memory_space<hbm>> -> memref<640x128xbf16, #tpu.memory_space<hbm>>
      %dma_wait3A_113 = arith.constant 0 : i32
      %dma_wait3A_114 = tpu.memref_slice %arg12[%mul3A_2, %dma_wait3A_113] : memref<10240x128xbf16, #tpu.memory_space<vmem_shared>> -> memref<640x128xbf16, #tpu.memory_space<vmem_shared>>
      tpu.wait_dma2 semaphore(%run_scoped3A_104 : memref<!tpu.dma_semaphore, #tpu.memory_space<semaphore_mem>>) src(%dma_wait3A_114 : memref<640x128xbf16, #tpu.memory_space<vmem_shared>>) dst(%dma_wait3A_112 : memref<640x128xbf16, #tpu.memory_space<hbm>>)
      tpu.yield
    }) : () -> ()
    return
  }
}

module attributes {stable_mosaic.version = 14 : i64} {
  func.func @body(%arg0: i32, %arg1: memref<2000x128xf32, #tpu.memory_space<vmem>>, %arg2: memref<128x128xf32, #tpu.memory_space<vmem>>, %arg3: memref<2x2000x16xf32, #tpu.memory_space<vmem>>, %arg4: memref<2000x128xbf16, #tpu.memory_space<vmem>>) attributes {dimension_semantics = [#tpu.dimension_semantics<arbitrary>], iteration_bounds = array<i64: 5>, scalar_prefetch = 0 : i64, scratch_operands = 0 : i64, tpu.core_type = #tpu.core_type<tc>, window_params = [{transform_indices = @transform_0, window_bounds = array<i64: 2000, 128>}, {pipeline_mode = #tpu.pipeline_mode<synchronous>, transform_indices = @transform_1, window_bounds = array<i64: 128, 128>}, {transform_indices = @transform_2, window_bounds = array<i64: 2, 2000, 16>}, {transform_indices = @transform_3, window_bounds = array<i64: 2000, 128>}]} {
    %get3A = arith.constant 0 : index
    %get3A_0 = arith.constant 0 : index
    %get3A_1 = arith.constant 0 : index
    %get3A_2 = vector.load %arg3[%get3A, %get3A_0, %get3A_1] : memref<2x2000x16xf32, #tpu.memory_space<vmem>>, vector<2x2000x16xf32>
    %slice3A = vector.extract_strided_slice %get3A_2 {offsets = [0, 0, 0], sizes = [1, 2000, 1], strides = [1, 1, 1]} : vector<2x2000x16xf32> to vector<1x2000x1xf32>
    %squeeze3A = vector.shape_cast %slice3A : vector<1x2000x1xf32> to vector<2000x1xf32>
    %slice3A_3 = vector.extract_strided_slice %get3A_2 {offsets = [1, 0, 0], sizes = [1, 2000, 1], strides = [1, 1, 1]} : vector<2x2000x16xf32> to vector<1x2000x1xf32>
    %squeeze3A_4 = vector.shape_cast %slice3A_3 : vector<1x2000x1xf32> to vector<2000x1xf32>
    %add3A = arith.addf %squeeze3A, %squeeze3A_4 : vector<2000x1xf32>
    %add3A_5 = arith.constant 1.000000e+00 : f32
    %add3A_6 = vector.broadcast %add3A_5 : f32 to vector<2000x1xf32>
    %add3A_7 = arith.addf %add3A, %add3A_6 : vector<2000x1xf32>
    %rsqrt3A = math.rsqrt %add3A_7 : vector<2000x1xf32>
    %get3A_8 = arith.constant 0 : index
    %get3A_9 = arith.constant 0 : index
    %get3A_10 = vector.load %arg1[%get3A_8, %get3A_9] : memref<2000x128xf32, #tpu.memory_space<vmem>>, vector<2000x128xf32>
    %get3A_11 = arith.constant 0 : index
    %get3A_12 = arith.constant 0 : index
    %get3A_13 = vector.load %arg2[%get3A_11, %get3A_12] : memref<128x128xf32, #tpu.memory_space<vmem>>, vector<128x128xf32>
    %dot_general3A = arith.constant dense<0.000000e+00> : vector<2000x128xf32>
    %dot_general3A_14 = tpu.matmul %get3A_10, %get3A_13, %dot_general3A {dimension_numbers = #tpu.dot_dimension_numbers<[1], [0], [0], [1], [0, 0, 1, 1], [], []>, transpose_lhs_hint = false} : vector<2000x128xf32>, vector<128x128xf32>, vector<2000x128xf32> -> vector<2000x128xf32>
    %mul3A = vector.broadcast %rsqrt3A : vector<2000x1xf32> to vector<2000x128xf32>
    %mul3A_15 = arith.mulf %mul3A, %dot_general3A_14 : vector<2000x128xf32>
    %convert_element_type3A = arith.truncf %mul3A_15 : vector<2000x128xf32> to vector<2000x128xbf16>
    %swap3A = arith.constant 0 : index
    %swap3A_16 = arith.constant 0 : index
    %swap3A_17 = vector.load %arg4[%swap3A, %swap3A_16] : memref<2000x128xbf16, #tpu.memory_space<vmem>>, vector<2000x128xbf16>
    tpu.vector_store %arg4[%swap3A, %swap3A_16], %convert_element_type3A {strides = array<i32>} : memref<2000x128xbf16, #tpu.memory_space<vmem>>, vector<2000x128xbf16>,
    return
  }
  func.func @transform_0(%arg0: i32) -> (i32, i32) {
    %c0_i32 = arith.constant 0 : i32
    %c0_i32_0 = arith.constant 0 : i32
    return %arg0, %c0_i32 : i32, i32
  }
  func.func @transform_1(%arg0: i32) -> (i32, i32) {
    %c0_i32 = arith.constant 0 : i32
    %c0_i32_0 = arith.constant 0 : i32
    %c0_i32_1 = arith.constant 0 : i32
    return %c0_i32, %c0_i32_0 : i32, i32
  }
  func.func @transform_2(%arg0: i32) -> (i32, i32, i32) {
    %c0_i32 = arith.constant 0 : i32
    %c0_i32_0 = arith.constant 0 : i32
    %c0_i32_1 = arith.constant 0 : i32
    return %c0_i32, %arg0, %c0_i32_0 : i32, i32, i32
  }
  func.func @transform_3(%arg0: i32) -> (i32, i32) {
    %c0_i32 = arith.constant 0 : i32
    %c0_i32_0 = arith.constant 0 : i32
    return %arg0, %c0_i32 : i32, i32
  }
}

module attributes {stable_mosaic.version = 14 : i64} {
  func.func @body(%arg0: i32, %arg1: memref<2x2000x128xbf16, #tpu.memory_space<vmem>>, %arg2: memref<2000x128xbf16, #tpu.memory_space<vmem>>, %arg3: memref<2x2000x16xf32, #tpu.memory_space<vmem>>, %arg4: memref<1x128xf32, #tpu.memory_space<vmem>>, %arg5: memref<128x128xf32, #tpu.memory_space<vmem>>, %arg6: memref<2000x128xbf16, #tpu.memory_space<vmem>>) attributes {dimension_semantics = [#tpu.dimension_semantics<arbitrary>], iteration_bounds = array<i64: 5>, scalar_prefetch = 0 : i64, scratch_operands = 0 : i64, tpu.core_type = #tpu.core_type<tc>, window_params = [{transform_indices = @transform_0, window_bounds = array<i64: 2, 2000, 128>}, {transform_indices = @transform_1, window_bounds = array<i64: 2000, 128>}, {transform_indices = @transform_2, window_bounds = array<i64: 2, 2000, 16>}, {pipeline_mode = #tpu.pipeline_mode<synchronous>, transform_indices = @transform_3, window_bounds = array<i64: 1, 128>}, {pipeline_mode = #tpu.pipeline_mode<synchronous>, transform_indices = @transform_4, window_bounds = array<i64: 128, 128>}, {transform_indices = @transform_5, window_bounds = array<i64: 2000, 128>}]} {
    %get3A = arith.constant 0 : index
    %get3A_0 = arith.constant 0 : index
    %get3A_1 = arith.constant 0 : index
    %get3A_2 = vector.load %arg3[%get3A, %get3A_0, %get3A_1] : memref<2x2000x16xf32, #tpu.memory_space<vmem>>, vector<2x2000x16xf32>
    %slice3A = vector.extract_strided_slice %get3A_2 {offsets = [0, 0, 0], sizes = [1, 2000, 1], strides = [1, 1, 1]} : vector<2x2000x16xf32> to vector<1x2000x1xf32>
    %squeeze3A = vector.shape_cast %slice3A : vector<1x2000x1xf32> to vector<2000x1xf32>
    %slice3A_3 = vector.extract_strided_slice %get3A_2 {offsets = [1, 0, 0], sizes = [1, 2000, 1], strides = [1, 1, 1]} : vector<2x2000x16xf32> to vector<1x2000x1xf32>
    %squeeze3A_4 = vector.shape_cast %slice3A_3 : vector<1x2000x1xf32> to vector<2000x1xf32>
    %add3A = arith.addf %squeeze3A, %squeeze3A_4 : vector<2000x1xf32>
    %add3A_5 = arith.constant 1.000000e+00 : f32
    %add3A_6 = vector.broadcast %add3A_5 : f32 to vector<2000x1xf32>
    %add3A_7 = arith.addf %add3A, %add3A_6 : vector<2000x1xf32>
    %rsqrt3A = math.rsqrt %add3A_7 : vector<2000x1xf32>
    %get3A_8 = arith.constant 0 : index
    %get3A_9 = arith.constant 0 : index
    %get3A_10 = arith.constant 0 : index
    %get3A_11 = vector.load %arg1[%get3A_8, %get3A_9, %get3A_10] : memref<2x2000x128xbf16, #tpu.memory_space<vmem>>, vector<2x2000x128xbf16>
    %convert_element_type3A = arith.extf %get3A_11 : vector<2x2000x128xbf16> to vector<2x2000x128xf32>
    %get3A_12 = arith.constant 0 : index
    %get3A_13 = arith.constant 0 : index
    %get3A_14 = vector.load %arg2[%get3A_12, %get3A_13] : memref<2000x128xbf16, #tpu.memory_space<vmem>>, vector<2000x128xbf16>
    %convert_element_type3A_15 = arith.extf %get3A_14 : vector<2000x128xbf16> to vector<2000x128xf32>
    %slice3A_16 = vector.extract_strided_slice %convert_element_type3A {offsets = [0, 0, 0], sizes = [1, 2000, 128], strides = [1, 1, 1]} : vector<2x2000x128xf32> to vector<1x2000x128xf32>
    %squeeze3A_17 = vector.shape_cast %slice3A_16 : vector<1x2000x128xf32> to vector<2000x128xf32>
    %slice3A_18 = vector.extract_strided_slice %convert_element_type3A {offsets = [1, 0, 0], sizes = [1, 2000, 128], strides = [1, 1, 1]} : vector<2x2000x128xf32> to vector<1x2000x128xf32>
    %squeeze3A_19 = vector.shape_cast %slice3A_18 : vector<1x2000x128xf32> to vector<2000x128xf32>
    %add3A_20 = arith.addf %squeeze3A_17, %squeeze3A_19 : vector<2000x128xf32>
    %add3A_21 = arith.addf %add3A_20, %convert_element_type3A_15 : vector<2000x128xf32>
    %mul3A = vector.broadcast %rsqrt3A : vector<2000x1xf32> to vector<2000x128xf32>
    %mul3A_22 = arith.mulf %mul3A, %add3A_21 : vector<2000x128xf32>
    %get3A_23 = arith.constant 0 : index
    %get3A_24 = arith.constant 0 : index
    %get3A_25 = vector.load %arg4[%get3A_23, %get3A_24] : memref<1x128xf32, #tpu.memory_space<vmem>>, vector<1x128xf32>
    %add3A_26 = vector.broadcast %get3A_25 : vector<1x128xf32> to vector<2000x128xf32>
    %add3A_27 = arith.addf %mul3A_22, %add3A_26 : vector<2000x128xf32>
    %max3A = arith.constant 0.000000e+00 : f32
    %max3A_28 = vector.broadcast %max3A : f32 to vector<2000x128xf32>
    %max3A_29 = arith.maximumf %add3A_27, %max3A_28 : vector<2000x128xf32>
    %get3A_30 = arith.constant 0 : index
    %get3A_31 = arith.constant 0 : index
    %get3A_32 = vector.load %arg5[%get3A_30, %get3A_31] : memref<128x128xf32, #tpu.memory_space<vmem>>, vector<128x128xf32>
    %dot_general3A = arith.constant dense<0.000000e+00> : vector<2000x128xf32>
    %dot_general3A_33 = tpu.matmul %max3A_29, %get3A_32, %dot_general3A {dimension_numbers = #tpu.dot_dimension_numbers<[1], [0], [0], [1], [0, 0, 1, 1], [], []>, transpose_lhs_hint = false} : vector<2000x128xf32>, vector<128x128xf32>, vector<2000x128xf32> -> vector<2000x128xf32>
    %mul3A_34 = vector.broadcast %rsqrt3A : vector<2000x1xf32> to vector<2000x128xf32>
    %mul3A_35 = arith.mulf %mul3A_34, %dot_general3A_33 : vector<2000x128xf32>
    %convert_element_type3A_36 = arith.truncf %mul3A_35 : vector<2000x128xf32> to vector<2000x128xbf16>
    %swap3A = arith.constant 0 : index
    %swap3A_37 = arith.constant 0 : index
    %swap3A_38 = vector.load %arg6[%swap3A, %swap3A_37] : memref<2000x128xbf16, #tpu.memory_space<vmem>>, vector<2000x128xbf16>
    tpu.vector_store %arg6[%swap3A, %swap3A_37], %convert_element_type3A_36 {strides = array<i32>} : memref<2000x128xbf16, #tpu.memory_space<vmem>>, vector<2000x128xbf16>,
    return
  }
  func.func @transform_0(%arg0: i32) -> (i32, i32, i32) {
    %c0_i32 = arith.constant 0 : i32
    %c0_i32_0 = arith.constant 0 : i32
    %c0_i32_1 = arith.constant 0 : i32
    return %c0_i32, %arg0, %c0_i32_0 : i32, i32, i32
  }
  func.func @transform_1(%arg0: i32) -> (i32, i32) {
    %c0_i32 = arith.constant 0 : i32
    %c0_i32_0 = arith.constant 0 : i32
    return %arg0, %c0_i32 : i32, i32
  }
  func.func @transform_2(%arg0: i32) -> (i32, i32, i32) {
    %c0_i32 = arith.constant 0 : i32
    %c0_i32_0 = arith.constant 0 : i32
    %c0_i32_1 = arith.constant 0 : i32
    return %c0_i32, %arg0, %c0_i32_0 : i32, i32, i32
  }
  func.func @transform_3(%arg0: i32) -> (i32, i32) {
    %c0_i32 = arith.constant 0 : i32
    %c0_i32_0 = arith.constant 0 : i32
    %c0_i32_1 = arith.constant 0 : i32
    return %c0_i32, %c0_i32_0 : i32, i32
  }
  func.func @transform_4(%arg0: i32) -> (i32, i32) {
    %c0_i32 = arith.constant 0 : i32
    %c0_i32_0 = arith.constant 0 : i32
    %c0_i32_1 = arith.constant 0 : i32
    return %c0_i32, %c0_i32_0 : i32, i32
  }
  func.func @transform_5(%arg0: i32) -> (i32, i32) {
    %c0_i32 = arith.constant 0 : i32
    %c0_i32_0 = arith.constant 0 : i32
    return %arg0, %c0_i32 : i32, i32
  }
}

module attributes {stable_mosaic.version = 14 : i64} {
  func.func @body(%arg0: i32, %arg1: memref<2x2000x128xbf16, #tpu.memory_space<vmem>>, %arg2: memref<2000x128xbf16, #tpu.memory_space<vmem>>, %arg3: memref<2x2000x16xf32, #tpu.memory_space<vmem>>, %arg4: memref<1x128xf32, #tpu.memory_space<vmem>>, %arg5: memref<2000x128xf32, #tpu.memory_space<vmem>>) attributes {dimension_semantics = [#tpu.dimension_semantics<arbitrary>], iteration_bounds = array<i64: 5>, scalar_prefetch = 0 : i64, scratch_operands = 0 : i64, tpu.core_type = #tpu.core_type<tc>, window_params = [{transform_indices = @transform_0, window_bounds = array<i64: 2, 2000, 128>}, {transform_indices = @transform_1, window_bounds = array<i64: 2000, 128>}, {transform_indices = @transform_2, window_bounds = array<i64: 2, 2000, 16>}, {pipeline_mode = #tpu.pipeline_mode<synchronous>, transform_indices = @transform_3, window_bounds = array<i64: 1, 128>}, {transform_indices = @transform_4, window_bounds = array<i64: 2000, 128>}]} {
    %get3A = arith.constant 0 : index
    %get3A_0 = arith.constant 0 : index
    %get3A_1 = arith.constant 0 : index
    %get3A_2 = vector.load %arg3[%get3A, %get3A_0, %get3A_1] : memref<2x2000x16xf32, #tpu.memory_space<vmem>>, vector<2x2000x16xf32>
    %slice3A = vector.extract_strided_slice %get3A_2 {offsets = [0, 0, 0], sizes = [1, 2000, 1], strides = [1, 1, 1]} : vector<2x2000x16xf32> to vector<1x2000x1xf32>
    %squeeze3A = vector.shape_cast %slice3A : vector<1x2000x1xf32> to vector<2000x1xf32>
    %slice3A_3 = vector.extract_strided_slice %get3A_2 {offsets = [1, 0, 0], sizes = [1, 2000, 1], strides = [1, 1, 1]} : vector<2x2000x16xf32> to vector<1x2000x1xf32>
    %squeeze3A_4 = vector.shape_cast %slice3A_3 : vector<1x2000x1xf32> to vector<2000x1xf32>
    %add3A = arith.addf %squeeze3A, %squeeze3A_4 : vector<2000x1xf32>
    %add3A_5 = arith.constant 1.000000e+00 : f32
    %add3A_6 = vector.broadcast %add3A_5 : f32 to vector<2000x1xf32>
    %add3A_7 = arith.addf %add3A, %add3A_6 : vector<2000x1xf32>
    %rsqrt3A = math.rsqrt %add3A_7 : vector<2000x1xf32>
    %get3A_8 = arith.constant 0 : index
    %get3A_9 = arith.constant 0 : index
    %get3A_10 = arith.constant 0 : index
    %get3A_11 = vector.load %arg1[%get3A_8, %get3A_9, %get3A_10] : memref<2x2000x128xbf16, #tpu.memory_space<vmem>>, vector<2x2000x128xbf16>
    %convert_element_type3A = arith.extf %get3A_11 : vector<2x2000x128xbf16> to vector<2x2000x128xf32>
    %get3A_12 = arith.constant 0 : index
    %get3A_13 = arith.constant 0 : index
    %get3A_14 = vector.load %arg2[%get3A_12, %get3A_13] : memref<2000x128xbf16, #tpu.memory_space<vmem>>, vector<2000x128xbf16>
    %convert_element_type3A_15 = arith.extf %get3A_14 : vector<2000x128xbf16> to vector<2000x128xf32>
    %slice3A_16 = vector.extract_strided_slice %convert_element_type3A {offsets = [0, 0, 0], sizes = [1, 2000, 128], strides = [1, 1, 1]} : vector<2x2000x128xf32> to vector<1x2000x128xf32>
    %squeeze3A_17 = vector.shape_cast %slice3A_16 : vector<1x2000x128xf32> to vector<2000x128xf32>
    %slice3A_18 = vector.extract_strided_slice %convert_element_type3A {offsets = [1, 0, 0], sizes = [1, 2000, 128], strides = [1, 1, 1]} : vector<2x2000x128xf32> to vector<1x2000x128xf32>
    %squeeze3A_19 = vector.shape_cast %slice3A_18 : vector<1x2000x128xf32> to vector<2000x128xf32>
    %add3A_20 = arith.addf %squeeze3A_17, %squeeze3A_19 : vector<2000x128xf32>
    %add3A_21 = arith.addf %add3A_20, %convert_element_type3A_15 : vector<2000x128xf32>
    %mul3A = vector.broadcast %rsqrt3A : vector<2000x1xf32> to vector<2000x128xf32>
    %mul3A_22 = arith.mulf %mul3A, %add3A_21 : vector<2000x128xf32>
    %get3A_23 = arith.constant 0 : index
    %get3A_24 = arith.constant 0 : index
    %get3A_25 = vector.load %arg4[%get3A_23, %get3A_24] : memref<1x128xf32, #tpu.memory_space<vmem>>, vector<1x128xf32>
    %add3A_26 = vector.broadcast %get3A_25 : vector<1x128xf32> to vector<2000x128xf32>
    %add3A_27 = arith.addf %mul3A_22, %add3A_26 : vector<2000x128xf32>
    %reduce_max3A = arith.constant dense<0xFF800000> : vector<2000xf32>
    %reduce_max3A_28 = vector.multi_reduction <maximumf>, %add3A_27, %reduce_max3A [1] : vector<2000x128xf32> to vector<2000xf32>
    %broadcast_in_dim3A = vector.shape_cast %reduce_max3A_28 : vector<2000xf32> to vector<2000x1xf32>
    %sub3A = vector.broadcast %broadcast_in_dim3A : vector<2000x1xf32> to vector<2000x128xf32>
    %sub3A_29 = arith.subf %add3A_27, %sub3A : vector<2000x128xf32>
    %exp3A = math.exp %sub3A_29 : vector<2000x128xf32>
    %sub3A_30 = vector.broadcast %broadcast_in_dim3A : vector<2000x1xf32> to vector<2000x128xf32>
    %sub3A_31 = arith.subf %add3A_27, %sub3A_30 : vector<2000x128xf32>
    %reduce_sum3A = arith.constant dense<0.000000e+00> : vector<2000xf32>
    %reduce_sum3A_32 = vector.multi_reduction <add>, %exp3A, %reduce_sum3A [1] : vector<2000x128xf32> to vector<2000xf32>
    %broadcast_in_dim3A_33 = vector.shape_cast %reduce_sum3A_32 : vector<2000xf32> to vector<2000x1xf32>
    %log3A = math.log %broadcast_in_dim3A_33 : vector<2000x1xf32>
    %sub3A_34 = vector.broadcast %log3A : vector<2000x1xf32> to vector<2000x128xf32>
    %sub3A_35 = arith.subf %sub3A_31, %sub3A_34 : vector<2000x128xf32>
    %swap3A = arith.constant 0 : index
    %swap3A_36 = arith.constant 0 : index
    %swap3A_37 = vector.load %arg5[%swap3A, %swap3A_36] : memref<2000x128xf32, #tpu.memory_space<vmem>>, vector<2000x128xf32>
    tpu.vector_store %arg5[%swap3A, %swap3A_36], %sub3A_35 {strides = array<i32>} : memref<2000x128xf32, #tpu.memory_space<vmem>>, vector<2000x128xf32>,
    return
  }
  func.func @transform_0(%arg0: i32) -> (i32, i32, i32) {
    %c0_i32 = arith.constant 0 : i32
    %c0_i32_0 = arith.constant 0 : i32
    %c0_i32_1 = arith.constant 0 : i32
    return %c0_i32, %arg0, %c0_i32_0 : i32, i32, i32
  }
  func.func @transform_1(%arg0: i32) -> (i32, i32) {
    %c0_i32 = arith.constant 0 : i32
    %c0_i32_0 = arith.constant 0 : i32
    return %arg0, %c0_i32 : i32, i32
  }
  func.func @transform_2(%arg0: i32) -> (i32, i32, i32) {
    %c0_i32 = arith.constant 0 : i32
    %c0_i32_0 = arith.constant 0 : i32
    %c0_i32_1 = arith.constant 0 : i32
    return %c0_i32, %arg0, %c0_i32_0 : i32, i32, i32
  }
  func.func @transform_3(%arg0: i32) -> (i32, i32) {
    %c0_i32 = arith.constant 0 : i32
    %c0_i32_0 = arith.constant 0 : i32
    %c0_i32_1 = arith.constant 0 : i32
    return %c0_i32, %c0_i32_0 : i32, i32
  }
  func.func @transform_4(%arg0: i32) -> (i32, i32) {
    %c0_i32 = arith.constant 0 : i32
    %c0_i32_0 = arith.constant 0 : i32
    return %arg0, %c0_i32 : i32, i32
  }
}

</mosaic_0001>

<sc_bundles>
// kernel: kernel.10.cloned.1.call-start
scs
__scs_entry_jumppad:
0x0: {  	(pc) =	sbr.rel $0x88, $3  }
0x1: {  	(tag) =	ssettag $0x0;
	lr =	simm.s32 $0x1  }
0x2: {  	[smem:$0x3F99] =	sst lr;
	_ =	strace $0xD0000000  }
0x3: {  	_ = 	snop  }
0x4: {  	_ = 	snop  }
0x5: {  	_ = 	snop  }
0x6: {  	_ = 	snop  }
0x7: {  	_ = 	snop  }
__scs_overlays_trampoline_lowered:
0x8: {  	[smem:$0x3FA8] =	sst s0  }
0x9: {  	[smem:$0x3FA9] =	sst s1  }
0xa: {  	[smem:$0x3FAA] =	sst s2  }
0xb: {  	[smem:$0x3FAB] =	sst s3  }
0xc: {  	[smem:$0x3FAC] =	sst s4  }
0xd: {  	[smem:$0x3FAD] =	sst s5  }
0xe: {  	[smem:$0x3FAE] =	sst s6  }
0xf: {  	[smem:$0x3FAF] =	sst s7  }
0x10: {  	[smem:$0x3FB0] =	sst s8  }
0x11: {  	[smem:$0x3FB1] =	sst s9;
	s0 =	simm.s32 @!p0 $0x0  }
0x12: {  	s1 =	sld [smem:$0x3F97];
	s0 =	simm.s32 @p0 $0x1  }
0x13: {  	[smem:$0x3FB2] =	sst s0;
	s0 =	simm.s32 @!p1 $0x0  }
0x14: {  	s2 =	sld [smem:$0x3F96];
	s0 =	simm.s32 @p1 $0x1  }
0x15: {  	[smem:$0x3FB3] =	sst s0;
	s0 =	simm.s32 @!p2 $0x0  }
0x16: {  	s3 =	sld [smem:$0x3FDB];
	s0 =	simm.s32 @p2 $0x1  }
0x17: {  	s4 =	simm.s32 $0x1BF5;
	[smem:$0x3FB5] =	sst s0  }
0x18: {  	s0 =	sld [smem:$0x3F98];
	_ =	swait.ge [sflag:s4], $0x0  }
0x19: {  	s7 =	sld [smem:$0x3F99]  }
0x1a: {  	s8 =	sadd.s32 $0xFFFFE003, lr  }
0x1b: {  	s9 =	sadd.s32 $0xFFFFFEF7, lr;
	s5 =	simm.s32 $0xFFFFFFFF;
	p2 =	slt.u32 s8, $0xFFFFF086  }
0x1c: {  	p1 =	slt.u32 s9, $0xF7A;
	s5 =	simm.s32 @!p2 $0x0  }
0x1d: {  	s5 =	simm.s32 @p1 $0x1;
	p0 =	seq.s32 s7, s2  }
0x1e: {  	s7 =	smul.u32 @!p0 $0xF7A, s2;
	p2 =	seq.s32 @!p0 s5, $0x0  }
0x1f: {  	s9 =	smul.u32 $0xF7A, s1;
	s8 =	simm.s32 @!p0 $0x1BF5;
	p2 =	por !p2, p0  }
0x20: {  	[sflag:s8] =	ssyncset.s32 @!p0 $0xFFFFF086;
	s6 =	sadd.s32 @!p0 s3, s7;
	s7 =	simm.s32 @!p0 $0x108  }
0x21: {  	s3 =	sadd.s32 s3, s9;
	s6 =	sadd.s32 @!p0 $0x88, s6;
	s7 =	simm.s32 @p2 $0x1082  }
0x22: {  	[simem:s7], [sflag:s8] =	dma.local @!p0 [hbm:s6], $0xF7A  }
0x23: {  	s9 =	sor.u32 $0xD0000000, s2;
	s6 =	simm.s32 $0x108;
	_ =	swait.ge @!p0 [sflag:s8], $0x0  }
0x24: {  	s3 =	sadd.s32 $0x88, s3;
	s6 =	simm.s32 @!p1 $0x1082;
	[sflag:s4] =	ssyncset.s32 $0xFFFFF086  }
0x25: {  	[simem:s6], [sflag:s4] =	dma.local [hbm:s3], $0xF7A  }
0x26: {  	[smem:$0x3F99] =	sst s1;
	(tag) =	ssettag s2;
	_ =	strace s9  }
0x27: {  	s1 =	sld [smem:$0x3FA9]  }
0x28: {  	s2 =	sld [smem:$0x3FAA]  }
0x29: {  	s4 =	sld [smem:$0x3FAC]  }
0x2a: {  	p0 =	seq.s32 s5, $0x0;
	s5 =	sld [smem:$0x3FAD]  }
0x2b: {  	s6 =	sld [smem:$0x3FAE]  }
0x2c: {  	s7 =	sld [smem:$0x3FAF]  }
0x2d: {  	s3 =	simm.s32 $0x108;
	s8 =	sld [smem:$0x3FB0]  }
0x2e: {  	s3 =	simm.s32 @!p0 $0x1082;
	s9 =	sld [smem:$0x3FB1]  }
0x2f: {  	lr =	sadd.s32 s0, s3;
	s0 =	sld [smem:$0x3FA8]  }
0x30: {  	s3 =	sld [smem:$0x3FAB]  }
0x31: {  	[smem:$0x3FB4] =	sst s10  }
0x32: {  	s10 =	sld [smem:$0x3FB2];
	_ =	sdelay $0x3  }
0x33: {  	p0 =	seq.s32 s10, $0x1;
	s10 =	sld [smem:$0x3FB4];
	_ =	sdelay $0x3  }
0x34: {  	[smem:$0x3FB4] =	sst s10  }
0x35: {  	s10 =	sld [smem:$0x3FB3];
	_ =	sdelay $0x3  }
0x36: {  	p1 =	seq.s32 s10, $0x1;
	s10 =	sld [smem:$0x3FB4];
	_ =	sdelay $0x3  }
0x37: {  	[smem:$0x3FB4] =	sst s10  }
0x38: {  	s10 =	sld [smem:$0x3FB5]  }
0x39: {  	_ = 	snop;
	(pc) =	sbr.ind lr, $3  }
0x3a: {  	_ = 	snop  }
0x3b: {  	_ = 	snop  }
0x3c: {  	p2 =	seq.s32 s10, $0x1;
	s10 =	sld [smem:$0x3FB4]  }
0x3d: {  	_ =	shalt  }
0x3e: {  	_ =	shalt  }
0x3f: {  	_ =	shalt  }
0x40: {  	_ =	shalt  }
0x41: {  	_ =	shalt  }
0x42: {  	_ =	shalt  }
0x43: {  	_ =	shalt  }
0x44: {  	_ =	shalt  }
0x45: {  	_ =	shalt  }
0x46: {  	_ =	shalt  }
0x47: {  	_ =	shalt  }
0x48: {  	_ =	shalt  }
0x49: {  	_ =	shalt  }
0x4a: {  	_ =	shalt  }
0x4b: {  	_ =	shalt  }
0x4c: {  	_ =	shalt  }
0x4d: {  	_ =	shalt  }
0x4e: {  	_ =	shalt  }
0x4f: {  	_ =	shalt  }
0x50: {  	_ =	shalt  }
0x51: {  	_ =	shalt  }
0x52: {  	_ =	shalt  }
0x53: {  	_ =	shalt  }
0x54: {  	_ =	shalt  }
0x55: {  	_ =	shalt  }
0x56: {  	_ =	shalt  }
0x57: {  	_ =	shalt  }
0x58: {  	_ =	shalt  }
0x59: {  	_ =	shalt  }
0x5a: {  	_ =	shalt  }
0x5b: {  	_ =	shalt  }
0x5c: {  	_ =	shalt  }
0x5d: {  	_ =	shalt  }
0x5e: {  	_ =	shalt  }
0x5f: {  	_ =	shalt  }
0x60: {  	_ =	shalt  }
0x61: {  	_ =	shalt  }
0x62: {  	_ =	shalt  }
0x63: {  	_ =	shalt  }
0x64: {  	_ =	shalt  }
0x65: {  	_ =	shalt  }
0x66: {  	_ =	shalt  }
0x67: {  	_ =	shalt  }
0x68: {  	_ =	shalt  }
0x69: {  	_ =	shalt  }
0x6a: {  	_ =	shalt  }
0x6b: {  	_ =	shalt  }
0x6c: {  	_ =	shalt  }
0x6d: {  	_ =	shalt  }
0x6e: {  	_ =	shalt  }
0x6f: {  	_ =	shalt  }
0x70: {  	_ =	shalt  }
0x71: {  	_ =	shalt  }
0x72: {  	_ =	shalt  }
0x73: {  	_ =	shalt  }
0x74: {  	_ =	shalt  }
0x75: {  	_ =	shalt  }
0x76: {  	_ =	shalt  }
0x77: {  	_ =	shalt  }
0x78: {  	_ =	shalt  }
0x79: {  	_ =	shalt  }
0x7a: {  	_ =	shalt  }
0x7b: {  	_ =	shalt  }
0x7c: {  	_ =	shalt  }
0x7d: {  	_ =	shalt  }
0x7e: {  	_ =	shalt  }
0x7f: {  	_ =	shalt  }
0x80: {  	_ =	shalt  }
0x81: {  	_ =	shalt  }
0x82: {  	_ =	shalt  }
0x83: {  	_ =	shalt  }
0x84: {  	_ =	shalt  }
0x85: {  	_ =	shalt  }
0x86: {  	_ =	shalt  }
0x87: {  	_ =	shalt  }
.Lfunc_end0:
.L_simem_size_0:
called_computation_lowered:
.L_overlay_start_0:
0x88: {  	s2 =	sld [smem:$0x3FD9]  }
0x89: {  	s3 =	sld [smem:$0x3FFE];
	_ =	sdelay $0x1  }
0x8a: {  	s1 =	srdreg.scid  }
0x8b: {  	s0 =	sand.u32 $0x1, s1  }
0x8c: {  	s16 =	sshll.u32 s0, $0xA;
	s2 =	sadd.s32 s3, s2  }
0x8d: {  	s2 =	sadd.s32 s2, s16  }
0x8e: {  	[smem:$0x3FC0] =	sst s2  }
0x8f: {  	_ = 	snop  }
0x90: {  	(tm) =	ssettm $0x1  }
0x91: {  	s17 =	sld [smem:$0x3FFB];
	_ =	sdelay $0x3  }
0x92: {  	_ =	strace s17  }
0x93: {  	s2 =	sld [smem:$0x3FFC];
	_ =	sdelay $0x3  }
0x94: {  	_ =	strace s2  }
0x95: {  	s2 =	sld [smem:$0x3FFD];
	_ =	sdelay $0x3  }
0x96: {  	_ =	strace s2  }
0x97: {  	_ =	strace $0x8FFFFFFF  }
0x98: {  	s18 =	sld [smem:$0x3FDB];
	_ =	sdelay $0x1  }
0x99: {  	s19 =	simm.s32 $_scs_section_size  }
0x9a: {  	s4 =	simm.s32 $_size__tile_overlayer_lowered;
	s5 =	simm.s32 $_tile_overlayer_lowered  }
0x9b: {  	s22 =	simm.s32 $0x1BFF;
	s21 =	sshll.u32 s5, $0x1;
	s2 =	sadd.s32 s19, s18  }
0x9c: {  	s6 =	simm.s32 $0x0;
	s20 =	sshll.u32 s4, $0x1;
	s4 =	sadd.s32 s21, s2  }
0x9d: {  	[timem:s6], [sflag:s22] =	dma.local [hbm:s4], s20  }
0x9e: {  	_ =	swait.ge [sflag:s22], s20  }
0x9f: {  	s3 =	ssub.s32 $0x0, s20;
	[sflag:s22] =	ssyncset.done $0x0  }
0xa0: {  	[sflag:s22] =	ssyncadd.s32 s3;
	_ =	sdelay $0x1  }
0xa1: {  	s23 =	simm.s32 $0x1B8B  }
0xa2: {  	_ =	swait.ge [sflag:s23], $0x1  }
0xa3: {  	[sflag:s23] =	ssyncset.done $0x0  }
0xa4: {  	s25 =	simm.s32 $0x1B8E;
	s24 =	sld [smem:$0x3FFE];
	[sflag:s23] =	ssyncadd.s32 $0xFFFFFFFF  }
0xa5: {  	s26 =	simm.s32 $execute0_lowered;
	[smem:$0x3FD2] =	sst s25  }
0xa6: {  	s4 =	sshll.u32 s26, $0x1;
	_ =	strace $0x80000046;
	[dreg:$0x1] =	wrdreg $0xFFFFFFFF  }
0xa7: {  	s28 =	simm.s32 $_size_execute0_lowered;
	s2 =	sadd.s32 s2, s4;
	[dreg:$0x0] =	wrdreg $0x0  }
0xa8: {  	s4 =	sshll.u32 s28, $0x1;
	[dreg:$0x2] =	wrdreg s2  }
0xa9: {  	[dreg:$0x3] =	wrdreg s4  }
0xaa: {  	[dreg:$0x4] =	wrdreg $0xC0  }
0xab: {  	_ =	task [dreg:s6], $0x5FFFF  }
0xac: {  	[dreg:$0x1] =	wrdreg $0xFFFFFFFF  }
0xad: {  	[dreg:$0x0] =	wrdreg $0x60  }
0xae: {  	[dreg:$0x2] =	wrdreg s24  }
0xaf: {  	[dreg:$0x3] =	wrdreg $0x61E00  }
0xb0: {  	[dreg:$0x4] =	wrdreg $0x9  }
0xb1: {  	_ =	task.clear_ibuf [dreg:s6], $0x5FFFF;
	_ =	strace $0x90000046  }
0xb2: {  	s29 =	simm.s32 $0x9;
	_ =	strace $0x80000048  }
0xb3: {  	_ =	swait.ge [sflag:s29], $0x1  }
0xb4: {  	[sflag:s29] =	ssyncadd.s32 $0xFFFFFFFF  }
0xb5: {  	_ =	strace $0x90000048  }
0xb6: {  	_ =	sfence  }
0xb7: {  	s30 =	sld [smem:$0x0];
	_ =	sdelay $0x2  }
0xb8: {  	s31 =	sshll.u32 s1, $0xD;
	s1 =	sshrl.u32 s1, $0x2  }
0xb9: {  	s3 =	sand.u32 $0x4000, s31;
	s1 =	sadd.s32 s1, s30  }
0xba: {  	s0 =	sor.u32 s3, s0;
	s1 =	sshll.u32 s1, $0x11  }
0xbb: {  	s0 =	sor.u32 s1, s0  }
0xbc: {  	s0 =	sadd.s32 $0x8F2B, s0  }
0xbd: {  	[sflag:s0] =	ssyncadd.remote.s32 $0x1  }
0xbe: {  	_ =	sfence.sel $0xFFFF  }
0xbf: {  	[dreg:$0x0] =	wrdreg $0xFFFFFFFF;
	(pc) =	sbr.abs _section_cstart, $3  }
0xc0: {  	[dreg:$0x1] =	wrdreg $0xFFFFFFFF  }
0xc1: {  	_ =	task.clear_ibuf [dreg:s6], $0x2FFFF;
	_ =	strace $0x9FFFFFFF  }
0xc2: {  	(tm) =	ssettm $0x7FFFFFFF  }
0xc3: {  	_ =	shalt  }
tec
execute0_lowered:
.L_overlay_start_1:
0x0: {  	(tag) =	ssettag $0x1  }
0x1: {  	s0 =	rddreg [dreg:$0x0]  }
0x2: {  	s2 =	rddreg [dreg:$0x1];
	s3 =	simm.s32 $0x0  }
0x3: {  	s1 =	srdreg.scid;
	s11 =	stileid.u32;
	s28 =	simm.s32 $0x5  }
0x4: {  	s29 =	simm.s32 $0x2;
	s30 =	simm.s32 $0x768;
	s31 =	simm.s32 $0x6  }
0x5: {  	[smem:$0x7FF] =	sst s3;
	s1 =	sand.u32 $0x1, s1;
	s6 =	smul.u32 $0x2800, s11  }
0x6: {  	s4 =	sadd.s32 $0x16800, s0;
	s5 =	sadd.s32 $0x2600, s0;
	s8 =	sadd.s32 $0x16200, s0  }
0x7: {  	s19 =	sshll.u32 s11, $0x6;
	s20 =	smul.u32 $0x4F00, s11;
	_ =	strace $0x80000047  }
0x8: {  	s7 =	smul.u32 $0x28000, s1;
	[dreg:$0x4] =	wrdreg s8;
	s18 =	sshll.u32 s1, $0x4  }
0x9: {  	s9 =	ssub.s32 $0x2, s1;
	s1 =	smul.u32 $0x4F000, s1;
	s8 =	sor.u32 s11, s18  }
0xa: {  	s10 =	sshrl.u32 s9, $0x1;
	s18 =	simm.s32 $0x7;
	s7 =	sadd.s32 s6, s7  }
0xb: {  	s8 =	smul.u32 $0x4F00, s8;
	s9 =	ssub.s32 s9, s10;
	s6 =	sadd.s32 s6, s2  }
0xc: {  	s1 =	sadd.s32 s20, s1;
	s20 =	simm.s32 $0x271;
	s7 =	sshrl.u32 s7, $0x3  }
0xd: {  	s23 =	sadd.s32 $0x2290, s1;
	s24 =	smax.u32 s9, $0x1;
	s25 =	sadd.s32 $0x1DA0, s1  }
0xe: {  	s10 =	sadd.s32 $0x18B0, s1;
	s16 =	sadd.s32 $0x13C0, s1;
	s17 =	sshrl.u32 s6, $0x3  }
0xf: {  	s1 =	simm.s32 $0x3;
	s6 =	simm.s32 $0x1148;
	s0 =	sadd.s32 s7, s0  }
0x10: {  	s8 =	sshrl.u32 s8, $0x3;
	s7 =	sor.u32 $0x1C07, s19;
	[dreg:$0xa] =	wrdreg s24  }
0x11: {  	s9 =	sshrl.u32 s25, $0x3;
	s26 =	sshrl.u32 s10, $0x3;
	s19 =	simm.s32 $0x4F0  }
0x12: {  	s24 =	simm.s32 $0xED0;
	s25 =	simm.s32 $0x1;
	s10 =	simm.s32 $0x0  }
0x13: {  	s8 =	sadd.s32 s5, s8;
	s0 =	sadd.s32 $0x1B800, s0;
	s14 =	sadd.s32 s9, s5  }
0x14: {  	s15 =	sadd.s32 s26, s5;
	s26 =	simm.s32 $0x278;
	[dreg:$0x5] =	wrdreg s8  }
0x15: {  	s9 =	simm.s32 $0x4;
	s21 =	sadd.s32 $0x9E, s8;
	[dreg:$0x9] =	wrdreg s0  }
0x16: {  	s22 =	sadd.s32 $0x13C, s8;
	s8 =	sadd.s32 $0x1DA, s8;
	[dreg:$0x6] =	wrdreg s21  }
0x17: {  	s0 =	sshrl.u32 s23, $0x3;
	s23 =	simm.s32 $0x9E0;
	[dreg:$0x7] =	wrdreg s22  }
0x18: {  	[dreg:$0x8] =	wrdreg s8;
	s0 =	sadd.s32 s0, s5;
	s21 =	simm.s32 $0x13C0  }
0x19: {  	s22 =	simm.s32 $0x3AD0;
	[dreg:$0x3] =	wrdreg s0;
	s0 =	simm.s32 $0xC58  }
.LBB2_1:
0x1a: {  	s8 =	rddreg [dreg:$0x4]  }
0x1b: {  	[spmem:s17], [sflag:s7] =	dma.local [hbm:s8], $0x500  }
0x1c: {  	_ =	swait.ge [sflag:s18], $0x500  }
0x1d: {  	[sflag:s18] =	ssyncset.done $0x0  }
0x1e: {  	[sflag:s18] =	ssyncadd.s32 $0xFFFFFB00  }
0x1f: {  	[bflag:$0x0] =	sbarrier.arrive $0xFFFF  }
0x20: {  	s13 =	rddreg [dreg:$0x5]  }
0x21: {  	[tilespmem:s3], [sflag:$0x7] =	stream.linear.gather [hbm4b:s13+s3], $0x4F0, $0x38;
	[tilespmem:$0x89E0] =	vst v63  }
0x22: {  	_ =	swait.ge [sflag:s18], $0x4F0  }
0x23: {  	[sflag:s18] =	ssyncset.done $0x0  }
0x24: {  	s11 =	rddreg [dreg:$0x6];
	[sflag:s18] =	ssyncadd.s32 $0xFFFFFB10  }
0x25: {  	[tilespmem:s19], [sflag:$0x7] =	stream.linear.gather [hbm4b:s11+s3], $0x4F0, $0x38;
	[tilespmem:$0x89E0] =	vst v63  }
0x26: {  	_ =	swait.ge [sflag:s18], $0x4F0  }
0x27: {  	[sflag:s18] =	ssyncset.done $0x0  }
0x28: {  	[sflag:s18] =	ssyncadd.s32 $0xFFFFFB10  }
0x29: {  	[tilespmem:s21], [sflag:$0x1] =	stream.indirect.gather [hbm4b:s4+s20], $0x10, s3, s20, $0xb8;
	[tilespmem:$0x89E0] =	vst v63  }
0x2a: {  	_ = 	snop  }
0x2b: {  	[tilespmem:s22], [sflag:$0x2] =	stream.indirect.gather [hbm4b:s4+s20], $0x10, s19, s20, $0xb8;
	[tilespmem:$0x89E0] =	vst v63  }
0x2c: {  	s12 =	rddreg [dreg:$0x7]  }
0x2d: {  	[tilespmem:s23], [sflag:$0x5] =	stream.linear.gather [hbm4b:s12+s3], $0x4F0, $0x38;
	[tilespmem:$0x89E0] =	vst v63  }
0x2e: {  	s13 =	rddreg [dreg:$0x8]  }
0x2f: {  	[tilespmem:s24], [sflag:$0x6] =	stream.linear.gather [hbm4b:s13+s3], $0x4F0, $0x38;
	[tilespmem:$0x89E0] =	vst v63  }
0x30: {  	_ =	swait.ge [sflag:s25], $0x2710  }
0x31: {  	[sflag:s25] =	ssyncset.done $0x0  }
0x32: {  	[sflag:s25] =	ssyncadd.s32 $0xFFFFD8F0  }
0x33: {  	[spmem:s2] =	stream.indirect.scatter.add.f32 [tilespmem:s21], [sflag:$0x7], $0x10, s26, s20, $0xb8;
	[tilespmem:$0x89E0] =	vst v63  }
0x34: {  	_ =	swait.ge [sflag:s18], $0x2710  }
0x35: {  	s11 =	sshrl.u32 s16, $0x3;
	[sflag:s18] =	ssyncset.done $0x0  }
0x36: {  	s11 =	sadd.s32 s5, s11;
	[sflag:s18] =	ssyncadd.s32 $0xFFFFD8F0  }
0x37: {  	[tilespmem:s3], [sflag:$0x3] =	stream.linear.gather [hbm4b:s11+s3], $0x4F0, $0x38;
	[tilespmem:$0x89E0] =	vst v63  }
0x38: {  	_ =	swait.ge [sflag:s28], $0x4F0  }
0x39: {  	[sflag:s28] =	ssyncset.done $0x0  }
0x3a: {  	[sflag:s28] =	ssyncadd.s32 $0xFFFFFB10  }
0x3b: {  	[tilespmem:s21], [sflag:$0x1] =	stream.indirect.gather [hbm4b:s4+s20], $0x10, s23, s20, $0xb8;
	[tilespmem:$0x89E0] =	vst v63  }
0x3c: {  	_ =	swait.ge [sflag:s29], $0x2710  }
0x3d: {  	[sflag:s29] =	ssyncset.done $0x0  }
0x3e: {  	[sflag:s29] =	ssyncadd.s32 $0xFFFFD8F0  }
0x3f: {  	[spmem:s2] =	stream.indirect.scatter.add.f32 [tilespmem:s22], [sflag:$0x7], $0x10, s30, s20, $0xb8;
	[tilespmem:$0x89E0] =	vst v63  }
0x40: {  	_ =	swait.ge [sflag:s18], $0x2710  }
0x41: {  	[sflag:s18] =	ssyncset.done $0x0  }
0x42: {  	s8 =	sadd.s32 $0x0, s15;
	[sflag:s18] =	ssyncadd.s32 $0xFFFFD8F0  }
0x43: {  	[tilespmem:s19], [sflag:$0x4] =	stream.linear.gather [hbm4b:s8+s3], $0x4F0, $0x38;
	[tilespmem:$0x89E0] =	vst v63  }
0x44: {  	_ =	swait.ge [sflag:s31], $0x4F0  }
0x45: {  	[sflag:s31] =	ssyncset.done $0x0  }
0x46: {  	[sflag:s31] =	ssyncadd.s32 $0xFFFFFB10  }
0x47: {  	[tilespmem:s22], [sflag:$0x2] =	stream.indirect.gather [hbm4b:s4+s20], $0x10, s24, s20, $0xb8;
	[tilespmem:$0x89E0] =	vst v63  }
0x48: {  	_ =	swait.ge [sflag:s25], $0x2710  }
0x49: {  	[sflag:s25] =	ssyncset.done $0x0  }
0x4a: {  	[sflag:s25] =	ssyncadd.s32 $0xFFFFD8F0  }
0x4b: {  	[spmem:s2] =	stream.indirect.scatter.add.f32 [tilespmem:s21], [sflag:$0x7], $0x10, s0, s20, $0xb8;
	[tilespmem:$0x89E0] =	vst v63  }
0x4c: {  	_ =	swait.ge [sflag:s18], $0x2710  }
0x4d: {  	[sflag:s18] =	ssyncset.done $0x0  }
0x4e: {  	s12 =	sadd.s32 $0x0, s14;
	[sflag:s18] =	ssyncadd.s32 $0xFFFFD8F0  }
0x4f: {  	[tilespmem:s23], [sflag:$0x5] =	stream.linear.gather [hbm4b:s12+s3], $0x4F0, $0x38;
	[tilespmem:$0x89E0] =	vst v63  }
0x50: {  	_ =	swait.ge [sflag:s1], $0x4F0  }
0x51: {  	[sflag:s1] =	ssyncset.done $0x0  }
0x52: {  	[sflag:s1] =	ssyncadd.s32 $0xFFFFFB10  }
0x53: {  	[tilespmem:s21], [sflag:$0x1] =	stream.indirect.gather [hbm4b:s4+s20], $0x10, s3, s20, $0xb8;
	[tilespmem:$0x89E0] =	vst v63  }
0x54: {  	_ =	swait.ge [sflag:s29], $0x2710  }
0x55: {  	[sflag:s29] =	ssyncset.done $0x0  }
0x56: {  	[sflag:s29] =	ssyncadd.s32 $0xFFFFD8F0  }
0x57: {  	[spmem:s2] =	stream.indirect.scatter.add.f32 [tilespmem:s22], [sflag:$0x7], $0x10, s6, s20, $0xb8;
	[tilespmem:$0x89E0] =	vst v63  }
0x58: {  	_ =	swait.ge [sflag:s18], $0x2710  }
0x59: {  	s13 =	rddreg [dreg:$0x3];
	[sflag:s18] =	ssyncset.done $0x0  }
0x5a: {  	[sflag:s18] =	ssyncadd.s32 $0xFFFFD8F0;
	s11 =	sadd.s32 $0x0, s13  }
0x5b: {  	[tilespmem:s24], [sflag:$0x6] =	stream.linear.gather [hbm4b:s11+s3], $0x4F0, $0x38;
	[tilespmem:$0x89E0] =	vst v63  }
0x5c: {  	_ =	swait.ge [sflag:s9], $0x4F0  }
0x5d: {  	[sflag:s9] =	ssyncset.done $0x0  }
0x5e: {  	s12 =	sadd.s32 $0x13C0, s16;
	s11 =	simm.s32 $0x278;
	[sflag:s9] =	ssyncadd.s32 $0xFFFFFB10  }
.LBB2_2:
0x5f: {  	[tilespmem:s22], [sflag:$0x2] =	stream.indirect.gather [hbm4b:s4+s20], $0x10, s19, s20, $0xb8;
	[tilespmem:$0x89E0] =	vst v63  }
0x60: {  	_ =	swait.ge [sflag:s25], $0x2710  }
0x61: {  	[sflag:s25] =	ssyncset.done $0x0  }
0x62: {  	[sflag:s25] =	ssyncadd.s32 $0xFFFFD8F0  }
0x63: {  	[spmem:s2] =	stream.indirect.scatter.add.f32 [tilespmem:s21], [sflag:$0x7], $0x10, s26, s20, $0xb8;
	[tilespmem:$0x89E0] =	vst v63  }
0x64: {  	_ =	swait.ge [sflag:s18], $0x2710  }
0x65: {  	s8 =	sshrl.u32 s12, $0x3;
	[sflag:s18] =	ssyncset.done $0x0  }
0x66: {  	s8 =	sadd.s32 s5, s8;
	[sflag:s18] =	ssyncadd.s32 $0xFFFFD8F0  }
0x67: {  	[tilespmem:s3], [sflag:$0x3] =	stream.linear.gather [hbm4b:s8+s3], $0x4F0, $0x38;
	[tilespmem:$0x89E0] =	vst v63  }
0x68: {  	_ =	swait.ge [sflag:s28], $0x4F0  }
0x69: {  	[sflag:s28] =	ssyncset.done $0x0  }
0x6a: {  	[sflag:s28] =	ssyncadd.s32 $0xFFFFFB10  }
0x6b: {  	[tilespmem:s21], [sflag:$0x1] =	stream.indirect.gather [hbm4b:s4+s20], $0x10, s23, s20, $0xb8;
	[tilespmem:$0x89E0] =	vst v63  }
0x6c: {  	_ =	swait.ge [sflag:s29], $0x2710  }
0x6d: {  	[sflag:s29] =	ssyncset.done $0x0  }
0x6e: {  	[sflag:s29] =	ssyncadd.s32 $0xFFFFD8F0  }
0x6f: {  	[spmem:s2] =	stream.indirect.scatter.add.f32 [tilespmem:s22], [sflag:$0x7], $0x10, s30, s20, $0xb8;
	[tilespmem:$0x89E0] =	vst v63  }
0x70: {  	_ =	swait.ge [sflag:s18], $0x2710  }
0x71: {  	s13 =	smov.u32 s11;
	[sflag:s18] =	ssyncset.done $0x0  }
0x72: {  	s8 =	sadd.s32 s13, s15;
	[sflag:s18] =	ssyncadd.s32 $0xFFFFD8F0  }
0x73: {  	[tilespmem:s19], [sflag:$0x4] =	stream.linear.gather [hbm4b:s8+s3], $0x4F0, $0x38;
	[tilespmem:$0x89E0] =	vst v63  }
0x74: {  	_ =	swait.ge [sflag:s31], $0x4F0  }
0x75: {  	[sflag:s31] =	ssyncset.done $0x0  }
0x76: {  	[sflag:s31] =	ssyncadd.s32 $0xFFFFFB10  }
0x77: {  	[tilespmem:s22], [sflag:$0x2] =	stream.indirect.gather [hbm4b:s4+s20], $0x10, s24, s20, $0xb8;
	[tilespmem:$0x89E0] =	vst v63  }
0x78: {  	_ =	swait.ge [sflag:s25], $0x2710  }
0x79: {  	[sflag:s25] =	ssyncset.done $0x0  }
0x7a: {  	[sflag:s25] =	ssyncadd.s32 $0xFFFFD8F0  }
0x7b: {  	[spmem:s2] =	stream.indirect.scatter.add.f32 [tilespmem:s21], [sflag:$0x7], $0x10, s0, s20, $0xb8;
	[tilespmem:$0x89E0] =	vst v63  }
0x7c: {  	_ =	swait.ge [sflag:s18], $0x2710  }
0x7d: {  	[sflag:s18] =	ssyncset.done $0x0  }
0x7e: {  	s8 =	sadd.s32 s13, s14;
	[sflag:s18] =	ssyncadd.s32 $0xFFFFD8F0  }
0x7f: {  	[tilespmem:s23], [sflag:$0x5] =	stream.linear.gather [hbm4b:s8+s3], $0x4F0, $0x38;
	[tilespmem:$0x89E0] =	vst v63  }
0x80: {  	_ =	swait.ge [sflag:s1], $0x4F0  }
0x81: {  	[sflag:s1] =	ssyncset.done $0x0  }
0x82: {  	[sflag:s1] =	ssyncadd.s32 $0xFFFFFB10  }
0x83: {  	[tilespmem:s21], [sflag:$0x1] =	stream.indirect.gather [hbm4b:s4+s20], $0x10, s3, s20, $0xb8;
	[tilespmem:$0x89E0] =	vst v63  }
0x84: {  	_ =	swait.ge [sflag:s29], $0x2710  }
0x85: {  	[sflag:s29] =	ssyncset.done $0x0  }
0x86: {  	[sflag:s29] =	ssyncadd.s32 $0xFFFFD8F0  }
0x87: {  	[spmem:s2] =	stream.indirect.scatter.add.f32 [tilespmem:s22], [sflag:$0x7], $0x10, s6, s20, $0xb8;
	[tilespmem:$0x89E0] =	vst v63  }
0x88: {  	_ =	swait.ge [sflag:s18], $0x2710  }
0x89: {  	p0 =	sne.s32 s11, $0x4F0;
	s8 =	rddreg [dreg:$0x3];
	[sflag:s18] =	ssyncset.done $0x0  }
.Ltmp0:
0x8a: {  	[sflag:s18] =	ssyncadd.s32 $0xFFFFD8F0;
	s8 =	sadd.s32 s13, s8;
	(pc) =	sbr.rel @p0 .LBB2_2-.Ltmp0, $4  }
0x8b: {  	[tilespmem:s24], [sflag:$0x6] =	stream.linear.gather [hbm4b:s8+s3], $0x4F0, $0x38;
	[tilespmem:$0x89E0] =	vst v63  }
0x8c: {  	_ =	swait.ge [sflag:s9], $0x4F0  }
0x8d: {  	[sflag:s9] =	ssyncset.done $0x0  }
0x8e: {  	s11 =	sadd.s32 $0x278, s11;
	s12 =	sadd.s32 $0x13C0, s12;
	[sflag:s9] =	ssyncadd.s32 $0xFFFFFB10  }
0x8f: {  	[tilespmem:s22], [sflag:$0x2] =	stream.indirect.gather [hbm4b:s4+s20], $0x10, s19, s20, $0xb8;
	[tilespmem:$0x89E0] =	vst v63  }
0x90: {  	_ =	swait.ge [sflag:s25], $0x2710  }
0x91: {  	[sflag:s25] =	ssyncset.done $0x0  }
0x92: {  	[sflag:s25] =	ssyncadd.s32 $0xFFFFD8F0  }
0x93: {  	[spmem:s2] =	stream.indirect.scatter.add.f32 [tilespmem:s21], [sflag:$0x7], $0x10, s26, s20, $0xb8;
	[tilespmem:$0x89E0] =	vst v63  }
0x94: {  	_ =	swait.ge [sflag:s18], $0x2710  }
0x95: {  	[sflag:s18] =	ssyncset.done $0x0  }
0x96: {  	[sflag:s18] =	ssyncadd.s32 $0xFFFFD8F0  }
0x97: {  	_ =	swait.ge [sflag:s28], $0x4F0  }
0x98: {  	[sflag:s28] =	ssyncset.done $0x0  }
0x99: {  	[sflag:s28] =	ssyncadd.s32 $0xFFFFFB10  }
0x9a: {  	[tilespmem:s21], [sflag:$0x1] =	stream.indirect.gather [hbm4b:s4+s20], $0x10, s23, s20, $0xb8;
	[tilespmem:$0x89E0] =	vst v63  }
0x9b: {  	_ =	swait.ge [sflag:s29], $0x2710  }
0x9c: {  	[sflag:s29] =	ssyncset.done $0x0  }
0x9d: {  	[sflag:s29] =	ssyncadd.s32 $0xFFFFD8F0  }
0x9e: {  	[spmem:s2] =	stream.indirect.scatter.add.f32 [tilespmem:s22], [sflag:$0x7], $0x10, s30, s20, $0xb8;
	[tilespmem:$0x89E0] =	vst v63  }
0x9f: {  	_ =	swait.ge [sflag:s18], $0x2710  }
0xa0: {  	[sflag:s18] =	ssyncset.done $0x0  }
0xa1: {  	[sflag:s18] =	ssyncadd.s32 $0xFFFFD8F0  }
0xa2: {  	_ =	swait.ge [sflag:s31], $0x4F0  }
0xa3: {  	[sflag:s31] =	ssyncset.done $0x0  }
0xa4: {  	[sflag:s31] =	ssyncadd.s32 $0xFFFFFB10  }
0xa5: {  	[tilespmem:s22], [sflag:$0x2] =	stream.indirect.gather [hbm4b:s4+s20], $0x10, s24, s20, $0xb8;
	[tilespmem:$0x89E0] =	vst v63  }
0xa6: {  	_ =	swait.ge [sflag:s25], $0x2710  }
0xa7: {  	[sflag:s25] =	ssyncset.done $0x0  }
0xa8: {  	[sflag:s25] =	ssyncadd.s32 $0xFFFFD8F0  }
0xa9: {  	[spmem:s2] =	stream.indirect.scatter.add.f32 [tilespmem:s21], [sflag:$0x7], $0x10, s0, s20, $0xb8;
	[tilespmem:$0x89E0] =	vst v63  }
0xaa: {  	_ =	swait.ge [sflag:s18], $0x2710  }
0xab: {  	[sflag:s18] =	ssyncset.done $0x0  }
0xac: {  	[sflag:s18] =	ssyncadd.s32 $0xFFFFD8F0  }
0xad: {  	_ =	swait.ge [sflag:s29], $0x2710  }
0xae: {  	[sflag:s29] =	ssyncset.done $0x0  }
0xaf: {  	[sflag:s29] =	ssyncadd.s32 $0xFFFFD8F0  }
0xb0: {  	[spmem:s2] =	stream.indirect.scatter.add.f32 [tilespmem:s22], [sflag:$0x7], $0x10, s6, s20, $0xb8;
	[tilespmem:$0x89E0] =	vst v63  }
0xb1: {  	_ =	swait.ge [sflag:s18], $0x2710  }
0xb2: {  	[sflag:s18] =	ssyncset.done $0x0  }
0xb3: {  	[sflag:s18] =	ssyncadd.s32 $0xFFFFD8F0  }
0xb4: {  	[bflag:$0x0] =	sbarrier.arrive $0xFFFF  }
0xb5: {  	s8 =	rddreg [dreg:$0x9]  }
0xb6: {  	[hbm:s8], [sflag:s7] =	dma.local [spmem:s17], $0x500  }
0xb7: {  	_ =	swait.ge [sflag:s18], $0x500  }
0xb8: {  	s10 =	sadd.s32 $0x1, s10;
	s13 =	rddreg [dreg:$0xa]  }
0xb9: {  	p0 =	sne.s32 s10, s13  }
.Ltmp1:
0xba: {  	_ = 	snop;
	(pc) =	sbr.rel @p0 .LBB2_1-.Ltmp1, $3  }
0xbb: {  	_ =	sdelay $0x1  }
0xbc: {  	[sflag:s18] =	ssyncset.done $0x0  }
0xbd: {  	[sflag:s18] =	ssyncadd.s32 $0xFFFFFB00  }
0xbe: {  	_ =	sfence.sel $0x180000  }
0xbf: {  	[bflag:$0x0] =	sbarrier.arrive $0xFFFF  }
0xc0: {  	_ =	strace $0x90000047  }
0xc1: {  	s0 =	stileid.u32;
	[bflag:$0x2] =	sbarrier.arrive $0xFFFF  }
0xc2: {  	p0 =	sne.s32 s0, $0x0;
	s0 =	rddreg [dreg:$0x2]  }
0xc3: {  	s0 =	sadd.s32 @!p0 $0x100000, s0  }
0xc4: {  	[sflag:s0] =	ssyncadd.tile.s32 @!p0 $0x1;
	_ =	shalt  }
.Lfunc_end2:
_tile_overlayer_lowered:
.L_overlay_start_2:
0xc5: {  	(tag) =	ssettag $0x2  }
0xc6: {  	s0 =	rddreg [dreg:$0x0];
	s2 =	stileid.u32  }
0xc7: {  	s1 =	rddreg [dreg:$0x1];
	p0 =	sne.s32 s2, $0x0  }
0xc8: {  	s3 =	rddreg [dreg:$0x2];
	[bflag:$0x3] =	sbarrier.arrive $0xFFFF;
	s2 =	simm.s32 @!p0 $0x1C07  }
0xc9: {  	[timem:s3], [sflag:s2] =	dma.local @!p0 [hbm:s0], s1  }
0xca: {  	s0 =	simm.s32 @!p0 $0x7  }
0xcb: {  	_ =	swait.ge @!p0 [sflag:s0], s1  }
0xcc: {  	s1 =	ssub.s32 @!p0 $0x0, s1;
	[sflag:s0] =	ssyncset.done @!p0 $0x0  }
0xcd: {  	[sflag:s0] =	ssyncadd.s32 @!p0 s1  }
0xce: {  	[bflag:$0x3] =	sbarrier.arrive $0xFFFF  }
0xcf: {  	_ =	shalt  }

// kernel: kernel.13.cloned.1.call-start
scs
__scs_entry_jumppad:
0x0: {  	(pc) =	sbr.rel $0x88, $3  }
0x1: {  	(tag) =	ssettag $0x0;
	lr =	simm.s32 $0x1  }
0x2: {  	[smem:$0x3F99] =	sst lr;
	_ =	strace $0xD0000000  }
0x3: {  	_ = 	snop  }
0x4: {  	_ = 	snop  }
0x5: {  	_ = 	snop  }
0x6: {  	_ = 	snop  }
0x7: {  	_ = 	snop  }
__scs_overlays_trampoline_lowered:
0x8: {  	[smem:$0x3FA8] =	sst s0  }
0x9: {  	[smem:$0x3FA9] =	sst s1  }
0xa: {  	[smem:$0x3FAA] =	sst s2  }
0xb: {  	[smem:$0x3FAB] =	sst s3  }
0xc: {  	[smem:$0x3FAC] =	sst s4  }
0xd: {  	[smem:$0x3FAD] =	sst s5  }
0xe: {  	[smem:$0x3FAE] =	sst s6  }
0xf: {  	[smem:$0x3FAF] =	sst s7  }
0x10: {  	[smem:$0x3FB0] =	sst s8  }
0x11: {  	[smem:$0x3FB1] =	sst s9;
	s0 =	simm.s32 @!p0 $0x0  }
0x12: {  	s1 =	sld [smem:$0x3F97];
	s0 =	simm.s32 @p0 $0x1  }
0x13: {  	[smem:$0x3FB2] =	sst s0;
	s0 =	simm.s32 @!p1 $0x0  }
0x14: {  	s2 =	sld [smem:$0x3F96];
	s0 =	simm.s32 @p1 $0x1  }
0x15: {  	[smem:$0x3FB3] =	sst s0;
	s0 =	simm.s32 @!p2 $0x0  }
0x16: {  	s3 =	sld [smem:$0x3FDB];
	s0 =	simm.s32 @p2 $0x1  }
0x17: {  	s4 =	simm.s32 $0x1BF5;
	[smem:$0x3FB5] =	sst s0  }
0x18: {  	s0 =	sld [smem:$0x3F98];
	_ =	swait.ge [sflag:s4], $0x0  }
0x19: {  	s7 =	sld [smem:$0x3F99]  }
0x1a: {  	s8 =	sadd.s32 $0xFFFFE003, lr  }
0x1b: {  	s9 =	sadd.s32 $0xFFFFFEF7, lr;
	s5 =	simm.s32 $0xFFFFFFFF;
	p2 =	slt.u32 s8, $0xFFFFF086  }
0x1c: {  	p1 =	slt.u32 s9, $0xF7A;
	s5 =	simm.s32 @!p2 $0x0  }
0x1d: {  	s5 =	simm.s32 @p1 $0x1;
	p0 =	seq.s32 s7, s2  }
0x1e: {  	s7 =	smul.u32 @!p0 $0xF7A, s2;
	p2 =	seq.s32 @!p0 s5, $0x0  }
0x1f: {  	s9 =	smul.u32 $0xF7A, s1;
	s8 =	simm.s32 @!p0 $0x1BF5;
	p2 =	por !p2, p0  }
0x20: {  	[sflag:s8] =	ssyncset.s32 @!p0 $0xFFFFF086;
	s6 =	sadd.s32 @!p0 s3, s7;
	s7 =	simm.s32 @!p0 $0x108  }
0x21: {  	s3 =	sadd.s32 s3, s9;
	s6 =	sadd.s32 @!p0 $0x88, s6;
	s7 =	simm.s32 @p2 $0x1082  }
0x22: {  	[simem:s7], [sflag:s8] =	dma.local @!p0 [hbm:s6], $0xF7A  }
0x23: {  	s9 =	sor.u32 $0xD0000000, s2;
	s6 =	simm.s32 $0x108;
	_ =	swait.ge @!p0 [sflag:s8], $0x0  }
0x24: {  	s3 =	sadd.s32 $0x88, s3;
	s6 =	simm.s32 @!p1 $0x1082;
	[sflag:s4] =	ssyncset.s32 $0xFFFFF086  }
0x25: {  	[simem:s6], [sflag:s4] =	dma.local [hbm:s3], $0xF7A  }
0x26: {  	[smem:$0x3F99] =	sst s1;
	(tag) =	ssettag s2;
	_ =	strace s9  }
0x27: {  	s1 =	sld [smem:$0x3FA9]  }
0x28: {  	s2 =	sld [smem:$0x3FAA]  }
0x29: {  	s4 =	sld [smem:$0x3FAC]  }
0x2a: {  	p0 =	seq.s32 s5, $0x0;
	s5 =	sld [smem:$0x3FAD]  }
0x2b: {  	s6 =	sld [smem:$0x3FAE]  }
0x2c: {  	s7 =	sld [smem:$0x3FAF]  }
0x2d: {  	s3 =	simm.s32 $0x108;
	s8 =	sld [smem:$0x3FB0]  }
0x2e: {  	s3 =	simm.s32 @!p0 $0x1082;
	s9 =	sld [smem:$0x3FB1]  }
0x2f: {  	lr =	sadd.s32 s0, s3;
	s0 =	sld [smem:$0x3FA8]  }
0x30: {  	s3 =	sld [smem:$0x3FAB]  }
0x31: {  	[smem:$0x3FB4] =	sst s10  }
0x32: {  	s10 =	sld [smem:$0x3FB2];
	_ =	sdelay $0x3  }
0x33: {  	p0 =	seq.s32 s10, $0x1;
	s10 =	sld [smem:$0x3FB4];
	_ =	sdelay $0x3  }
0x34: {  	[smem:$0x3FB4] =	sst s10  }
0x35: {  	s10 =	sld [smem:$0x3FB3];
	_ =	sdelay $0x3  }
0x36: {  	p1 =	seq.s32 s10, $0x1;
	s10 =	sld [smem:$0x3FB4];
	_ =	sdelay $0x3  }
0x37: {  	[smem:$0x3FB4] =	sst s10  }
0x38: {  	s10 =	sld [smem:$0x3FB5]  }
0x39: {  	_ = 	snop;
	(pc) =	sbr.ind lr, $3  }
0x3a: {  	_ = 	snop  }
0x3b: {  	_ = 	snop  }
0x3c: {  	p2 =	seq.s32 s10, $0x1;
	s10 =	sld [smem:$0x3FB4]  }
0x3d: {  	_ =	shalt  }
0x3e: {  	_ =	shalt  }
0x3f: {  	_ =	shalt  }
0x40: {  	_ =	shalt  }
0x41: {  	_ =	shalt  }
0x42: {  	_ =	shalt  }
0x43: {  	_ =	shalt  }
0x44: {  	_ =	shalt  }
0x45: {  	_ =	shalt  }
0x46: {  	_ =	shalt  }
0x47: {  	_ =	shalt  }
0x48: {  	_ =	shalt  }
0x49: {  	_ =	shalt  }
0x4a: {  	_ =	shalt  }
0x4b: {  	_ =	shalt  }
0x4c: {  	_ =	shalt  }
0x4d: {  	_ =	shalt  }
0x4e: {  	_ =	shalt  }
0x4f: {  	_ =	shalt  }
0x50: {  	_ =	shalt  }
0x51: {  	_ =	shalt  }
0x52: {  	_ =	shalt  }
0x53: {  	_ =	shalt  }
0x54: {  	_ =	shalt  }
0x55: {  	_ =	shalt  }
0x56: {  	_ =	shalt  }
0x57: {  	_ =	shalt  }
0x58: {  	_ =	shalt  }
0x59: {  	_ =	shalt  }
0x5a: {  	_ =	shalt  }
0x5b: {  	_ =	shalt  }
0x5c: {  	_ =	shalt  }
0x5d: {  	_ =	shalt  }
0x5e: {  	_ =	shalt  }
0x5f: {  	_ =	shalt  }
0x60: {  	_ =	shalt  }
0x61: {  	_ =	shalt  }
0x62: {  	_ =	shalt  }
0x63: {  	_ =	shalt  }
0x64: {  	_ =	shalt  }
0x65: {  	_ =	shalt  }
0x66: {  	_ =	shalt  }
0x67: {  	_ =	shalt  }
0x68: {  	_ =	shalt  }
0x69: {  	_ =	shalt  }
0x6a: {  	_ =	shalt  }
0x6b: {  	_ =	shalt  }
0x6c: {  	_ =	shalt  }
0x6d: {  	_ =	shalt  }
0x6e: {  	_ =	shalt  }
0x6f: {  	_ =	shalt  }
0x70: {  	_ =	shalt  }
0x71: {  	_ =	shalt  }
0x72: {  	_ =	shalt  }
0x73: {  	_ =	shalt  }
0x74: {  	_ =	shalt  }
0x75: {  	_ =	shalt  }
0x76: {  	_ =	shalt  }
0x77: {  	_ =	shalt  }
0x78: {  	_ =	shalt  }
0x79: {  	_ =	shalt  }
0x7a: {  	_ =	shalt  }
0x7b: {  	_ =	shalt  }
0x7c: {  	_ =	shalt  }
0x7d: {  	_ =	shalt  }
0x7e: {  	_ =	shalt  }
0x7f: {  	_ =	shalt  }
0x80: {  	_ =	shalt  }
0x81: {  	_ =	shalt  }
0x82: {  	_ =	shalt  }
0x83: {  	_ =	shalt  }
0x84: {  	_ =	shalt  }
0x85: {  	_ =	shalt  }
0x86: {  	_ =	shalt  }
0x87: {  	_ =	shalt  }
.Lfunc_end0:
.L_simem_size_0:
called_computation.1_lowered:
.L_overlay_start_0:
0x88: {  	s2 =	sld [smem:$0x3FD9]  }
0x89: {  	s3 =	sld [smem:$0x3FFE];
	_ =	sdelay $0x1  }
0x8a: {  	s1 =	srdreg.scid  }
0x8b: {  	s0 =	sand.u32 $0x1, s1  }
0x8c: {  	s17 =	sshll.u32 s0, $0xA;
	s2 =	sadd.s32 s3, s2  }
0x8d: {  	s2 =	sadd.s32 s2, s17  }
0x8e: {  	[smem:$0x3FC0] =	sst s2  }
0x8f: {  	_ = 	snop  }
0x90: {  	s2 =	sld [smem:$0x3FD0];
	(tm) =	ssettm $0x1  }
0x91: {  	s18 =	sld [smem:$0x3FFB];
	_ =	sdelay $0x3  }
0x92: {  	_ =	strace s18  }
0x93: {  	s3 =	sld [smem:$0x3FFC];
	_ =	sdelay $0x3  }
0x94: {  	_ =	strace s3  }
0x95: {  	s3 =	sld [smem:$0x3FFD];
	_ =	sdelay $0x3  }
0x96: {  	_ =	strace s3  }
0x97: {  	_ =	strace $0x8FFFFFFF  }
0x98: {  	s19 =	sld [smem:$0x3FDB];
	_ =	sdelay $0x1  }
0x99: {  	s4 =	simm.s32 $_scs_section_size  }
0x9a: {  	s5 =	simm.s32 $_size__tile_overlayer_lowered;
	s6 =	simm.s32 $_tile_overlayer_lowered  }
0x9b: {  	s22 =	simm.s32 $0x1BFF;
	s21 =	sshll.u32 s6, $0x1;
	s3 =	sadd.s32 s4, s19  }
0x9c: {  	s7 =	simm.s32 $0x0;
	s20 =	sshll.u32 s5, $0x1;
	s5 =	sadd.s32 s21, s3  }
0x9d: {  	[timem:s7], [sflag:s22] =	dma.local [hbm:s5], s20  }
0x9e: {  	_ =	swait.ge [sflag:s22], s20  }
0x9f: {  	s4 =	ssub.s32 $0x0, s20;
	[sflag:s22] =	ssyncset.done $0x0  }
0xa0: {  	[sflag:s22] =	ssyncadd.s32 s4;
	_ =	sdelay $0x1  }
0xa1: {  	s23 =	simm.s32 $0x1B8B  }
0xa2: {  	_ =	swait.ge [sflag:s23], $0x1  }
0xa3: {  	[sflag:s23] =	ssyncset.done $0x0  }
0xa4: {  	s25 =	simm.s32 $0x1B8E;
	s24 =	sld [smem:$0x3FFE];
	[sflag:s23] =	ssyncadd.s32 $0xFFFFFFFF  }
0xa5: {  	s26 =	simm.s32 $execute0_lowered;
	[smem:$0x3FD2] =	sst s25  }
0xa6: {  	s5 =	sshll.u32 s26, $0x1;
	_ =	strace $0x80000049;
	[dreg:$0x1] =	wrdreg $0xFFFFFFFF  }
0xa7: {  	s28 =	simm.s32 $_size_execute0_lowered;
	s3 =	sadd.s32 s3, s5;
	[dreg:$0x0] =	wrdreg $0x0  }
0xa8: {  	s5 =	sshll.u32 s28, $0x1;
	[dreg:$0x2] =	wrdreg s3  }
0xa9: {  	[dreg:$0x3] =	wrdreg s5  }
0xaa: {  	[dreg:$0x4] =	wrdreg $0xC0  }
0xab: {  	_ =	task [dreg:s7], $0x5FFFF  }
0xac: {  	[dreg:$0x1] =	wrdreg $0xFFFFFFFF  }
0xad: {  	[dreg:$0x0] =	wrdreg $0x60  }
0xae: {  	[dreg:$0x2] =	wrdreg s24  }
0xaf: {  	[dreg:$0x3] =	wrdreg s2  }
0xb0: {  	[dreg:$0x4] =	wrdreg $0x42800  }
0xb1: {  	[dreg:$0x5] =	wrdreg $0x9  }
0xb2: {  	_ =	task.clear_ibuf [dreg:s7], $0x6FFFF;
	_ =	strace $0x90000049  }
0xb3: {  	s29 =	simm.s32 $0x9;
	_ =	strace $0x8000004B  }
0xb4: {  	_ =	swait.ge [sflag:s29], $0x1  }
0xb5: {  	[sflag:s29] =	ssyncadd.s32 $0xFFFFFFFF  }
0xb6: {  	_ =	strace $0x9000004B  }
0xb7: {  	_ =	sfence  }
0xb8: {  	s30 =	sld [smem:$0x0];
	_ =	sdelay $0x2  }
0xb9: {  	s31 =	sshll.u32 s1, $0xD;
	s1 =	sshrl.u32 s1, $0x2  }
0xba: {  	s3 =	sand.u32 $0x4000, s31;
	s1 =	sadd.s32 s1, s30  }
0xbb: {  	s0 =	sor.u32 s3, s0;
	s1 =	sshll.u32 s1, $0x11  }
0xbc: {  	s0 =	sor.u32 s1, s0  }
0xbd: {  	s0 =	sadd.s32 $0x8F2B, s0  }
0xbe: {  	[sflag:s0] =	ssyncadd.remote.s32 $0x1  }
0xbf: {  	_ =	sfence.sel $0xFFFF  }
0xc0: {  	[dreg:$0x0] =	wrdreg $0xFFFFFFFF;
	(pc) =	sbr.abs _section_cstart, $3  }
0xc1: {  	[dreg:$0x1] =	wrdreg $0xFFFFFFFF  }
0xc2: {  	_ =	task.clear_ibuf [dreg:s7], $0x2FFFF;
	_ =	strace $0x9FFFFFFF  }
0xc3: {  	(tm) =	ssettm $0x7FFFFFFF  }
tec
execute0_lowered:
.L_overlay_start_1:
0x0: {  	(tag) =	ssettag $0x1  }
0x1: {  	s0 =	rddreg [dreg:$0x0]  }
0x2: {  	s1 =	rddreg [dreg:$0x1]  }
0x3: {  	s2 =	rddreg [dreg:$0x2];
	s4 =	srdreg.scid  }
0x4: {  	s12 =	stileid.u32;
	s3 =	simm.s32 $0x0;
	s28 =	simm.s32 $0x5  }
0x5: {  	s29 =	simm.s32 $0x2;
	s30 =	simm.s32 $0x180;
	s31 =	simm.s32 $0x6  }
0x6: {  	s5 =	sand.u32 $0x1, s4;
	s6 =	smul.u32 $0x14000, s12;
	[smem:$0x7FF] =	sst s3  }
0x7: {  	s4 =	sadd.s32 $0x2600, s0;
	s9 =	sadd.s32 $0x25800, s0;
	s10 =	smul.u32 $0x5000, s12  }
0x8: {  	s16 =	sshll.u32 s12, $0x6;
	s7 =	smul.u32 $0x140000, s5;
	_ =	strace $0x8000004A  }
0x9: {  	s8 =	sshll.u32 s5, $0x4;
	[dreg:$0x4] =	wrdreg s9;
	s14 =	ssub.s32 $0x2, s5  }
0xa: {  	s5 =	smul.u32 $0x50000, s5;
	s8 =	sor.u32 s12, s8;
	s15 =	sshrl.u32 s14, $0x1  }
0xb: {  	s7 =	sadd.s32 s6, s7;
	s8 =	smul.u32 $0x5000, s8;
	s9 =	ssub.s32 s14, s15  }
0xc: {  	s6 =	sshrl.u32 s6, $0x1;
	s5 =	sadd.s32 s10, s5;
	s7 =	sshrl.u32 s7, $0x4  }
0xd: {  	s11 =	sadd.s32 s6, s2;
	s6 =	sor.u32 $0x1C07, s16;
	s20 =	sor.u32 $0x700, s5  }
0xe: {  	s23 =	smax.u32 s9, $0x1;
	s24 =	sor.u32 $0x600, s5;
	s25 =	sor.u32 $0x500, s5  }
0xf: {  	s5 =	sor.u32 $0x400, s5;
	s9 =	simm.s32 $0x0;
	s0 =	sadd.s32 s7, s0  }
0x10: {  	s17 =	sshrl.u32 s8, $0x3;
	s22 =	sshrl.u32 s20, $0x3;
	[dreg:$0x9] =	wrdreg s23  }
0x11: {  	s26 =	sshrl.u32 s25, $0x3;
	s5 =	sshrl.u32 s5, $0x3;
	s20 =	simm.s32 $0x7D  }
0x12: {  	s23 =	simm.s32 $0x200;
	s25 =	simm.s32 $0x1;
	s8 =	simm.s32 $0x4  }
0x13: {  	s7 =	sadd.s32 s1, s17;
	s0 =	sadd.s32 $0x26C00, s0;
	s13 =	sadd.s32 s22, s1  }
0x14: {  	s15 =	sadd.s32 s26, s1;
	s16 =	sadd.s32 s5, s1;
	s17 =	sshrl.u32 s11, $0x3  }
0x15: {  	s22 =	simm.s32 $0x2340;
	s18 =	sadd.s32 $0x20, s7;
	[dreg:$0x8] =	wrdreg s0  }
0x16: {  	s26 =	simm.s32 $0x80;
	s19 =	sadd.s32 $0x40, s7;
	[dreg:$0x5] =	wrdreg s18  }
0x17: {  	s5 =	simm.s32 $0x380;
	s21 =	sadd.s32 $0x60, s7;
	[dreg:$0x6] =	wrdreg s19  }
0x18: {  	s0 =	sshrl.u32 s24, $0x3;
	s24 =	simm.s32 $0x300;
	[dreg:$0x7] =	wrdreg s21  }
0x19: {  	s14 =	sadd.s32 s0, s1;
	s18 =	simm.s32 $0x7;
	s19 =	simm.s32 $0x100  }
0x1a: {  	s21 =	simm.s32 $0x400;
	s0 =	simm.s32 $0x280;
	s1 =	simm.s32 $0x3  }
.LBB2_1:
0x1b: {  	s10 =	rddreg [dreg:$0x4]  }
0x1c: {  	[spmem:s17], [sflag:s6] =	dma.local [hbm:s10], $0x1400  }
0x1d: {  	_ =	swait.ge [sflag:s18], $0x1400  }
0x1e: {  	[sflag:s18] =	ssyncset.done $0x0  }
0x1f: {  	[sflag:s18] =	ssyncadd.s32 $0xFFFFEC00  }
0x20: {  	[bflag:$0x0] =	sbarrier.arrive $0xFFFF  }
0x21: {  	[tilespmem:s3], [sflag:$0x7] =	stream.linear.gather [hbm4b:s7+s3], $0x100, $0x38;
	[tilespmem:$0xE280] =	vst v63  }
0x22: {  	_ =	swait.ge [sflag:s18], $0x100  }
0x23: {  	[sflag:s18] =	ssyncset.done $0x0  }
0x24: {  	s12 =	rddreg [dreg:$0x5];
	[sflag:s18] =	ssyncadd.s32 $0xFFFFFF00  }
0x25: {  	[tilespmem:s19], [sflag:$0x7] =	stream.linear.gather [hbm4b:s12+s3], $0x100, $0x38;
	[tilespmem:$0xE280] =	vst v63  }
0x26: {  	_ =	swait.ge [sflag:s18], $0x100  }
0x27: {  	[sflag:s18] =	ssyncset.done $0x0  }
0x28: {  	[sflag:s18] =	ssyncadd.s32 $0xFFFFFF00  }
0x29: {  	[tilespmem:s21], [sflag:$0x1] =	stream.indirect.gather [hbm4b:s4+s20], $0x40, s3, s20, $0xb8;
	[tilespmem:$0xE280] =	vst v63  }
0x2a: {  	_ = 	snop  }
0x2b: {  	[tilespmem:s22], [sflag:$0x2] =	stream.indirect.gather [hbm4b:s4+s20], $0x40, s19, s20, $0xb8;
	[tilespmem:$0xE280] =	vst v63  }
0x2c: {  	s11 =	rddreg [dreg:$0x6]  }
0x2d: {  	[tilespmem:s23], [sflag:$0x5] =	stream.linear.gather [hbm4b:s11+s3], $0x100, $0x38;
	[tilespmem:$0xE280] =	vst v63  }
0x2e: {  	s12 =	rddreg [dreg:$0x7]  }
0x2f: {  	[tilespmem:s24], [sflag:$0x6] =	stream.linear.gather [hbm4b:s12+s3], $0x100, $0x38;
	[tilespmem:$0xE280] =	vst v63  }
0x30: {  	_ =	swait.ge [sflag:s25], $0x1F40  }
0x31: {  	[sflag:s25] =	ssyncset.done $0x0  }
0x32: {  	[sflag:s25] =	ssyncadd.s32 $0xFFFFE0C0  }
0x33: {  	[spmem:s2] =	stream.indirect.scatter.add.bf16 [tilespmem:s21], [sflag:$0x7], $0x40, s26, s20, $0xb8;
	[tilespmem:$0xE280] =	vst v63  }
0x34: {  	_ =	swait.ge [sflag:s18], $0x1F40  }
0x35: {  	[sflag:s18] =	ssyncset.done $0x0  }
0x36: {  	s11 =	sadd.s32 $0x0, s16;
	[sflag:s18] =	ssyncadd.s32 $0xFFFFE0C0  }
0x37: {  	[tilespmem:s3], [sflag:$0x3] =	stream.linear.gather [hbm4b:s11+s3], $0x100, $0x38;
	[tilespmem:$0xE280] =	vst v63  }
0x38: {  	_ =	swait.ge [sflag:s28], $0x100  }
0x39: {  	[sflag:s28] =	ssyncset.done $0x0  }
0x3a: {  	[sflag:s28] =	ssyncadd.s32 $0xFFFFFF00  }
0x3b: {  	[tilespmem:s21], [sflag:$0x1] =	stream.indirect.gather [hbm4b:s4+s20], $0x40, s23, s20, $0xb8;
	[tilespmem:$0xE280] =	vst v63  }
0x3c: {  	_ =	swait.ge [sflag:s29], $0x1F40  }
0x3d: {  	[sflag:s29] =	ssyncset.done $0x0  }
0x3e: {  	[sflag:s29] =	ssyncadd.s32 $0xFFFFE0C0  }
0x3f: {  	[spmem:s2] =	stream.indirect.scatter.add.bf16 [tilespmem:s22], [sflag:$0x7], $0x40, s30, s20, $0xb8;
	[tilespmem:$0xE280] =	vst v63  }
0x40: {  	_ =	swait.ge [sflag:s18], $0x1F40  }
0x41: {  	[sflag:s18] =	ssyncset.done $0x0  }
0x42: {  	s12 =	sadd.s32 $0x0, s15;
	[sflag:s18] =	ssyncadd.s32 $0xFFFFE0C0  }
0x43: {  	[tilespmem:s19], [sflag:$0x4] =	stream.linear.gather [hbm4b:s12+s3], $0x100, $0x38;
	[tilespmem:$0xE280] =	vst v63  }
0x44: {  	_ =	swait.ge [sflag:s31], $0x100  }
0x45: {  	[sflag:s31] =	ssyncset.done $0x0  }
0x46: {  	[sflag:s31] =	ssyncadd.s32 $0xFFFFFF00  }
0x47: {  	[tilespmem:s22], [sflag:$0x2] =	stream.indirect.gather [hbm4b:s4+s20], $0x40, s24, s20, $0xb8;
	[tilespmem:$0xE280] =	vst v63  }
0x48: {  	_ =	swait.ge [sflag:s25], $0x1F40  }
0x49: {  	[sflag:s25] =	ssyncset.done $0x0  }
0x4a: {  	[sflag:s25] =	ssyncadd.s32 $0xFFFFE0C0  }
0x4b: {  	[spmem:s2] =	stream.indirect.scatter.add.bf16 [tilespmem:s21], [sflag:$0x7], $0x40, s0, s20, $0xb8;
	[tilespmem:$0xE280] =	vst v63  }
0x4c: {  	_ =	swait.ge [sflag:s18], $0x1F40  }
0x4d: {  	[sflag:s18] =	ssyncset.done $0x0  }
0x4e: {  	s11 =	sadd.s32 $0x0, s14;
	[sflag:s18] =	ssyncadd.s32 $0xFFFFE0C0  }
0x4f: {  	[tilespmem:s23], [sflag:$0x5] =	stream.linear.gather [hbm4b:s11+s3], $0x100, $0x38;
	[tilespmem:$0xE280] =	vst v63  }
0x50: {  	_ =	swait.ge [sflag:s1], $0x100  }
0x51: {  	[sflag:s1] =	ssyncset.done $0x0  }
0x52: {  	[sflag:s1] =	ssyncadd.s32 $0xFFFFFF00  }
0x53: {  	[tilespmem:s21], [sflag:$0x1] =	stream.indirect.gather [hbm4b:s4+s20], $0x40, s3, s20, $0xb8;
	[tilespmem:$0xE280] =	vst v63  }
0x54: {  	_ =	swait.ge [sflag:s29], $0x1F40  }
0x55: {  	[sflag:s29] =	ssyncset.done $0x0  }
0x56: {  	[sflag:s29] =	ssyncadd.s32 $0xFFFFE0C0  }
0x57: {  	[spmem:s2] =	stream.indirect.scatter.add.bf16 [tilespmem:s22], [sflag:$0x7], $0x40, s5, s20, $0xb8;
	[tilespmem:$0xE280] =	vst v63  }
0x58: {  	_ =	swait.ge [sflag:s18], $0x1F40  }
0x59: {  	[sflag:s18] =	ssyncset.done $0x0  }
0x5a: {  	s12 =	sadd.s32 $0x0, s13;
	[sflag:s18] =	ssyncadd.s32 $0xFFFFE0C0  }
0x5b: {  	[tilespmem:s24], [sflag:$0x6] =	stream.linear.gather [hbm4b:s12+s3], $0x100, $0x38;
	[tilespmem:$0xE280] =	vst v63  }
0x5c: {  	_ =	swait.ge [sflag:s8], $0x100  }
0x5d: {  	[sflag:s8] =	ssyncset.done $0x0  }
0x5e: {  	s10 =	simm.s32 $0x80;
	[sflag:s8] =	ssyncadd.s32 $0xFFFFFF00  }
.LBB2_2:
0x5f: {  	[tilespmem:s22], [sflag:$0x2] =	stream.indirect.gather [hbm4b:s4+s20], $0x40, s19, s20, $0xb8;
	[tilespmem:$0xE280] =	vst v63  }
0x60: {  	s11 =	smov.u32 s10  }
0x61: {  	p0 =	sne.s32 s10, $0x900;
	s10 =	sadd.s32 $0x80, s10;
	_ =	swait.ge [sflag:s25], $0x1F40  }
0x62: {  	[sflag:s25] =	ssyncset.done $0x0  }
0x63: {  	[sflag:s25] =	ssyncadd.s32 $0xFFFFE0C0  }
0x64: {  	[spmem:s2] =	stream.indirect.scatter.add.bf16 [tilespmem:s21], [sflag:$0x7], $0x40, s26, s20, $0xb8;
	[tilespmem:$0xE280] =	vst v63  }
0x65: {  	_ =	swait.ge [sflag:s18], $0x1F40  }
0x66: {  	[sflag:s18] =	ssyncset.done $0x0  }
0x67: {  	s12 =	sadd.s32 s11, s16;
	[sflag:s18] =	ssyncadd.s32 $0xFFFFE0C0  }
0x68: {  	[tilespmem:s3], [sflag:$0x3] =	stream.linear.gather [hbm4b:s12+s3], $0x100, $0x38;
	[tilespmem:$0xE280] =	vst v63  }
0x69: {  	_ =	swait.ge [sflag:s28], $0x100  }
0x6a: {  	[sflag:s28] =	ssyncset.done $0x0  }
0x6b: {  	[sflag:s28] =	ssyncadd.s32 $0xFFFFFF00  }
0x6c: {  	[tilespmem:s21], [sflag:$0x1] =	stream.indirect.gather [hbm4b:s4+s20], $0x40, s23, s20, $0xb8;
	[tilespmem:$0xE280] =	vst v63  }
0x6d: {  	_ =	swait.ge [sflag:s29], $0x1F40  }
0x6e: {  	[sflag:s29] =	ssyncset.done $0x0  }
0x6f: {  	[sflag:s29] =	ssyncadd.s32 $0xFFFFE0C0  }
0x70: {  	[spmem:s2] =	stream.indirect.scatter.add.bf16 [tilespmem:s22], [sflag:$0x7], $0x40, s30, s20, $0xb8;
	[tilespmem:$0xE280] =	vst v63  }
0x71: {  	_ =	swait.ge [sflag:s18], $0x1F40  }
0x72: {  	[sflag:s18] =	ssyncset.done $0x0  }
0x73: {  	s12 =	sadd.s32 s11, s15;
	[sflag:s18] =	ssyncadd.s32 $0xFFFFE0C0  }
0x74: {  	[tilespmem:s19], [sflag:$0x4] =	stream.linear.gather [hbm4b:s12+s3], $0x100, $0x38;
	[tilespmem:$0xE280] =	vst v63  }
0x75: {  	_ =	swait.ge [sflag:s31], $0x100  }
0x76: {  	[sflag:s31] =	ssyncset.done $0x0  }
0x77: {  	[sflag:s31] =	ssyncadd.s32 $0xFFFFFF00  }
0x78: {  	[tilespmem:s22], [sflag:$0x2] =	stream.indirect.gather [hbm4b:s4+s20], $0x40, s24, s20, $0xb8;
	[tilespmem:$0xE280] =	vst v63  }
0x79: {  	_ =	swait.ge [sflag:s25], $0x1F40  }
0x7a: {  	[sflag:s25] =	ssyncset.done $0x0  }
0x7b: {  	[sflag:s25] =	ssyncadd.s32 $0xFFFFE0C0  }
0x7c: {  	[spmem:s2] =	stream.indirect.scatter.add.bf16 [tilespmem:s21], [sflag:$0x7], $0x40, s0, s20, $0xb8;
	[tilespmem:$0xE280] =	vst v63  }
0x7d: {  	_ =	swait.ge [sflag:s18], $0x1F40  }
0x7e: {  	[sflag:s18] =	ssyncset.done $0x0  }
0x7f: {  	s12 =	sadd.s32 s11, s14;
	[sflag:s18] =	ssyncadd.s32 $0xFFFFE0C0  }
0x80: {  	[tilespmem:s23], [sflag:$0x5] =	stream.linear.gather [hbm4b:s12+s3], $0x100, $0x38;
	[tilespmem:$0xE280] =	vst v63  }
0x81: {  	_ =	swait.ge [sflag:s1], $0x100  }
0x82: {  	[sflag:s1] =	ssyncset.done $0x0  }
0x83: {  	[sflag:s1] =	ssyncadd.s32 $0xFFFFFF00  }
0x84: {  	[tilespmem:s21], [sflag:$0x1] =	stream.indirect.gather [hbm4b:s4+s20], $0x40, s3, s20, $0xb8;
	[tilespmem:$0xE280] =	vst v63  }
0x85: {  	_ =	swait.ge [sflag:s29], $0x1F40  }
0x86: {  	[sflag:s29] =	ssyncset.done $0x0  }
0x87: {  	[sflag:s29] =	ssyncadd.s32 $0xFFFFE0C0  }
0x88: {  	[spmem:s2] =	stream.indirect.scatter.add.bf16 [tilespmem:s22], [sflag:$0x7], $0x40, s5, s20, $0xb8;
	[tilespmem:$0xE280] =	vst v63  }
0x89: {  	_ =	swait.ge [sflag:s18], $0x1F40  }
0x8a: {  	[sflag:s18] =	ssyncset.done $0x0  }
.Ltmp0:
0x8b: {  	s11 =	sadd.s32 s11, s13;
	[sflag:s18] =	ssyncadd.s32 $0xFFFFE0C0;
	(pc) =	sbr.rel @p0 .LBB2_2-.Ltmp0, $4  }
0x8c: {  	[tilespmem:s24], [sflag:$0x6] =	stream.linear.gather [hbm4b:s11+s3], $0x100, $0x38;
	[tilespmem:$0xE280] =	vst v63  }
0x8d: {  	_ =	swait.ge [sflag:s8], $0x100  }
0x8e: {  	[sflag:s8] =	ssyncset.done $0x0  }
0x8f: {  	[sflag:s8] =	ssyncadd.s32 $0xFFFFFF00  }
0x90: {  	[tilespmem:s22], [sflag:$0x2] =	stream.indirect.gather [hbm4b:s4+s20], $0x40, s19, s20, $0xb8;
	[tilespmem:$0xE280] =	vst v63  }
0x91: {  	_ =	swait.ge [sflag:s25], $0x1F40  }
0x92: {  	[sflag:s25] =	ssyncset.done $0x0  }
0x93: {  	[sflag:s25] =	ssyncadd.s32 $0xFFFFE0C0  }
0x94: {  	[spmem:s2] =	stream.indirect.scatter.add.bf16 [tilespmem:s21], [sflag:$0x7], $0x40, s26, s20, $0xb8;
	[tilespmem:$0xE280] =	vst v63  }
0x95: {  	_ =	swait.ge [sflag:s18], $0x1F40  }
0x96: {  	[sflag:s18] =	ssyncset.done $0x0  }
0x97: {  	[sflag:s18] =	ssyncadd.s32 $0xFFFFE0C0  }
0x98: {  	_ =	swait.ge [sflag:s28], $0x100  }
0x99: {  	[sflag:s28] =	ssyncset.done $0x0  }
0x9a: {  	[sflag:s28] =	ssyncadd.s32 $0xFFFFFF00  }
0x9b: {  	[tilespmem:s21], [sflag:$0x1] =	stream.indirect.gather [hbm4b:s4+s20], $0x40, s23, s20, $0xb8;
	[tilespmem:$0xE280] =	vst v63  }
0x9c: {  	_ =	swait.ge [sflag:s29], $0x1F40  }
0x9d: {  	[sflag:s29] =	ssyncset.done $0x0  }
0x9e: {  	[sflag:s29] =	ssyncadd.s32 $0xFFFFE0C0  }
0x9f: {  	[spmem:s2] =	stream.indirect.scatter.add.bf16 [tilespmem:s22], [sflag:$0x7], $0x40, s30, s20, $0xb8;
	[tilespmem:$0xE280] =	vst v63  }
0xa0: {  	_ =	swait.ge [sflag:s18], $0x1F40  }
0xa1: {  	[sflag:s18] =	ssyncset.done $0x0  }
0xa2: {  	[sflag:s18] =	ssyncadd.s32 $0xFFFFE0C0  }
0xa3: {  	_ =	swait.ge [sflag:s31], $0x100  }
0xa4: {  	[sflag:s31] =	ssyncset.done $0x0  }
0xa5: {  	[sflag:s31] =	ssyncadd.s32 $0xFFFFFF00  }
0xa6: {  	[tilespmem:s22], [sflag:$0x2] =	stream.indirect.gather [hbm4b:s4+s20], $0x40, s24, s20, $0xb8;
	[tilespmem:$0xE280] =	vst v63  }
0xa7: {  	_ =	swait.ge [sflag:s25], $0x1F40  }
0xa8: {  	[sflag:s25] =	ssyncset.done $0x0  }
0xa9: {  	[sflag:s25] =	ssyncadd.s32 $0xFFFFE0C0  }
0xaa: {  	[spmem:s2] =	stream.indirect.scatter.add.bf16 [tilespmem:s21], [sflag:$0x7], $0x40, s0, s20, $0xb8;
	[tilespmem:$0xE280] =	vst v63  }
0xab: {  	_ =	swait.ge [sflag:s18], $0x1F40  }
0xac: {  	[sflag:s18] =	ssyncset.done $0x0  }
0xad: {  	[sflag:s18] =	ssyncadd.s32 $0xFFFFE0C0  }
0xae: {  	_ =	swait.ge [sflag:s29], $0x1F40  }
0xaf: {  	[sflag:s29] =	ssyncset.done $0x0  }
0xb0: {  	[sflag:s29] =	ssyncadd.s32 $0xFFFFE0C0  }
0xb1: {  	[spmem:s2] =	stream.indirect.scatter.add.bf16 [tilespmem:s22], [sflag:$0x7], $0x40, s5, s20, $0xb8;
	[tilespmem:$0xE280] =	vst v63  }
0xb2: {  	_ =	swait.ge [sflag:s18], $0x1F40  }
0xb3: {  	[sflag:s18] =	ssyncset.done $0x0  }
0xb4: {  	[sflag:s18] =	ssyncadd.s32 $0xFFFFE0C0  }
0xb5: {  	[bflag:$0x0] =	sbarrier.arrive $0xFFFF  }
0xb6: {  	s10 =	rddreg [dreg:$0x8]  }
0xb7: {  	[hbm:s10], [sflag:s6] =	dma.local [spmem:s17], $0x1400  }
0xb8: {  	_ =	swait.ge [sflag:s18], $0x1400  }
0xb9: {  	s9 =	sadd.s32 $0x1, s9;
	s12 =	rddreg [dreg:$0x9]  }
0xba: {  	p0 =	sne.s32 s9, s12  }
.Ltmp1:
0xbb: {  	_ = 	snop;
	(pc) =	sbr.rel @p0 .LBB2_1-.Ltmp1, $3  }
0xbc: {  	_ =	sdelay $0x1  }
0xbd: {  	[sflag:s18] =	ssyncset.done $0x0  }
0xbe: {  	[sflag:s18] =	ssyncadd.s32 $0xFFFFEC00  }
0xbf: {  	_ =	sfence.sel $0x180000  }
0xc0: {  	[bflag:$0x0] =	sbarrier.arrive $0xFFFF  }
0xc1: {  	_ =	strace $0x9000004A  }
0xc2: {  	s0 =	stileid.u32;
	[bflag:$0x2] =	sbarrier.arrive $0xFFFF  }
0xc3: {  	p0 =	sne.s32 s0, $0x0;
	s0 =	rddreg [dreg:$0x3]  }
0xc4: {  	s0 =	sadd.s32 @!p0 $0x100000, s0  }
0xc5: {  	[sflag:s0] =	ssyncadd.tile.s32 @!p0 $0x1;
	_ =	shalt  }
.Lfunc_end2:
_tile_overlayer_lowered:
.L_overlay_start_2:
0xc6: {  	(tag) =	ssettag $0x2  }
0xc7: {  	s0 =	rddreg [dreg:$0x0];
	s2 =	stileid.u32  }
0xc8: {  	s1 =	rddreg [dreg:$0x1];
	p0 =	sne.s32 s2, $0x0  }
0xc9: {  	s3 =	rddreg [dreg:$0x2];
	[bflag:$0x3] =	sbarrier.arrive $0xFFFF;
	s2 =	simm.s32 @!p0 $0x1C07  }
0xca: {  	[timem:s3], [sflag:s2] =	dma.local @!p0 [hbm:s0], s1  }
0xcb: {  	s0 =	simm.s32 @!p0 $0x7  }
0xcc: {  	_ =	swait.ge @!p0 [sflag:s0], s1  }
0xcd: {  	s1 =	ssub.s32 @!p0 $0x0, s1;
	[sflag:s0] =	ssyncset.done @!p0 $0x0  }
0xce: {  	[sflag:s0] =	ssyncadd.s32 @!p0 s1  }
0xcf: {  	[bflag:$0x3] =	sbarrier.arrive $0xFFFF  }
0xd0: {  	_ =	shalt  }

// kernel: kernel.16.cloned.1.call-start
scs
__scs_entry_jumppad:
0x0: {  	(pc) =	sbr.rel $0x88, $3  }
0x1: {  	(tag) =	ssettag $0x0;
	lr =	simm.s32 $0x1  }
0x2: {  	[smem:$0x3F99] =	sst lr;
	_ =	strace $0xD0000000  }
0x3: {  	_ = 	snop  }
0x4: {  	_ = 	snop  }
0x5: {  	_ = 	snop  }
0x6: {  	_ = 	snop  }
0x7: {  	_ = 	snop  }
__scs_overlays_trampoline_lowered:
0x8: {  	[smem:$0x3FA8] =	sst s0  }
0x9: {  	[smem:$0x3FA9] =	sst s1  }
0xa: {  	[smem:$0x3FAA] =	sst s2  }
0xb: {  	[smem:$0x3FAB] =	sst s3  }
0xc: {  	[smem:$0x3FAC] =	sst s4  }
0xd: {  	[smem:$0x3FAD] =	sst s5  }
0xe: {  	[smem:$0x3FAE] =	sst s6  }
0xf: {  	[smem:$0x3FAF] =	sst s7  }
0x10: {  	[smem:$0x3FB0] =	sst s8  }
0x11: {  	[smem:$0x3FB1] =	sst s9;
	s0 =	simm.s32 @!p0 $0x0  }
0x12: {  	s1 =	sld [smem:$0x3F97];
	s0 =	simm.s32 @p0 $0x1  }
0x13: {  	[smem:$0x3FB2] =	sst s0;
	s0 =	simm.s32 @!p1 $0x0  }
0x14: {  	s2 =	sld [smem:$0x3F96];
	s0 =	simm.s32 @p1 $0x1  }
0x15: {  	[smem:$0x3FB3] =	sst s0;
	s0 =	simm.s32 @!p2 $0x0  }
0x16: {  	s3 =	sld [smem:$0x3FDB];
	s0 =	simm.s32 @p2 $0x1  }
0x17: {  	s4 =	simm.s32 $0x1BF5;
	[smem:$0x3FB5] =	sst s0  }
0x18: {  	s0 =	sld [smem:$0x3F98];
	_ =	swait.ge [sflag:s4], $0x0  }
0x19: {  	s7 =	sld [smem:$0x3F99]  }
0x1a: {  	s8 =	sadd.s32 $0xFFFFE003, lr  }
0x1b: {  	s9 =	sadd.s32 $0xFFFFFEF7, lr;
	s5 =	simm.s32 $0xFFFFFFFF;
	p2 =	slt.u32 s8, $0xFFFFF086  }
0x1c: {  	p1 =	slt.u32 s9, $0xF7A;
	s5 =	simm.s32 @!p2 $0x0  }
0x1d: {  	s5 =	simm.s32 @p1 $0x1;
	p0 =	seq.s32 s7, s2  }
0x1e: {  	s7 =	smul.u32 @!p0 $0xF7A, s2;
	p2 =	seq.s32 @!p0 s5, $0x0  }
0x1f: {  	s9 =	smul.u32 $0xF7A, s1;
	s8 =	simm.s32 @!p0 $0x1BF5;
	p2 =	por !p2, p0  }
0x20: {  	[sflag:s8] =	ssyncset.s32 @!p0 $0xFFFFF086;
	s6 =	sadd.s32 @!p0 s3, s7;
	s7 =	simm.s32 @!p0 $0x108  }
0x21: {  	s3 =	sadd.s32 s3, s9;
	s6 =	sadd.s32 @!p0 $0x88, s6;
	s7 =	simm.s32 @p2 $0x1082  }
0x22: {  	[simem:s7], [sflag:s8] =	dma.local @!p0 [hbm:s6], $0xF7A  }
0x23: {  	s9 =	sor.u32 $0xD0000000, s2;
	s6 =	simm.s32 $0x108;
	_ =	swait.ge @!p0 [sflag:s8], $0x0  }
0x24: {  	s3 =	sadd.s32 $0x88, s3;
	s6 =	simm.s32 @!p1 $0x1082;
	[sflag:s4] =	ssyncset.s32 $0xFFFFF086  }
0x25: {  	[simem:s6], [sflag:s4] =	dma.local [hbm:s3], $0xF7A  }
0x26: {  	[smem:$0x3F99] =	sst s1;
	(tag) =	ssettag s2;
	_ =	strace s9  }
0x27: {  	s1 =	sld [smem:$0x3FA9]  }
0x28: {  	s2 =	sld [smem:$0x3FAA]  }
0x29: {  	s4 =	sld [smem:$0x3FAC]  }
0x2a: {  	p0 =	seq.s32 s5, $0x0;
	s5 =	sld [smem:$0x3FAD]  }
0x2b: {  	s6 =	sld [smem:$0x3FAE]  }
0x2c: {  	s7 =	sld [smem:$0x3FAF]  }
0x2d: {  	s3 =	simm.s32 $0x108;
	s8 =	sld [smem:$0x3FB0]  }
0x2e: {  	s3 =	simm.s32 @!p0 $0x1082;
	s9 =	sld [smem:$0x3FB1]  }
0x2f: {  	lr =	sadd.s32 s0, s3;
	s0 =	sld [smem:$0x3FA8]  }
0x30: {  	s3 =	sld [smem:$0x3FAB]  }
0x31: {  	[smem:$0x3FB4] =	sst s10  }
0x32: {  	s10 =	sld [smem:$0x3FB2];
	_ =	sdelay $0x3  }
0x33: {  	p0 =	seq.s32 s10, $0x1;
	s10 =	sld [smem:$0x3FB4];
	_ =	sdelay $0x3  }
0x34: {  	[smem:$0x3FB4] =	sst s10  }
0x35: {  	s10 =	sld [smem:$0x3FB3];
	_ =	sdelay $0x3  }
0x36: {  	p1 =	seq.s32 s10, $0x1;
	s10 =	sld [smem:$0x3FB4];
	_ =	sdelay $0x3  }
0x37: {  	[smem:$0x3FB4] =	sst s10  }
0x38: {  	s10 =	sld [smem:$0x3FB5]  }
0x39: {  	_ = 	snop;
	(pc) =	sbr.ind lr, $3  }
0x3a: {  	_ = 	snop  }
0x3b: {  	_ = 	snop  }
0x3c: {  	p2 =	seq.s32 s10, $0x1;
	s10 =	sld [smem:$0x3FB4]  }
0x3d: {  	_ =	shalt  }
0x3e: {  	_ =	shalt  }
0x3f: {  	_ =	shalt  }
0x40: {  	_ =	shalt  }
0x41: {  	_ =	shalt  }
0x42: {  	_ =	shalt  }
0x43: {  	_ =	shalt  }
0x44: {  	_ =	shalt  }
0x45: {  	_ =	shalt  }
0x46: {  	_ =	shalt  }
0x47: {  	_ =	shalt  }
0x48: {  	_ =	shalt  }
0x49: {  	_ =	shalt  }
0x4a: {  	_ =	shalt  }
0x4b: {  	_ =	shalt  }
0x4c: {  	_ =	shalt  }
0x4d: {  	_ =	shalt  }
0x4e: {  	_ =	shalt  }
0x4f: {  	_ =	shalt  }
0x50: {  	_ =	shalt  }
0x51: {  	_ =	shalt  }
0x52: {  	_ =	shalt  }
0x53: {  	_ =	shalt  }
0x54: {  	_ =	shalt  }
0x55: {  	_ =	shalt  }
0x56: {  	_ =	shalt  }
0x57: {  	_ =	shalt  }
0x58: {  	_ =	shalt  }
0x59: {  	_ =	shalt  }
0x5a: {  	_ =	shalt  }
0x5b: {  	_ =	shalt  }
0x5c: {  	_ =	shalt  }
0x5d: {  	_ =	shalt  }
0x5e: {  	_ =	shalt  }
0x5f: {  	_ =	shalt  }
0x60: {  	_ =	shalt  }
0x61: {  	_ =	shalt  }
0x62: {  	_ =	shalt  }
0x63: {  	_ =	shalt  }
0x64: {  	_ =	shalt  }
0x65: {  	_ =	shalt  }
0x66: {  	_ =	shalt  }
0x67: {  	_ =	shalt  }
0x68: {  	_ =	shalt  }
0x69: {  	_ =	shalt  }
0x6a: {  	_ =	shalt  }
0x6b: {  	_ =	shalt  }
0x6c: {  	_ =	shalt  }
0x6d: {  	_ =	shalt  }
0x6e: {  	_ =	shalt  }
0x6f: {  	_ =	shalt  }
0x70: {  	_ =	shalt  }
0x71: {  	_ =	shalt  }
0x72: {  	_ =	shalt  }
0x73: {  	_ =	shalt  }
0x74: {  	_ =	shalt  }
0x75: {  	_ =	shalt  }
0x76: {  	_ =	shalt  }
0x77: {  	_ =	shalt  }
0x78: {  	_ =	shalt  }
0x79: {  	_ =	shalt  }
0x7a: {  	_ =	shalt  }
0x7b: {  	_ =	shalt  }
0x7c: {  	_ =	shalt  }
0x7d: {  	_ =	shalt  }
0x7e: {  	_ =	shalt  }
0x7f: {  	_ =	shalt  }
0x80: {  	_ =	shalt  }
0x81: {  	_ =	shalt  }
0x82: {  	_ =	shalt  }
0x83: {  	_ =	shalt  }
0x84: {  	_ =	shalt  }
0x85: {  	_ =	shalt  }
0x86: {  	_ =	shalt  }
0x87: {  	_ =	shalt  }
.Lfunc_end0:
.L_simem_size_0:
called_computation.2_lowered:
.L_overlay_start_0:
0x88: {  	s2 =	sld [smem:$0x3FD9]  }
0x89: {  	s3 =	sld [smem:$0x3FFE];
	_ =	sdelay $0x1  }
0x8a: {  	s1 =	srdreg.scid  }
0x8b: {  	s0 =	sand.u32 $0x1, s1  }
0x8c: {  	s17 =	sshll.u32 s0, $0xA;
	s2 =	sadd.s32 s3, s2  }
0x8d: {  	s2 =	sadd.s32 s2, s17  }
0x8e: {  	[smem:$0x3FC0] =	sst s2  }
0x8f: {  	_ = 	snop  }
0x90: {  	s2 =	sld [smem:$0x3FD0];
	(tm) =	ssettm $0x1  }
0x91: {  	s18 =	sld [smem:$0x3FFB];
	_ =	sdelay $0x3  }
0x92: {  	_ =	strace s18  }
0x93: {  	s3 =	sld [smem:$0x3FFC];
	_ =	sdelay $0x3  }
0x94: {  	_ =	strace s3  }
0x95: {  	s3 =	sld [smem:$0x3FFD];
	_ =	sdelay $0x3  }
0x96: {  	_ =	strace s3  }
0x97: {  	_ =	strace $0x8FFFFFFF  }
0x98: {  	s19 =	sld [smem:$0x3FDB];
	_ =	sdelay $0x1  }
0x99: {  	s4 =	simm.s32 $_scs_section_size  }
0x9a: {  	s5 =	simm.s32 $_size__tile_overlayer_lowered;
	s6 =	simm.s32 $_tile_overlayer_lowered  }
0x9b: {  	s22 =	simm.s32 $0x1BFF;
	s21 =	sshll.u32 s6, $0x1;
	s3 =	sadd.s32 s4, s19  }
0x9c: {  	s7 =	simm.s32 $0x0;
	s20 =	sshll.u32 s5, $0x1;
	s5 =	sadd.s32 s21, s3  }
0x9d: {  	[timem:s7], [sflag:s22] =	dma.local [hbm:s5], s20  }
0x9e: {  	_ =	swait.ge [sflag:s22], s20  }
0x9f: {  	s4 =	ssub.s32 $0x0, s20;
	[sflag:s22] =	ssyncset.done $0x0  }
0xa0: {  	[sflag:s22] =	ssyncadd.s32 s4;
	_ =	sdelay $0x1  }
0xa1: {  	s23 =	simm.s32 $0x1B8B  }
0xa2: {  	_ =	swait.ge [sflag:s23], $0x1  }
0xa3: {  	[sflag:s23] =	ssyncset.done $0x0  }
0xa4: {  	s25 =	simm.s32 $0x1B8E;
	s24 =	sld [smem:$0x3FFE];
	[sflag:s23] =	ssyncadd.s32 $0xFFFFFFFF  }
0xa5: {  	s26 =	simm.s32 $execute0_lowered;
	[smem:$0x3FD2] =	sst s25  }
0xa6: {  	s5 =	sshll.u32 s26, $0x1;
	_ =	strace $0x8000004C;
	[dreg:$0x1] =	wrdreg $0xFFFFFFFF  }
0xa7: {  	s28 =	simm.s32 $_size_execute0_lowered;
	s3 =	sadd.s32 s3, s5;
	[dreg:$0x0] =	wrdreg $0x0  }
0xa8: {  	s5 =	sshll.u32 s28, $0x1;
	[dreg:$0x2] =	wrdreg s3  }
0xa9: {  	[dreg:$0x3] =	wrdreg s5  }
0xaa: {  	[dreg:$0x4] =	wrdreg $0xC0  }
0xab: {  	_ =	task [dreg:s7], $0x5FFFF  }
0xac: {  	[dreg:$0x1] =	wrdreg $0xFFFFFFFF  }
0xad: {  	[dreg:$0x0] =	wrdreg $0x60  }
0xae: {  	[dreg:$0x2] =	wrdreg s24  }
0xaf: {  	[dreg:$0x3] =	wrdreg s2  }
0xb0: {  	[dreg:$0x4] =	wrdreg $0x42800  }
0xb1: {  	[dreg:$0x5] =	wrdreg $0x9  }
0xb2: {  	_ =	task.clear_ibuf [dreg:s7], $0x6FFFF;
	_ =	strace $0x9000004C  }
0xb3: {  	s29 =	simm.s32 $0x9;
	_ =	strace $0x8000004E  }
0xb4: {  	_ =	swait.ge [sflag:s29], $0x1  }
0xb5: {  	[sflag:s29] =	ssyncadd.s32 $0xFFFFFFFF  }
0xb6: {  	_ =	strace $0x9000004E  }
0xb7: {  	_ =	sfence  }
0xb8: {  	s30 =	sld [smem:$0x0];
	_ =	sdelay $0x2  }
0xb9: {  	s31 =	sshll.u32 s1, $0xD;
	s1 =	sshrl.u32 s1, $0x2  }
0xba: {  	s3 =	sand.u32 $0x4000, s31;
	s1 =	sadd.s32 s1, s30  }
0xbb: {  	s0 =	sor.u32 s3, s0;
	s1 =	sshll.u32 s1, $0x11  }
0xbc: {  	s0 =	sor.u32 s1, s0  }
0xbd: {  	s0 =	sadd.s32 $0x8F2B, s0  }
0xbe: {  	[sflag:s0] =	ssyncadd.remote.s32 $0x1  }
0xbf: {  	_ =	sfence.sel $0xFFFF  }
0xc0: {  	[dreg:$0x0] =	wrdreg $0xFFFFFFFF;
	(pc) =	sbr.abs _section_cstart, $3  }
0xc1: {  	[dreg:$0x1] =	wrdreg $0xFFFFFFFF  }
0xc2: {  	_ =	task.clear_ibuf [dreg:s7], $0x2FFFF;
	_ =	strace $0x9FFFFFFF  }
0xc3: {  	(tm) =	ssettm $0x7FFFFFFF  }
tec
execute0_lowered:
.L_overlay_start_1:
0x0: {  	(tag) =	ssettag $0x1  }
0x1: {  	s0 =	rddreg [dreg:$0x0]  }
0x2: {  	s1 =	rddreg [dreg:$0x1]  }
0x3: {  	s2 =	rddreg [dreg:$0x2];
	s4 =	srdreg.scid  }
0x4: {  	s12 =	stileid.u32;
	s3 =	simm.s32 $0x0;
	s28 =	simm.s32 $0x5  }
0x5: {  	s29 =	simm.s32 $0x2;
	s30 =	simm.s32 $0x180;
	s31 =	simm.s32 $0x6  }
0x6: {  	s5 =	sand.u32 $0x1, s4;
	s6 =	smul.u32 $0x14000, s12;
	[smem:$0x7FF] =	sst s3  }
0x7: {  	s4 =	sadd.s32 $0x2600, s0;
	s9 =	sadd.s32 $0x25800, s0;
	s10 =	smul.u32 $0x5000, s12  }
0x8: {  	s16 =	sshll.u32 s12, $0x6;
	s7 =	smul.u32 $0x140000, s5;
	_ =	strace $0x8000004D  }
0x9: {  	s8 =	sshll.u32 s5, $0x4;
	[dreg:$0x4] =	wrdreg s9;
	s14 =	ssub.s32 $0x2, s5  }
0xa: {  	s5 =	smul.u32 $0x50000, s5;
	s8 =	sor.u32 s12, s8;
	s15 =	sshrl.u32 s14, $0x1  }
0xb: {  	s7 =	sadd.s32 s6, s7;
	s8 =	smul.u32 $0x5000, s8;
	s9 =	ssub.s32 s14, s15  }
0xc: {  	s6 =	sshrl.u32 s6, $0x1;
	s5 =	sadd.s32 s10, s5;
	s7 =	sshrl.u32 s7, $0x4  }
0xd: {  	s11 =	sadd.s32 s6, s2;
	s6 =	sor.u32 $0x1C07, s16;
	s20 =	sor.u32 $0x700, s5  }
0xe: {  	s23 =	smax.u32 s9, $0x1;
	s24 =	sor.u32 $0x600, s5;
	s25 =	sor.u32 $0x500, s5  }
0xf: {  	s5 =	sor.u32 $0x400, s5;
	s9 =	simm.s32 $0x0;
	s0 =	sadd.s32 s7, s0  }
0x10: {  	s17 =	sshrl.u32 s8, $0x3;
	s22 =	sshrl.u32 s20, $0x3;
	[dreg:$0x9] =	wrdreg s23  }
0x11: {  	s26 =	sshrl.u32 s25, $0x3;
	s5 =	sshrl.u32 s5, $0x3;
	s20 =	simm.s32 $0x7D  }
0x12: {  	s23 =	simm.s32 $0x200;
	s25 =	simm.s32 $0x1;
	s8 =	simm.s32 $0x4  }
0x13: {  	s7 =	sadd.s32 s1, s17;
	s0 =	sadd.s32 $0x26C00, s0;
	s13 =	sadd.s32 s22, s1  }
0x14: {  	s15 =	sadd.s32 s26, s1;
	s16 =	sadd.s32 s5, s1;
	s17 =	sshrl.u32 s11, $0x3  }
0x15: {  	s22 =	simm.s32 $0x2340;
	s18 =	sadd.s32 $0x20, s7;
	[dreg:$0x8] =	wrdreg s0  }
0x16: {  	s26 =	simm.s32 $0x80;
	s19 =	sadd.s32 $0x40, s7;
	[dreg:$0x5] =	wrdreg s18  }
0x17: {  	s5 =	simm.s32 $0x380;
	s21 =	sadd.s32 $0x60, s7;
	[dreg:$0x6] =	wrdreg s19  }
0x18: {  	s0 =	sshrl.u32 s24, $0x3;
	s24 =	simm.s32 $0x300;
	[dreg:$0x7] =	wrdreg s21  }
0x19: {  	s14 =	sadd.s32 s0, s1;
	s18 =	simm.s32 $0x7;
	s19 =	simm.s32 $0x100  }
0x1a: {  	s21 =	simm.s32 $0x400;
	s0 =	simm.s32 $0x280;
	s1 =	simm.s32 $0x3  }
.LBB2_1:
0x1b: {  	s10 =	rddreg [dreg:$0x4]  }
0x1c: {  	[spmem:s17], [sflag:s6] =	dma.local [hbm:s10], $0x1400  }
0x1d: {  	_ =	swait.ge [sflag:s18], $0x1400  }
0x1e: {  	[sflag:s18] =	ssyncset.done $0x0  }
0x1f: {  	[sflag:s18] =	ssyncadd.s32 $0xFFFFEC00  }
0x20: {  	[bflag:$0x0] =	sbarrier.arrive $0xFFFF  }
0x21: {  	[tilespmem:s3], [sflag:$0x7] =	stream.linear.gather [hbm4b:s7+s3], $0x100, $0x38;
	[tilespmem:$0xE280] =	vst v63  }
0x22: {  	_ =	swait.ge [sflag:s18], $0x100  }
0x23: {  	[sflag:s18] =	ssyncset.done $0x0  }
0x24: {  	s12 =	rddreg [dreg:$0x5];
	[sflag:s18] =	ssyncadd.s32 $0xFFFFFF00  }
0x25: {  	[tilespmem:s19], [sflag:$0x7] =	stream.linear.gather [hbm4b:s12+s3], $0x100, $0x38;
	[tilespmem:$0xE280] =	vst v63  }
0x26: {  	_ =	swait.ge [sflag:s18], $0x100  }
0x27: {  	[sflag:s18] =	ssyncset.done $0x0  }
0x28: {  	[sflag:s18] =	ssyncadd.s32 $0xFFFFFF00  }
0x29: {  	[tilespmem:s21], [sflag:$0x1] =	stream.indirect.gather [hbm4b:s4+s20], $0x40, s3, s20, $0xb8;
	[tilespmem:$0xE280] =	vst v63  }
0x2a: {  	_ = 	snop  }
0x2b: {  	[tilespmem:s22], [sflag:$0x2] =	stream.indirect.gather [hbm4b:s4+s20], $0x40, s19, s20, $0xb8;
	[tilespmem:$0xE280] =	vst v63  }
0x2c: {  	s11 =	rddreg [dreg:$0x6]  }
0x2d: {  	[tilespmem:s23], [sflag:$0x5] =	stream.linear.gather [hbm4b:s11+s3], $0x100, $0x38;
	[tilespmem:$0xE280] =	vst v63  }
0x2e: {  	s12 =	rddreg [dreg:$0x7]  }
0x2f: {  	[tilespmem:s24], [sflag:$0x6] =	stream.linear.gather [hbm4b:s12+s3], $0x100, $0x38;
	[tilespmem:$0xE280] =	vst v63  }
0x30: {  	_ =	swait.ge [sflag:s25], $0x1F40  }
0x31: {  	[sflag:s25] =	ssyncset.done $0x0  }
0x32: {  	[sflag:s25] =	ssyncadd.s32 $0xFFFFE0C0  }
0x33: {  	[spmem:s2] =	stream.indirect.scatter.add.bf16 [tilespmem:s21], [sflag:$0x7], $0x40, s26, s20, $0xb8;
	[tilespmem:$0xE280] =	vst v63  }
0x34: {  	_ =	swait.ge [sflag:s18], $0x1F40  }
0x35: {  	[sflag:s18] =	ssyncset.done $0x0  }
0x36: {  	s11 =	sadd.s32 $0x0, s16;
	[sflag:s18] =	ssyncadd.s32 $0xFFFFE0C0  }
0x37: {  	[tilespmem:s3], [sflag:$0x3] =	stream.linear.gather [hbm4b:s11+s3], $0x100, $0x38;
	[tilespmem:$0xE280] =	vst v63  }
0x38: {  	_ =	swait.ge [sflag:s28], $0x100  }
0x39: {  	[sflag:s28] =	ssyncset.done $0x0  }
0x3a: {  	[sflag:s28] =	ssyncadd.s32 $0xFFFFFF00  }
0x3b: {  	[tilespmem:s21], [sflag:$0x1] =	stream.indirect.gather [hbm4b:s4+s20], $0x40, s23, s20, $0xb8;
	[tilespmem:$0xE280] =	vst v63  }
0x3c: {  	_ =	swait.ge [sflag:s29], $0x1F40  }
0x3d: {  	[sflag:s29] =	ssyncset.done $0x0  }
0x3e: {  	[sflag:s29] =	ssyncadd.s32 $0xFFFFE0C0  }
0x3f: {  	[spmem:s2] =	stream.indirect.scatter.add.bf16 [tilespmem:s22], [sflag:$0x7], $0x40, s30, s20, $0xb8;
	[tilespmem:$0xE280] =	vst v63  }
0x40: {  	_ =	swait.ge [sflag:s18], $0x1F40  }
0x41: {  	[sflag:s18] =	ssyncset.done $0x0  }
0x42: {  	s12 =	sadd.s32 $0x0, s15;
	[sflag:s18] =	ssyncadd.s32 $0xFFFFE0C0  }
0x43: {  	[tilespmem:s19], [sflag:$0x4] =	stream.linear.gather [hbm4b:s12+s3], $0x100, $0x38;
	[tilespmem:$0xE280] =	vst v63  }
0x44: {  	_ =	swait.ge [sflag:s31], $0x100  }
0x45: {  	[sflag:s31] =	ssyncset.done $0x0  }
0x46: {  	[sflag:s31] =	ssyncadd.s32 $0xFFFFFF00  }
0x47: {  	[tilespmem:s22], [sflag:$0x2] =	stream.indirect.gather [hbm4b:s4+s20], $0x40, s24, s20, $0xb8;
	[tilespmem:$0xE280] =	vst v63  }
0x48: {  	_ =	swait.ge [sflag:s25], $0x1F40  }
0x49: {  	[sflag:s25] =	ssyncset.done $0x0  }
0x4a: {  	[sflag:s25] =	ssyncadd.s32 $0xFFFFE0C0  }
0x4b: {  	[spmem:s2] =	stream.indirect.scatter.add.bf16 [tilespmem:s21], [sflag:$0x7], $0x40, s0, s20, $0xb8;
	[tilespmem:$0xE280] =	vst v63  }
0x4c: {  	_ =	swait.ge [sflag:s18], $0x1F40  }
0x4d: {  	[sflag:s18] =	ssyncset.done $0x0  }
0x4e: {  	s11 =	sadd.s32 $0x0, s14;
	[sflag:s18] =	ssyncadd.s32 $0xFFFFE0C0  }
0x4f: {  	[tilespmem:s23], [sflag:$0x5] =	stream.linear.gather [hbm4b:s11+s3], $0x100, $0x38;
	[tilespmem:$0xE280] =	vst v63  }
0x50: {  	_ =	swait.ge [sflag:s1], $0x100  }
0x51: {  	[sflag:s1] =	ssyncset.done $0x0  }
0x52: {  	[sflag:s1] =	ssyncadd.s32 $0xFFFFFF00  }
0x53: {  	[tilespmem:s21], [sflag:$0x1] =	stream.indirect.gather [hbm4b:s4+s20], $0x40, s3, s20, $0xb8;
	[tilespmem:$0xE280] =	vst v63  }
0x54: {  	_ =	swait.ge [sflag:s29], $0x1F40  }
0x55: {  	[sflag:s29] =	ssyncset.done $0x0  }
0x56: {  	[sflag:s29] =	ssyncadd.s32 $0xFFFFE0C0  }
0x57: {  	[spmem:s2] =	stream.indirect.scatter.add.bf16 [tilespmem:s22], [sflag:$0x7], $0x40, s5, s20, $0xb8;
	[tilespmem:$0xE280] =	vst v63  }
0x58: {  	_ =	swait.ge [sflag:s18], $0x1F40  }
0x59: {  	[sflag:s18] =	ssyncset.done $0x0  }
0x5a: {  	s12 =	sadd.s32 $0x0, s13;
	[sflag:s18] =	ssyncadd.s32 $0xFFFFE0C0  }
0x5b: {  	[tilespmem:s24], [sflag:$0x6] =	stream.linear.gather [hbm4b:s12+s3], $0x100, $0x38;
	[tilespmem:$0xE280] =	vst v63  }
0x5c: {  	_ =	swait.ge [sflag:s8], $0x100  }
0x5d: {  	[sflag:s8] =	ssyncset.done $0x0  }
0x5e: {  	s10 =	simm.s32 $0x80;
	[sflag:s8] =	ssyncadd.s32 $0xFFFFFF00  }
.LBB2_2:
0x5f: {  	[tilespmem:s22], [sflag:$0x2] =	stream.indirect.gather [hbm4b:s4+s20], $0x40, s19, s20, $0xb8;
	[tilespmem:$0xE280] =	vst v63  }
0x60: {  	s11 =	smov.u32 s10  }
0x61: {  	p0 =	sne.s32 s10, $0x900;
	s10 =	sadd.s32 $0x80, s10;
	_ =	swait.ge [sflag:s25], $0x1F40  }
0x62: {  	[sflag:s25] =	ssyncset.done $0x0  }
0x63: {  	[sflag:s25] =	ssyncadd.s32 $0xFFFFE0C0  }
0x64: {  	[spmem:s2] =	stream.indirect.scatter.add.bf16 [tilespmem:s21], [sflag:$0x7], $0x40, s26, s20, $0xb8;
	[tilespmem:$0xE280] =	vst v63  }
0x65: {  	_ =	swait.ge [sflag:s18], $0x1F40  }
0x66: {  	[sflag:s18] =	ssyncset.done $0x0  }
0x67: {  	s12 =	sadd.s32 s11, s16;
	[sflag:s18] =	ssyncadd.s32 $0xFFFFE0C0  }
0x68: {  	[tilespmem:s3], [sflag:$0x3] =	stream.linear.gather [hbm4b:s12+s3], $0x100, $0x38;
	[tilespmem:$0xE280] =	vst v63  }
0x69: {  	_ =	swait.ge [sflag:s28], $0x100  }
0x6a: {  	[sflag:s28] =	ssyncset.done $0x0  }
0x6b: {  	[sflag:s28] =	ssyncadd.s32 $0xFFFFFF00  }
0x6c: {  	[tilespmem:s21], [sflag:$0x1] =	stream.indirect.gather [hbm4b:s4+s20], $0x40, s23, s20, $0xb8;
	[tilespmem:$0xE280] =	vst v63  }
0x6d: {  	_ =	swait.ge [sflag:s29], $0x1F40  }
0x6e: {  	[sflag:s29] =	ssyncset.done $0x0  }
0x6f: {  	[sflag:s29] =	ssyncadd.s32 $0xFFFFE0C0  }
0x70: {  	[spmem:s2] =	stream.indirect.scatter.add.bf16 [tilespmem:s22], [sflag:$0x7], $0x40, s30, s20, $0xb8;
	[tilespmem:$0xE280] =	vst v63  }
0x71: {  	_ =	swait.ge [sflag:s18], $0x1F40  }
0x72: {  	[sflag:s18] =	ssyncset.done $0x0  }
0x73: {  	s12 =	sadd.s32 s11, s15;
	[sflag:s18] =	ssyncadd.s32 $0xFFFFE0C0  }
0x74: {  	[tilespmem:s19], [sflag:$0x4] =	stream.linear.gather [hbm4b:s12+s3], $0x100, $0x38;
	[tilespmem:$0xE280] =	vst v63  }
0x75: {  	_ =	swait.ge [sflag:s31], $0x100  }
0x76: {  	[sflag:s31] =	ssyncset.done $0x0  }
0x77: {  	[sflag:s31] =	ssyncadd.s32 $0xFFFFFF00  }
0x78: {  	[tilespmem:s22], [sflag:$0x2] =	stream.indirect.gather [hbm4b:s4+s20], $0x40, s24, s20, $0xb8;
	[tilespmem:$0xE280] =	vst v63  }
0x79: {  	_ =	swait.ge [sflag:s25], $0x1F40  }
0x7a: {  	[sflag:s25] =	ssyncset.done $0x0  }
0x7b: {  	[sflag:s25] =	ssyncadd.s32 $0xFFFFE0C0  }
0x7c: {  	[spmem:s2] =	stream.indirect.scatter.add.bf16 [tilespmem:s21], [sflag:$0x7], $0x40, s0, s20, $0xb8;
	[tilespmem:$0xE280] =	vst v63  }
0x7d: {  	_ =	swait.ge [sflag:s18], $0x1F40  }
0x7e: {  	[sflag:s18] =	ssyncset.done $0x0  }
0x7f: {  	s12 =	sadd.s32 s11, s14;
	[sflag:s18] =	ssyncadd.s32 $0xFFFFE0C0  }
0x80: {  	[tilespmem:s23], [sflag:$0x5] =	stream.linear.gather [hbm4b:s12+s3], $0x100, $0x38;
	[tilespmem:$0xE280] =	vst v63  }
0x81: {  	_ =	swait.ge [sflag:s1], $0x100  }
0x82: {  	[sflag:s1] =	ssyncset.done $0x0  }
0x83: {  	[sflag:s1] =	ssyncadd.s32 $0xFFFFFF00  }
0x84: {  	[tilespmem:s21], [sflag:$0x1] =	stream.indirect.gather [hbm4b:s4+s20], $0x40, s3, s20, $0xb8;
	[tilespmem:$0xE280] =	vst v63  }
0x85: {  	_ =	swait.ge [sflag:s29], $0x1F40  }
0x86: {  	[sflag:s29] =	ssyncset.done $0x0  }
0x87: {  	[sflag:s29] =	ssyncadd.s32 $0xFFFFE0C0  }
0x88: {  	[spmem:s2] =	stream.indirect.scatter.add.bf16 [tilespmem:s22], [sflag:$0x7], $0x40, s5, s20, $0xb8;
	[tilespmem:$0xE280] =	vst v63  }
0x89: {  	_ =	swait.ge [sflag:s18], $0x1F40  }
0x8a: {  	[sflag:s18] =	ssyncset.done $0x0  }
.Ltmp0:
0x8b: {  	s11 =	sadd.s32 s11, s13;
	[sflag:s18] =	ssyncadd.s32 $0xFFFFE0C0;
	(pc) =	sbr.rel @p0 .LBB2_2-.Ltmp0, $4  }
0x8c: {  	[tilespmem:s24], [sflag:$0x6] =	stream.linear.gather [hbm4b:s11+s3], $0x100, $0x38;
	[tilespmem:$0xE280] =	vst v63  }
0x8d: {  	_ =	swait.ge [sflag:s8], $0x100  }
0x8e: {  	[sflag:s8] =	ssyncset.done $0x0  }
0x8f: {  	[sflag:s8] =	ssyncadd.s32 $0xFFFFFF00  }
0x90: {  	[tilespmem:s22], [sflag:$0x2] =	stream.indirect.gather [hbm4b:s4+s20], $0x40, s19, s20, $0xb8;
	[tilespmem:$0xE280] =	vst v63  }
0x91: {  	_ =	swait.ge [sflag:s25], $0x1F40  }
0x92: {  	[sflag:s25] =	ssyncset.done $0x0  }
0x93: {  	[sflag:s25] =	ssyncadd.s32 $0xFFFFE0C0  }
0x94: {  	[spmem:s2] =	stream.indirect.scatter.add.bf16 [tilespmem:s21], [sflag:$0x7], $0x40, s26, s20, $0xb8;
	[tilespmem:$0xE280] =	vst v63  }
0x95: {  	_ =	swait.ge [sflag:s18], $0x1F40  }
0x96: {  	[sflag:s18] =	ssyncset.done $0x0  }
0x97: {  	[sflag:s18] =	ssyncadd.s32 $0xFFFFE0C0  }
0x98: {  	_ =	swait.ge [sflag:s28], $0x100  }
0x99: {  	[sflag:s28] =	ssyncset.done $0x0  }
0x9a: {  	[sflag:s28] =	ssyncadd.s32 $0xFFFFFF00  }
0x9b: {  	[tilespmem:s21], [sflag:$0x1] =	stream.indirect.gather [hbm4b:s4+s20], $0x40, s23, s20, $0xb8;
	[tilespmem:$0xE280] =	vst v63  }
0x9c: {  	_ =	swait.ge [sflag:s29], $0x1F40  }
0x9d: {  	[sflag:s29] =	ssyncset.done $0x0  }
0x9e: {  	[sflag:s29] =	ssyncadd.s32 $0xFFFFE0C0  }
0x9f: {  	[spmem:s2] =	stream.indirect.scatter.add.bf16 [tilespmem:s22], [sflag:$0x7], $0x40, s30, s20, $0xb8;
	[tilespmem:$0xE280] =	vst v63  }
0xa0: {  	_ =	swait.ge [sflag:s18], $0x1F40  }
0xa1: {  	[sflag:s18] =	ssyncset.done $0x0  }
0xa2: {  	[sflag:s18] =	ssyncadd.s32 $0xFFFFE0C0  }
0xa3: {  	_ =	swait.ge [sflag:s31], $0x100  }
0xa4: {  	[sflag:s31] =	ssyncset.done $0x0  }
0xa5: {  	[sflag:s31] =	ssyncadd.s32 $0xFFFFFF00  }
0xa6: {  	[tilespmem:s22], [sflag:$0x2] =	stream.indirect.gather [hbm4b:s4+s20], $0x40, s24, s20, $0xb8;
	[tilespmem:$0xE280] =	vst v63  }
0xa7: {  	_ =	swait.ge [sflag:s25], $0x1F40  }
0xa8: {  	[sflag:s25] =	ssyncset.done $0x0  }
0xa9: {  	[sflag:s25] =	ssyncadd.s32 $0xFFFFE0C0  }
0xaa: {  	[spmem:s2] =	stream.indirect.scatter.add.bf16 [tilespmem:s21], [sflag:$0x7], $0x40, s0, s20, $0xb8;
	[tilespmem:$0xE280] =	vst v63  }
0xab: {  	_ =	swait.ge [sflag:s18], $0x1F40  }
0xac: {  	[sflag:s18] =	ssyncset.done $0x0  }
0xad: {  	[sflag:s18] =	ssyncadd.s32 $0xFFFFE0C0  }
0xae: {  	_ =	swait.ge [sflag:s29], $0x1F40  }
0xaf: {  	[sflag:s29] =	ssyncset.done $0x0  }
0xb0: {  	[sflag:s29] =	ssyncadd.s32 $0xFFFFE0C0  }
0xb1: {  	[spmem:s2] =	stream.indirect.scatter.add.bf16 [tilespmem:s22], [sflag:$0x7], $0x40, s5, s20, $0xb8;
	[tilespmem:$0xE280] =	vst v63  }
0xb2: {  	_ =	swait.ge [sflag:s18], $0x1F40  }
0xb3: {  	[sflag:s18] =	ssyncset.done $0x0  }
0xb4: {  	[sflag:s18] =	ssyncadd.s32 $0xFFFFE0C0  }
0xb5: {  	[bflag:$0x0] =	sbarrier.arrive $0xFFFF  }
0xb6: {  	s10 =	rddreg [dreg:$0x8]  }
0xb7: {  	[hbm:s10], [sflag:s6] =	dma.local [spmem:s17], $0x1400  }
0xb8: {  	_ =	swait.ge [sflag:s18], $0x1400  }
0xb9: {  	s9 =	sadd.s32 $0x1, s9;
	s12 =	rddreg [dreg:$0x9]  }
0xba: {  	p0 =	sne.s32 s9, s12  }
.Ltmp1:
0xbb: {  	_ = 	snop;
	(pc) =	sbr.rel @p0 .LBB2_1-.Ltmp1, $3  }
0xbc: {  	_ =	sdelay $0x1  }
0xbd: {  	[sflag:s18] =	ssyncset.done $0x0  }
0xbe: {  	[sflag:s18] =	ssyncadd.s32 $0xFFFFEC00  }
0xbf: {  	_ =	sfence.sel $0x180000  }
0xc0: {  	[bflag:$0x0] =	sbarrier.arrive $0xFFFF  }
0xc1: {  	_ =	strace $0x9000004D  }
0xc2: {  	s0 =	stileid.u32;
	[bflag:$0x2] =	sbarrier.arrive $0xFFFF  }
0xc3: {  	p0 =	sne.s32 s0, $0x0;
	s0 =	rddreg [dreg:$0x3]  }
0xc4: {  	s0 =	sadd.s32 @!p0 $0x100000, s0  }
0xc5: {  	[sflag:s0] =	ssyncadd.tile.s32 @!p0 $0x1;
	_ =	shalt  }
.Lfunc_end2:
_tile_overlayer_lowered:
.L_overlay_start_2:
0xc6: {  	(tag) =	ssettag $0x2  }
0xc7: {  	s0 =	rddreg [dreg:$0x0];
	s2 =	stileid.u32  }
0xc8: {  	s1 =	rddreg [dreg:$0x1];
	p0 =	sne.s32 s2, $0x0  }
0xc9: {  	s3 =	rddreg [dreg:$0x2];
	[bflag:$0x3] =	sbarrier.arrive $0xFFFF;
	s2 =	simm.s32 @!p0 $0x1C07  }
0xca: {  	[timem:s3], [sflag:s2] =	dma.local @!p0 [hbm:s0], s1  }
0xcb: {  	s0 =	simm.s32 @!p0 $0x7  }
0xcc: {  	_ =	swait.ge @!p0 [sflag:s0], s1  }
0xcd: {  	s1 =	ssub.s32 @!p0 $0x0, s1;
	[sflag:s0] =	ssyncset.done @!p0 $0x0  }
0xce: {  	[sflag:s0] =	ssyncadd.s32 @!p0 s1  }
0xcf: {  	[bflag:$0x3] =	sbarrier.arrive $0xFFFF  }
0xd0: {  	_ =	shalt  }

// kernel: kernel.19.cloned.1.call-start
scs
__scs_entry_jumppad:
0x0: {  	(pc) =	sbr.rel $0x88, $3  }
0x1: {  	(tag) =	ssettag $0x0;
	lr =	simm.s32 $0x1  }
0x2: {  	[smem:$0x3F99] =	sst lr;
	_ =	strace $0xD0000000  }
0x3: {  	_ = 	snop  }
0x4: {  	_ = 	snop  }
0x5: {  	_ = 	snop  }
0x6: {  	_ = 	snop  }
0x7: {  	_ = 	snop  }
__scs_overlays_trampoline_lowered:
0x8: {  	[smem:$0x3FA8] =	sst s0  }
0x9: {  	[smem:$0x3FA9] =	sst s1  }
0xa: {  	[smem:$0x3FAA] =	sst s2  }
0xb: {  	[smem:$0x3FAB] =	sst s3  }
0xc: {  	[smem:$0x3FAC] =	sst s4  }
0xd: {  	[smem:$0x3FAD] =	sst s5  }
0xe: {  	[smem:$0x3FAE] =	sst s6  }
0xf: {  	[smem:$0x3FAF] =	sst s7  }
0x10: {  	[smem:$0x3FB0] =	sst s8  }
0x11: {  	[smem:$0x3FB1] =	sst s9;
	s0 =	simm.s32 @!p0 $0x0  }
0x12: {  	s1 =	sld [smem:$0x3F97];
	s0 =	simm.s32 @p0 $0x1  }
0x13: {  	[smem:$0x3FB2] =	sst s0;
	s0 =	simm.s32 @!p1 $0x0  }
0x14: {  	s2 =	sld [smem:$0x3F96];
	s0 =	simm.s32 @p1 $0x1  }
0x15: {  	[smem:$0x3FB3] =	sst s0;
	s0 =	simm.s32 @!p2 $0x0  }
0x16: {  	s3 =	sld [smem:$0x3FDB];
	s0 =	simm.s32 @p2 $0x1  }
0x17: {  	s4 =	simm.s32 $0x1BF5;
	[smem:$0x3FB5] =	sst s0  }
0x18: {  	s0 =	sld [smem:$0x3F98];
	_ =	swait.ge [sflag:s4], $0x0  }
0x19: {  	s7 =	sld [smem:$0x3F99]  }
0x1a: {  	s8 =	sadd.s32 $0xFFFFE003, lr  }
0x1b: {  	s9 =	sadd.s32 $0xFFFFFEF7, lr;
	s5 =	simm.s32 $0xFFFFFFFF;
	p2 =	slt.u32 s8, $0xFFFFF086  }
0x1c: {  	p1 =	slt.u32 s9, $0xF7A;
	s5 =	simm.s32 @!p2 $0x0  }
0x1d: {  	s5 =	simm.s32 @p1 $0x1;
	p0 =	seq.s32 s7, s2  }
0x1e: {  	s7 =	smul.u32 @!p0 $0xF7A, s2;
	p2 =	seq.s32 @!p0 s5, $0x0  }
0x1f: {  	s9 =	smul.u32 $0xF7A, s1;
	s8 =	simm.s32 @!p0 $0x1BF5;
	p2 =	por !p2, p0  }
0x20: {  	[sflag:s8] =	ssyncset.s32 @!p0 $0xFFFFF086;
	s6 =	sadd.s32 @!p0 s3, s7;
	s7 =	simm.s32 @!p0 $0x108  }
0x21: {  	s3 =	sadd.s32 s3, s9;
	s6 =	sadd.s32 @!p0 $0x88, s6;
	s7 =	simm.s32 @p2 $0x1082  }
0x22: {  	[simem:s7], [sflag:s8] =	dma.local @!p0 [hbm:s6], $0xF7A  }
0x23: {  	s9 =	sor.u32 $0xD0000000, s2;
	s6 =	simm.s32 $0x108;
	_ =	swait.ge @!p0 [sflag:s8], $0x0  }
0x24: {  	s3 =	sadd.s32 $0x88, s3;
	s6 =	simm.s32 @!p1 $0x1082;
	[sflag:s4] =	ssyncset.s32 $0xFFFFF086  }
0x25: {  	[simem:s6], [sflag:s4] =	dma.local [hbm:s3], $0xF7A  }
0x26: {  	[smem:$0x3F99] =	sst s1;
	(tag) =	ssettag s2;
	_ =	strace s9  }
0x27: {  	s1 =	sld [smem:$0x3FA9]  }
0x28: {  	s2 =	sld [smem:$0x3FAA]  }
0x29: {  	s4 =	sld [smem:$0x3FAC]  }
0x2a: {  	p0 =	seq.s32 s5, $0x0;
	s5 =	sld [smem:$0x3FAD]  }
0x2b: {  	s6 =	sld [smem:$0x3FAE]  }
0x2c: {  	s7 =	sld [smem:$0x3FAF]  }
0x2d: {  	s3 =	simm.s32 $0x108;
	s8 =	sld [smem:$0x3FB0]  }
0x2e: {  	s3 =	simm.s32 @!p0 $0x1082;
	s9 =	sld [smem:$0x3FB1]  }
0x2f: {  	lr =	sadd.s32 s0, s3;
	s0 =	sld [smem:$0x3FA8]  }
0x30: {  	s3 =	sld [smem:$0x3FAB]  }
0x31: {  	[smem:$0x3FB4] =	sst s10  }
0x32: {  	s10 =	sld [smem:$0x3FB2];
	_ =	sdelay $0x3  }
0x33: {  	p0 =	seq.s32 s10, $0x1;
	s10 =	sld [smem:$0x3FB4];
	_ =	sdelay $0x3  }
0x34: {  	[smem:$0x3FB4] =	sst s10  }
0x35: {  	s10 =	sld [smem:$0x3FB3];
	_ =	sdelay $0x3  }
0x36: {  	p1 =	seq.s32 s10, $0x1;
	s10 =	sld [smem:$0x3FB4];
	_ =	sdelay $0x3  }
0x37: {  	[smem:$0x3FB4] =	sst s10  }
0x38: {  	s10 =	sld [smem:$0x3FB5]  }
0x39: {  	_ = 	snop;
	(pc) =	sbr.ind lr, $3  }
0x3a: {  	_ = 	snop  }
0x3b: {  	_ = 	snop  }
0x3c: {  	p2 =	seq.s32 s10, $0x1;
	s10 =	sld [smem:$0x3FB4]  }
0x3d: {  	_ =	shalt  }
0x3e: {  	_ =	shalt  }
0x3f: {  	_ =	shalt  }
0x40: {  	_ =	shalt  }
0x41: {  	_ =	shalt  }
0x42: {  	_ =	shalt  }
0x43: {  	_ =	shalt  }
0x44: {  	_ =	shalt  }
0x45: {  	_ =	shalt  }
0x46: {  	_ =	shalt  }
0x47: {  	_ =	shalt  }
0x48: {  	_ =	shalt  }
0x49: {  	_ =	shalt  }
0x4a: {  	_ =	shalt  }
0x4b: {  	_ =	shalt  }
0x4c: {  	_ =	shalt  }
0x4d: {  	_ =	shalt  }
0x4e: {  	_ =	shalt  }
0x4f: {  	_ =	shalt  }
0x50: {  	_ =	shalt  }
0x51: {  	_ =	shalt  }
0x52: {  	_ =	shalt  }
0x53: {  	_ =	shalt  }
0x54: {  	_ =	shalt  }
0x55: {  	_ =	shalt  }
0x56: {  	_ =	shalt  }
0x57: {  	_ =	shalt  }
0x58: {  	_ =	shalt  }
0x59: {  	_ =	shalt  }
0x5a: {  	_ =	shalt  }
0x5b: {  	_ =	shalt  }
0x5c: {  	_ =	shalt  }
0x5d: {  	_ =	shalt  }
0x5e: {  	_ =	shalt  }
0x5f: {  	_ =	shalt  }
0x60: {  	_ =	shalt  }
0x61: {  	_ =	shalt  }
0x62: {  	_ =	shalt  }
0x63: {  	_ =	shalt  }
0x64: {  	_ =	shalt  }
0x65: {  	_ =	shalt  }
0x66: {  	_ =	shalt  }
0x67: {  	_ =	shalt  }
0x68: {  	_ =	shalt  }
0x69: {  	_ =	shalt  }
0x6a: {  	_ =	shalt  }
0x6b: {  	_ =	shalt  }
0x6c: {  	_ =	shalt  }
0x6d: {  	_ =	shalt  }
0x6e: {  	_ =	shalt  }
0x6f: {  	_ =	shalt  }
0x70: {  	_ =	shalt  }
0x71: {  	_ =	shalt  }
0x72: {  	_ =	shalt  }
0x73: {  	_ =	shalt  }
0x74: {  	_ =	shalt  }
0x75: {  	_ =	shalt  }
0x76: {  	_ =	shalt  }
0x77: {  	_ =	shalt  }
0x78: {  	_ =	shalt  }
0x79: {  	_ =	shalt  }
0x7a: {  	_ =	shalt  }
0x7b: {  	_ =	shalt  }
0x7c: {  	_ =	shalt  }
0x7d: {  	_ =	shalt  }
0x7e: {  	_ =	shalt  }
0x7f: {  	_ =	shalt  }
0x80: {  	_ =	shalt  }
0x81: {  	_ =	shalt  }
0x82: {  	_ =	shalt  }
0x83: {  	_ =	shalt  }
0x84: {  	_ =	shalt  }
0x85: {  	_ =	shalt  }
0x86: {  	_ =	shalt  }
0x87: {  	_ =	shalt  }
.Lfunc_end0:
.L_simem_size_0:
called_computation.3_lowered:
.L_overlay_start_0:
0x88: {  	s2 =	sld [smem:$0x3FD9]  }
0x89: {  	s3 =	sld [smem:$0x3FFE];
	_ =	sdelay $0x1  }
0x8a: {  	s1 =	srdreg.scid  }
0x8b: {  	s0 =	sand.u32 $0x1, s1  }
0x8c: {  	s17 =	sshll.u32 s0, $0xA;
	s2 =	sadd.s32 s3, s2  }
0x8d: {  	s2 =	sadd.s32 s2, s17  }
0x8e: {  	[smem:$0x3FC0] =	sst s2  }
0x8f: {  	_ = 	snop  }
0x90: {  	s2 =	sld [smem:$0x3FD0];
	(tm) =	ssettm $0x1  }
0x91: {  	s18 =	sld [smem:$0x3FFB];
	_ =	sdelay $0x3  }
0x92: {  	_ =	strace s18  }
0x93: {  	s3 =	sld [smem:$0x3FFC];
	_ =	sdelay $0x3  }
0x94: {  	_ =	strace s3  }
0x95: {  	s3 =	sld [smem:$0x3FFD];
	_ =	sdelay $0x3  }
0x96: {  	_ =	strace s3  }
0x97: {  	_ =	strace $0x8FFFFFFF  }
0x98: {  	s19 =	sld [smem:$0x3FDB];
	_ =	sdelay $0x1  }
0x99: {  	s4 =	simm.s32 $_scs_section_size  }
0x9a: {  	s5 =	simm.s32 $_size__tile_overlayer_lowered;
	s6 =	simm.s32 $_tile_overlayer_lowered  }
0x9b: {  	s22 =	simm.s32 $0x1BFF;
	s21 =	sshll.u32 s6, $0x1;
	s3 =	sadd.s32 s4, s19  }
0x9c: {  	s7 =	simm.s32 $0x0;
	s20 =	sshll.u32 s5, $0x1;
	s5 =	sadd.s32 s21, s3  }
0x9d: {  	[timem:s7], [sflag:s22] =	dma.local [hbm:s5], s20  }
0x9e: {  	_ =	swait.ge [sflag:s22], s20  }
0x9f: {  	s4 =	ssub.s32 $0x0, s20;
	[sflag:s22] =	ssyncset.done $0x0  }
0xa0: {  	[sflag:s22] =	ssyncadd.s32 s4;
	_ =	sdelay $0x1  }
0xa1: {  	s23 =	simm.s32 $0x1B8B  }
0xa2: {  	_ =	swait.ge [sflag:s23], $0x1  }
0xa3: {  	[sflag:s23] =	ssyncset.done $0x0  }
0xa4: {  	s25 =	simm.s32 $0x1B8E;
	s24 =	sld [smem:$0x3FFE];
	[sflag:s23] =	ssyncadd.s32 $0xFFFFFFFF  }
0xa5: {  	s26 =	simm.s32 $execute0_lowered;
	[smem:$0x3FD2] =	sst s25  }
0xa6: {  	s5 =	sshll.u32 s26, $0x1;
	_ =	strace $0x8000004F;
	[dreg:$0x1] =	wrdreg $0xFFFFFFFF  }
0xa7: {  	s28 =	simm.s32 $_size_execute0_lowered;
	s3 =	sadd.s32 s3, s5;
	[dreg:$0x0] =	wrdreg $0x0  }
0xa8: {  	s5 =	sshll.u32 s28, $0x1;
	[dreg:$0x2] =	wrdreg s3  }
0xa9: {  	[dreg:$0x3] =	wrdreg s5  }
0xaa: {  	[dreg:$0x4] =	wrdreg $0xC0  }
0xab: {  	_ =	task [dreg:s7], $0x5FFFF  }
0xac: {  	[dreg:$0x1] =	wrdreg $0xFFFFFFFF  }
0xad: {  	[dreg:$0x0] =	wrdreg $0x60  }
0xae: {  	[dreg:$0x2] =	wrdreg s24  }
0xaf: {  	[dreg:$0x3] =	wrdreg s2  }
0xb0: {  	[dreg:$0x4] =	wrdreg $0x42800  }
0xb1: {  	[dreg:$0x5] =	wrdreg $0x9  }
0xb2: {  	_ =	task.clear_ibuf [dreg:s7], $0x6FFFF;
	_ =	strace $0x9000004F  }
0xb3: {  	s29 =	simm.s32 $0x9;
	_ =	strace $0x80000051  }
0xb4: {  	_ =	swait.ge [sflag:s29], $0x1  }
0xb5: {  	[sflag:s29] =	ssyncadd.s32 $0xFFFFFFFF  }
0xb6: {  	_ =	strace $0x90000051  }
0xb7: {  	_ =	sfence  }
0xb8: {  	s30 =	sld [smem:$0x0];
	_ =	sdelay $0x2  }
0xb9: {  	s31 =	sshll.u32 s1, $0xD;
	s1 =	sshrl.u32 s1, $0x2  }
0xba: {  	s3 =	sand.u32 $0x4000, s31;
	s1 =	sadd.s32 s1, s30  }
0xbb: {  	s0 =	sor.u32 s3, s0;
	s1 =	sshll.u32 s1, $0x11  }
0xbc: {  	s0 =	sor.u32 s1, s0  }
0xbd: {  	s0 =	sadd.s32 $0x8F2B, s0  }
0xbe: {  	[sflag:s0] =	ssyncadd.remote.s32 $0x1  }
0xbf: {  	_ =	sfence.sel $0xFFFF  }
0xc0: {  	[dreg:$0x0] =	wrdreg $0xFFFFFFFF;
	(pc) =	sbr.abs _section_cstart, $3  }
0xc1: {  	[dreg:$0x1] =	wrdreg $0xFFFFFFFF  }
0xc2: {  	_ =	task.clear_ibuf [dreg:s7], $0x2FFFF;
	_ =	strace $0x9FFFFFFF  }
0xc3: {  	(tm) =	ssettm $0x7FFFFFFF  }
tec
execute0_lowered:
.L_overlay_start_1:
0x0: {  	(tag) =	ssettag $0x1  }
0x1: {  	s0 =	rddreg [dreg:$0x0]  }
0x2: {  	s1 =	rddreg [dreg:$0x1]  }
0x3: {  	s2 =	rddreg [dreg:$0x2];
	s4 =	srdreg.scid  }
0x4: {  	s12 =	stileid.u32;
	s3 =	simm.s32 $0x0;
	s28 =	simm.s32 $0x5  }
0x5: {  	s29 =	simm.s32 $0x2;
	s30 =	simm.s32 $0x180;
	s31 =	simm.s32 $0x6  }
0x6: {  	s5 =	sand.u32 $0x1, s4;
	s6 =	smul.u32 $0x14000, s12;
	[smem:$0x7FF] =	sst s3  }
0x7: {  	s4 =	sadd.s32 $0x2600, s0;
	s9 =	sadd.s32 $0x25800, s0;
	s10 =	smul.u32 $0x5000, s12  }
0x8: {  	s16 =	sshll.u32 s12, $0x6;
	s7 =	smul.u32 $0x140000, s5;
	_ =	strace $0x80000050  }
0x9: {  	s8 =	sshll.u32 s5, $0x4;
	[dreg:$0x4] =	wrdreg s9;
	s14 =	ssub.s32 $0x2, s5  }
0xa: {  	s5 =	smul.u32 $0x50000, s5;
	s8 =	sor.u32 s12, s8;
	s15 =	sshrl.u32 s14, $0x1  }
0xb: {  	s7 =	sadd.s32 s6, s7;
	s8 =	smul.u32 $0x5000, s8;
	s9 =	ssub.s32 s14, s15  }
0xc: {  	s6 =	sshrl.u32 s6, $0x1;
	s5 =	sadd.s32 s10, s5;
	s7 =	sshrl.u32 s7, $0x4  }
0xd: {  	s11 =	sadd.s32 s6, s2;
	s6 =	sor.u32 $0x1C07, s16;
	s20 =	sor.u32 $0x700, s5  }
0xe: {  	s23 =	smax.u32 s9, $0x1;
	s24 =	sor.u32 $0x600, s5;
	s25 =	sor.u32 $0x500, s5  }
0xf: {  	s5 =	sor.u32 $0x400, s5;
	s9 =	simm.s32 $0x0;
	s0 =	sadd.s32 s7, s0  }
0x10: {  	s17 =	sshrl.u32 s8, $0x3;
	s22 =	sshrl.u32 s20, $0x3;
	[dreg:$0x9] =	wrdreg s23  }
0x11: {  	s26 =	sshrl.u32 s25, $0x3;
	s5 =	sshrl.u32 s5, $0x3;
	s20 =	simm.s32 $0x7D  }
0x12: {  	s23 =	simm.s32 $0x200;
	s25 =	simm.s32 $0x1;
	s8 =	simm.s32 $0x4  }
0x13: {  	s7 =	sadd.s32 s1, s17;
	s0 =	sadd.s32 $0x26C00, s0;
	s13 =	sadd.s32 s22, s1  }
0x14: {  	s15 =	sadd.s32 s26, s1;
	s16 =	sadd.s32 s5, s1;
	s17 =	sshrl.u32 s11, $0x3  }
0x15: {  	s22 =	simm.s32 $0x2340;
	s18 =	sadd.s32 $0x20, s7;
	[dreg:$0x8] =	wrdreg s0  }
0x16: {  	s26 =	simm.s32 $0x80;
	s19 =	sadd.s32 $0x40, s7;
	[dreg:$0x5] =	wrdreg s18  }
0x17: {  	s5 =	simm.s32 $0x380;
	s21 =	sadd.s32 $0x60, s7;
	[dreg:$0x6] =	wrdreg s19  }
0x18: {  	s0 =	sshrl.u32 s24, $0x3;
	s24 =	simm.s32 $0x300;
	[dreg:$0x7] =	wrdreg s21  }
0x19: {  	s14 =	sadd.s32 s0, s1;
	s18 =	simm.s32 $0x7;
	s19 =	simm.s32 $0x100  }
0x1a: {  	s21 =	simm.s32 $0x400;
	s0 =	simm.s32 $0x280;
	s1 =	simm.s32 $0x3  }
.LBB2_1:
0x1b: {  	s10 =	rddreg [dreg:$0x4]  }
0x1c: {  	[spmem:s17], [sflag:s6] =	dma.local [hbm:s10], $0x1400  }
0x1d: {  	_ =	swait.ge [sflag:s18], $0x1400  }
0x1e: {  	[sflag:s18] =	ssyncset.done $0x0  }
0x1f: {  	[sflag:s18] =	ssyncadd.s32 $0xFFFFEC00  }
0x20: {  	[bflag:$0x0] =	sbarrier.arrive $0xFFFF  }
0x21: {  	[tilespmem:s3], [sflag:$0x7] =	stream.linear.gather [hbm4b:s7+s3], $0x100, $0x38;
	[tilespmem:$0xE280] =	vst v63  }
0x22: {  	_ =	swait.ge [sflag:s18], $0x100  }
0x23: {  	[sflag:s18] =	ssyncset.done $0x0  }
0x24: {  	s12 =	rddreg [dreg:$0x5];
	[sflag:s18] =	ssyncadd.s32 $0xFFFFFF00  }
0x25: {  	[tilespmem:s19], [sflag:$0x7] =	stream.linear.gather [hbm4b:s12+s3], $0x100, $0x38;
	[tilespmem:$0xE280] =	vst v63  }
0x26: {  	_ =	swait.ge [sflag:s18], $0x100  }
0x27: {  	[sflag:s18] =	ssyncset.done $0x0  }
0x28: {  	[sflag:s18] =	ssyncadd.s32 $0xFFFFFF00  }
0x29: {  	[tilespmem:s21], [sflag:$0x1] =	stream.indirect.gather [hbm4b:s4+s20], $0x40, s3, s20, $0xb8;
	[tilespmem:$0xE280] =	vst v63  }
0x2a: {  	_ = 	snop  }
0x2b: {  	[tilespmem:s22], [sflag:$0x2] =	stream.indirect.gather [hbm4b:s4+s20], $0x40, s19, s20, $0xb8;
	[tilespmem:$0xE280] =	vst v63  }
0x2c: {  	s11 =	rddreg [dreg:$0x6]  }
0x2d: {  	[tilespmem:s23], [sflag:$0x5] =	stream.linear.gather [hbm4b:s11+s3], $0x100, $0x38;
	[tilespmem:$0xE280] =	vst v63  }
0x2e: {  	s12 =	rddreg [dreg:$0x7]  }
0x2f: {  	[tilespmem:s24], [sflag:$0x6] =	stream.linear.gather [hbm4b:s12+s3], $0x100, $0x38;
	[tilespmem:$0xE280] =	vst v63  }
0x30: {  	_ =	swait.ge [sflag:s25], $0x1F40  }
0x31: {  	[sflag:s25] =	ssyncset.done $0x0  }
0x32: {  	[sflag:s25] =	ssyncadd.s32 $0xFFFFE0C0  }
0x33: {  	[spmem:s2] =	stream.indirect.scatter.add.bf16 [tilespmem:s21], [sflag:$0x7], $0x40, s26, s20, $0xb8;
	[tilespmem:$0xE280] =	vst v63  }
0x34: {  	_ =	swait.ge [sflag:s18], $0x1F40  }
0x35: {  	[sflag:s18] =	ssyncset.done $0x0  }
0x36: {  	s11 =	sadd.s32 $0x0, s16;
	[sflag:s18] =	ssyncadd.s32 $0xFFFFE0C0  }
0x37: {  	[tilespmem:s3], [sflag:$0x3] =	stream.linear.gather [hbm4b:s11+s3], $0x100, $0x38;
	[tilespmem:$0xE280] =	vst v63  }
0x38: {  	_ =	swait.ge [sflag:s28], $0x100  }
0x39: {  	[sflag:s28] =	ssyncset.done $0x0  }
0x3a: {  	[sflag:s28] =	ssyncadd.s32 $0xFFFFFF00  }
0x3b: {  	[tilespmem:s21], [sflag:$0x1] =	stream.indirect.gather [hbm4b:s4+s20], $0x40, s23, s20, $0xb8;
	[tilespmem:$0xE280] =	vst v63  }
0x3c: {  	_ =	swait.ge [sflag:s29], $0x1F40  }
0x3d: {  	[sflag:s29] =	ssyncset.done $0x0  }
0x3e: {  	[sflag:s29] =	ssyncadd.s32 $0xFFFFE0C0  }
0x3f: {  	[spmem:s2] =	stream.indirect.scatter.add.bf16 [tilespmem:s22], [sflag:$0x7], $0x40, s30, s20, $0xb8;
	[tilespmem:$0xE280] =	vst v63  }
0x40: {  	_ =	swait.ge [sflag:s18], $0x1F40  }
0x41: {  	[sflag:s18] =	ssyncset.done $0x0  }
0x42: {  	s12 =	sadd.s32 $0x0, s15;
	[sflag:s18] =	ssyncadd.s32 $0xFFFFE0C0  }
0x43: {  	[tilespmem:s19], [sflag:$0x4] =	stream.linear.gather [hbm4b:s12+s3], $0x100, $0x38;
	[tilespmem:$0xE280] =	vst v63  }
0x44: {  	_ =	swait.ge [sflag:s31], $0x100  }
0x45: {  	[sflag:s31] =	ssyncset.done $0x0  }
0x46: {  	[sflag:s31] =	ssyncadd.s32 $0xFFFFFF00  }
0x47: {  	[tilespmem:s22], [sflag:$0x2] =	stream.indirect.gather [hbm4b:s4+s20], $0x40, s24, s20, $0xb8;
	[tilespmem:$0xE280] =	vst v63  }
0x48: {  	_ =	swait.ge [sflag:s25], $0x1F40  }
0x49: {  	[sflag:s25] =	ssyncset.done $0x0  }
0x4a: {  	[sflag:s25] =	ssyncadd.s32 $0xFFFFE0C0  }
0x4b: {  	[spmem:s2] =	stream.indirect.scatter.add.bf16 [tilespmem:s21], [sflag:$0x7], $0x40, s0, s20, $0xb8;
	[tilespmem:$0xE280] =	vst v63  }
0x4c: {  	_ =	swait.ge [sflag:s18], $0x1F40  }
0x4d: {  	[sflag:s18] =	ssyncset.done $0x0  }
0x4e: {  	s11 =	sadd.s32 $0x0, s14;
	[sflag:s18] =	ssyncadd.s32 $0xFFFFE0C0  }
0x4f: {  	[tilespmem:s23], [sflag:$0x5] =	stream.linear.gather [hbm4b:s11+s3], $0x100, $0x38;
	[tilespmem:$0xE280] =	vst v63  }
0x50: {  	_ =	swait.ge [sflag:s1], $0x100  }
0x51: {  	[sflag:s1] =	ssyncset.done $0x0  }
0x52: {  	[sflag:s1] =	ssyncadd.s32 $0xFFFFFF00  }
0x53: {  	[tilespmem:s21], [sflag:$0x1] =	stream.indirect.gather [hbm4b:s4+s20], $0x40, s3, s20, $0xb8;
	[tilespmem:$0xE280] =	vst v63  }
0x54: {  	_ =	swait.ge [sflag:s29], $0x1F40  }
0x55: {  	[sflag:s29] =	ssyncset.done $0x0  }
0x56: {  	[sflag:s29] =	ssyncadd.s32 $0xFFFFE0C0  }
0x57: {  	[spmem:s2] =	stream.indirect.scatter.add.bf16 [tilespmem:s22], [sflag:$0x7], $0x40, s5, s20, $0xb8;
	[tilespmem:$0xE280] =	vst v63  }
0x58: {  	_ =	swait.ge [sflag:s18], $0x1F40  }
0x59: {  	[sflag:s18] =	ssyncset.done $0x0  }
0x5a: {  	s12 =	sadd.s32 $0x0, s13;
	[sflag:s18] =	ssyncadd.s32 $0xFFFFE0C0  }
0x5b: {  	[tilespmem:s24], [sflag:$0x6] =	stream.linear.gather [hbm4b:s12+s3], $0x100, $0x38;
	[tilespmem:$0xE280] =	vst v63  }
0x5c: {  	_ =	swait.ge [sflag:s8], $0x100  }
0x5d: {  	[sflag:s8] =	ssyncset.done $0x0  }
0x5e: {  	s10 =	simm.s32 $0x80;
	[sflag:s8] =	ssyncadd.s32 $0xFFFFFF00  }
.LBB2_2:
0x5f: {  	[tilespmem:s22], [sflag:$0x2] =	stream.indirect.gather [hbm4b:s4+s20], $0x40, s19, s20, $0xb8;
	[tilespmem:$0xE280] =	vst v63  }
0x60: {  	s11 =	smov.u32 s10  }
0x61: {  	p0 =	sne.s32 s10, $0x900;
	s10 =	sadd.s32 $0x80, s10;
	_ =	swait.ge [sflag:s25], $0x1F40  }
0x62: {  	[sflag:s25] =	ssyncset.done $0x0  }
0x63: {  	[sflag:s25] =	ssyncadd.s32 $0xFFFFE0C0  }
0x64: {  	[spmem:s2] =	stream.indirect.scatter.add.bf16 [tilespmem:s21], [sflag:$0x7], $0x40, s26, s20, $0xb8;
	[tilespmem:$0xE280] =	vst v63  }
0x65: {  	_ =	swait.ge [sflag:s18], $0x1F40  }
0x66: {  	[sflag:s18] =	ssyncset.done $0x0  }
0x67: {  	s12 =	sadd.s32 s11, s16;
	[sflag:s18] =	ssyncadd.s32 $0xFFFFE0C0  }
0x68: {  	[tilespmem:s3], [sflag:$0x3] =	stream.linear.gather [hbm4b:s12+s3], $0x100, $0x38;
	[tilespmem:$0xE280] =	vst v63  }
0x69: {  	_ =	swait.ge [sflag:s28], $0x100  }
0x6a: {  	[sflag:s28] =	ssyncset.done $0x0  }
0x6b: {  	[sflag:s28] =	ssyncadd.s32 $0xFFFFFF00  }
0x6c: {  	[tilespmem:s21], [sflag:$0x1] =	stream.indirect.gather [hbm4b:s4+s20], $0x40, s23, s20, $0xb8;
	[tilespmem:$0xE280] =	vst v63  }
0x6d: {  	_ =	swait.ge [sflag:s29], $0x1F40  }
0x6e: {  	[sflag:s29] =	ssyncset.done $0x0  }
0x6f: {  	[sflag:s29] =	ssyncadd.s32 $0xFFFFE0C0  }
0x70: {  	[spmem:s2] =	stream.indirect.scatter.add.bf16 [tilespmem:s22], [sflag:$0x7], $0x40, s30, s20, $0xb8;
	[tilespmem:$0xE280] =	vst v63  }
0x71: {  	_ =	swait.ge [sflag:s18], $0x1F40  }
0x72: {  	[sflag:s18] =	ssyncset.done $0x0  }
0x73: {  	s12 =	sadd.s32 s11, s15;
	[sflag:s18] =	ssyncadd.s32 $0xFFFFE0C0  }
0x74: {  	[tilespmem:s19], [sflag:$0x4] =	stream.linear.gather [hbm4b:s12+s3], $0x100, $0x38;
	[tilespmem:$0xE280] =	vst v63  }
0x75: {  	_ =	swait.ge [sflag:s31], $0x100  }
0x76: {  	[sflag:s31] =	ssyncset.done $0x0  }
0x77: {  	[sflag:s31] =	ssyncadd.s32 $0xFFFFFF00  }
0x78: {  	[tilespmem:s22], [sflag:$0x2] =	stream.indirect.gather [hbm4b:s4+s20], $0x40, s24, s20, $0xb8;
	[tilespmem:$0xE280] =	vst v63  }
0x79: {  	_ =	swait.ge [sflag:s25], $0x1F40  }
0x7a: {  	[sflag:s25] =	ssyncset.done $0x0  }
0x7b: {  	[sflag:s25] =	ssyncadd.s32 $0xFFFFE0C0  }
0x7c: {  	[spmem:s2] =	stream.indirect.scatter.add.bf16 [tilespmem:s21], [sflag:$0x7], $0x40, s0, s20, $0xb8;
	[tilespmem:$0xE280] =	vst v63  }
0x7d: {  	_ =	swait.ge [sflag:s18], $0x1F40  }
0x7e: {  	[sflag:s18] =	ssyncset.done $0x0  }
0x7f: {  	s12 =	sadd.s32 s11, s14;
	[sflag:s18] =	ssyncadd.s32 $0xFFFFE0C0  }
0x80: {  	[tilespmem:s23], [sflag:$0x5] =	stream.linear.gather [hbm4b:s12+s3], $0x100, $0x38;
	[tilespmem:$0xE280] =	vst v63  }
0x81: {  	_ =	swait.ge [sflag:s1], $0x100  }
0x82: {  	[sflag:s1] =	ssyncset.done $0x0  }
0x83: {  	[sflag:s1] =	ssyncadd.s32 $0xFFFFFF00  }
0x84: {  	[tilespmem:s21], [sflag:$0x1] =	stream.indirect.gather [hbm4b:s4+s20], $0x40, s3, s20, $0xb8;
	[tilespmem:$0xE280] =	vst v63  }
0x85: {  	_ =	swait.ge [sflag:s29], $0x1F40  }
0x86: {  	[sflag:s29] =	ssyncset.done $0x0  }
0x87: {  	[sflag:s29] =	ssyncadd.s32 $0xFFFFE0C0  }
0x88: {  	[spmem:s2] =	stream.indirect.scatter.add.bf16 [tilespmem:s22], [sflag:$0x7], $0x40, s5, s20, $0xb8;
	[tilespmem:$0xE280] =	vst v63  }
0x89: {  	_ =	swait.ge [sflag:s18], $0x1F40  }
0x8a: {  	[sflag:s18] =	ssyncset.done $0x0  }
.Ltmp0:
0x8b: {  	s11 =	sadd.s32 s11, s13;
	[sflag:s18] =	ssyncadd.s32 $0xFFFFE0C0;
	(pc) =	sbr.rel @p0 .LBB2_2-.Ltmp0, $4  }
0x8c: {  	[tilespmem:s24], [sflag:$0x6] =	stream.linear.gather [hbm4b:s11+s3], $0x100, $0x38;
	[tilespmem:$0xE280] =	vst v63  }
0x8d: {  	_ =	swait.ge [sflag:s8], $0x100  }
0x8e: {  	[sflag:s8] =	ssyncset.done $0x0  }
0x8f: {  	[sflag:s8] =	ssyncadd.s32 $0xFFFFFF00  }
0x90: {  	[tilespmem:s22], [sflag:$0x2] =	stream.indirect.gather [hbm4b:s4+s20], $0x40, s19, s20, $0xb8;
	[tilespmem:$0xE280] =	vst v63  }
0x91: {  	_ =	swait.ge [sflag:s25], $0x1F40  }
0x92: {  	[sflag:s25] =	ssyncset.done $0x0  }
0x93: {  	[sflag:s25] =	ssyncadd.s32 $0xFFFFE0C0  }
0x94: {  	[spmem:s2] =	stream.indirect.scatter.add.bf16 [tilespmem:s21], [sflag:$0x7], $0x40, s26, s20, $0xb8;
	[tilespmem:$0xE280] =	vst v63  }
0x95: {  	_ =	swait.ge [sflag:s18], $0x1F40  }
0x96: {  	[sflag:s18] =	ssyncset.done $0x0  }
0x97: {  	[sflag:s18] =	ssyncadd.s32 $0xFFFFE0C0  }
0x98: {  	_ =	swait.ge [sflag:s28], $0x100  }
0x99: {  	[sflag:s28] =	ssyncset.done $0x0  }
0x9a: {  	[sflag:s28] =	ssyncadd.s32 $0xFFFFFF00  }
0x9b: {  	[tilespmem:s21], [sflag:$0x1] =	stream.indirect.gather [hbm4b:s4+s20], $0x40, s23, s20, $0xb8;
	[tilespmem:$0xE280] =	vst v63  }
0x9c: {  	_ =	swait.ge [sflag:s29], $0x1F40  }
0x9d: {  	[sflag:s29] =	ssyncset.done $0x0  }
0x9e: {  	[sflag:s29] =	ssyncadd.s32 $0xFFFFE0C0  }
0x9f: {  	[spmem:s2] =	stream.indirect.scatter.add.bf16 [tilespmem:s22], [sflag:$0x7], $0x40, s30, s20, $0xb8;
	[tilespmem:$0xE280] =	vst v63  }
0xa0: {  	_ =	swait.ge [sflag:s18], $0x1F40  }
0xa1: {  	[sflag:s18] =	ssyncset.done $0x0  }
0xa2: {  	[sflag:s18] =	ssyncadd.s32 $0xFFFFE0C0  }
0xa3: {  	_ =	swait.ge [sflag:s31], $0x100  }
0xa4: {  	[sflag:s31] =	ssyncset.done $0x0  }
0xa5: {  	[sflag:s31] =	ssyncadd.s32 $0xFFFFFF00  }
0xa6: {  	[tilespmem:s22], [sflag:$0x2] =	stream.indirect.gather [hbm4b:s4+s20], $0x40, s24, s20, $0xb8;
	[tilespmem:$0xE280] =	vst v63  }
0xa7: {  	_ =	swait.ge [sflag:s25], $0x1F40  }
0xa8: {  	[sflag:s25] =	ssyncset.done $0x0  }
0xa9: {  	[sflag:s25] =	ssyncadd.s32 $0xFFFFE0C0  }
0xaa: {  	[spmem:s2] =	stream.indirect.scatter.add.bf16 [tilespmem:s21], [sflag:$0x7], $0x40, s0, s20, $0xb8;
	[tilespmem:$0xE280] =	vst v63  }
0xab: {  	_ =	swait.ge [sflag:s18], $0x1F40  }
0xac: {  	[sflag:s18] =	ssyncset.done $0x0  }
0xad: {  	[sflag:s18] =	ssyncadd.s32 $0xFFFFE0C0  }
0xae: {  	_ =	swait.ge [sflag:s29], $0x1F40  }
0xaf: {  	[sflag:s29] =	ssyncset.done $0x0  }
0xb0: {  	[sflag:s29] =	ssyncadd.s32 $0xFFFFE0C0  }
0xb1: {  	[spmem:s2] =	stream.indirect.scatter.add.bf16 [tilespmem:s22], [sflag:$0x7], $0x40, s5, s20, $0xb8;
	[tilespmem:$0xE280] =	vst v63  }
0xb2: {  	_ =	swait.ge [sflag:s18], $0x1F40  }
0xb3: {  	[sflag:s18] =	ssyncset.done $0x0  }
0xb4: {  	[sflag:s18] =	ssyncadd.s32 $0xFFFFE0C0  }
0xb5: {  	[bflag:$0x0] =	sbarrier.arrive $0xFFFF  }
0xb6: {  	s10 =	rddreg [dreg:$0x8]  }
0xb7: {  	[hbm:s10], [sflag:s6] =	dma.local [spmem:s17], $0x1400  }
0xb8: {  	_ =	swait.ge [sflag:s18], $0x1400  }
0xb9: {  	s9 =	sadd.s32 $0x1, s9;
	s12 =	rddreg [dreg:$0x9]  }
0xba: {  	p0 =	sne.s32 s9, s12  }
.Ltmp1:
0xbb: {  	_ = 	snop;
	(pc) =	sbr.rel @p0 .LBB2_1-.Ltmp1, $3  }
0xbc: {  	_ =	sdelay $0x1  }
0xbd: {  	[sflag:s18] =	ssyncset.done $0x0  }
0xbe: {  	[sflag:s18] =	ssyncadd.s32 $0xFFFFEC00  }
0xbf: {  	_ =	sfence.sel $0x180000  }
0xc0: {  	[bflag:$0x0] =	sbarrier.arrive $0xFFFF  }
0xc1: {  	_ =	strace $0x90000050  }
0xc2: {  	s0 =	stileid.u32;
	[bflag:$0x2] =	sbarrier.arrive $0xFFFF  }
0xc3: {  	p0 =	sne.s32 s0, $0x0;
	s0 =	rddreg [dreg:$0x3]  }
0xc4: {  	s0 =	sadd.s32 @!p0 $0x100000, s0  }
0xc5: {  	[sflag:s0] =	ssyncadd.tile.s32 @!p0 $0x1;
	_ =	shalt  }
.Lfunc_end2:
_tile_overlayer_lowered:
.L_overlay_start_2:
0xc6: {  	(tag) =	ssettag $0x2  }
0xc7: {  	s0 =	rddreg [dreg:$0x0];
	s2 =	stileid.u32  }
0xc8: {  	s1 =	rddreg [dreg:$0x1];
	p0 =	sne.s32 s2, $0x0  }
0xc9: {  	s3 =	rddreg [dreg:$0x2];
	[bflag:$0x3] =	sbarrier.arrive $0xFFFF;
	s2 =	simm.s32 @!p0 $0x1C07  }
0xca: {  	[timem:s3], [sflag:s2] =	dma.local @!p0 [hbm:s0], s1  }
0xcb: {  	s0 =	simm.s32 @!p0 $0x7  }
0xcc: {  	_ =	swait.ge @!p0 [sflag:s0], s1  }
0xcd: {  	s1 =	ssub.s32 @!p0 $0x0, s1;
	[sflag:s0] =	ssyncset.done @!p0 $0x0  }
0xce: {  	[sflag:s0] =	ssyncadd.s32 @!p0 s1  }
0xcf: {  	[bflag:$0x3] =	sbarrier.arrive $0xFFFF  }
0xd0: {  	_ =	shalt  }

</sc_bundles>
